<compile_context>
chip_gen: v7x
topology: tpu7x:2x2x1
jax: 0.10.2.dev20260603
libtpu: 0.0.44.dev20260713+nightly
codegen_flags: <defaults>
</compile_context>

<pallas_src>
import jax
import jax.numpy as jnp
from jax import lax
from jax.experimental import pallas as pl
from jax.experimental.pallas import tpu as pltpu
from jax.experimental.pallas import tpu_sc as plsc

_N = 32768
_B = 128
_K = 3277
_NK = _N - _K
_TD = _K / _N
_BOOST_STRENGTH = 1.0
_HBITS = 13
_HB = 1 << _HBITS
_RSHIFT = 32 - _HBITS
_RMASK = (1 << _RSHIFT) - 1
_RT = 17
_RDROP = _RSHIFT - _RT
_IBITS = 15
_RHBITS = 8
_RHB = 1 << _RHBITS
_RLOW = _RT - _RHBITS
_CAP = 4096
_L = 16
_NTILES = 32
_RPT = _B // _NTILES
_NBLK = 32
_CPB = _HB // _NBLK // _L


def _ukey(xv, bfv):
    b = xv * bfv
    u = lax.bitcast_convert_type(b, jnp.uint32)
    return jnp.where((u >> 31) != 0, ~u, u | jnp.uint32(0x80000000))


def _body(x_hbm, dc_hbm, o_hbm, bf_v, xa_v, xb_v, hist_v, tot_v, ct_v, rh_v,
          ck_v, cc_v, sia, sib, soa, sob):
    wid = lax.axis_index("s") * 2 + lax.axis_index("c")
    iota = lax.iota(jnp.int32, _L)
    ones = jnp.ones((_L,), jnp.int32)
    zeros = jnp.zeros((_L,), jnp.int32)
    last_lane = iota == (_L - 1)
    row0 = wid * _RPT

    in_a = pltpu.async_copy(x_hbm.at[row0], xa_v, sia)
    in_b = pltpu.async_copy(x_hbm.at[row0 + 1], xb_v, sib)

    pltpu.sync_copy(dc_hbm, bf_v)

    @plsc.parallel_loop(0, _N // _L, unroll=8)
    def _(i):
        sl = pl.ds(i * _L, _L)
        bf_v[sl] = jnp.exp(
            (jnp.float32(_TD) - bf_v[sl]) * jnp.float32(_BOOST_STRENGTH))

    def crossing(prefix, limit, base):
        mask = prefix <= limit
        cnt = jnp.max(plsc.all_reduce_population_count(mask))
        below = jnp.maximum(jnp.max(jnp.where(mask, prefix, 0)), base)
        return cnt, below

    def process_row(x_v, mid_hook):

        @plsc.parallel_loop(0, _HB // _L, unroll=8)
        def _(i):
            hist_v[pl.ds(i * _L, _L)] = zeros

        @plsc.parallel_loop(0, _N // _L, unroll=8)
        def _(i):
            sl = pl.ds(i * _L, _L)
            uk = _ukey(x_v[sl], bf_v[sl])
            bucket = (uk >> _RSHIFT).astype(jnp.int32)
            plsc.addupdate_scatter(hist_v, [bucket], ones)

        @plsc.parallel_loop(0, _NBLK)
        def _(t):
            acc = zeros
            for u in range(_CPB):
                acc = acc + hist_v[pl.ds(t * (_CPB * _L) + u * _L, _L)]
            plsc.store_scatter(
                tot_v, [jnp.broadcast_to(t, (_L,))], plsc.cumsum(acc),
                mask=last_lane)

        p0 = plsc.cumsum(tot_v[pl.ds(0, _L)])
        p1 = plsc.cumsum(tot_v[pl.ds(_L, _L)]) + jnp.max(p0)
        n0, base0 = crossing(p0, _NK, jnp.int32(0))
        n1, base1 = crossing(p1, _NK, base0)
        tstar = n0 + n1
        base = base1

        @plsc.parallel_loop(0, _CPB)
        def _(ci):
            v = hist_v[pl.ds(tstar * (_CPB * _L) + ci * _L, _L)]
            plsc.store_scatter(
                ct_v, [jnp.broadcast_to(ci, (_L,))], plsc.cumsum(v),
                mask=last_lane)

        cp = plsc.cumsum(ct_v[pl.ds(0, _L)]) + base
        cstar, base2 = crossing(cp, _NK, base)

        vf = hist_v[pl.ds(tstar * (_CPB * _L) + cstar * _L, _L)]
        sf = plsc.cumsum(vf) + base2
        nbf, c_b0 = crossing(sf, _NK, base2)
        b_star = tstar * (_CPB * _L) + cstar * _L + nbf

        mid_hook()

        @plsc.parallel_loop(0, _N // _L, unroll=8, carry=zeros)
        def w_lane(i, w):
            sl = pl.ds(i * _L, _L)
            xv = x_v[sl]
            uk = _ukey(xv, bf_v[sl])
            bucket = (uk >> _RSHIFT).astype(jnp.int32)
            x_v[sl] = jnp.where(bucket >= b_star, xv, jnp.float32(0.0))
            cand = bucket == b_star
            dst = w * _L + iota
            packed = (((uk & jnp.uint32(_RMASK)) >> _RDROP) << _IBITS) | (
                iota + i * _L).astype(jnp.uint32)
            plsc.store_scatter(
                ck_v, [dst], lax.bitcast_convert_type(packed, jnp.int32),
                mask=cand)
            return w + jnp.where(cand, 1, 0)

        m = jnp.sum(w_lane)
        above = jnp.int32(_N) - c_b0 - m
        kp = jnp.int32(_K) - above
        nc = jnp.max(w_lane)
        mk = m - kp

        @plsc.parallel_loop(0, _RHB // _L)
        def _(i):
            rh_v[pl.ds(i * _L, _L)] = zeros

        def rh_body(j, cr):
            pk = lax.bitcast_convert_type(ck_v[pl.ds(j * _L, _L)], jnp.uint32)
            bin8 = (pk >> (_IBITS + _RLOW)).astype(jnp.int32)
            plsc.addupdate_scatter(rh_v, [bin8], ones, mask=j < w_lane)
            return cr

        lax.fori_loop(0, nc, rh_body, 0)

        @plsc.parallel_loop(0, _RHB // _L)
        def _(ci):
            v = rh_v[pl.ds(ci * _L, _L)]
            plsc.store_scatter(
                ct_v, [jnp.broadcast_to(ci, (_L,))], plsc.cumsum(v),
                mask=last_lane)

        rp = plsc.cumsum(ct_v[pl.ds(0, _L)])
        rcstar, rbase = crossing(rp, mk, jnp.int32(0))
        vr = rh_v[pl.ds(rcstar * _L, _L)]
        sr = plsc.cumsum(vr) + rbase
        nbr, c_rb0 = crossing(sr, mk, rbase)
        rb_star = rcstar * _L + nbr

        def c2_body(j, w):
            pk = lax.bitcast_convert_type(ck_v[pl.ds(j * _L, _L)], jnp.uint32)
            c2 = (j < w_lane) & (
                (pk >> (_IBITS + _RLOW)).astype(jnp.int32) == rb_star)
            dst = w * _L + iota
            plsc.store_scatter(
                cc_v, [dst], lax.bitcast_convert_type(pk, jnp.int32), mask=c2)
            return w + jnp.where(c2, 1, 0)

        w2_lane = lax.fori_loop(0, nc, c2_body, zeros)
        m2 = jnp.sum(w2_lane)
        above2 = m - c_rb0 - m2
        kp2 = kp - above2
        nc2 = jnp.max(w2_lane)

        def bis_body(_, carry):
            lo, hi = carry
            mid = (lo + hi + 1) >> 1
            mid_u = mid.astype(jnp.uint32)

            def cnt_body(j, acc):
                pk = lax.bitcast_convert_type(
                    cc_v[pl.ds(j * _L, _L)], jnp.uint32)
                low = (pk >> _IBITS) & jnp.uint32((1 << _RLOW) - 1)
                mm = (j < w2_lane) & (low >= mid_u)
                return acc + plsc.all_reduce_population_count(mm)

            cntv = lax.fori_loop(0, nc2, cnt_body, zeros)
            pred = jnp.max(cntv) >= kp2
            return jnp.where(pred, mid, lo), jnp.where(pred, hi, mid - 1)

        t9, _hi = lax.fori_loop(
            0, _RLOW, bis_body, (jnp.int32(0), jnp.int32((1 << _RLOW) - 1)))
        t_thr = ((rb_star.astype(jnp.uint32) << _RLOW)
                 | t9.astype(jnp.uint32)) << _IBITS

        fzero = jnp.zeros((_L,), jnp.float32)

        def f_body(j, cf):
            pk = lax.bitcast_convert_type(ck_v[pl.ds(j * _L, _L)], jnp.uint32)
            lmask = (j < w_lane) & (pk < t_thr)
            idx = (pk & jnp.uint32((1 << _IBITS) - 1)).astype(jnp.int32)
            plsc.store_scatter(x_v, [idx], fzero, mask=lmask)
            return cf

        lax.fori_loop(0, nc, f_body, 0)

    def no_hook():
        return None

    in_a.wait()
    process_row(xa_v, no_hook)
    out_a = pltpu.async_copy(xa_v, o_hbm.at[row0], soa)

    in_b.wait()
    state = {}

    def hook_a():
        out_a.wait()
        state["in_a"] = pltpu.async_copy(x_hbm.at[row0 + 2], xa_v, sia)

    process_row(xb_v, hook_a)
    out_b = pltpu.async_copy(xb_v, o_hbm.at[row0 + 1], sob)

    state["in_a"].wait()

    def hook_b():
        out_b.wait()
        state["in_b"] = pltpu.async_copy(x_hbm.at[row0 + 3], xb_v, sib)

    process_row(xa_v, hook_b)
    out_a2 = pltpu.async_copy(xa_v, o_hbm.at[row0 + 2], soa)

    state["in_b"].wait()
    process_row(xb_v, no_hook)
    out_b2 = pltpu.async_copy(xb_v, o_hbm.at[row0 + 3], sob)

    out_a2.wait()
    out_b2.wait()


@jax.jit
def kernel(x, duty_cycles):
    run = pl.kernel(
        _body,
        out_type=jax.ShapeDtypeStruct((_B, _N), jnp.float32),
        mesh=plsc.VectorSubcoreMesh(core_axis_name="c", subcore_axis_name="s"),
        compiler_params=pltpu.CompilerParams(needs_layout_passes=False),
        scratch_types=[
            pltpu.VMEM((_N,), jnp.float32),
            pltpu.VMEM((_N,), jnp.float32),
            pltpu.VMEM((_N,), jnp.float32),
            pltpu.VMEM((_HB,), jnp.int32),
            pltpu.VMEM((_NBLK,), jnp.int32),
            pltpu.VMEM((_L,), jnp.int32),
            pltpu.VMEM((_RHB,), jnp.int32),
            pltpu.VMEM((_CAP,), jnp.int32),
            pltpu.VMEM((_CAP,), jnp.int32),
            pltpu.SemaphoreType.DMA,
            pltpu.SemaphoreType.DMA,
            pltpu.SemaphoreType.DMA,
            pltpu.SemaphoreType.DMA,
        ],
    )
    return run(x, duty_cycles)

# --- scband reference (transcript-rebuilt; emitter-appended) ---
"""Pipeline reference for scband-kwinners-30270929502271 (READ-ONLY COPY).

The authoritative reference and input builder live on the scoring server;
editing this copy changes nothing except your own understanding.
"""

import jax, jax.numpy as jnp
import numpy as np

N = 32768
B = 128
PERCENT_ON = 0.1
K = int(round(N * PERCENT_ON))  # 3277
BOOST_STRENGTH = 1.0


def setup_inputs(seed: int = 0) -> dict:
    key = jax.random.key(seed)
    k1, k2 = jax.random.split(key)
    x = jax.random.normal(k1, (B, N), dtype=jnp.float32)
    # duty_cycles is a non-trainable layer variable, initialized to zeros in build();
    # use small positive values to exercise the boosting path realistically.
    duty_cycles = jax.random.uniform(k2, (N,), dtype=jnp.float32, minval=0.0, maxval=2.0 * PERCENT_ON)
    return {"x": x, "duty_cycles": duty_cycles}


def reference(x, duty_cycles):
    # compute_kwinners: boost, top-k on boosted values, scatter ORIGINAL x values
    boost_strength = jnp.maximum(jnp.float32(BOOST_STRENGTH), 0.0)
    n = x.shape[-1]
    target_density = jnp.float32(K / n)
    boost_factors = jnp.exp((target_density - duty_cycles) * boost_strength)
    boosted = x * boost_factors
    flat_x = x.reshape(x.shape[0], -1)
    boosted_flat = boosted.reshape(x.shape[0], -1)
    _, indices = jax.lax.top_k(boosted_flat, K)
    updates = jnp.take_along_axis(flat_x, indices, axis=1)
    rows = jnp.arange(flat_x.shape[0])[:, None]
    res = jnp.zeros_like(flat_x).at[rows, indices].set(updates)
    return res.reshape(x.shape)

if __name__ == "__main__":
    import jax
    _d = setup_inputs()
    print(jax.jit(kernel)(*tuple(_d.values())))

</pallas_src>

<mosaic_0001>
#map = affine_map<(d0, d1) -> (0, 0)>
#map1 = affine_map<(d0, d1) -> (0)>
module attributes {stable_mosaic.version = 14 : i64} {
  func.func @_body(%arg0: i32, %arg1: i32, %arg2: memref<128x32768xf32, #tpu.memory_space<hbm>>, %arg3: memref<32768xf32, #tpu.memory_space<hbm>>, %arg4: memref<128x32768xf32, #tpu.memory_space<hbm>>, %arg5: memref<32768xf32, #tpu.memory_space<vmem>>, %arg6: memref<32768xf32, #tpu.memory_space<vmem>>, %arg7: memref<32768xf32, #tpu.memory_space<vmem>>, %arg8: memref<8192xi32, #tpu.memory_space<vmem>>, %arg9: memref<32xi32, #tpu.memory_space<vmem>>, %arg10: memref<16xi32, #tpu.memory_space<vmem>>, %arg11: memref<256xi32, #tpu.memory_space<vmem>>, %arg12: memref<4096xi32, #tpu.memory_space<vmem>>, %arg13: memref<4096xi32, #tpu.memory_space<vmem>>, %arg14: memref<!tpu.dma_semaphore, #tpu.memory_space<semaphore_mem>>, %arg15: memref<!tpu.dma_semaphore, #tpu.memory_space<semaphore_mem>>, %arg16: memref<!tpu.dma_semaphore, #tpu.memory_space<semaphore_mem>>, %arg17: memref<!tpu.dma_semaphore, #tpu.memory_space<semaphore_mem>>) attributes {dimension_semantics = [#tpu.dimension_semantics<core_parallel>, #tpu.dimension_semantics<subcore_parallel>], iteration_bounds = array<i64: 2, 16>, scalar_prefetch = 0 : i64, scratch_operands = 13 : i64, tpu.core_type = #tpu.core_type<sc_vector_subcore>, window_params = [{transform_indices = #map}, {transform_indices = #map1}, {transform_indices = #map}]} {
    %mul3A = arith.constant 2 : i32
    %mul3A_0 = arith.muli %arg1, %mul3A : i32
    %add3A = arith.addi %mul3A_0, %arg0 : i32
    %iota3A = tpu.iota {dimensions = array<i32: 0>} : vector<16xi32>
    %broadcast_in_dim3A = arith.constant 1 : i32
    %broadcast_in_dim3A_1 = vector.broadcast %broadcast_in_dim3A : i32 to vector<16xi32>
    %broadcast_in_dim3A_2 = arith.constant 0 : i32
    %broadcast_in_dim3A_3 = vector.broadcast %broadcast_in_dim3A_2 : i32 to vector<16xi32>
    %eq3A = arith.constant 15 : i32
    %eq3A_4 = vector.broadcast %eq3A : i32 to vector<16xi32>
    %eq3A_5 = arith.cmpi eq, %iota3A, %eq3A_4 : vector<16xi32>
    %mul3A_6 = arith.constant 4 : i32
    %mul3A_7 = arith.muli %add3A, %mul3A_6 : i32
    %dma_start3A = arith.constant 0 : i32
    %dma_start3A_8 = tpu.memref_slice %arg2[%mul3A_7, %dma_start3A] : memref<128x32768xf32, #tpu.memory_space<hbm>> -> memref<1x32768xf32, #tpu.memory_space<hbm>>
    %dma_start3A_9 = tpu.memref_squeeze %dma_start3A_8 : memref<1x32768xf32, #tpu.memory_space<hbm>> -> memref<32768xf32, #tpu.memory_space<hbm>>
    %dma_start3A_10 = arith.constant 0 : i32
    %dma_start3A_11 = tpu.memref_slice %arg2[%mul3A_7, %dma_start3A_10] : memref<128x32768xf32, #tpu.memory_space<hbm>> -> memref<1x32768xf32, #tpu.memory_space<hbm>>
    %dma_start3A_12 = tpu.memref_squeeze %dma_start3A_11 : memref<1x32768xf32, #tpu.memory_space<hbm>> -> memref<32768xf32, #tpu.memory_space<hbm>>
    tpu.enqueue_dma source(%dma_start3A_12 : memref<32768xf32, #tpu.memory_space<hbm>>) target(%arg6 : memref<32768xf32, #tpu.memory_space<vmem>>) target_semaphore(%arg14 : memref<!tpu.dma_semaphore, #tpu.memory_space<semaphore_mem>>)
    %add3A_13 = arith.constant 1 : i32
    %add3A_14 = arith.addi %mul3A_7, %add3A_13 : i32
    %dma_start3A_15 = arith.constant 0 : i32
    %dma_start3A_16 = tpu.memref_slice %arg2[%add3A_14, %dma_start3A_15] : memref<128x32768xf32, #tpu.memory_space<hbm>> -> memref<1x32768xf32, #tpu.memory_space<hbm>>
    %dma_start3A_17 = tpu.memref_squeeze %dma_start3A_16 : memref<1x32768xf32, #tpu.memory_space<hbm>> -> memref<32768xf32, #tpu.memory_space<hbm>>
    %dma_start3A_18 = arith.constant 0 : i32
    %dma_start3A_19 = tpu.memref_slice %arg2[%add3A_14, %dma_start3A_18] : memref<128x32768xf32, #tpu.memory_space<hbm>> -> memref<1x32768xf32, #tpu.memory_space<hbm>>
    %dma_start3A_20 = tpu.memref_squeeze %dma_start3A_19 : memref<1x32768xf32, #tpu.memory_space<hbm>> -> memref<32768xf32, #tpu.memory_space<hbm>>
    tpu.enqueue_dma source(%dma_start3A_20 : memref<32768xf32, #tpu.memory_space<hbm>>) target(%arg7 : memref<32768xf32, #tpu.memory_space<vmem>>) target_semaphore(%arg15 : memref<!tpu.dma_semaphore, #tpu.memory_space<semaphore_mem>>)
    "tpu.region"() ({
      %run_scoped3A = tpu.sem_alloc : memref<!tpu.dma_semaphore, #tpu.memory_space<semaphore_mem>>
      tpu.enqueue_dma source(%arg3 : memref<32768xf32, #tpu.memory_space<hbm>>) target(%arg5 : memref<32768xf32, #tpu.memory_space<vmem>>) target_semaphore(%run_scoped3A : memref<!tpu.dma_semaphore, #tpu.memory_space<semaphore_mem>>)
      tpu.wait_dma2 semaphore(%run_scoped3A : memref<!tpu.dma_semaphore, #tpu.memory_space<semaphore_mem>>) src(%arg3 : memref<32768xf32, #tpu.memory_space<hbm>>) dst(%arg5 : memref<32768xf32, #tpu.memory_space<vmem>>)
      tpu.yield
    }) : () -> ()
    %parallel_loop3A = arith.constant 0 : i32
    %parallel_loop3A_21 = arith.constant 2048 : i32
    %parallel_loop3A_22 = arith.constant 1 : i32
    scf.for %parallel_loop3A_1334 = %parallel_loop3A to %parallel_loop3A_21 step %parallel_loop3A_22  : i32 {
      %parallel_loop3A_1335 = arith.constant 16 : i32
      %parallel_loop3A_1336 = arith.muli %parallel_loop3A_1334, %parallel_loop3A_1335 : i32
      %parallel_loop3A_1337 = arith.index_cast %parallel_loop3A_1336 : i32 to index
      %parallel_loop3A_1338 = tpu.vector_load %arg5[%parallel_loop3A_1337] {strides = array<i32>} : memref<32768xf32, #tpu.memory_space<vmem>>, vector<16xf32>,
      %parallel_loop3A_1339 = arith.constant 0.100006104 : f32
      %parallel_loop3A_1340 = vector.broadcast %parallel_loop3A_1339 : f32 to vector<16xf32>
      %parallel_loop3A_1341 = arith.subf %parallel_loop3A_1340, %parallel_loop3A_1338 : vector<16xf32>
      %parallel_loop3A_1342 = arith.constant 1.000000e+00 : f32
      %parallel_loop3A_1343 = vector.broadcast %parallel_loop3A_1342 : f32 to vector<16xf32>
      %parallel_loop3A_1344 = arith.mulf %parallel_loop3A_1341, %parallel_loop3A_1343 : vector<16xf32>
      %parallel_loop3A_1345 = math.exp %parallel_loop3A_1344 : vector<16xf32>
      %parallel_loop3A_1346 = arith.index_cast %parallel_loop3A_1336 : i32 to index
      %parallel_loop3A_1347 = tpu.vector_load %arg5[%parallel_loop3A_1346] {strides = array<i32>} : memref<32768xf32, #tpu.memory_space<vmem>>, vector<16xf32>,
      tpu.vector_store %arg5[%parallel_loop3A_1346], %parallel_loop3A_1345 {strides = array<i32>} : memref<32768xf32, #tpu.memory_space<vmem>>, vector<16xf32>,
    } {sc.loop_unroll_factor = 8 : i64, sc.parallel_access}
    %dma_wait3A = arith.constant 0 : i32
    %dma_wait3A_23 = tpu.memref_slice %arg2[%mul3A_7, %dma_wait3A] : memref<128x32768xf32, #tpu.memory_space<hbm>> -> memref<1x32768xf32, #tpu.memory_space<hbm>>
    %dma_wait3A_24 = tpu.memref_squeeze %dma_wait3A_23 : memref<1x32768xf32, #tpu.memory_space<hbm>> -> memref<32768xf32, #tpu.memory_space<hbm>>
    %dma_wait3A_25 = arith.constant 0 : i32
    %dma_wait3A_26 = tpu.memref_slice %arg2[%mul3A_7, %dma_wait3A_25] : memref<128x32768xf32, #tpu.memory_space<hbm>> -> memref<1x32768xf32, #tpu.memory_space<hbm>>
    %dma_wait3A_27 = tpu.memref_squeeze %dma_wait3A_26 : memref<1x32768xf32, #tpu.memory_space<hbm>> -> memref<32768xf32, #tpu.memory_space<hbm>>
    tpu.wait_dma2 semaphore(%arg14 : memref<!tpu.dma_semaphore, #tpu.memory_space<semaphore_mem>>) src(%dma_wait3A_27 : memref<32768xf32, #tpu.memory_space<hbm>>) dst(%arg6 : memref<32768xf32, #tpu.memory_space<vmem>>)
    %parallel_loop3A_28 = arith.constant 0 : i32
    %parallel_loop3A_29 = arith.constant 512 : i32
    %parallel_loop3A_30 = arith.constant 1 : i32
    scf.for %parallel_loop3A_1334 = %parallel_loop3A_28 to %parallel_loop3A_29 step %parallel_loop3A_30  : i32 {
      %parallel_loop3A_1335 = arith.constant 16 : i32
      %parallel_loop3A_1336 = arith.muli %parallel_loop3A_1334, %parallel_loop3A_1335 : i32
      %parallel_loop3A_1337 = arith.index_cast %parallel_loop3A_1336 : i32 to index
      %parallel_loop3A_1338 = tpu.vector_load %arg8[%parallel_loop3A_1337] {strides = array<i32>} : memref<8192xi32, #tpu.memory_space<vmem>>, vector<16xi32>,
      tpu.vector_store %arg8[%parallel_loop3A_1337], %broadcast_in_dim3A_3 {strides = array<i32>} : memref<8192xi32, #tpu.memory_space<vmem>>, vector<16xi32>,
    } {sc.loop_unroll_factor = 8 : i64, sc.parallel_access}
    %parallel_loop3A_31 = arith.constant 0 : i32
    %parallel_loop3A_32 = arith.constant 2048 : i32
    %parallel_loop3A_33 = arith.constant 1 : i32
    scf.for %parallel_loop3A_1334 = %parallel_loop3A_31 to %parallel_loop3A_32 step %parallel_loop3A_33  : i32 {
      %parallel_loop3A_1335 = arith.constant 16 : i32
      %parallel_loop3A_1336 = arith.muli %parallel_loop3A_1334, %parallel_loop3A_1335 : i32
      %parallel_loop3A_1337 = arith.index_cast %parallel_loop3A_1336 : i32 to index
      %parallel_loop3A_1338 = tpu.vector_load %arg6[%parallel_loop3A_1337] {strides = array<i32>} : memref<32768xf32, #tpu.memory_space<vmem>>, vector<16xf32>,
      %parallel_loop3A_1339 = arith.index_cast %parallel_loop3A_1336 : i32 to index
      %parallel_loop3A_1340 = tpu.vector_load %arg5[%parallel_loop3A_1339] {strides = array<i32>} : memref<32768xf32, #tpu.memory_space<vmem>>, vector<16xf32>,
      %parallel_loop3A_1341 = arith.mulf %parallel_loop3A_1338, %parallel_loop3A_1340 : vector<16xf32>
      %parallel_loop3A_1342 = tpu.bitcast %parallel_loop3A_1341 : vector<16xf32> -> vector<16xi32>
      %parallel_loop3A_1343 = arith.constant 31 : i32
      %parallel_loop3A_1344 = vector.broadcast %parallel_loop3A_1343 : i32 to vector<16xi32>
      %parallel_loop3A_1345 = arith.shrui %parallel_loop3A_1342, %parallel_loop3A_1344 : vector<16xi32>
      %parallel_loop3A_1346 = arith.constant 0 : i32
      %parallel_loop3A_1347 = vector.broadcast %parallel_loop3A_1346 : i32 to vector<16xi32>
      %parallel_loop3A_1348 = arith.cmpi ne, %parallel_loop3A_1345, %parallel_loop3A_1347 : vector<16xi32>
      %parallel_loop3A_1349 = arith.constant dense<-1> : vector<16xi32>
      %parallel_loop3A_1350 = arith.xori %parallel_loop3A_1342, %parallel_loop3A_1349 : vector<16xi32>
      %parallel_loop3A_1351 = arith.constant -2147483648 : i32
      %parallel_loop3A_1352 = vector.broadcast %parallel_loop3A_1351 : i32 to vector<16xi32>
      %parallel_loop3A_1353 = arith.ori %parallel_loop3A_1342, %parallel_loop3A_1352 : vector<16xi32>
      %parallel_loop3A_1354 = arith.select %parallel_loop3A_1348, %parallel_loop3A_1350, %parallel_loop3A_1353 : vector<16xi1>, vector<16xi32>
      %parallel_loop3A_1355 = arith.constant 19 : i32
      %parallel_loop3A_1356 = vector.broadcast %parallel_loop3A_1355 : i32 to vector<16xi32>
      %parallel_loop3A_1357 = arith.shrui %parallel_loop3A_1354, %parallel_loop3A_1356 : vector<16xi32>
      tpu.vector_store_idx %arg8[%parallel_loop3A_1357], %broadcast_in_dim3A_1 {add = true} : memref<8192xi32, #tpu.memory_space<vmem>>[vector<16xi32>], vector<16xi32>,
    } {sc.loop_unroll_factor = 8 : i64, sc.parallel_access}
    %parallel_loop3A_34 = arith.constant 0 : i32
    %parallel_loop3A_35 = arith.constant 32 : i32
    %parallel_loop3A_36 = arith.constant 1 : i32
    scf.for %parallel_loop3A_1334 = %parallel_loop3A_34 to %parallel_loop3A_35 step %parallel_loop3A_36  : i32 {
      %parallel_loop3A_1335 = arith.constant 256 : i32
      %parallel_loop3A_1336 = arith.muli %parallel_loop3A_1334, %parallel_loop3A_1335 : i32
      %parallel_loop3A_1337 = arith.constant 0 : i32
      %parallel_loop3A_1338 = arith.addi %parallel_loop3A_1336, %parallel_loop3A_1337 : i32
      %parallel_loop3A_1339 = arith.index_cast %parallel_loop3A_1338 : i32 to index
      %parallel_loop3A_1340 = tpu.vector_load %arg8[%parallel_loop3A_1339] {strides = array<i32>} : memref<8192xi32, #tpu.memory_space<vmem>>, vector<16xi32>,
      %parallel_loop3A_1341 = arith.addi %broadcast_in_dim3A_3, %parallel_loop3A_1340 : vector<16xi32>
      %parallel_loop3A_1342 = arith.constant 256 : i32
      %parallel_loop3A_1343 = arith.muli %parallel_loop3A_1334, %parallel_loop3A_1342 : i32
      %parallel_loop3A_1344 = arith.constant 16 : i32
      %parallel_loop3A_1345 = arith.addi %parallel_loop3A_1343, %parallel_loop3A_1344 : i32
      %parallel_loop3A_1346 = arith.index_cast %parallel_loop3A_1345 : i32 to index
      %parallel_loop3A_1347 = tpu.vector_load %arg8[%parallel_loop3A_1346] {strides = array<i32>} : memref<8192xi32, #tpu.memory_space<vmem>>, vector<16xi32>,
      %parallel_loop3A_1348 = arith.addi %parallel_loop3A_1341, %parallel_loop3A_1347 : vector<16xi32>
      %parallel_loop3A_1349 = arith.constant 256 : i32
      %parallel_loop3A_1350 = arith.muli %parallel_loop3A_1334, %parallel_loop3A_1349 : i32
      %parallel_loop3A_1351 = arith.constant 32 : i32
      %parallel_loop3A_1352 = arith.addi %parallel_loop3A_1350, %parallel_loop3A_1351 : i32
      %parallel_loop3A_1353 = arith.index_cast %parallel_loop3A_1352 : i32 to index
      %parallel_loop3A_1354 = tpu.vector_load %arg8[%parallel_loop3A_1353] {strides = array<i32>} : memref<8192xi32, #tpu.memory_space<vmem>>, vector<16xi32>,
      %parallel_loop3A_1355 = arith.addi %parallel_loop3A_1348, %parallel_loop3A_1354 : vector<16xi32>
      %parallel_loop3A_1356 = arith.constant 256 : i32
      %parallel_loop3A_1357 = arith.muli %parallel_loop3A_1334, %parallel_loop3A_1356 : i32
      %parallel_loop3A_1358 = arith.constant 48 : i32
      %parallel_loop3A_1359 = arith.addi %parallel_loop3A_1357, %parallel_loop3A_1358 : i32
      %parallel_loop3A_1360 = arith.index_cast %parallel_loop3A_1359 : i32 to index
      %parallel_loop3A_1361 = tpu.vector_load %arg8[%parallel_loop3A_1360] {strides = array<i32>} : memref<8192xi32, #tpu.memory_space<vmem>>, vector<16xi32>,
      %parallel_loop3A_1362 = arith.addi %parallel_loop3A_1355, %parallel_loop3A_1361 : vector<16xi32>
      %parallel_loop3A_1363 = arith.constant 256 : i32
      %parallel_loop3A_1364 = arith.muli %parallel_loop3A_1334, %parallel_loop3A_1363 : i32
      %parallel_loop3A_1365 = arith.constant 64 : i32
      %parallel_loop3A_1366 = arith.addi %parallel_loop3A_1364, %parallel_loop3A_1365 : i32
      %parallel_loop3A_1367 = arith.index_cast %parallel_loop3A_1366 : i32 to index
      %parallel_loop3A_1368 = tpu.vector_load %arg8[%parallel_loop3A_1367] {strides = array<i32>} : memref<8192xi32, #tpu.memory_space<vmem>>, vector<16xi32>,
      %parallel_loop3A_1369 = arith.addi %parallel_loop3A_1362, %parallel_loop3A_1368 : vector<16xi32>
      %parallel_loop3A_1370 = arith.constant 256 : i32
      %parallel_loop3A_1371 = arith.muli %parallel_loop3A_1334, %parallel_loop3A_1370 : i32
      %parallel_loop3A_1372 = arith.constant 80 : i32
      %parallel_loop3A_1373 = arith.addi %parallel_loop3A_1371, %parallel_loop3A_1372 : i32
      %parallel_loop3A_1374 = arith.index_cast %parallel_loop3A_1373 : i32 to index
      %parallel_loop3A_1375 = tpu.vector_load %arg8[%parallel_loop3A_1374] {strides = array<i32>} : memref<8192xi32, #tpu.memory_space<vmem>>, vector<16xi32>,
      %parallel_loop3A_1376 = arith.addi %parallel_loop3A_1369, %parallel_loop3A_1375 : vector<16xi32>
      %parallel_loop3A_1377 = arith.constant 256 : i32
      %parallel_loop3A_1378 = arith.muli %parallel_loop3A_1334, %parallel_loop3A_1377 : i32
      %parallel_loop3A_1379 = arith.constant 96 : i32
      %parallel_loop3A_1380 = arith.addi %parallel_loop3A_1378, %parallel_loop3A_1379 : i32
      %parallel_loop3A_1381 = arith.index_cast %parallel_loop3A_1380 : i32 to index
      %parallel_loop3A_1382 = tpu.vector_load %arg8[%parallel_loop3A_1381] {strides = array<i32>} : memref<8192xi32, #tpu.memory_space<vmem>>, vector<16xi32>,
      %parallel_loop3A_1383 = arith.addi %parallel_loop3A_1376, %parallel_loop3A_1382 : vector<16xi32>
      %parallel_loop3A_1384 = arith.constant 256 : i32
      %parallel_loop3A_1385 = arith.muli %parallel_loop3A_1334, %parallel_loop3A_1384 : i32
      %parallel_loop3A_1386 = arith.constant 112 : i32
      %parallel_loop3A_1387 = arith.addi %parallel_loop3A_1385, %parallel_loop3A_1386 : i32
      %parallel_loop3A_1388 = arith.index_cast %parallel_loop3A_1387 : i32 to index
      %parallel_loop3A_1389 = tpu.vector_load %arg8[%parallel_loop3A_1388] {strides = array<i32>} : memref<8192xi32, #tpu.memory_space<vmem>>, vector<16xi32>,
      %parallel_loop3A_1390 = arith.addi %parallel_loop3A_1383, %parallel_loop3A_1389 : vector<16xi32>
      %parallel_loop3A_1391 = arith.constant 256 : i32
      %parallel_loop3A_1392 = arith.muli %parallel_loop3A_1334, %parallel_loop3A_1391 : i32
      %parallel_loop3A_1393 = arith.constant 128 : i32
      %parallel_loop3A_1394 = arith.addi %parallel_loop3A_1392, %parallel_loop3A_1393 : i32
      %parallel_loop3A_1395 = arith.index_cast %parallel_loop3A_1394 : i32 to index
      %parallel_loop3A_1396 = tpu.vector_load %arg8[%parallel_loop3A_1395] {strides = array<i32>} : memref<8192xi32, #tpu.memory_space<vmem>>, vector<16xi32>,
      %parallel_loop3A_1397 = arith.addi %parallel_loop3A_1390, %parallel_loop3A_1396 : vector<16xi32>
      %parallel_loop3A_1398 = arith.constant 256 : i32
      %parallel_loop3A_1399 = arith.muli %parallel_loop3A_1334, %parallel_loop3A_1398 : i32
      %parallel_loop3A_1400 = arith.constant 144 : i32
      %parallel_loop3A_1401 = arith.addi %parallel_loop3A_1399, %parallel_loop3A_1400 : i32
      %parallel_loop3A_1402 = arith.index_cast %parallel_loop3A_1401 : i32 to index
      %parallel_loop3A_1403 = tpu.vector_load %arg8[%parallel_loop3A_1402] {strides = array<i32>} : memref<8192xi32, #tpu.memory_space<vmem>>, vector<16xi32>,
      %parallel_loop3A_1404 = arith.addi %parallel_loop3A_1397, %parallel_loop3A_1403 : vector<16xi32>
      %parallel_loop3A_1405 = arith.constant 256 : i32
      %parallel_loop3A_1406 = arith.muli %parallel_loop3A_1334, %parallel_loop3A_1405 : i32
      %parallel_loop3A_1407 = arith.constant 160 : i32
      %parallel_loop3A_1408 = arith.addi %parallel_loop3A_1406, %parallel_loop3A_1407 : i32
      %parallel_loop3A_1409 = arith.index_cast %parallel_loop3A_1408 : i32 to index
      %parallel_loop3A_1410 = tpu.vector_load %arg8[%parallel_loop3A_1409] {strides = array<i32>} : memref<8192xi32, #tpu.memory_space<vmem>>, vector<16xi32>,
      %parallel_loop3A_1411 = arith.addi %parallel_loop3A_1404, %parallel_loop3A_1410 : vector<16xi32>
      %parallel_loop3A_1412 = arith.constant 256 : i32
      %parallel_loop3A_1413 = arith.muli %parallel_loop3A_1334, %parallel_loop3A_1412 : i32
      %parallel_loop3A_1414 = arith.constant 176 : i32
      %parallel_loop3A_1415 = arith.addi %parallel_loop3A_1413, %parallel_loop3A_1414 : i32
      %parallel_loop3A_1416 = arith.index_cast %parallel_loop3A_1415 : i32 to index
      %parallel_loop3A_1417 = tpu.vector_load %arg8[%parallel_loop3A_1416] {strides = array<i32>} : memref<8192xi32, #tpu.memory_space<vmem>>, vector<16xi32>,
      %parallel_loop3A_1418 = arith.addi %parallel_loop3A_1411, %parallel_loop3A_1417 : vector<16xi32>
      %parallel_loop3A_1419 = arith.constant 256 : i32
      %parallel_loop3A_1420 = arith.muli %parallel_loop3A_1334, %parallel_loop3A_1419 : i32
      %parallel_loop3A_1421 = arith.constant 192 : i32
      %parallel_loop3A_1422 = arith.addi %parallel_loop3A_1420, %parallel_loop3A_1421 : i32
      %parallel_loop3A_1423 = arith.index_cast %parallel_loop3A_1422 : i32 to index
      %parallel_loop3A_1424 = tpu.vector_load %arg8[%parallel_loop3A_1423] {strides = array<i32>} : memref<8192xi32, #tpu.memory_space<vmem>>, vector<16xi32>,
      %parallel_loop3A_1425 = arith.addi %parallel_loop3A_1418, %parallel_loop3A_1424 : vector<16xi32>
      %parallel_loop3A_1426 = arith.constant 256 : i32
      %parallel_loop3A_1427 = arith.muli %parallel_loop3A_1334, %parallel_loop3A_1426 : i32
      %parallel_loop3A_1428 = arith.constant 208 : i32
      %parallel_loop3A_1429 = arith.addi %parallel_loop3A_1427, %parallel_loop3A_1428 : i32
      %parallel_loop3A_1430 = arith.index_cast %parallel_loop3A_1429 : i32 to index
      %parallel_loop3A_1431 = tpu.vector_load %arg8[%parallel_loop3A_1430] {strides = array<i32>} : memref<8192xi32, #tpu.memory_space<vmem>>, vector<16xi32>,
      %parallel_loop3A_1432 = arith.addi %parallel_loop3A_1425, %parallel_loop3A_1431 : vector<16xi32>
      %parallel_loop3A_1433 = arith.constant 256 : i32
      %parallel_loop3A_1434 = arith.muli %parallel_loop3A_1334, %parallel_loop3A_1433 : i32
      %parallel_loop3A_1435 = arith.constant 224 : i32
      %parallel_loop3A_1436 = arith.addi %parallel_loop3A_1434, %parallel_loop3A_1435 : i32
      %parallel_loop3A_1437 = arith.index_cast %parallel_loop3A_1436 : i32 to index
      %parallel_loop3A_1438 = tpu.vector_load %arg8[%parallel_loop3A_1437] {strides = array<i32>} : memref<8192xi32, #tpu.memory_space<vmem>>, vector<16xi32>,
      %parallel_loop3A_1439 = arith.addi %parallel_loop3A_1432, %parallel_loop3A_1438 : vector<16xi32>
      %parallel_loop3A_1440 = arith.constant 256 : i32
      %parallel_loop3A_1441 = arith.muli %parallel_loop3A_1334, %parallel_loop3A_1440 : i32
      %parallel_loop3A_1442 = arith.constant 240 : i32
      %parallel_loop3A_1443 = arith.addi %parallel_loop3A_1441, %parallel_loop3A_1442 : i32
      %parallel_loop3A_1444 = arith.index_cast %parallel_loop3A_1443 : i32 to index
      %parallel_loop3A_1445 = tpu.vector_load %arg8[%parallel_loop3A_1444] {strides = array<i32>} : memref<8192xi32, #tpu.memory_space<vmem>>, vector<16xi32>,
      %parallel_loop3A_1446 = arith.addi %parallel_loop3A_1439, %parallel_loop3A_1445 : vector<16xi32>
      %parallel_loop3A_1447 = vector.broadcast %parallel_loop3A_1334 : i32 to vector<16xi32>
      %parallel_loop3A_1448 = arith.constant true
      %parallel_loop3A_1449 = vector.broadcast %parallel_loop3A_1448 : i1 to vector<16xi1>
      %parallel_loop3A_1450 = tpu.scan <sum>, %parallel_loop3A_1446 masked %parallel_loop3A_1449 : vector<16xi32>, vector<16xi1> -> vector<16xi32>
      tpu.vector_store_idx %arg9[%parallel_loop3A_1447], %parallel_loop3A_1450 masked %eq3A_5 : memref<32xi32, #tpu.memory_space<vmem>>[vector<16xi32>], vector<16xi32>, vector<16xi1>
    } {sc.loop_unroll_factor = 1 : i64, sc.parallel_access}
    %get3A = arith.constant 0 : index
    %get3A_37 = tpu.vector_load %arg9[%get3A] {strides = array<i32>} : memref<32xi32, #tpu.memory_space<vmem>>, vector<16xi32>,
    %broadcast_in_dim3A_38 = arith.constant true
    %broadcast_in_dim3A_39 = vector.broadcast %broadcast_in_dim3A_38 : i1 to vector<16xi1>
    %masked_cumsum3A = tpu.scan <sum>, %get3A_37 masked %broadcast_in_dim3A_39 : vector<16xi32>, vector<16xi1> -> vector<16xi32>
    %get3A_40 = arith.constant 16 : index
    %get3A_41 = tpu.vector_load %arg9[%get3A_40] {strides = array<i32>} : memref<32xi32, #tpu.memory_space<vmem>>, vector<16xi32>,
    %broadcast_in_dim3A_42 = arith.constant true
    %broadcast_in_dim3A_43 = vector.broadcast %broadcast_in_dim3A_42 : i1 to vector<16xi1>
    %masked_cumsum3A_44 = tpu.scan <sum>, %get3A_41 masked %broadcast_in_dim3A_43 : vector<16xi32>, vector<16xi1> -> vector<16xi32>
    %reduce_max3A = arith.constant true
    %reduce_max3A_45 = vector.broadcast %reduce_max3A : i1 to vector<16xi1>
    %reduce_max3A_46 = arith.constant -2147483648 : i32
    %reduce_max3A_47 = vector.broadcast %reduce_max3A_46 : i32 to vector<16xi32>
    %reduce_max3A_48 = arith.xori %masked_cumsum3A, %reduce_max3A_47 : vector<16xi32>
    %reduce_max3A_49 = tpu.scan <max>, %reduce_max3A_48 masked %reduce_max3A_45 : vector<16xi32>, vector<16xi1> -> vector<16xi32>
    %reduce_max3A_50 = arith.xori %reduce_max3A_49, %reduce_max3A_47 : vector<16xi32>
    %reduce_max3A_51 = vector.extract %reduce_max3A_50[15] : i32 from vector<16xi32>
    %add3A_52 = vector.broadcast %reduce_max3A_51 : i32 to vector<16xi32>
    %add3A_53 = arith.addi %masked_cumsum3A_44, %add3A_52 : vector<16xi32>
    %le3A = arith.constant 29491 : i32
    %le3A_54 = vector.broadcast %le3A : i32 to vector<16xi32>
    %le3A_55 = arith.cmpi sle, %masked_cumsum3A, %le3A_54 : vector<16xi32>
    %all_reduce_population_count3A = tpu.all_reduce %le3A_55 {dim = 0 : i64, kind = #tpu.reduction_kind<sum>} : vector<16xi1> -> vector<16xi32>
    %reduce_max3A_56 = arith.constant true
    %reduce_max3A_57 = vector.broadcast %reduce_max3A_56 : i1 to vector<16xi1>
    %reduce_max3A_58 = arith.constant -2147483648 : i32
    %reduce_max3A_59 = vector.broadcast %reduce_max3A_58 : i32 to vector<16xi32>
    %reduce_max3A_60 = arith.xori %all_reduce_population_count3A, %reduce_max3A_59 : vector<16xi32>
    %reduce_max3A_61 = tpu.scan <max>, %reduce_max3A_60 masked %reduce_max3A_57 : vector<16xi32>, vector<16xi1> -> vector<16xi32>
    %reduce_max3A_62 = arith.xori %reduce_max3A_61, %reduce_max3A_59 : vector<16xi32>
    %reduce_max3A_63 = vector.extract %reduce_max3A_62[15] : i32 from vector<16xi32>
    %jit3A = arith.constant 0 : i32
    %broadcast_in_dim3A_64 = vector.broadcast %jit3A : i32 to vector<16xi32>
    %select_n3A = arith.select %le3A_55, %masked_cumsum3A, %broadcast_in_dim3A_64 : vector<16xi1>, vector<16xi32>
    %reduce_max3A_65 = arith.constant true
    %reduce_max3A_66 = vector.broadcast %reduce_max3A_65 : i1 to vector<16xi1>
    %reduce_max3A_67 = arith.constant -2147483648 : i32
    %reduce_max3A_68 = vector.broadcast %reduce_max3A_67 : i32 to vector<16xi32>
    %reduce_max3A_69 = arith.xori %select_n3A, %reduce_max3A_68 : vector<16xi32>
    %reduce_max3A_70 = tpu.scan <max>, %reduce_max3A_69 masked %reduce_max3A_66 : vector<16xi32>, vector<16xi1> -> vector<16xi32>
    %reduce_max3A_71 = arith.xori %reduce_max3A_70, %reduce_max3A_68 : vector<16xi32>
    %reduce_max3A_72 = vector.extract %reduce_max3A_71[15] : i32 from vector<16xi32>
    %max3A = arith.constant 0 : i32
    %max3A_73 = arith.maxsi %reduce_max3A_72, %max3A : i32
    %le3A_74 = arith.constant 29491 : i32
    %le3A_75 = vector.broadcast %le3A_74 : i32 to vector<16xi32>
    %le3A_76 = arith.cmpi sle, %add3A_53, %le3A_75 : vector<16xi32>
    %all_reduce_population_count3A_77 = tpu.all_reduce %le3A_76 {dim = 0 : i64, kind = #tpu.reduction_kind<sum>} : vector<16xi1> -> vector<16xi32>
    %reduce_max3A_78 = arith.constant true
    %reduce_max3A_79 = vector.broadcast %reduce_max3A_78 : i1 to vector<16xi1>
    %reduce_max3A_80 = arith.constant -2147483648 : i32
    %reduce_max3A_81 = vector.broadcast %reduce_max3A_80 : i32 to vector<16xi32>
    %reduce_max3A_82 = arith.xori %all_reduce_population_count3A_77, %reduce_max3A_81 : vector<16xi32>
    %reduce_max3A_83 = tpu.scan <max>, %reduce_max3A_82 masked %reduce_max3A_79 : vector<16xi32>, vector<16xi1> -> vector<16xi32>
    %reduce_max3A_84 = arith.xori %reduce_max3A_83, %reduce_max3A_81 : vector<16xi32>
    %reduce_max3A_85 = vector.extract %reduce_max3A_84[15] : i32 from vector<16xi32>
    %jit3A_86 = arith.constant 0 : i32
    %broadcast_in_dim3A_87 = vector.broadcast %jit3A_86 : i32 to vector<16xi32>
    %select_n3A_88 = arith.select %le3A_76, %add3A_53, %broadcast_in_dim3A_87 : vector<16xi1>, vector<16xi32>
    %reduce_max3A_89 = arith.constant true
    %reduce_max3A_90 = vector.broadcast %reduce_max3A_89 : i1 to vector<16xi1>
    %reduce_max3A_91 = arith.constant -2147483648 : i32
    %reduce_max3A_92 = vector.broadcast %reduce_max3A_91 : i32 to vector<16xi32>
    %reduce_max3A_93 = arith.xori %select_n3A_88, %reduce_max3A_92 : vector<16xi32>
    %reduce_max3A_94 = tpu.scan <max>, %reduce_max3A_93 masked %reduce_max3A_90 : vector<16xi32>, vector<16xi1> -> vector<16xi32>
    %reduce_max3A_95 = arith.xori %reduce_max3A_94, %reduce_max3A_92 : vector<16xi32>
    %reduce_max3A_96 = vector.extract %reduce_max3A_95[15] : i32 from vector<16xi32>
    %max3A_97 = arith.maxsi %reduce_max3A_96, %max3A_73 : i32
    %add3A_98 = arith.addi %reduce_max3A_63, %reduce_max3A_85 : i32
    %parallel_loop3A_99 = arith.constant 0 : i32
    %parallel_loop3A_100 = arith.constant 16 : i32
    %parallel_loop3A_101 = arith.constant 1 : i32
    scf.for %parallel_loop3A_1334 = %parallel_loop3A_99 to %parallel_loop3A_100 step %parallel_loop3A_101  : i32 {
      %parallel_loop3A_1335 = arith.constant 256 : i32
      %parallel_loop3A_1336 = arith.muli %add3A_98, %parallel_loop3A_1335 : i32
      %parallel_loop3A_1337 = arith.constant 16 : i32
      %parallel_loop3A_1338 = arith.muli %parallel_loop3A_1334, %parallel_loop3A_1337 : i32
      %parallel_loop3A_1339 = arith.addi %parallel_loop3A_1336, %parallel_loop3A_1338 : i32
      %parallel_loop3A_1340 = arith.index_cast %parallel_loop3A_1339 : i32 to index
      %parallel_loop3A_1341 = tpu.vector_load %arg8[%parallel_loop3A_1340] {strides = array<i32>} : memref<8192xi32, #tpu.memory_space<vmem>>, vector<16xi32>,
      %parallel_loop3A_1342 = vector.broadcast %parallel_loop3A_1334 : i32 to vector<16xi32>
      %parallel_loop3A_1343 = arith.constant true
      %parallel_loop3A_1344 = vector.broadcast %parallel_loop3A_1343 : i1 to vector<16xi1>
      %parallel_loop3A_1345 = tpu.scan <sum>, %parallel_loop3A_1341 masked %parallel_loop3A_1344 : vector<16xi32>, vector<16xi1> -> vector<16xi32>
      tpu.vector_store_idx %arg10[%parallel_loop3A_1342], %parallel_loop3A_1345 masked %eq3A_5 : memref<16xi32, #tpu.memory_space<vmem>>[vector<16xi32>], vector<16xi32>, vector<16xi1>
    } {sc.loop_unroll_factor = 1 : i64, sc.parallel_access}
    %get3A_102 = arith.constant 0 : index
    %get3A_103 = tpu.vector_load %arg10[%get3A_102] {strides = array<i32>} : memref<16xi32, #tpu.memory_space<vmem>>, vector<16xi32>,
    %broadcast_in_dim3A_104 = arith.constant true
    %broadcast_in_dim3A_105 = vector.broadcast %broadcast_in_dim3A_104 : i1 to vector<16xi1>
    %masked_cumsum3A_106 = tpu.scan <sum>, %get3A_103 masked %broadcast_in_dim3A_105 : vector<16xi32>, vector<16xi1> -> vector<16xi32>
    %add3A_107 = vector.broadcast %max3A_97 : i32 to vector<16xi32>
    %add3A_108 = arith.addi %masked_cumsum3A_106, %add3A_107 : vector<16xi32>
    %le3A_109 = arith.constant 29491 : i32
    %le3A_110 = vector.broadcast %le3A_109 : i32 to vector<16xi32>
    %le3A_111 = arith.cmpi sle, %add3A_108, %le3A_110 : vector<16xi32>
    %all_reduce_population_count3A_112 = tpu.all_reduce %le3A_111 {dim = 0 : i64, kind = #tpu.reduction_kind<sum>} : vector<16xi1> -> vector<16xi32>
    %reduce_max3A_113 = arith.constant true
    %reduce_max3A_114 = vector.broadcast %reduce_max3A_113 : i1 to vector<16xi1>
    %reduce_max3A_115 = arith.constant -2147483648 : i32
    %reduce_max3A_116 = vector.broadcast %reduce_max3A_115 : i32 to vector<16xi32>
    %reduce_max3A_117 = arith.xori %all_reduce_population_count3A_112, %reduce_max3A_116 : vector<16xi32>
    %reduce_max3A_118 = tpu.scan <max>, %reduce_max3A_117 masked %reduce_max3A_114 : vector<16xi32>, vector<16xi1> -> vector<16xi32>
    %reduce_max3A_119 = arith.xori %reduce_max3A_118, %reduce_max3A_116 : vector<16xi32>
    %reduce_max3A_120 = vector.extract %reduce_max3A_119[15] : i32 from vector<16xi32>
    %jit3A_121 = arith.constant 0 : i32
    %broadcast_in_dim3A_122 = vector.broadcast %jit3A_121 : i32 to vector<16xi32>
    %select_n3A_123 = arith.select %le3A_111, %add3A_108, %broadcast_in_dim3A_122 : vector<16xi1>, vector<16xi32>
    %reduce_max3A_124 = arith.constant true
    %reduce_max3A_125 = vector.broadcast %reduce_max3A_124 : i1 to vector<16xi1>
    %reduce_max3A_126 = arith.constant -2147483648 : i32
    %reduce_max3A_127 = vector.broadcast %reduce_max3A_126 : i32 to vector<16xi32>
    %reduce_max3A_128 = arith.xori %select_n3A_123, %reduce_max3A_127 : vector<16xi32>
    %reduce_max3A_129 = tpu.scan <max>, %reduce_max3A_128 masked %reduce_max3A_125 : vector<16xi32>, vector<16xi1> -> vector<16xi32>
    %reduce_max3A_130 = arith.xori %reduce_max3A_129, %reduce_max3A_127 : vector<16xi32>
    %reduce_max3A_131 = vector.extract %reduce_max3A_130[15] : i32 from vector<16xi32>
    %max3A_132 = arith.maxsi %reduce_max3A_131, %max3A_97 : i32
    %mul3A_133 = arith.constant 256 : i32
    %mul3A_134 = arith.muli %add3A_98, %mul3A_133 : i32
    %mul3A_135 = arith.constant 16 : i32
    %mul3A_136 = arith.muli %reduce_max3A_120, %mul3A_135 : i32
    %add3A_137 = arith.addi %mul3A_134, %mul3A_136 : i32
    %get3A_138 = arith.index_cast %add3A_137 : i32 to index
    %get3A_139 = tpu.vector_load %arg8[%get3A_138] {strides = array<i32>} : memref<8192xi32, #tpu.memory_space<vmem>>, vector<16xi32>,
    %broadcast_in_dim3A_140 = arith.constant true
    %broadcast_in_dim3A_141 = vector.broadcast %broadcast_in_dim3A_140 : i1 to vector<16xi1>
    %masked_cumsum3A_142 = tpu.scan <sum>, %get3A_139 masked %broadcast_in_dim3A_141 : vector<16xi32>, vector<16xi1> -> vector<16xi32>
    %add3A_143 = vector.broadcast %max3A_132 : i32 to vector<16xi32>
    %add3A_144 = arith.addi %masked_cumsum3A_142, %add3A_143 : vector<16xi32>
    %le3A_145 = arith.constant 29491 : i32
    %le3A_146 = vector.broadcast %le3A_145 : i32 to vector<16xi32>
    %le3A_147 = arith.cmpi sle, %add3A_144, %le3A_146 : vector<16xi32>
    %all_reduce_population_count3A_148 = tpu.all_reduce %le3A_147 {dim = 0 : i64, kind = #tpu.reduction_kind<sum>} : vector<16xi1> -> vector<16xi32>
    %reduce_max3A_149 = arith.constant true
    %reduce_max3A_150 = vector.broadcast %reduce_max3A_149 : i1 to vector<16xi1>
    %reduce_max3A_151 = arith.constant -2147483648 : i32
    %reduce_max3A_152 = vector.broadcast %reduce_max3A_151 : i32 to vector<16xi32>
    %reduce_max3A_153 = arith.xori %all_reduce_population_count3A_148, %reduce_max3A_152 : vector<16xi32>
    %reduce_max3A_154 = tpu.scan <max>, %reduce_max3A_153 masked %reduce_max3A_150 : vector<16xi32>, vector<16xi1> -> vector<16xi32>
    %reduce_max3A_155 = arith.xori %reduce_max3A_154, %reduce_max3A_152 : vector<16xi32>
    %reduce_max3A_156 = vector.extract %reduce_max3A_155[15] : i32 from vector<16xi32>
    %jit3A_157 = arith.constant 0 : i32
    %broadcast_in_dim3A_158 = vector.broadcast %jit3A_157 : i32 to vector<16xi32>
    %select_n3A_159 = arith.select %le3A_147, %add3A_144, %broadcast_in_dim3A_158 : vector<16xi1>, vector<16xi32>
    %reduce_max3A_160 = arith.constant true
    %reduce_max3A_161 = vector.broadcast %reduce_max3A_160 : i1 to vector<16xi1>
    %reduce_max3A_162 = arith.constant -2147483648 : i32
    %reduce_max3A_163 = vector.broadcast %reduce_max3A_162 : i32 to vector<16xi32>
    %reduce_max3A_164 = arith.xori %select_n3A_159, %reduce_max3A_163 : vector<16xi32>
    %reduce_max3A_165 = tpu.scan <max>, %reduce_max3A_164 masked %reduce_max3A_161 : vector<16xi32>, vector<16xi1> -> vector<16xi32>
    %reduce_max3A_166 = arith.xori %reduce_max3A_165, %reduce_max3A_163 : vector<16xi32>
    %reduce_max3A_167 = vector.extract %reduce_max3A_166[15] : i32 from vector<16xi32>
    %max3A_168 = arith.maxsi %reduce_max3A_167, %max3A_132 : i32
    %mul3A_169 = arith.constant 256 : i32
    %mul3A_170 = arith.muli %add3A_98, %mul3A_169 : i32
    %mul3A_171 = arith.constant 16 : i32
    %mul3A_172 = arith.muli %reduce_max3A_120, %mul3A_171 : i32
    %add3A_173 = arith.addi %mul3A_170, %mul3A_172 : i32
    %add3A_174 = arith.addi %add3A_173, %reduce_max3A_156 : i32
    %parallel_loop3A_175 = arith.constant 0 : i32
    %parallel_loop3A_176 = arith.constant 2048 : i32
    %parallel_loop3A_177 = arith.constant 1 : i32
    %parallel_loop3A_178 = scf.for %parallel_loop3A_1334 = %parallel_loop3A_175 to %parallel_loop3A_176 step %parallel_loop3A_177 iter_args(%parallel_loop3A_1335 = %broadcast_in_dim3A_3) -> (vector<16xi32>)  : i32 {
      %parallel_loop3A_1336 = arith.constant 16 : i32
      %parallel_loop3A_1337 = arith.muli %parallel_loop3A_1334, %parallel_loop3A_1336 : i32
      %parallel_loop3A_1338 = arith.index_cast %parallel_loop3A_1337 : i32 to index
      %parallel_loop3A_1339 = tpu.vector_load %arg6[%parallel_loop3A_1338] {strides = array<i32>} : memref<32768xf32, #tpu.memory_space<vmem>>, vector<16xf32>,
      %parallel_loop3A_1340 = arith.index_cast %parallel_loop3A_1337 : i32 to index
      %parallel_loop3A_1341 = tpu.vector_load %arg5[%parallel_loop3A_1340] {strides = array<i32>} : memref<32768xf32, #tpu.memory_space<vmem>>, vector<16xf32>,
      %parallel_loop3A_1342 = arith.mulf %parallel_loop3A_1339, %parallel_loop3A_1341 : vector<16xf32>
      %parallel_loop3A_1343 = tpu.bitcast %parallel_loop3A_1342 : vector<16xf32> -> vector<16xi32>
      %parallel_loop3A_1344 = arith.constant 31 : i32
      %parallel_loop3A_1345 = vector.broadcast %parallel_loop3A_1344 : i32 to vector<16xi32>
      %parallel_loop3A_1346 = arith.shrui %parallel_loop3A_1343, %parallel_loop3A_1345 : vector<16xi32>
      %parallel_loop3A_1347 = arith.constant 0 : i32
      %parallel_loop3A_1348 = vector.broadcast %parallel_loop3A_1347 : i32 to vector<16xi32>
      %parallel_loop3A_1349 = arith.cmpi ne, %parallel_loop3A_1346, %parallel_loop3A_1348 : vector<16xi32>
      %parallel_loop3A_1350 = arith.constant dense<-1> : vector<16xi32>
      %parallel_loop3A_1351 = arith.xori %parallel_loop3A_1343, %parallel_loop3A_1350 : vector<16xi32>
      %parallel_loop3A_1352 = arith.constant -2147483648 : i32
      %parallel_loop3A_1353 = vector.broadcast %parallel_loop3A_1352 : i32 to vector<16xi32>
      %parallel_loop3A_1354 = arith.ori %parallel_loop3A_1343, %parallel_loop3A_1353 : vector<16xi32>
      %parallel_loop3A_1355 = arith.select %parallel_loop3A_1349, %parallel_loop3A_1351, %parallel_loop3A_1354 : vector<16xi1>, vector<16xi32>
      %parallel_loop3A_1356 = arith.constant 19 : i32
      %parallel_loop3A_1357 = vector.broadcast %parallel_loop3A_1356 : i32 to vector<16xi32>
      %parallel_loop3A_1358 = arith.shrui %parallel_loop3A_1355, %parallel_loop3A_1357 : vector<16xi32>
      %parallel_loop3A_1359 = vector.broadcast %add3A_174 : i32 to vector<16xi32>
      %parallel_loop3A_1360 = arith.cmpi sge, %parallel_loop3A_1358, %parallel_loop3A_1359 : vector<16xi32>
      %parallel_loop3A_1361 = arith.constant 0.000000e+00 : f32
      %parallel_loop3A_1362 = vector.broadcast %parallel_loop3A_1361 : f32 to vector<16xf32>
      %parallel_loop3A_1363 = arith.select %parallel_loop3A_1360, %parallel_loop3A_1339, %parallel_loop3A_1362 : vector<16xi1>, vector<16xf32>
      %parallel_loop3A_1364 = arith.index_cast %parallel_loop3A_1337 : i32 to index
      %parallel_loop3A_1365 = tpu.vector_load %arg6[%parallel_loop3A_1364] {strides = array<i32>} : memref<32768xf32, #tpu.memory_space<vmem>>, vector<16xf32>,
      tpu.vector_store %arg6[%parallel_loop3A_1364], %parallel_loop3A_1363 {strides = array<i32>} : memref<32768xf32, #tpu.memory_space<vmem>>, vector<16xf32>,
      %parallel_loop3A_1366 = vector.broadcast %add3A_174 : i32 to vector<16xi32>
      %parallel_loop3A_1367 = arith.cmpi eq, %parallel_loop3A_1358, %parallel_loop3A_1366 : vector<16xi32>
      %parallel_loop3A_1368 = arith.constant 16 : i32
      %parallel_loop3A_1369 = vector.broadcast %parallel_loop3A_1368 : i32 to vector<16xi32>
      %parallel_loop3A_1370 = arith.muli %parallel_loop3A_1335, %parallel_loop3A_1369 : vector<16xi32>
      %parallel_loop3A_1371 = arith.addi %parallel_loop3A_1370, %iota3A : vector<16xi32>
      %parallel_loop3A_1372 = arith.constant 524287 : i32
      %parallel_loop3A_1373 = vector.broadcast %parallel_loop3A_1372 : i32 to vector<16xi32>
      %parallel_loop3A_1374 = arith.andi %parallel_loop3A_1355, %parallel_loop3A_1373 : vector<16xi32>
      %parallel_loop3A_1375 = arith.constant 2 : i32
      %parallel_loop3A_1376 = vector.broadcast %parallel_loop3A_1375 : i32 to vector<16xi32>
      %parallel_loop3A_1377 = arith.shrui %parallel_loop3A_1374, %parallel_loop3A_1376 : vector<16xi32>
      %parallel_loop3A_1378 = arith.constant 15 : i32
      %parallel_loop3A_1379 = vector.broadcast %parallel_loop3A_1378 : i32 to vector<16xi32>
      %parallel_loop3A_1380 = arith.shli %parallel_loop3A_1377, %parallel_loop3A_1379 : vector<16xi32>
      %parallel_loop3A_1381 = arith.constant 16 : i32
      %parallel_loop3A_1382 = arith.muli %parallel_loop3A_1334, %parallel_loop3A_1381 : i32
      %parallel_loop3A_1383 = vector.broadcast %parallel_loop3A_1382 : i32 to vector<16xi32>
      %parallel_loop3A_1384 = arith.addi %iota3A, %parallel_loop3A_1383 : vector<16xi32>
      %parallel_loop3A_1385 = arith.ori %parallel_loop3A_1380, %parallel_loop3A_1384 : vector<16xi32>
      %parallel_loop3A_1386 = tpu.bitcast %parallel_loop3A_1385 : vector<16xi32> -> vector<16xi32>
      tpu.vector_store_idx %arg12[%parallel_loop3A_1371], %parallel_loop3A_1386 masked %parallel_loop3A_1367 : memref<4096xi32, #tpu.memory_space<vmem>>[vector<16xi32>], vector<16xi32>, vector<16xi1>
      %parallel_loop3A_1387 = arith.constant 1 : i32
      %parallel_loop3A_1388 = arith.constant 0 : i32
      %parallel_loop3A_1389 = vector.broadcast %parallel_loop3A_1387 : i32 to vector<16xi32>
      %parallel_loop3A_1390 = vector.broadcast %parallel_loop3A_1388 : i32 to vector<16xi32>
      %parallel_loop3A_1391 = arith.select %parallel_loop3A_1367, %parallel_loop3A_1389, %parallel_loop3A_1390 : vector<16xi1>, vector<16xi32>
      %parallel_loop3A_1392 = arith.addi %parallel_loop3A_1335, %parallel_loop3A_1391 : vector<16xi32>
      scf.yield %parallel_loop3A_1392 : vector<16xi32>
    } {sc.loop_unroll_factor = 8 : i64, sc.parallel_access}
    %reduce_sum3A = arith.constant true
    %reduce_sum3A_179 = vector.broadcast %reduce_sum3A : i1 to vector<16xi1>
    %reduce_sum3A_180 = tpu.scan <sum>, %parallel_loop3A_178 masked %reduce_sum3A_179 : vector<16xi32>, vector<16xi1> -> vector<16xi32>
    %reduce_sum3A_181 = vector.extract %reduce_sum3A_180[15] : i32 from vector<16xi32>
    %sub3A = arith.constant 32768 : i32
    %sub3A_182 = arith.subi %sub3A, %max3A_168 : i32
    %sub3A_183 = arith.subi %sub3A_182, %reduce_sum3A_181 : i32
    %sub3A_184 = arith.constant 3277 : i32
    %sub3A_185 = arith.subi %sub3A_184, %sub3A_183 : i32
    %reduce_max3A_186 = arith.constant true
    %reduce_max3A_187 = vector.broadcast %reduce_max3A_186 : i1 to vector<16xi1>
    %reduce_max3A_188 = arith.constant -2147483648 : i32
    %reduce_max3A_189 = vector.broadcast %reduce_max3A_188 : i32 to vector<16xi32>
    %reduce_max3A_190 = arith.xori %parallel_loop3A_178, %reduce_max3A_189 : vector<16xi32>
    %reduce_max3A_191 = tpu.scan <max>, %reduce_max3A_190 masked %reduce_max3A_187 : vector<16xi32>, vector<16xi1> -> vector<16xi32>
    %reduce_max3A_192 = arith.xori %reduce_max3A_191, %reduce_max3A_189 : vector<16xi32>
    %reduce_max3A_193 = vector.extract %reduce_max3A_192[15] : i32 from vector<16xi32>
    %sub3A_194 = arith.subi %reduce_sum3A_181, %sub3A_185 : i32
    %parallel_loop3A_195 = arith.constant 0 : i32
    %parallel_loop3A_196 = arith.constant 16 : i32
    %parallel_loop3A_197 = arith.constant 1 : i32
    scf.for %parallel_loop3A_1334 = %parallel_loop3A_195 to %parallel_loop3A_196 step %parallel_loop3A_197  : i32 {
      %parallel_loop3A_1335 = arith.constant 16 : i32
      %parallel_loop3A_1336 = arith.muli %parallel_loop3A_1334, %parallel_loop3A_1335 : i32
      %parallel_loop3A_1337 = arith.index_cast %parallel_loop3A_1336 : i32 to index
      %parallel_loop3A_1338 = tpu.vector_load %arg11[%parallel_loop3A_1337] {strides = array<i32>} : memref<256xi32, #tpu.memory_space<vmem>>, vector<16xi32>,
      tpu.vector_store %arg11[%parallel_loop3A_1337], %broadcast_in_dim3A_3 {strides = array<i32>} : memref<256xi32, #tpu.memory_space<vmem>>, vector<16xi32>,
    } {sc.loop_unroll_factor = 1 : i64, sc.parallel_access}
    %while3A = arith.constant 0 : i32
    %while3A_198 = arith.constant 0 : i32
    %while3A_199 = arith.subi %reduce_max3A_193, %while3A_198 : i32
    %while3A_200 = arith.addi %while3A_198, %while3A_199 : i32
    %while3A_201 = arith.constant 1 : i32
    %while3A_202 = arith.divsi %while3A_199, %while3A_201 : i32
    %while3A_203 = arith.muli %while3A_202, %while3A_201 : i32
    %while3A_204 = arith.addi %while3A_198, %while3A_203 : i32
    %while3A_205 = arith.constant 1 : i32
    scf.for %while3A_1334 = %while3A_198 to %while3A_204 step %while3A_205  : i32 {
      %mul3A_1335 = arith.constant 16 : i32
      %mul3A_1336 = arith.muli %while3A_1334, %mul3A_1335 : i32
      %get3A_1337 = arith.index_cast %mul3A_1336 : i32 to index
      %get3A_1338 = tpu.vector_load %arg12[%get3A_1337] {strides = array<i32>} : memref<4096xi32, #tpu.memory_space<vmem>>, vector<16xi32>,
      %bitcast_convert_type3A = tpu.bitcast %get3A_1338 : vector<16xi32> -> vector<16xi32>
      %shift_right_logical3A = arith.constant 24 : i32
      %shift_right_logical3A_1339 = vector.broadcast %shift_right_logical3A : i32 to vector<16xi32>
      %shift_right_logical3A_1340 = arith.shrui %bitcast_convert_type3A, %shift_right_logical3A_1339 : vector<16xi32>
      %lt3A = vector.broadcast %while3A_1334 : i32 to vector<16xi32>
      %lt3A_1341 = arith.cmpi slt, %lt3A, %parallel_loop3A_178 : vector<16xi32>
      tpu.vector_store_idx %arg11[%shift_right_logical3A_1340], %broadcast_in_dim3A_1 masked %lt3A_1341 {add = true} : memref<256xi32, #tpu.memory_space<vmem>>[vector<16xi32>], vector<16xi32>, vector<16xi1>
    }
    %while3A_206 = arith.constant 1 : i32
    scf.for %while3A_1334 = %while3A_204 to %while3A_200 step %while3A_206  : i32 {
      %mul3A_1335 = arith.constant 16 : i32
      %mul3A_1336 = arith.muli %while3A_1334, %mul3A_1335 : i32
      %get3A_1337 = arith.index_cast %mul3A_1336 : i32 to index
      %get3A_1338 = tpu.vector_load %arg12[%get3A_1337] {strides = array<i32>} : memref<4096xi32, #tpu.memory_space<vmem>>, vector<16xi32>,
      %bitcast_convert_type3A = tpu.bitcast %get3A_1338 : vector<16xi32> -> vector<16xi32>
      %shift_right_logical3A = arith.constant 24 : i32
      %shift_right_logical3A_1339 = vector.broadcast %shift_right_logical3A : i32 to vector<16xi32>
      %shift_right_logical3A_1340 = arith.shrui %bitcast_convert_type3A, %shift_right_logical3A_1339 : vector<16xi32>
      %lt3A = vector.broadcast %while3A_1334 : i32 to vector<16xi32>
      %lt3A_1341 = arith.cmpi slt, %lt3A, %parallel_loop3A_178 : vector<16xi32>
      tpu.vector_store_idx %arg11[%shift_right_logical3A_1340], %broadcast_in_dim3A_1 masked %lt3A_1341 {add = true} : memref<256xi32, #tpu.memory_space<vmem>>[vector<16xi32>], vector<16xi32>, vector<16xi1>
    }
    %parallel_loop3A_207 = arith.constant 0 : i32
    %parallel_loop3A_208 = arith.constant 16 : i32
    %parallel_loop3A_209 = arith.constant 1 : i32
    scf.for %parallel_loop3A_1334 = %parallel_loop3A_207 to %parallel_loop3A_208 step %parallel_loop3A_209  : i32 {
      %parallel_loop3A_1335 = arith.constant 16 : i32
      %parallel_loop3A_1336 = arith.muli %parallel_loop3A_1334, %parallel_loop3A_1335 : i32
      %parallel_loop3A_1337 = arith.index_cast %parallel_loop3A_1336 : i32 to index
      %parallel_loop3A_1338 = tpu.vector_load %arg11[%parallel_loop3A_1337] {strides = array<i32>} : memref<256xi32, #tpu.memory_space<vmem>>, vector<16xi32>,
      %parallel_loop3A_1339 = vector.broadcast %parallel_loop3A_1334 : i32 to vector<16xi32>
      %parallel_loop3A_1340 = arith.constant true
      %parallel_loop3A_1341 = vector.broadcast %parallel_loop3A_1340 : i1 to vector<16xi1>
      %parallel_loop3A_1342 = tpu.scan <sum>, %parallel_loop3A_1338 masked %parallel_loop3A_1341 : vector<16xi32>, vector<16xi1> -> vector<16xi32>
      tpu.vector_store_idx %arg10[%parallel_loop3A_1339], %parallel_loop3A_1342 masked %eq3A_5 : memref<16xi32, #tpu.memory_space<vmem>>[vector<16xi32>], vector<16xi32>, vector<16xi1>
    } {sc.loop_unroll_factor = 1 : i64, sc.parallel_access}
    %get3A_210 = arith.constant 0 : index
    %get3A_211 = tpu.vector_load %arg10[%get3A_210] {strides = array<i32>} : memref<16xi32, #tpu.memory_space<vmem>>, vector<16xi32>,
    %broadcast_in_dim3A_212 = arith.constant true
    %broadcast_in_dim3A_213 = vector.broadcast %broadcast_in_dim3A_212 : i1 to vector<16xi1>
    %masked_cumsum3A_214 = tpu.scan <sum>, %get3A_211 masked %broadcast_in_dim3A_213 : vector<16xi32>, vector<16xi1> -> vector<16xi32>
    %le3A_215 = vector.broadcast %sub3A_194 : i32 to vector<16xi32>
    %le3A_216 = arith.cmpi sle, %masked_cumsum3A_214, %le3A_215 : vector<16xi32>
    %all_reduce_population_count3A_217 = tpu.all_reduce %le3A_216 {dim = 0 : i64, kind = #tpu.reduction_kind<sum>} : vector<16xi1> -> vector<16xi32>
    %reduce_max3A_218 = arith.constant true
    %reduce_max3A_219 = vector.broadcast %reduce_max3A_218 : i1 to vector<16xi1>
    %reduce_max3A_220 = arith.constant -2147483648 : i32
    %reduce_max3A_221 = vector.broadcast %reduce_max3A_220 : i32 to vector<16xi32>
    %reduce_max3A_222 = arith.xori %all_reduce_population_count3A_217, %reduce_max3A_221 : vector<16xi32>
    %reduce_max3A_223 = tpu.scan <max>, %reduce_max3A_222 masked %reduce_max3A_219 : vector<16xi32>, vector<16xi1> -> vector<16xi32>
    %reduce_max3A_224 = arith.xori %reduce_max3A_223, %reduce_max3A_221 : vector<16xi32>
    %reduce_max3A_225 = vector.extract %reduce_max3A_224[15] : i32 from vector<16xi32>
    %jit3A_226 = arith.constant 0 : i32
    %broadcast_in_dim3A_227 = vector.broadcast %jit3A_226 : i32 to vector<16xi32>
    %select_n3A_228 = arith.select %le3A_216, %masked_cumsum3A_214, %broadcast_in_dim3A_227 : vector<16xi1>, vector<16xi32>
    %reduce_max3A_229 = arith.constant true
    %reduce_max3A_230 = vector.broadcast %reduce_max3A_229 : i1 to vector<16xi1>
    %reduce_max3A_231 = arith.constant -2147483648 : i32
    %reduce_max3A_232 = vector.broadcast %reduce_max3A_231 : i32 to vector<16xi32>
    %reduce_max3A_233 = arith.xori %select_n3A_228, %reduce_max3A_232 : vector<16xi32>
    %reduce_max3A_234 = tpu.scan <max>, %reduce_max3A_233 masked %reduce_max3A_230 : vector<16xi32>, vector<16xi1> -> vector<16xi32>
    %reduce_max3A_235 = arith.xori %reduce_max3A_234, %reduce_max3A_232 : vector<16xi32>
    %reduce_max3A_236 = vector.extract %reduce_max3A_235[15] : i32 from vector<16xi32>
    %max3A_237 = arith.constant 0 : i32
    %max3A_238 = arith.maxsi %reduce_max3A_236, %max3A_237 : i32
    %mul3A_239 = arith.constant 16 : i32
    %mul3A_240 = arith.muli %reduce_max3A_225, %mul3A_239 : i32
    %get3A_241 = arith.index_cast %mul3A_240 : i32 to index
    %get3A_242 = tpu.vector_load %arg11[%get3A_241] {strides = array<i32>} : memref<256xi32, #tpu.memory_space<vmem>>, vector<16xi32>,
    %broadcast_in_dim3A_243 = arith.constant true
    %broadcast_in_dim3A_244 = vector.broadcast %broadcast_in_dim3A_243 : i1 to vector<16xi1>
    %masked_cumsum3A_245 = tpu.scan <sum>, %get3A_242 masked %broadcast_in_dim3A_244 : vector<16xi32>, vector<16xi1> -> vector<16xi32>
    %add3A_246 = vector.broadcast %max3A_238 : i32 to vector<16xi32>
    %add3A_247 = arith.addi %masked_cumsum3A_245, %add3A_246 : vector<16xi32>
    %le3A_248 = vector.broadcast %sub3A_194 : i32 to vector<16xi32>
    %le3A_249 = arith.cmpi sle, %add3A_247, %le3A_248 : vector<16xi32>
    %all_reduce_population_count3A_250 = tpu.all_reduce %le3A_249 {dim = 0 : i64, kind = #tpu.reduction_kind<sum>} : vector<16xi1> -> vector<16xi32>
    %reduce_max3A_251 = arith.constant true
    %reduce_max3A_252 = vector.broadcast %reduce_max3A_251 : i1 to vector<16xi1>
    %reduce_max3A_253 = arith.constant -2147483648 : i32
    %reduce_max3A_254 = vector.broadcast %reduce_max3A_253 : i32 to vector<16xi32>
    %reduce_max3A_255 = arith.xori %all_reduce_population_count3A_250, %reduce_max3A_254 : vector<16xi32>
    %reduce_max3A_256 = tpu.scan <max>, %reduce_max3A_255 masked %reduce_max3A_252 : vector<16xi32>, vector<16xi1> -> vector<16xi32>
    %reduce_max3A_257 = arith.xori %reduce_max3A_256, %reduce_max3A_254 : vector<16xi32>
    %reduce_max3A_258 = vector.extract %reduce_max3A_257[15] : i32 from vector<16xi32>
    %jit3A_259 = arith.constant 0 : i32
    %broadcast_in_dim3A_260 = vector.broadcast %jit3A_259 : i32 to vector<16xi32>
    %select_n3A_261 = arith.select %le3A_249, %add3A_247, %broadcast_in_dim3A_260 : vector<16xi1>, vector<16xi32>
    %reduce_max3A_262 = arith.constant true
    %reduce_max3A_263 = vector.broadcast %reduce_max3A_262 : i1 to vector<16xi1>
    %reduce_max3A_264 = arith.constant -2147483648 : i32
    %reduce_max3A_265 = vector.broadcast %reduce_max3A_264 : i32 to vector<16xi32>
    %reduce_max3A_266 = arith.xori %select_n3A_261, %reduce_max3A_265 : vector<16xi32>
    %reduce_max3A_267 = tpu.scan <max>, %reduce_max3A_266 masked %reduce_max3A_263 : vector<16xi32>, vector<16xi1> -> vector<16xi32>
    %reduce_max3A_268 = arith.xori %reduce_max3A_267, %reduce_max3A_265 : vector<16xi32>
    %reduce_max3A_269 = vector.extract %reduce_max3A_268[15] : i32 from vector<16xi32>
    %max3A_270 = arith.maxsi %reduce_max3A_269, %max3A_238 : i32
    %mul3A_271 = arith.constant 16 : i32
    %mul3A_272 = arith.muli %reduce_max3A_225, %mul3A_271 : i32
    %add3A_273 = arith.addi %mul3A_272, %reduce_max3A_258 : i32
    %while3A_274 = arith.constant 0 : i32
    %while3A_275 = arith.subi %reduce_max3A_193, %while3A_274 : i32
    %while3A_276 = arith.addi %while3A_274, %while3A_275 : i32
    %while3A_277 = arith.constant 1 : i32
    %while3A_278 = arith.divsi %while3A_275, %while3A_277 : i32
    %while3A_279 = arith.muli %while3A_278, %while3A_277 : i32
    %while3A_280 = arith.addi %while3A_274, %while3A_279 : i32
    %while3A_281 = arith.constant 1 : i32
    %while3A_282 = scf.for %while3A_1334 = %while3A_274 to %while3A_280 step %while3A_281 iter_args(%while3A_1335 = %broadcast_in_dim3A_3) -> (vector<16xi32>)  : i32 {
      %mul3A_1336 = arith.constant 16 : i32
      %mul3A_1337 = arith.muli %while3A_1334, %mul3A_1336 : i32
      %get3A_1338 = arith.index_cast %mul3A_1337 : i32 to index
      %get3A_1339 = tpu.vector_load %arg12[%get3A_1338] {strides = array<i32>} : memref<4096xi32, #tpu.memory_space<vmem>>, vector<16xi32>,
      %bitcast_convert_type3A = tpu.bitcast %get3A_1339 : vector<16xi32> -> vector<16xi32>
      %lt3A = vector.broadcast %while3A_1334 : i32 to vector<16xi32>
      %lt3A_1340 = arith.cmpi slt, %lt3A, %parallel_loop3A_178 : vector<16xi32>
      %shift_right_logical3A = arith.constant 24 : i32
      %shift_right_logical3A_1341 = vector.broadcast %shift_right_logical3A : i32 to vector<16xi32>
      %shift_right_logical3A_1342 = arith.shrui %bitcast_convert_type3A, %shift_right_logical3A_1341 : vector<16xi32>
      %eq3A_1343 = vector.broadcast %add3A_273 : i32 to vector<16xi32>
      %eq3A_1344 = arith.cmpi eq, %shift_right_logical3A_1342, %eq3A_1343 : vector<16xi32>
      %and3A = arith.andi %lt3A_1340, %eq3A_1344 : vector<16xi1>
      %mul3A_1345 = arith.constant 16 : i32
      %mul3A_1346 = vector.broadcast %mul3A_1345 : i32 to vector<16xi32>
      %mul3A_1347 = arith.muli %while3A_1335, %mul3A_1346 : vector<16xi32>
      %add3A_1348 = arith.addi %mul3A_1347, %iota3A : vector<16xi32>
      %bitcast_convert_type3A_1349 = tpu.bitcast %bitcast_convert_type3A : vector<16xi32> -> vector<16xi32>
      tpu.vector_store_idx %arg13[%add3A_1348], %bitcast_convert_type3A_1349 masked %and3A : memref<4096xi32, #tpu.memory_space<vmem>>[vector<16xi32>], vector<16xi32>, vector<16xi1>
      %jit3A_1350 = arith.constant 1 : i32
      %jit3A_1351 = arith.constant 0 : i32
      %broadcast_in_dim3A_1352 = vector.broadcast %jit3A_1350 : i32 to vector<16xi32>
      %broadcast_in_dim3A_1353 = vector.broadcast %jit3A_1351 : i32 to vector<16xi32>
      %select_n3A_1354 = arith.select %and3A, %broadcast_in_dim3A_1352, %broadcast_in_dim3A_1353 : vector<16xi1>, vector<16xi32>
      %add3A_1355 = arith.addi %while3A_1335, %select_n3A_1354 : vector<16xi32>
      scf.yield %add3A_1355 : vector<16xi32>
    }
    %while3A_283 = arith.constant 1 : i32
    %while3A_284 = scf.for %while3A_1334 = %while3A_280 to %while3A_276 step %while3A_283 iter_args(%while3A_1335 = %while3A_282) -> (vector<16xi32>)  : i32 {
      %mul3A_1336 = arith.constant 16 : i32
      %mul3A_1337 = arith.muli %while3A_1334, %mul3A_1336 : i32
      %get3A_1338 = arith.index_cast %mul3A_1337 : i32 to index
      %get3A_1339 = tpu.vector_load %arg12[%get3A_1338] {strides = array<i32>} : memref<4096xi32, #tpu.memory_space<vmem>>, vector<16xi32>,
      %bitcast_convert_type3A = tpu.bitcast %get3A_1339 : vector<16xi32> -> vector<16xi32>
      %lt3A = vector.broadcast %while3A_1334 : i32 to vector<16xi32>
      %lt3A_1340 = arith.cmpi slt, %lt3A, %parallel_loop3A_178 : vector<16xi32>
      %shift_right_logical3A = arith.constant 24 : i32
      %shift_right_logical3A_1341 = vector.broadcast %shift_right_logical3A : i32 to vector<16xi32>
      %shift_right_logical3A_1342 = arith.shrui %bitcast_convert_type3A, %shift_right_logical3A_1341 : vector<16xi32>
      %eq3A_1343 = vector.broadcast %add3A_273 : i32 to vector<16xi32>
      %eq3A_1344 = arith.cmpi eq, %shift_right_logical3A_1342, %eq3A_1343 : vector<16xi32>
      %and3A = arith.andi %lt3A_1340, %eq3A_1344 : vector<16xi1>
      %mul3A_1345 = arith.constant 16 : i32
      %mul3A_1346 = vector.broadcast %mul3A_1345 : i32 to vector<16xi32>
      %mul3A_1347 = arith.muli %while3A_1335, %mul3A_1346 : vector<16xi32>
      %add3A_1348 = arith.addi %mul3A_1347, %iota3A : vector<16xi32>
      %bitcast_convert_type3A_1349 = tpu.bitcast %bitcast_convert_type3A : vector<16xi32> -> vector<16xi32>
      tpu.vector_store_idx %arg13[%add3A_1348], %bitcast_convert_type3A_1349 masked %and3A : memref<4096xi32, #tpu.memory_space<vmem>>[vector<16xi32>], vector<16xi32>, vector<16xi1>
      %jit3A_1350 = arith.constant 1 : i32
      %jit3A_1351 = arith.constant 0 : i32
      %broadcast_in_dim3A_1352 = vector.broadcast %jit3A_1350 : i32 to vector<16xi32>
      %broadcast_in_dim3A_1353 = vector.broadcast %jit3A_1351 : i32 to vector<16xi32>
      %select_n3A_1354 = arith.select %and3A, %broadcast_in_dim3A_1352, %broadcast_in_dim3A_1353 : vector<16xi1>, vector<16xi32>
      %add3A_1355 = arith.addi %while3A_1335, %select_n3A_1354 : vector<16xi32>
      scf.yield %add3A_1355 : vector<16xi32>
    }
    %reduce_sum3A_285 = arith.constant true
    %reduce_sum3A_286 = vector.broadcast %reduce_sum3A_285 : i1 to vector<16xi1>
    %reduce_sum3A_287 = tpu.scan <sum>, %while3A_284 masked %reduce_sum3A_286 : vector<16xi32>, vector<16xi1> -> vector<16xi32>
    %reduce_sum3A_288 = vector.extract %reduce_sum3A_287[15] : i32 from vector<16xi32>
    %sub3A_289 = arith.subi %reduce_sum3A_181, %max3A_270 : i32
    %sub3A_290 = arith.subi %sub3A_289, %reduce_sum3A_288 : i32
    %sub3A_291 = arith.subi %sub3A_185, %sub3A_290 : i32
    %reduce_max3A_292 = arith.constant true
    %reduce_max3A_293 = vector.broadcast %reduce_max3A_292 : i1 to vector<16xi1>
    %reduce_max3A_294 = arith.constant -2147483648 : i32
    %reduce_max3A_295 = vector.broadcast %reduce_max3A_294 : i32 to vector<16xi32>
    %reduce_max3A_296 = arith.xori %while3A_284, %reduce_max3A_295 : vector<16xi32>
    %reduce_max3A_297 = tpu.scan <max>, %reduce_max3A_296 masked %reduce_max3A_293 : vector<16xi32>, vector<16xi1> -> vector<16xi32>
    %reduce_max3A_298 = arith.xori %reduce_max3A_297, %reduce_max3A_295 : vector<16xi32>
    %reduce_max3A_299 = vector.extract %reduce_max3A_298[15] : i32 from vector<16xi32>
    %scan3A = arith.constant 0 : i32
    %scan3A_300 = arith.constant 511 : i32
    %scan3A_301 = arith.constant 0 : i32
    %scan3A_302 = arith.constant 9 : i32
    %scan3A_303 = arith.addi %scan3A_301, %scan3A_302 : i32
    %scan3A_304 = arith.constant 1 : i32
    %scan3A_305:2 = scf.for %scan3A_1334 = %scan3A_301 to %scan3A_303 step %scan3A_304 iter_args(%scan3A_1335 = %scan3A, %scan3A_1336 = %scan3A_300) -> (i32, i32)  : i32 {
      %add3A_1337 = arith.addi %scan3A_1335, %scan3A_1336 : i32
      %add3A_1338 = arith.constant 1 : i32
      %add3A_1339 = arith.addi %add3A_1337, %add3A_1338 : i32
      %shift_right_arithmetic3A = arith.constant 1 : i32
      %shift_right_arithmetic3A_1340 = arith.shrsi %add3A_1339, %shift_right_arithmetic3A : i32
      %while3A_1341 = arith.constant 0 : i32
      %while3A_1342 = arith.subi %reduce_max3A_299, %while3A_1341 : i32
      %while3A_1343 = arith.addi %while3A_1341, %while3A_1342 : i32
      %while3A_1344 = arith.constant 1 : i32
      %while3A_1345 = arith.divsi %while3A_1342, %while3A_1344 : i32
      %while3A_1346 = arith.muli %while3A_1345, %while3A_1344 : i32
      %while3A_1347 = arith.addi %while3A_1341, %while3A_1346 : i32
      %while3A_1348 = arith.constant 1 : i32
      %while3A_1349 = scf.for %while3A_1364 = %while3A_1341 to %while3A_1347 step %while3A_1348 iter_args(%while3A_1365 = %broadcast_in_dim3A_3) -> (vector<16xi32>)  : i32 {
        %mul3A_1366 = arith.constant 16 : i32
        %mul3A_1367 = arith.muli %while3A_1364, %mul3A_1366 : i32
        %get3A_1368 = arith.index_cast %mul3A_1367 : i32 to index
        %get3A_1369 = tpu.vector_load %arg13[%get3A_1368] {strides = array<i32>} : memref<4096xi32, #tpu.memory_space<vmem>>, vector<16xi32>,
        %bitcast_convert_type3A = tpu.bitcast %get3A_1369 : vector<16xi32> -> vector<16xi32>
        %shift_right_logical3A = arith.constant 15 : i32
        %shift_right_logical3A_1370 = vector.broadcast %shift_right_logical3A : i32 to vector<16xi32>
        %shift_right_logical3A_1371 = arith.shrui %bitcast_convert_type3A, %shift_right_logical3A_1370 : vector<16xi32>
        %and3A = arith.constant 511 : i32
        %and3A_1372 = vector.broadcast %and3A : i32 to vector<16xi32>
        %and3A_1373 = arith.andi %shift_right_logical3A_1371, %and3A_1372 : vector<16xi32>
        %lt3A = vector.broadcast %while3A_1364 : i32 to vector<16xi32>
        %lt3A_1374 = arith.cmpi slt, %lt3A, %while3A_284 : vector<16xi32>
        %ge3A_1375 = vector.broadcast %shift_right_arithmetic3A_1340 : i32 to vector<16xi32>
        %ge3A_1376 = arith.cmpi uge, %and3A_1373, %ge3A_1375 : vector<16xi32>
        %and3A_1377 = arith.andi %lt3A_1374, %ge3A_1376 : vector<16xi1>
        %all_reduce_population_count3A_1378 = tpu.all_reduce %and3A_1377 {dim = 0 : i64, kind = #tpu.reduction_kind<sum>} : vector<16xi1> -> vector<16xi32>
        %add3A_1379 = arith.addi %while3A_1365, %all_reduce_population_count3A_1378 : vector<16xi32>
        scf.yield %add3A_1379 : vector<16xi32>
      }
      %while3A_1350 = arith.constant 1 : i32
      %while3A_1351 = scf.for %while3A_1364 = %while3A_1347 to %while3A_1343 step %while3A_1350 iter_args(%while3A_1365 = %while3A_1349) -> (vector<16xi32>)  : i32 {
        %mul3A_1366 = arith.constant 16 : i32
        %mul3A_1367 = arith.muli %while3A_1364, %mul3A_1366 : i32
        %get3A_1368 = arith.index_cast %mul3A_1367 : i32 to index
        %get3A_1369 = tpu.vector_load %arg13[%get3A_1368] {strides = array<i32>} : memref<4096xi32, #tpu.memory_space<vmem>>, vector<16xi32>,
        %bitcast_convert_type3A = tpu.bitcast %get3A_1369 : vector<16xi32> -> vector<16xi32>
        %shift_right_logical3A = arith.constant 15 : i32
        %shift_right_logical3A_1370 = vector.broadcast %shift_right_logical3A : i32 to vector<16xi32>
        %shift_right_logical3A_1371 = arith.shrui %bitcast_convert_type3A, %shift_right_logical3A_1370 : vector<16xi32>
        %and3A = arith.constant 511 : i32
        %and3A_1372 = vector.broadcast %and3A : i32 to vector<16xi32>
        %and3A_1373 = arith.andi %shift_right_logical3A_1371, %and3A_1372 : vector<16xi32>
        %lt3A = vector.broadcast %while3A_1364 : i32 to vector<16xi32>
        %lt3A_1374 = arith.cmpi slt, %lt3A, %while3A_284 : vector<16xi32>
        %ge3A_1375 = vector.broadcast %shift_right_arithmetic3A_1340 : i32 to vector<16xi32>
        %ge3A_1376 = arith.cmpi uge, %and3A_1373, %ge3A_1375 : vector<16xi32>
        %and3A_1377 = arith.andi %lt3A_1374, %ge3A_1376 : vector<16xi1>
        %all_reduce_population_count3A_1378 = tpu.all_reduce %and3A_1377 {dim = 0 : i64, kind = #tpu.reduction_kind<sum>} : vector<16xi1> -> vector<16xi32>
        %add3A_1379 = arith.addi %while3A_1365, %all_reduce_population_count3A_1378 : vector<16xi32>
        scf.yield %add3A_1379 : vector<16xi32>
      }
      %reduce_max3A_1352 = arith.constant true
      %reduce_max3A_1353 = vector.broadcast %reduce_max3A_1352 : i1 to vector<16xi1>
      %reduce_max3A_1354 = arith.constant -2147483648 : i32
      %reduce_max3A_1355 = vector.broadcast %reduce_max3A_1354 : i32 to vector<16xi32>
      %reduce_max3A_1356 = arith.xori %while3A_1351, %reduce_max3A_1355 : vector<16xi32>
      %reduce_max3A_1357 = tpu.scan <max>, %reduce_max3A_1356 masked %reduce_max3A_1353 : vector<16xi32>, vector<16xi1> -> vector<16xi32>
      %reduce_max3A_1358 = arith.xori %reduce_max3A_1357, %reduce_max3A_1355 : vector<16xi32>
      %reduce_max3A_1359 = vector.extract %reduce_max3A_1358[15] : i32 from vector<16xi32>
      %ge3A = arith.cmpi sge, %reduce_max3A_1359, %sub3A_291 : i32
      %select_n3A_1360 = arith.select %ge3A, %shift_right_arithmetic3A_1340, %scan3A_1335 : i32
      %sub3A_1361 = arith.constant 1 : i32
      %sub3A_1362 = arith.subi %shift_right_arithmetic3A_1340, %sub3A_1361 : i32
      %select_n3A_1363 = arith.select %ge3A, %scan3A_1336, %sub3A_1362 : i32
      scf.yield %select_n3A_1360, %select_n3A_1363 : i32, i32
    }
    %scan3A_306 = arith.constant 9 : i32
    %shift_left3A = arith.constant 9 : i32
    %shift_left3A_307 = arith.shli %add3A_273, %shift_left3A : i32
    %or3A = arith.ori %shift_left3A_307, %scan3A_305#0 : i32
    %shift_left3A_308 = arith.constant 15 : i32
    %shift_left3A_309 = arith.shli %or3A, %shift_left3A_308 : i32
    %broadcast_in_dim3A_310 = arith.constant 0.000000e+00 : f32
    %broadcast_in_dim3A_311 = vector.broadcast %broadcast_in_dim3A_310 : f32 to vector<16xf32>
    %while3A_312 = arith.constant 0 : i32
    %while3A_313 = arith.constant 0 : i32
    %while3A_314 = arith.subi %reduce_max3A_193, %while3A_313 : i32
    %while3A_315 = arith.addi %while3A_313, %while3A_314 : i32
    %while3A_316 = arith.constant 1 : i32
    %while3A_317 = arith.divsi %while3A_314, %while3A_316 : i32
    %while3A_318 = arith.muli %while3A_317, %while3A_316 : i32
    %while3A_319 = arith.addi %while3A_313, %while3A_318 : i32
    %while3A_320 = arith.constant 1 : i32
    scf.for %while3A_1334 = %while3A_313 to %while3A_319 step %while3A_320  : i32 {
      %mul3A_1335 = arith.constant 16 : i32
      %mul3A_1336 = arith.muli %while3A_1334, %mul3A_1335 : i32
      %get3A_1337 = arith.index_cast %mul3A_1336 : i32 to index
      %get3A_1338 = tpu.vector_load %arg12[%get3A_1337] {strides = array<i32>} : memref<4096xi32, #tpu.memory_space<vmem>>, vector<16xi32>,
      %bitcast_convert_type3A = tpu.bitcast %get3A_1338 : vector<16xi32> -> vector<16xi32>
      %lt3A = vector.broadcast %while3A_1334 : i32 to vector<16xi32>
      %lt3A_1339 = arith.cmpi slt, %lt3A, %parallel_loop3A_178 : vector<16xi32>
      %lt3A_1340 = vector.broadcast %shift_left3A_309 : i32 to vector<16xi32>
      %lt3A_1341 = arith.cmpi ult, %bitcast_convert_type3A, %lt3A_1340 : vector<16xi32>
      %and3A = arith.andi %lt3A_1339, %lt3A_1341 : vector<16xi1>
      %and3A_1342 = arith.constant 32767 : i32
      %and3A_1343 = vector.broadcast %and3A_1342 : i32 to vector<16xi32>
      %and3A_1344 = arith.andi %bitcast_convert_type3A, %and3A_1343 : vector<16xi32>
      tpu.vector_store_idx %arg6[%and3A_1344], %broadcast_in_dim3A_311 masked %and3A : memref<32768xf32, #tpu.memory_space<vmem>>[vector<16xi32>], vector<16xf32>, vector<16xi1>
    }
    %while3A_321 = arith.constant 1 : i32
    scf.for %while3A_1334 = %while3A_319 to %while3A_315 step %while3A_321  : i32 {
      %mul3A_1335 = arith.constant 16 : i32
      %mul3A_1336 = arith.muli %while3A_1334, %mul3A_1335 : i32
      %get3A_1337 = arith.index_cast %mul3A_1336 : i32 to index
      %get3A_1338 = tpu.vector_load %arg12[%get3A_1337] {strides = array<i32>} : memref<4096xi32, #tpu.memory_space<vmem>>, vector<16xi32>,
      %bitcast_convert_type3A = tpu.bitcast %get3A_1338 : vector<16xi32> -> vector<16xi32>
      %lt3A = vector.broadcast %while3A_1334 : i32 to vector<16xi32>
      %lt3A_1339 = arith.cmpi slt, %lt3A, %parallel_loop3A_178 : vector<16xi32>
      %lt3A_1340 = vector.broadcast %shift_left3A_309 : i32 to vector<16xi32>
      %lt3A_1341 = arith.cmpi ult, %bitcast_convert_type3A, %lt3A_1340 : vector<16xi32>
      %and3A = arith.andi %lt3A_1339, %lt3A_1341 : vector<16xi1>
      %and3A_1342 = arith.constant 32767 : i32
      %and3A_1343 = vector.broadcast %and3A_1342 : i32 to vector<16xi32>
      %and3A_1344 = arith.andi %bitcast_convert_type3A, %and3A_1343 : vector<16xi32>
      tpu.vector_store_idx %arg6[%and3A_1344], %broadcast_in_dim3A_311 masked %and3A : memref<32768xf32, #tpu.memory_space<vmem>>[vector<16xi32>], vector<16xf32>, vector<16xi1>
    }
    %dma_start3A_322 = arith.constant 0 : i32
    %dma_start3A_323 = tpu.memref_slice %arg4[%mul3A_7, %dma_start3A_322] : memref<128x32768xf32, #tpu.memory_space<hbm>> -> memref<1x32768xf32, #tpu.memory_space<hbm>>
    %dma_start3A_324 = tpu.memref_squeeze %dma_start3A_323 : memref<1x32768xf32, #tpu.memory_space<hbm>> -> memref<32768xf32, #tpu.memory_space<hbm>>
    %dma_start3A_325 = arith.constant 0 : i32
    %dma_start3A_326 = tpu.memref_slice %arg4[%mul3A_7, %dma_start3A_325] : memref<128x32768xf32, #tpu.memory_space<hbm>> -> memref<1x32768xf32, #tpu.memory_space<hbm>>
    %dma_start3A_327 = tpu.memref_squeeze %dma_start3A_326 : memref<1x32768xf32, #tpu.memory_space<hbm>> -> memref<32768xf32, #tpu.memory_space<hbm>>
    tpu.enqueue_dma source(%arg6 : memref<32768xf32, #tpu.memory_space<vmem>>) target(%dma_start3A_327 : memref<32768xf32, #tpu.memory_space<hbm>>) target_semaphore(%arg16 : memref<!tpu.dma_semaphore, #tpu.memory_space<semaphore_mem>>)
    %dma_wait3A_328 = arith.constant 0 : i32
    %dma_wait3A_329 = tpu.memref_slice %arg2[%add3A_14, %dma_wait3A_328] : memref<128x32768xf32, #tpu.memory_space<hbm>> -> memref<1x32768xf32, #tpu.memory_space<hbm>>
    %dma_wait3A_330 = tpu.memref_squeeze %dma_wait3A_329 : memref<1x32768xf32, #tpu.memory_space<hbm>> -> memref<32768xf32, #tpu.memory_space<hbm>>
    %dma_wait3A_331 = arith.constant 0 : i32
    %dma_wait3A_332 = tpu.memref_slice %arg2[%add3A_14, %dma_wait3A_331] : memref<128x32768xf32, #tpu.memory_space<hbm>> -> memref<1x32768xf32, #tpu.memory_space<hbm>>
    %dma_wait3A_333 = tpu.memref_squeeze %dma_wait3A_332 : memref<1x32768xf32, #tpu.memory_space<hbm>> -> memref<32768xf32, #tpu.memory_space<hbm>>
    tpu.wait_dma2 semaphore(%arg15 : memref<!tpu.dma_semaphore, #tpu.memory_space<semaphore_mem>>) src(%dma_wait3A_333 : memref<32768xf32, #tpu.memory_space<hbm>>) dst(%arg7 : memref<32768xf32, #tpu.memory_space<vmem>>)
    %parallel_loop3A_334 = arith.constant 0 : i32
    %parallel_loop3A_335 = arith.constant 512 : i32
    %parallel_loop3A_336 = arith.constant 1 : i32
    scf.for %parallel_loop3A_1334 = %parallel_loop3A_334 to %parallel_loop3A_335 step %parallel_loop3A_336  : i32 {
      %parallel_loop3A_1335 = arith.constant 16 : i32
      %parallel_loop3A_1336 = arith.muli %parallel_loop3A_1334, %parallel_loop3A_1335 : i32
      %parallel_loop3A_1337 = arith.index_cast %parallel_loop3A_1336 : i32 to index
      %parallel_loop3A_1338 = tpu.vector_load %arg8[%parallel_loop3A_1337] {strides = array<i32>} : memref<8192xi32, #tpu.memory_space<vmem>>, vector<16xi32>,
      tpu.vector_store %arg8[%parallel_loop3A_1337], %broadcast_in_dim3A_3 {strides = array<i32>} : memref<8192xi32, #tpu.memory_space<vmem>>, vector<16xi32>,
    } {sc.loop_unroll_factor = 8 : i64, sc.parallel_access}
    %parallel_loop3A_337 = arith.constant 0 : i32
    %parallel_loop3A_338 = arith.constant 2048 : i32
    %parallel_loop3A_339 = arith.constant 1 : i32
    scf.for %parallel_loop3A_1334 = %parallel_loop3A_337 to %parallel_loop3A_338 step %parallel_loop3A_339  : i32 {
      %parallel_loop3A_1335 = arith.constant 16 : i32
      %parallel_loop3A_1336 = arith.muli %parallel_loop3A_1334, %parallel_loop3A_1335 : i32
      %parallel_loop3A_1337 = arith.index_cast %parallel_loop3A_1336 : i32 to index
      %parallel_loop3A_1338 = tpu.vector_load %arg7[%parallel_loop3A_1337] {strides = array<i32>} : memref<32768xf32, #tpu.memory_space<vmem>>, vector<16xf32>,
      %parallel_loop3A_1339 = arith.index_cast %parallel_loop3A_1336 : i32 to index
      %parallel_loop3A_1340 = tpu.vector_load %arg5[%parallel_loop3A_1339] {strides = array<i32>} : memref<32768xf32, #tpu.memory_space<vmem>>, vector<16xf32>,
      %parallel_loop3A_1341 = arith.mulf %parallel_loop3A_1338, %parallel_loop3A_1340 : vector<16xf32>
      %parallel_loop3A_1342 = tpu.bitcast %parallel_loop3A_1341 : vector<16xf32> -> vector<16xi32>
      %parallel_loop3A_1343 = arith.constant 31 : i32
      %parallel_loop3A_1344 = vector.broadcast %parallel_loop3A_1343 : i32 to vector<16xi32>
      %parallel_loop3A_1345 = arith.shrui %parallel_loop3A_1342, %parallel_loop3A_1344 : vector<16xi32>
      %parallel_loop3A_1346 = arith.constant 0 : i32
      %parallel_loop3A_1347 = vector.broadcast %parallel_loop3A_1346 : i32 to vector<16xi32>
      %parallel_loop3A_1348 = arith.cmpi ne, %parallel_loop3A_1345, %parallel_loop3A_1347 : vector<16xi32>
      %parallel_loop3A_1349 = arith.constant dense<-1> : vector<16xi32>
      %parallel_loop3A_1350 = arith.xori %parallel_loop3A_1342, %parallel_loop3A_1349 : vector<16xi32>
      %parallel_loop3A_1351 = arith.constant -2147483648 : i32
      %parallel_loop3A_1352 = vector.broadcast %parallel_loop3A_1351 : i32 to vector<16xi32>
      %parallel_loop3A_1353 = arith.ori %parallel_loop3A_1342, %parallel_loop3A_1352 : vector<16xi32>
      %parallel_loop3A_1354 = arith.select %parallel_loop3A_1348, %parallel_loop3A_1350, %parallel_loop3A_1353 : vector<16xi1>, vector<16xi32>
      %parallel_loop3A_1355 = arith.constant 19 : i32
      %parallel_loop3A_1356 = vector.broadcast %parallel_loop3A_1355 : i32 to vector<16xi32>
      %parallel_loop3A_1357 = arith.shrui %parallel_loop3A_1354, %parallel_loop3A_1356 : vector<16xi32>
      tpu.vector_store_idx %arg8[%parallel_loop3A_1357], %broadcast_in_dim3A_1 {add = true} : memref<8192xi32, #tpu.memory_space<vmem>>[vector<16xi32>], vector<16xi32>,
    } {sc.loop_unroll_factor = 8 : i64, sc.parallel_access}
    %parallel_loop3A_340 = arith.constant 0 : i32
    %parallel_loop3A_341 = arith.constant 32 : i32
    %parallel_loop3A_342 = arith.constant 1 : i32
    scf.for %parallel_loop3A_1334 = %parallel_loop3A_340 to %parallel_loop3A_341 step %parallel_loop3A_342  : i32 {
      %parallel_loop3A_1335 = arith.constant 256 : i32
      %parallel_loop3A_1336 = arith.muli %parallel_loop3A_1334, %parallel_loop3A_1335 : i32
      %parallel_loop3A_1337 = arith.constant 0 : i32
      %parallel_loop3A_1338 = arith.addi %parallel_loop3A_1336, %parallel_loop3A_1337 : i32
      %parallel_loop3A_1339 = arith.index_cast %parallel_loop3A_1338 : i32 to index
      %parallel_loop3A_1340 = tpu.vector_load %arg8[%parallel_loop3A_1339] {strides = array<i32>} : memref<8192xi32, #tpu.memory_space<vmem>>, vector<16xi32>,
      %parallel_loop3A_1341 = arith.addi %broadcast_in_dim3A_3, %parallel_loop3A_1340 : vector<16xi32>
      %parallel_loop3A_1342 = arith.constant 256 : i32
      %parallel_loop3A_1343 = arith.muli %parallel_loop3A_1334, %parallel_loop3A_1342 : i32
      %parallel_loop3A_1344 = arith.constant 16 : i32
      %parallel_loop3A_1345 = arith.addi %parallel_loop3A_1343, %parallel_loop3A_1344 : i32
      %parallel_loop3A_1346 = arith.index_cast %parallel_loop3A_1345 : i32 to index
      %parallel_loop3A_1347 = tpu.vector_load %arg8[%parallel_loop3A_1346] {strides = array<i32>} : memref<8192xi32, #tpu.memory_space<vmem>>, vector<16xi32>,
      %parallel_loop3A_1348 = arith.addi %parallel_loop3A_1341, %parallel_loop3A_1347 : vector<16xi32>
      %parallel_loop3A_1349 = arith.constant 256 : i32
      %parallel_loop3A_1350 = arith.muli %parallel_loop3A_1334, %parallel_loop3A_1349 : i32
      %parallel_loop3A_1351 = arith.constant 32 : i32
      %parallel_loop3A_1352 = arith.addi %parallel_loop3A_1350, %parallel_loop3A_1351 : i32
      %parallel_loop3A_1353 = arith.index_cast %parallel_loop3A_1352 : i32 to index
      %parallel_loop3A_1354 = tpu.vector_load %arg8[%parallel_loop3A_1353] {strides = array<i32>} : memref<8192xi32, #tpu.memory_space<vmem>>, vector<16xi32>,
      %parallel_loop3A_1355 = arith.addi %parallel_loop3A_1348, %parallel_loop3A_1354 : vector<16xi32>
      %parallel_loop3A_1356 = arith.constant 256 : i32
      %parallel_loop3A_1357 = arith.muli %parallel_loop3A_1334, %parallel_loop3A_1356 : i32
      %parallel_loop3A_1358 = arith.constant 48 : i32
      %parallel_loop3A_1359 = arith.addi %parallel_loop3A_1357, %parallel_loop3A_1358 : i32
      %parallel_loop3A_1360 = arith.index_cast %parallel_loop3A_1359 : i32 to index
      %parallel_loop3A_1361 = tpu.vector_load %arg8[%parallel_loop3A_1360] {strides = array<i32>} : memref<8192xi32, #tpu.memory_space<vmem>>, vector<16xi32>,
      %parallel_loop3A_1362 = arith.addi %parallel_loop3A_1355, %parallel_loop3A_1361 : vector<16xi32>
      %parallel_loop3A_1363 = arith.constant 256 : i32
      %parallel_loop3A_1364 = arith.muli %parallel_loop3A_1334, %parallel_loop3A_1363 : i32
      %parallel_loop3A_1365 = arith.constant 64 : i32
      %parallel_loop3A_1366 = arith.addi %parallel_loop3A_1364, %parallel_loop3A_1365 : i32
      %parallel_loop3A_1367 = arith.index_cast %parallel_loop3A_1366 : i32 to index
      %parallel_loop3A_1368 = tpu.vector_load %arg8[%parallel_loop3A_1367] {strides = array<i32>} : memref<8192xi32, #tpu.memory_space<vmem>>, vector<16xi32>,
      %parallel_loop3A_1369 = arith.addi %parallel_loop3A_1362, %parallel_loop3A_1368 : vector<16xi32>
      %parallel_loop3A_1370 = arith.constant 256 : i32
      %parallel_loop3A_1371 = arith.muli %parallel_loop3A_1334, %parallel_loop3A_1370 : i32
      %parallel_loop3A_1372 = arith.constant 80 : i32
      %parallel_loop3A_1373 = arith.addi %parallel_loop3A_1371, %parallel_loop3A_1372 : i32
      %parallel_loop3A_1374 = arith.index_cast %parallel_loop3A_1373 : i32 to index
      %parallel_loop3A_1375 = tpu.vector_load %arg8[%parallel_loop3A_1374] {strides = array<i32>} : memref<8192xi32, #tpu.memory_space<vmem>>, vector<16xi32>,
      %parallel_loop3A_1376 = arith.addi %parallel_loop3A_1369, %parallel_loop3A_1375 : vector<16xi32>
      %parallel_loop3A_1377 = arith.constant 256 : i32
      %parallel_loop3A_1378 = arith.muli %parallel_loop3A_1334, %parallel_loop3A_1377 : i32
      %parallel_loop3A_1379 = arith.constant 96 : i32
      %parallel_loop3A_1380 = arith.addi %parallel_loop3A_1378, %parallel_loop3A_1379 : i32
      %parallel_loop3A_1381 = arith.index_cast %parallel_loop3A_1380 : i32 to index
      %parallel_loop3A_1382 = tpu.vector_load %arg8[%parallel_loop3A_1381] {strides = array<i32>} : memref<8192xi32, #tpu.memory_space<vmem>>, vector<16xi32>,
      %parallel_loop3A_1383 = arith.addi %parallel_loop3A_1376, %parallel_loop3A_1382 : vector<16xi32>
      %parallel_loop3A_1384 = arith.constant 256 : i32
      %parallel_loop3A_1385 = arith.muli %parallel_loop3A_1334, %parallel_loop3A_1384 : i32
      %parallel_loop3A_1386 = arith.constant 112 : i32
      %parallel_loop3A_1387 = arith.addi %parallel_loop3A_1385, %parallel_loop3A_1386 : i32
      %parallel_loop3A_1388 = arith.index_cast %parallel_loop3A_1387 : i32 to index
      %parallel_loop3A_1389 = tpu.vector_load %arg8[%parallel_loop3A_1388] {strides = array<i32>} : memref<8192xi32, #tpu.memory_space<vmem>>, vector<16xi32>,
      %parallel_loop3A_1390 = arith.addi %parallel_loop3A_1383, %parallel_loop3A_1389 : vector<16xi32>
      %parallel_loop3A_1391 = arith.constant 256 : i32
      %parallel_loop3A_1392 = arith.muli %parallel_loop3A_1334, %parallel_loop3A_1391 : i32
      %parallel_loop3A_1393 = arith.constant 128 : i32
      %parallel_loop3A_1394 = arith.addi %parallel_loop3A_1392, %parallel_loop3A_1393 : i32
      %parallel_loop3A_1395 = arith.index_cast %parallel_loop3A_1394 : i32 to index
      %parallel_loop3A_1396 = tpu.vector_load %arg8[%parallel_loop3A_1395] {strides = array<i32>} : memref<8192xi32, #tpu.memory_space<vmem>>, vector<16xi32>,
      %parallel_loop3A_1397 = arith.addi %parallel_loop3A_1390, %parallel_loop3A_1396 : vector<16xi32>
      %parallel_loop3A_1398 = arith.constant 256 : i32
      %parallel_loop3A_1399 = arith.muli %parallel_loop3A_1334, %parallel_loop3A_1398 : i32
      %parallel_loop3A_1400 = arith.constant 144 : i32
      %parallel_loop3A_1401 = arith.addi %parallel_loop3A_1399, %parallel_loop3A_1400 : i32
      %parallel_loop3A_1402 = arith.index_cast %parallel_loop3A_1401 : i32 to index
      %parallel_loop3A_1403 = tpu.vector_load %arg8[%parallel_loop3A_1402] {strides = array<i32>} : memref<8192xi32, #tpu.memory_space<vmem>>, vector<16xi32>,
      %parallel_loop3A_1404 = arith.addi %parallel_loop3A_1397, %parallel_loop3A_1403 : vector<16xi32>
      %parallel_loop3A_1405 = arith.constant 256 : i32
      %parallel_loop3A_1406 = arith.muli %parallel_loop3A_1334, %parallel_loop3A_1405 : i32
      %parallel_loop3A_1407 = arith.constant 160 : i32
      %parallel_loop3A_1408 = arith.addi %parallel_loop3A_1406, %parallel_loop3A_1407 : i32
      %parallel_loop3A_1409 = arith.index_cast %parallel_loop3A_1408 : i32 to index
      %parallel_loop3A_1410 = tpu.vector_load %arg8[%parallel_loop3A_1409] {strides = array<i32>} : memref<8192xi32, #tpu.memory_space<vmem>>, vector<16xi32>,
      %parallel_loop3A_1411 = arith.addi %parallel_loop3A_1404, %parallel_loop3A_1410 : vector<16xi32>
      %parallel_loop3A_1412 = arith.constant 256 : i32
      %parallel_loop3A_1413 = arith.muli %parallel_loop3A_1334, %parallel_loop3A_1412 : i32
      %parallel_loop3A_1414 = arith.constant 176 : i32
      %parallel_loop3A_1415 = arith.addi %parallel_loop3A_1413, %parallel_loop3A_1414 : i32
      %parallel_loop3A_1416 = arith.index_cast %parallel_loop3A_1415 : i32 to index
      %parallel_loop3A_1417 = tpu.vector_load %arg8[%parallel_loop3A_1416] {strides = array<i32>} : memref<8192xi32, #tpu.memory_space<vmem>>, vector<16xi32>,
      %parallel_loop3A_1418 = arith.addi %parallel_loop3A_1411, %parallel_loop3A_1417 : vector<16xi32>
      %parallel_loop3A_1419 = arith.constant 256 : i32
      %parallel_loop3A_1420 = arith.muli %parallel_loop3A_1334, %parallel_loop3A_1419 : i32
      %parallel_loop3A_1421 = arith.constant 192 : i32
      %parallel_loop3A_1422 = arith.addi %parallel_loop3A_1420, %parallel_loop3A_1421 : i32
      %parallel_loop3A_1423 = arith.index_cast %parallel_loop3A_1422 : i32 to index
      %parallel_loop3A_1424 = tpu.vector_load %arg8[%parallel_loop3A_1423] {strides = array<i32>} : memref<8192xi32, #tpu.memory_space<vmem>>, vector<16xi32>,
      %parallel_loop3A_1425 = arith.addi %parallel_loop3A_1418, %parallel_loop3A_1424 : vector<16xi32>
      %parallel_loop3A_1426 = arith.constant 256 : i32
      %parallel_loop3A_1427 = arith.muli %parallel_loop3A_1334, %parallel_loop3A_1426 : i32
      %parallel_loop3A_1428 = arith.constant 208 : i32
      %parallel_loop3A_1429 = arith.addi %parallel_loop3A_1427, %parallel_loop3A_1428 : i32
      %parallel_loop3A_1430 = arith.index_cast %parallel_loop3A_1429 : i32 to index
      %parallel_loop3A_1431 = tpu.vector_load %arg8[%parallel_loop3A_1430] {strides = array<i32>} : memref<8192xi32, #tpu.memory_space<vmem>>, vector<16xi32>,
      %parallel_loop3A_1432 = arith.addi %parallel_loop3A_1425, %parallel_loop3A_1431 : vector<16xi32>
      %parallel_loop3A_1433 = arith.constant 256 : i32
      %parallel_loop3A_1434 = arith.muli %parallel_loop3A_1334, %parallel_loop3A_1433 : i32
      %parallel_loop3A_1435 = arith.constant 224 : i32
      %parallel_loop3A_1436 = arith.addi %parallel_loop3A_1434, %parallel_loop3A_1435 : i32
      %parallel_loop3A_1437 = arith.index_cast %parallel_loop3A_1436 : i32 to index
      %parallel_loop3A_1438 = tpu.vector_load %arg8[%parallel_loop3A_1437] {strides = array<i32>} : memref<8192xi32, #tpu.memory_space<vmem>>, vector<16xi32>,
      %parallel_loop3A_1439 = arith.addi %parallel_loop3A_1432, %parallel_loop3A_1438 : vector<16xi32>
      %parallel_loop3A_1440 = arith.constant 256 : i32
      %parallel_loop3A_1441 = arith.muli %parallel_loop3A_1334, %parallel_loop3A_1440 : i32
      %parallel_loop3A_1442 = arith.constant 240 : i32
      %parallel_loop3A_1443 = arith.addi %parallel_loop3A_1441, %parallel_loop3A_1442 : i32
      %parallel_loop3A_1444 = arith.index_cast %parallel_loop3A_1443 : i32 to index
      %parallel_loop3A_1445 = tpu.vector_load %arg8[%parallel_loop3A_1444] {strides = array<i32>} : memref<8192xi32, #tpu.memory_space<vmem>>, vector<16xi32>,
      %parallel_loop3A_1446 = arith.addi %parallel_loop3A_1439, %parallel_loop3A_1445 : vector<16xi32>
      %parallel_loop3A_1447 = vector.broadcast %parallel_loop3A_1334 : i32 to vector<16xi32>
      %parallel_loop3A_1448 = arith.constant true
      %parallel_loop3A_1449 = vector.broadcast %parallel_loop3A_1448 : i1 to vector<16xi1>
      %parallel_loop3A_1450 = tpu.scan <sum>, %parallel_loop3A_1446 masked %parallel_loop3A_1449 : vector<16xi32>, vector<16xi1> -> vector<16xi32>
      tpu.vector_store_idx %arg9[%parallel_loop3A_1447], %parallel_loop3A_1450 masked %eq3A_5 : memref<32xi32, #tpu.memory_space<vmem>>[vector<16xi32>], vector<16xi32>, vector<16xi1>
    } {sc.loop_unroll_factor = 1 : i64, sc.parallel_access}
    %get3A_343 = arith.constant 0 : index
    %get3A_344 = tpu.vector_load %arg9[%get3A_343] {strides = array<i32>} : memref<32xi32, #tpu.memory_space<vmem>>, vector<16xi32>,
    %broadcast_in_dim3A_345 = arith.constant true
    %broadcast_in_dim3A_346 = vector.broadcast %broadcast_in_dim3A_345 : i1 to vector<16xi1>
    %masked_cumsum3A_347 = tpu.scan <sum>, %get3A_344 masked %broadcast_in_dim3A_346 : vector<16xi32>, vector<16xi1> -> vector<16xi32>
    %get3A_348 = arith.constant 16 : index
    %get3A_349 = tpu.vector_load %arg9[%get3A_348] {strides = array<i32>} : memref<32xi32, #tpu.memory_space<vmem>>, vector<16xi32>,
    %broadcast_in_dim3A_350 = arith.constant true
    %broadcast_in_dim3A_351 = vector.broadcast %broadcast_in_dim3A_350 : i1 to vector<16xi1>
    %masked_cumsum3A_352 = tpu.scan <sum>, %get3A_349 masked %broadcast_in_dim3A_351 : vector<16xi32>, vector<16xi1> -> vector<16xi32>
    %reduce_max3A_353 = arith.constant true
    %reduce_max3A_354 = vector.broadcast %reduce_max3A_353 : i1 to vector<16xi1>
    %reduce_max3A_355 = arith.constant -2147483648 : i32
    %reduce_max3A_356 = vector.broadcast %reduce_max3A_355 : i32 to vector<16xi32>
    %reduce_max3A_357 = arith.xori %masked_cumsum3A_347, %reduce_max3A_356 : vector<16xi32>
    %reduce_max3A_358 = tpu.scan <max>, %reduce_max3A_357 masked %reduce_max3A_354 : vector<16xi32>, vector<16xi1> -> vector<16xi32>
    %reduce_max3A_359 = arith.xori %reduce_max3A_358, %reduce_max3A_356 : vector<16xi32>
    %reduce_max3A_360 = vector.extract %reduce_max3A_359[15] : i32 from vector<16xi32>
    %add3A_361 = vector.broadcast %reduce_max3A_360 : i32 to vector<16xi32>
    %add3A_362 = arith.addi %masked_cumsum3A_352, %add3A_361 : vector<16xi32>
    %le3A_363 = arith.constant 29491 : i32
    %le3A_364 = vector.broadcast %le3A_363 : i32 to vector<16xi32>
    %le3A_365 = arith.cmpi sle, %masked_cumsum3A_347, %le3A_364 : vector<16xi32>
    %all_reduce_population_count3A_366 = tpu.all_reduce %le3A_365 {dim = 0 : i64, kind = #tpu.reduction_kind<sum>} : vector<16xi1> -> vector<16xi32>
    %reduce_max3A_367 = arith.constant true
    %reduce_max3A_368 = vector.broadcast %reduce_max3A_367 : i1 to vector<16xi1>
    %reduce_max3A_369 = arith.constant -2147483648 : i32
    %reduce_max3A_370 = vector.broadcast %reduce_max3A_369 : i32 to vector<16xi32>
    %reduce_max3A_371 = arith.xori %all_reduce_population_count3A_366, %reduce_max3A_370 : vector<16xi32>
    %reduce_max3A_372 = tpu.scan <max>, %reduce_max3A_371 masked %reduce_max3A_368 : vector<16xi32>, vector<16xi1> -> vector<16xi32>
    %reduce_max3A_373 = arith.xori %reduce_max3A_372, %reduce_max3A_370 : vector<16xi32>
    %reduce_max3A_374 = vector.extract %reduce_max3A_373[15] : i32 from vector<16xi32>
    %jit3A_375 = arith.constant 0 : i32
    %broadcast_in_dim3A_376 = vector.broadcast %jit3A_375 : i32 to vector<16xi32>
    %select_n3A_377 = arith.select %le3A_365, %masked_cumsum3A_347, %broadcast_in_dim3A_376 : vector<16xi1>, vector<16xi32>
    %reduce_max3A_378 = arith.constant true
    %reduce_max3A_379 = vector.broadcast %reduce_max3A_378 : i1 to vector<16xi1>
    %reduce_max3A_380 = arith.constant -2147483648 : i32
    %reduce_max3A_381 = vector.broadcast %reduce_max3A_380 : i32 to vector<16xi32>
    %reduce_max3A_382 = arith.xori %select_n3A_377, %reduce_max3A_381 : vector<16xi32>
    %reduce_max3A_383 = tpu.scan <max>, %reduce_max3A_382 masked %reduce_max3A_379 : vector<16xi32>, vector<16xi1> -> vector<16xi32>
    %reduce_max3A_384 = arith.xori %reduce_max3A_383, %reduce_max3A_381 : vector<16xi32>
    %reduce_max3A_385 = vector.extract %reduce_max3A_384[15] : i32 from vector<16xi32>
    %max3A_386 = arith.constant 0 : i32
    %max3A_387 = arith.maxsi %reduce_max3A_385, %max3A_386 : i32
    %le3A_388 = arith.constant 29491 : i32
    %le3A_389 = vector.broadcast %le3A_388 : i32 to vector<16xi32>
    %le3A_390 = arith.cmpi sle, %add3A_362, %le3A_389 : vector<16xi32>
    %all_reduce_population_count3A_391 = tpu.all_reduce %le3A_390 {dim = 0 : i64, kind = #tpu.reduction_kind<sum>} : vector<16xi1> -> vector<16xi32>
    %reduce_max3A_392 = arith.constant true
    %reduce_max3A_393 = vector.broadcast %reduce_max3A_392 : i1 to vector<16xi1>
    %reduce_max3A_394 = arith.constant -2147483648 : i32
    %reduce_max3A_395 = vector.broadcast %reduce_max3A_394 : i32 to vector<16xi32>
    %reduce_max3A_396 = arith.xori %all_reduce_population_count3A_391, %reduce_max3A_395 : vector<16xi32>
    %reduce_max3A_397 = tpu.scan <max>, %reduce_max3A_396 masked %reduce_max3A_393 : vector<16xi32>, vector<16xi1> -> vector<16xi32>
    %reduce_max3A_398 = arith.xori %reduce_max3A_397, %reduce_max3A_395 : vector<16xi32>
    %reduce_max3A_399 = vector.extract %reduce_max3A_398[15] : i32 from vector<16xi32>
    %jit3A_400 = arith.constant 0 : i32
    %broadcast_in_dim3A_401 = vector.broadcast %jit3A_400 : i32 to vector<16xi32>
    %select_n3A_402 = arith.select %le3A_390, %add3A_362, %broadcast_in_dim3A_401 : vector<16xi1>, vector<16xi32>
    %reduce_max3A_403 = arith.constant true
    %reduce_max3A_404 = vector.broadcast %reduce_max3A_403 : i1 to vector<16xi1>
    %reduce_max3A_405 = arith.constant -2147483648 : i32
    %reduce_max3A_406 = vector.broadcast %reduce_max3A_405 : i32 to vector<16xi32>
    %reduce_max3A_407 = arith.xori %select_n3A_402, %reduce_max3A_406 : vector<16xi32>
    %reduce_max3A_408 = tpu.scan <max>, %reduce_max3A_407 masked %reduce_max3A_404 : vector<16xi32>, vector<16xi1> -> vector<16xi32>
    %reduce_max3A_409 = arith.xori %reduce_max3A_408, %reduce_max3A_406 : vector<16xi32>
    %reduce_max3A_410 = vector.extract %reduce_max3A_409[15] : i32 from vector<16xi32>
    %max3A_411 = arith.maxsi %reduce_max3A_410, %max3A_387 : i32
    %add3A_412 = arith.addi %reduce_max3A_374, %reduce_max3A_399 : i32
    %parallel_loop3A_413 = arith.constant 0 : i32
    %parallel_loop3A_414 = arith.constant 16 : i32
    %parallel_loop3A_415 = arith.constant 1 : i32
    scf.for %parallel_loop3A_1334 = %parallel_loop3A_413 to %parallel_loop3A_414 step %parallel_loop3A_415  : i32 {
      %parallel_loop3A_1335 = arith.constant 256 : i32
      %parallel_loop3A_1336 = arith.muli %add3A_412, %parallel_loop3A_1335 : i32
      %parallel_loop3A_1337 = arith.constant 16 : i32
      %parallel_loop3A_1338 = arith.muli %parallel_loop3A_1334, %parallel_loop3A_1337 : i32
      %parallel_loop3A_1339 = arith.addi %parallel_loop3A_1336, %parallel_loop3A_1338 : i32
      %parallel_loop3A_1340 = arith.index_cast %parallel_loop3A_1339 : i32 to index
      %parallel_loop3A_1341 = tpu.vector_load %arg8[%parallel_loop3A_1340] {strides = array<i32>} : memref<8192xi32, #tpu.memory_space<vmem>>, vector<16xi32>,
      %parallel_loop3A_1342 = vector.broadcast %parallel_loop3A_1334 : i32 to vector<16xi32>
      %parallel_loop3A_1343 = arith.constant true
      %parallel_loop3A_1344 = vector.broadcast %parallel_loop3A_1343 : i1 to vector<16xi1>
      %parallel_loop3A_1345 = tpu.scan <sum>, %parallel_loop3A_1341 masked %parallel_loop3A_1344 : vector<16xi32>, vector<16xi1> -> vector<16xi32>
      tpu.vector_store_idx %arg10[%parallel_loop3A_1342], %parallel_loop3A_1345 masked %eq3A_5 : memref<16xi32, #tpu.memory_space<vmem>>[vector<16xi32>], vector<16xi32>, vector<16xi1>
    } {sc.loop_unroll_factor = 1 : i64, sc.parallel_access}
    %get3A_416 = arith.constant 0 : index
    %get3A_417 = tpu.vector_load %arg10[%get3A_416] {strides = array<i32>} : memref<16xi32, #tpu.memory_space<vmem>>, vector<16xi32>,
    %broadcast_in_dim3A_418 = arith.constant true
    %broadcast_in_dim3A_419 = vector.broadcast %broadcast_in_dim3A_418 : i1 to vector<16xi1>
    %masked_cumsum3A_420 = tpu.scan <sum>, %get3A_417 masked %broadcast_in_dim3A_419 : vector<16xi32>, vector<16xi1> -> vector<16xi32>
    %add3A_421 = vector.broadcast %max3A_411 : i32 to vector<16xi32>
    %add3A_422 = arith.addi %masked_cumsum3A_420, %add3A_421 : vector<16xi32>
    %le3A_423 = arith.constant 29491 : i32
    %le3A_424 = vector.broadcast %le3A_423 : i32 to vector<16xi32>
    %le3A_425 = arith.cmpi sle, %add3A_422, %le3A_424 : vector<16xi32>
    %all_reduce_population_count3A_426 = tpu.all_reduce %le3A_425 {dim = 0 : i64, kind = #tpu.reduction_kind<sum>} : vector<16xi1> -> vector<16xi32>
    %reduce_max3A_427 = arith.constant true
    %reduce_max3A_428 = vector.broadcast %reduce_max3A_427 : i1 to vector<16xi1>
    %reduce_max3A_429 = arith.constant -2147483648 : i32
    %reduce_max3A_430 = vector.broadcast %reduce_max3A_429 : i32 to vector<16xi32>
    %reduce_max3A_431 = arith.xori %all_reduce_population_count3A_426, %reduce_max3A_430 : vector<16xi32>
    %reduce_max3A_432 = tpu.scan <max>, %reduce_max3A_431 masked %reduce_max3A_428 : vector<16xi32>, vector<16xi1> -> vector<16xi32>
    %reduce_max3A_433 = arith.xori %reduce_max3A_432, %reduce_max3A_430 : vector<16xi32>
    %reduce_max3A_434 = vector.extract %reduce_max3A_433[15] : i32 from vector<16xi32>
    %jit3A_435 = arith.constant 0 : i32
    %broadcast_in_dim3A_436 = vector.broadcast %jit3A_435 : i32 to vector<16xi32>
    %select_n3A_437 = arith.select %le3A_425, %add3A_422, %broadcast_in_dim3A_436 : vector<16xi1>, vector<16xi32>
    %reduce_max3A_438 = arith.constant true
    %reduce_max3A_439 = vector.broadcast %reduce_max3A_438 : i1 to vector<16xi1>
    %reduce_max3A_440 = arith.constant -2147483648 : i32
    %reduce_max3A_441 = vector.broadcast %reduce_max3A_440 : i32 to vector<16xi32>
    %reduce_max3A_442 = arith.xori %select_n3A_437, %reduce_max3A_441 : vector<16xi32>
    %reduce_max3A_443 = tpu.scan <max>, %reduce_max3A_442 masked %reduce_max3A_439 : vector<16xi32>, vector<16xi1> -> vector<16xi32>
    %reduce_max3A_444 = arith.xori %reduce_max3A_443, %reduce_max3A_441 : vector<16xi32>
    %reduce_max3A_445 = vector.extract %reduce_max3A_444[15] : i32 from vector<16xi32>
    %max3A_446 = arith.maxsi %reduce_max3A_445, %max3A_411 : i32
    %mul3A_447 = arith.constant 256 : i32
    %mul3A_448 = arith.muli %add3A_412, %mul3A_447 : i32
    %mul3A_449 = arith.constant 16 : i32
    %mul3A_450 = arith.muli %reduce_max3A_434, %mul3A_449 : i32
    %add3A_451 = arith.addi %mul3A_448, %mul3A_450 : i32
    %get3A_452 = arith.index_cast %add3A_451 : i32 to index
    %get3A_453 = tpu.vector_load %arg8[%get3A_452] {strides = array<i32>} : memref<8192xi32, #tpu.memory_space<vmem>>, vector<16xi32>,
    %broadcast_in_dim3A_454 = arith.constant true
    %broadcast_in_dim3A_455 = vector.broadcast %broadcast_in_dim3A_454 : i1 to vector<16xi1>
    %masked_cumsum3A_456 = tpu.scan <sum>, %get3A_453 masked %broadcast_in_dim3A_455 : vector<16xi32>, vector<16xi1> -> vector<16xi32>
    %add3A_457 = vector.broadcast %max3A_446 : i32 to vector<16xi32>
    %add3A_458 = arith.addi %masked_cumsum3A_456, %add3A_457 : vector<16xi32>
    %le3A_459 = arith.constant 29491 : i32
    %le3A_460 = vector.broadcast %le3A_459 : i32 to vector<16xi32>
    %le3A_461 = arith.cmpi sle, %add3A_458, %le3A_460 : vector<16xi32>
    %all_reduce_population_count3A_462 = tpu.all_reduce %le3A_461 {dim = 0 : i64, kind = #tpu.reduction_kind<sum>} : vector<16xi1> -> vector<16xi32>
    %reduce_max3A_463 = arith.constant true
    %reduce_max3A_464 = vector.broadcast %reduce_max3A_463 : i1 to vector<16xi1>
    %reduce_max3A_465 = arith.constant -2147483648 : i32
    %reduce_max3A_466 = vector.broadcast %reduce_max3A_465 : i32 to vector<16xi32>
    %reduce_max3A_467 = arith.xori %all_reduce_population_count3A_462, %reduce_max3A_466 : vector<16xi32>
    %reduce_max3A_468 = tpu.scan <max>, %reduce_max3A_467 masked %reduce_max3A_464 : vector<16xi32>, vector<16xi1> -> vector<16xi32>
    %reduce_max3A_469 = arith.xori %reduce_max3A_468, %reduce_max3A_466 : vector<16xi32>
    %reduce_max3A_470 = vector.extract %reduce_max3A_469[15] : i32 from vector<16xi32>
    %jit3A_471 = arith.constant 0 : i32
    %broadcast_in_dim3A_472 = vector.broadcast %jit3A_471 : i32 to vector<16xi32>
    %select_n3A_473 = arith.select %le3A_461, %add3A_458, %broadcast_in_dim3A_472 : vector<16xi1>, vector<16xi32>
    %reduce_max3A_474 = arith.constant true
    %reduce_max3A_475 = vector.broadcast %reduce_max3A_474 : i1 to vector<16xi1>
    %reduce_max3A_476 = arith.constant -2147483648 : i32
    %reduce_max3A_477 = vector.broadcast %reduce_max3A_476 : i32 to vector<16xi32>
    %reduce_max3A_478 = arith.xori %select_n3A_473, %reduce_max3A_477 : vector<16xi32>
    %reduce_max3A_479 = tpu.scan <max>, %reduce_max3A_478 masked %reduce_max3A_475 : vector<16xi32>, vector<16xi1> -> vector<16xi32>
    %reduce_max3A_480 = arith.xori %reduce_max3A_479, %reduce_max3A_477 : vector<16xi32>
    %reduce_max3A_481 = vector.extract %reduce_max3A_480[15] : i32 from vector<16xi32>
    %max3A_482 = arith.maxsi %reduce_max3A_481, %max3A_446 : i32
    %mul3A_483 = arith.constant 256 : i32
    %mul3A_484 = arith.muli %add3A_412, %mul3A_483 : i32
    %mul3A_485 = arith.constant 16 : i32
    %mul3A_486 = arith.muli %reduce_max3A_434, %mul3A_485 : i32
    %add3A_487 = arith.addi %mul3A_484, %mul3A_486 : i32
    %add3A_488 = arith.addi %add3A_487, %reduce_max3A_470 : i32
    %dma_wait3A_489 = arith.constant 0 : i32
    %dma_wait3A_490 = tpu.memref_slice %arg4[%mul3A_7, %dma_wait3A_489] : memref<128x32768xf32, #tpu.memory_space<hbm>> -> memref<1x32768xf32, #tpu.memory_space<hbm>>
    %dma_wait3A_491 = tpu.memref_squeeze %dma_wait3A_490 : memref<1x32768xf32, #tpu.memory_space<hbm>> -> memref<32768xf32, #tpu.memory_space<hbm>>
    %dma_wait3A_492 = arith.constant 0 : i32
    %dma_wait3A_493 = tpu.memref_slice %arg4[%mul3A_7, %dma_wait3A_492] : memref<128x32768xf32, #tpu.memory_space<hbm>> -> memref<1x32768xf32, #tpu.memory_space<hbm>>
    %dma_wait3A_494 = tpu.memref_squeeze %dma_wait3A_493 : memref<1x32768xf32, #tpu.memory_space<hbm>> -> memref<32768xf32, #tpu.memory_space<hbm>>
    tpu.wait_dma2 semaphore(%arg16 : memref<!tpu.dma_semaphore, #tpu.memory_space<semaphore_mem>>) src(%arg6 : memref<32768xf32, #tpu.memory_space<vmem>>) dst(%dma_wait3A_494 : memref<32768xf32, #tpu.memory_space<hbm>>)
    %add3A_495 = arith.constant 2 : i32
    %add3A_496 = arith.addi %mul3A_7, %add3A_495 : i32
    %dma_start3A_497 = arith.constant 0 : i32
    %dma_start3A_498 = tpu.memref_slice %arg2[%add3A_496, %dma_start3A_497] : memref<128x32768xf32, #tpu.memory_space<hbm>> -> memref<1x32768xf32, #tpu.memory_space<hbm>>
    %dma_start3A_499 = tpu.memref_squeeze %dma_start3A_498 : memref<1x32768xf32, #tpu.memory_space<hbm>> -> memref<32768xf32, #tpu.memory_space<hbm>>
    %dma_start3A_500 = arith.constant 0 : i32
    %dma_start3A_501 = tpu.memref_slice %arg2[%add3A_496, %dma_start3A_500] : memref<128x32768xf32, #tpu.memory_space<hbm>> -> memref<1x32768xf32, #tpu.memory_space<hbm>>
    %dma_start3A_502 = tpu.memref_squeeze %dma_start3A_501 : memref<1x32768xf32, #tpu.memory_space<hbm>> -> memref<32768xf32, #tpu.memory_space<hbm>>
    tpu.enqueue_dma source(%dma_start3A_502 : memref<32768xf32, #tpu.memory_space<hbm>>) target(%arg6 : memref<32768xf32, #tpu.memory_space<vmem>>) target_semaphore(%arg14 : memref<!tpu.dma_semaphore, #tpu.memory_space<semaphore_mem>>)
    %parallel_loop3A_503 = arith.constant 0 : i32
    %parallel_loop3A_504 = arith.constant 2048 : i32
    %parallel_loop3A_505 = arith.constant 1 : i32
    %parallel_loop3A_506 = scf.for %parallel_loop3A_1334 = %parallel_loop3A_503 to %parallel_loop3A_504 step %parallel_loop3A_505 iter_args(%parallel_loop3A_1335 = %broadcast_in_dim3A_3) -> (vector<16xi32>)  : i32 {
      %parallel_loop3A_1336 = arith.constant 16 : i32
      %parallel_loop3A_1337 = arith.muli %parallel_loop3A_1334, %parallel_loop3A_1336 : i32
      %parallel_loop3A_1338 = arith.index_cast %parallel_loop3A_1337 : i32 to index
      %parallel_loop3A_1339 = tpu.vector_load %arg7[%parallel_loop3A_1338] {strides = array<i32>} : memref<32768xf32, #tpu.memory_space<vmem>>, vector<16xf32>,
      %parallel_loop3A_1340 = arith.index_cast %parallel_loop3A_1337 : i32 to index
      %parallel_loop3A_1341 = tpu.vector_load %arg5[%parallel_loop3A_1340] {strides = array<i32>} : memref<32768xf32, #tpu.memory_space<vmem>>, vector<16xf32>,
      %parallel_loop3A_1342 = arith.mulf %parallel_loop3A_1339, %parallel_loop3A_1341 : vector<16xf32>
      %parallel_loop3A_1343 = tpu.bitcast %parallel_loop3A_1342 : vector<16xf32> -> vector<16xi32>
      %parallel_loop3A_1344 = arith.constant 31 : i32
      %parallel_loop3A_1345 = vector.broadcast %parallel_loop3A_1344 : i32 to vector<16xi32>
      %parallel_loop3A_1346 = arith.shrui %parallel_loop3A_1343, %parallel_loop3A_1345 : vector<16xi32>
      %parallel_loop3A_1347 = arith.constant 0 : i32
      %parallel_loop3A_1348 = vector.broadcast %parallel_loop3A_1347 : i32 to vector<16xi32>
      %parallel_loop3A_1349 = arith.cmpi ne, %parallel_loop3A_1346, %parallel_loop3A_1348 : vector<16xi32>
      %parallel_loop3A_1350 = arith.constant dense<-1> : vector<16xi32>
      %parallel_loop3A_1351 = arith.xori %parallel_loop3A_1343, %parallel_loop3A_1350 : vector<16xi32>
      %parallel_loop3A_1352 = arith.constant -2147483648 : i32
      %parallel_loop3A_1353 = vector.broadcast %parallel_loop3A_1352 : i32 to vector<16xi32>
      %parallel_loop3A_1354 = arith.ori %parallel_loop3A_1343, %parallel_loop3A_1353 : vector<16xi32>
      %parallel_loop3A_1355 = arith.select %parallel_loop3A_1349, %parallel_loop3A_1351, %parallel_loop3A_1354 : vector<16xi1>, vector<16xi32>
      %parallel_loop3A_1356 = arith.constant 19 : i32
      %parallel_loop3A_1357 = vector.broadcast %parallel_loop3A_1356 : i32 to vector<16xi32>
      %parallel_loop3A_1358 = arith.shrui %parallel_loop3A_1355, %parallel_loop3A_1357 : vector<16xi32>
      %parallel_loop3A_1359 = vector.broadcast %add3A_488 : i32 to vector<16xi32>
      %parallel_loop3A_1360 = arith.cmpi sge, %parallel_loop3A_1358, %parallel_loop3A_1359 : vector<16xi32>
      %parallel_loop3A_1361 = arith.constant 0.000000e+00 : f32
      %parallel_loop3A_1362 = vector.broadcast %parallel_loop3A_1361 : f32 to vector<16xf32>
      %parallel_loop3A_1363 = arith.select %parallel_loop3A_1360, %parallel_loop3A_1339, %parallel_loop3A_1362 : vector<16xi1>, vector<16xf32>
      %parallel_loop3A_1364 = arith.index_cast %parallel_loop3A_1337 : i32 to index
      %parallel_loop3A_1365 = tpu.vector_load %arg7[%parallel_loop3A_1364] {strides = array<i32>} : memref<32768xf32, #tpu.memory_space<vmem>>, vector<16xf32>,
      tpu.vector_store %arg7[%parallel_loop3A_1364], %parallel_loop3A_1363 {strides = array<i32>} : memref<32768xf32, #tpu.memory_space<vmem>>, vector<16xf32>,
      %parallel_loop3A_1366 = vector.broadcast %add3A_488 : i32 to vector<16xi32>
      %parallel_loop3A_1367 = arith.cmpi eq, %parallel_loop3A_1358, %parallel_loop3A_1366 : vector<16xi32>
      %parallel_loop3A_1368 = arith.constant 16 : i32
      %parallel_loop3A_1369 = vector.broadcast %parallel_loop3A_1368 : i32 to vector<16xi32>
      %parallel_loop3A_1370 = arith.muli %parallel_loop3A_1335, %parallel_loop3A_1369 : vector<16xi32>
      %parallel_loop3A_1371 = arith.addi %parallel_loop3A_1370, %iota3A : vector<16xi32>
      %parallel_loop3A_1372 = arith.constant 524287 : i32
      %parallel_loop3A_1373 = vector.broadcast %parallel_loop3A_1372 : i32 to vector<16xi32>
      %parallel_loop3A_1374 = arith.andi %parallel_loop3A_1355, %parallel_loop3A_1373 : vector<16xi32>
      %parallel_loop3A_1375 = arith.constant 2 : i32
      %parallel_loop3A_1376 = vector.broadcast %parallel_loop3A_1375 : i32 to vector<16xi32>
      %parallel_loop3A_1377 = arith.shrui %parallel_loop3A_1374, %parallel_loop3A_1376 : vector<16xi32>
      %parallel_loop3A_1378 = arith.constant 15 : i32
      %parallel_loop3A_1379 = vector.broadcast %parallel_loop3A_1378 : i32 to vector<16xi32>
      %parallel_loop3A_1380 = arith.shli %parallel_loop3A_1377, %parallel_loop3A_1379 : vector<16xi32>
      %parallel_loop3A_1381 = arith.constant 16 : i32
      %parallel_loop3A_1382 = arith.muli %parallel_loop3A_1334, %parallel_loop3A_1381 : i32
      %parallel_loop3A_1383 = vector.broadcast %parallel_loop3A_1382 : i32 to vector<16xi32>
      %parallel_loop3A_1384 = arith.addi %iota3A, %parallel_loop3A_1383 : vector<16xi32>
      %parallel_loop3A_1385 = arith.ori %parallel_loop3A_1380, %parallel_loop3A_1384 : vector<16xi32>
      %parallel_loop3A_1386 = tpu.bitcast %parallel_loop3A_1385 : vector<16xi32> -> vector<16xi32>
      tpu.vector_store_idx %arg12[%parallel_loop3A_1371], %parallel_loop3A_1386 masked %parallel_loop3A_1367 : memref<4096xi32, #tpu.memory_space<vmem>>[vector<16xi32>], vector<16xi32>, vector<16xi1>
      %parallel_loop3A_1387 = arith.constant 1 : i32
      %parallel_loop3A_1388 = arith.constant 0 : i32
      %parallel_loop3A_1389 = vector.broadcast %parallel_loop3A_1387 : i32 to vector<16xi32>
      %parallel_loop3A_1390 = vector.broadcast %parallel_loop3A_1388 : i32 to vector<16xi32>
      %parallel_loop3A_1391 = arith.select %parallel_loop3A_1367, %parallel_loop3A_1389, %parallel_loop3A_1390 : vector<16xi1>, vector<16xi32>
      %parallel_loop3A_1392 = arith.addi %parallel_loop3A_1335, %parallel_loop3A_1391 : vector<16xi32>
      scf.yield %parallel_loop3A_1392 : vector<16xi32>
    } {sc.loop_unroll_factor = 8 : i64, sc.parallel_access}
    %reduce_sum3A_507 = arith.constant true
    %reduce_sum3A_508 = vector.broadcast %reduce_sum3A_507 : i1 to vector<16xi1>
    %reduce_sum3A_509 = tpu.scan <sum>, %parallel_loop3A_506 masked %reduce_sum3A_508 : vector<16xi32>, vector<16xi1> -> vector<16xi32>
    %reduce_sum3A_510 = vector.extract %reduce_sum3A_509[15] : i32 from vector<16xi32>
    %sub3A_511 = arith.constant 32768 : i32
    %sub3A_512 = arith.subi %sub3A_511, %max3A_482 : i32
    %sub3A_513 = arith.subi %sub3A_512, %reduce_sum3A_510 : i32
    %sub3A_514 = arith.constant 3277 : i32
    %sub3A_515 = arith.subi %sub3A_514, %sub3A_513 : i32
    %reduce_max3A_516 = arith.constant true
    %reduce_max3A_517 = vector.broadcast %reduce_max3A_516 : i1 to vector<16xi1>
    %reduce_max3A_518 = arith.constant -2147483648 : i32
    %reduce_max3A_519 = vector.broadcast %reduce_max3A_518 : i32 to vector<16xi32>
    %reduce_max3A_520 = arith.xori %parallel_loop3A_506, %reduce_max3A_519 : vector<16xi32>
    %reduce_max3A_521 = tpu.scan <max>, %reduce_max3A_520 masked %reduce_max3A_517 : vector<16xi32>, vector<16xi1> -> vector<16xi32>
    %reduce_max3A_522 = arith.xori %reduce_max3A_521, %reduce_max3A_519 : vector<16xi32>
    %reduce_max3A_523 = vector.extract %reduce_max3A_522[15] : i32 from vector<16xi32>
    %sub3A_524 = arith.subi %reduce_sum3A_510, %sub3A_515 : i32
    %parallel_loop3A_525 = arith.constant 0 : i32
    %parallel_loop3A_526 = arith.constant 16 : i32
    %parallel_loop3A_527 = arith.constant 1 : i32
    scf.for %parallel_loop3A_1334 = %parallel_loop3A_525 to %parallel_loop3A_526 step %parallel_loop3A_527  : i32 {
      %parallel_loop3A_1335 = arith.constant 16 : i32
      %parallel_loop3A_1336 = arith.muli %parallel_loop3A_1334, %parallel_loop3A_1335 : i32
      %parallel_loop3A_1337 = arith.index_cast %parallel_loop3A_1336 : i32 to index
      %parallel_loop3A_1338 = tpu.vector_load %arg11[%parallel_loop3A_1337] {strides = array<i32>} : memref<256xi32, #tpu.memory_space<vmem>>, vector<16xi32>,
      tpu.vector_store %arg11[%parallel_loop3A_1337], %broadcast_in_dim3A_3 {strides = array<i32>} : memref<256xi32, #tpu.memory_space<vmem>>, vector<16xi32>,
    } {sc.loop_unroll_factor = 1 : i64, sc.parallel_access}
    %while3A_528 = arith.constant 0 : i32
    %while3A_529 = arith.constant 0 : i32
    %while3A_530 = arith.subi %reduce_max3A_523, %while3A_529 : i32
    %while3A_531 = arith.addi %while3A_529, %while3A_530 : i32
    %while3A_532 = arith.constant 1 : i32
    %while3A_533 = arith.divsi %while3A_530, %while3A_532 : i32
    %while3A_534 = arith.muli %while3A_533, %while3A_532 : i32
    %while3A_535 = arith.addi %while3A_529, %while3A_534 : i32
    %while3A_536 = arith.constant 1 : i32
    scf.for %while3A_1334 = %while3A_529 to %while3A_535 step %while3A_536  : i32 {
      %mul3A_1335 = arith.constant 16 : i32
      %mul3A_1336 = arith.muli %while3A_1334, %mul3A_1335 : i32
      %get3A_1337 = arith.index_cast %mul3A_1336 : i32 to index
      %get3A_1338 = tpu.vector_load %arg12[%get3A_1337] {strides = array<i32>} : memref<4096xi32, #tpu.memory_space<vmem>>, vector<16xi32>,
      %bitcast_convert_type3A = tpu.bitcast %get3A_1338 : vector<16xi32> -> vector<16xi32>
      %shift_right_logical3A = arith.constant 24 : i32
      %shift_right_logical3A_1339 = vector.broadcast %shift_right_logical3A : i32 to vector<16xi32>
      %shift_right_logical3A_1340 = arith.shrui %bitcast_convert_type3A, %shift_right_logical3A_1339 : vector<16xi32>
      %lt3A = vector.broadcast %while3A_1334 : i32 to vector<16xi32>
      %lt3A_1341 = arith.cmpi slt, %lt3A, %parallel_loop3A_506 : vector<16xi32>
      tpu.vector_store_idx %arg11[%shift_right_logical3A_1340], %broadcast_in_dim3A_1 masked %lt3A_1341 {add = true} : memref<256xi32, #tpu.memory_space<vmem>>[vector<16xi32>], vector<16xi32>, vector<16xi1>
    }
    %while3A_537 = arith.constant 1 : i32
    scf.for %while3A_1334 = %while3A_535 to %while3A_531 step %while3A_537  : i32 {
      %mul3A_1335 = arith.constant 16 : i32
      %mul3A_1336 = arith.muli %while3A_1334, %mul3A_1335 : i32
      %get3A_1337 = arith.index_cast %mul3A_1336 : i32 to index
      %get3A_1338 = tpu.vector_load %arg12[%get3A_1337] {strides = array<i32>} : memref<4096xi32, #tpu.memory_space<vmem>>, vector<16xi32>,
      %bitcast_convert_type3A = tpu.bitcast %get3A_1338 : vector<16xi32> -> vector<16xi32>
      %shift_right_logical3A = arith.constant 24 : i32
      %shift_right_logical3A_1339 = vector.broadcast %shift_right_logical3A : i32 to vector<16xi32>
      %shift_right_logical3A_1340 = arith.shrui %bitcast_convert_type3A, %shift_right_logical3A_1339 : vector<16xi32>
      %lt3A = vector.broadcast %while3A_1334 : i32 to vector<16xi32>
      %lt3A_1341 = arith.cmpi slt, %lt3A, %parallel_loop3A_506 : vector<16xi32>
      tpu.vector_store_idx %arg11[%shift_right_logical3A_1340], %broadcast_in_dim3A_1 masked %lt3A_1341 {add = true} : memref<256xi32, #tpu.memory_space<vmem>>[vector<16xi32>], vector<16xi32>, vector<16xi1>
    }
    %parallel_loop3A_538 = arith.constant 0 : i32
    %parallel_loop3A_539 = arith.constant 16 : i32
    %parallel_loop3A_540 = arith.constant 1 : i32
    scf.for %parallel_loop3A_1334 = %parallel_loop3A_538 to %parallel_loop3A_539 step %parallel_loop3A_540  : i32 {
      %parallel_loop3A_1335 = arith.constant 16 : i32
      %parallel_loop3A_1336 = arith.muli %parallel_loop3A_1334, %parallel_loop3A_1335 : i32
      %parallel_loop3A_1337 = arith.index_cast %parallel_loop3A_1336 : i32 to index
      %parallel_loop3A_1338 = tpu.vector_load %arg11[%parallel_loop3A_1337] {strides = array<i32>} : memref<256xi32, #tpu.memory_space<vmem>>, vector<16xi32>,
      %parallel_loop3A_1339 = vector.broadcast %parallel_loop3A_1334 : i32 to vector<16xi32>
      %parallel_loop3A_1340 = arith.constant true
      %parallel_loop3A_1341 = vector.broadcast %parallel_loop3A_1340 : i1 to vector<16xi1>
      %parallel_loop3A_1342 = tpu.scan <sum>, %parallel_loop3A_1338 masked %parallel_loop3A_1341 : vector<16xi32>, vector<16xi1> -> vector<16xi32>
      tpu.vector_store_idx %arg10[%parallel_loop3A_1339], %parallel_loop3A_1342 masked %eq3A_5 : memref<16xi32, #tpu.memory_space<vmem>>[vector<16xi32>], vector<16xi32>, vector<16xi1>
    } {sc.loop_unroll_factor = 1 : i64, sc.parallel_access}
    %get3A_541 = arith.constant 0 : index
    %get3A_542 = tpu.vector_load %arg10[%get3A_541] {strides = array<i32>} : memref<16xi32, #tpu.memory_space<vmem>>, vector<16xi32>,
    %broadcast_in_dim3A_543 = arith.constant true
    %broadcast_in_dim3A_544 = vector.broadcast %broadcast_in_dim3A_543 : i1 to vector<16xi1>
    %masked_cumsum3A_545 = tpu.scan <sum>, %get3A_542 masked %broadcast_in_dim3A_544 : vector<16xi32>, vector<16xi1> -> vector<16xi32>
    %le3A_546 = vector.broadcast %sub3A_524 : i32 to vector<16xi32>
    %le3A_547 = arith.cmpi sle, %masked_cumsum3A_545, %le3A_546 : vector<16xi32>
    %all_reduce_population_count3A_548 = tpu.all_reduce %le3A_547 {dim = 0 : i64, kind = #tpu.reduction_kind<sum>} : vector<16xi1> -> vector<16xi32>
    %reduce_max3A_549 = arith.constant true
    %reduce_max3A_550 = vector.broadcast %reduce_max3A_549 : i1 to vector<16xi1>
    %reduce_max3A_551 = arith.constant -2147483648 : i32
    %reduce_max3A_552 = vector.broadcast %reduce_max3A_551 : i32 to vector<16xi32>
    %reduce_max3A_553 = arith.xori %all_reduce_population_count3A_548, %reduce_max3A_552 : vector<16xi32>
    %reduce_max3A_554 = tpu.scan <max>, %reduce_max3A_553 masked %reduce_max3A_550 : vector<16xi32>, vector<16xi1> -> vector<16xi32>
    %reduce_max3A_555 = arith.xori %reduce_max3A_554, %reduce_max3A_552 : vector<16xi32>
    %reduce_max3A_556 = vector.extract %reduce_max3A_555[15] : i32 from vector<16xi32>
    %jit3A_557 = arith.constant 0 : i32
    %broadcast_in_dim3A_558 = vector.broadcast %jit3A_557 : i32 to vector<16xi32>
    %select_n3A_559 = arith.select %le3A_547, %masked_cumsum3A_545, %broadcast_in_dim3A_558 : vector<16xi1>, vector<16xi32>
    %reduce_max3A_560 = arith.constant true
    %reduce_max3A_561 = vector.broadcast %reduce_max3A_560 : i1 to vector<16xi1>
    %reduce_max3A_562 = arith.constant -2147483648 : i32
    %reduce_max3A_563 = vector.broadcast %reduce_max3A_562 : i32 to vector<16xi32>
    %reduce_max3A_564 = arith.xori %select_n3A_559, %reduce_max3A_563 : vector<16xi32>
    %reduce_max3A_565 = tpu.scan <max>, %reduce_max3A_564 masked %reduce_max3A_561 : vector<16xi32>, vector<16xi1> -> vector<16xi32>
    %reduce_max3A_566 = arith.xori %reduce_max3A_565, %reduce_max3A_563 : vector<16xi32>
    %reduce_max3A_567 = vector.extract %reduce_max3A_566[15] : i32 from vector<16xi32>
    %max3A_568 = arith.constant 0 : i32
    %max3A_569 = arith.maxsi %reduce_max3A_567, %max3A_568 : i32
    %mul3A_570 = arith.constant 16 : i32
    %mul3A_571 = arith.muli %reduce_max3A_556, %mul3A_570 : i32
    %get3A_572 = arith.index_cast %mul3A_571 : i32 to index
    %get3A_573 = tpu.vector_load %arg11[%get3A_572] {strides = array<i32>} : memref<256xi32, #tpu.memory_space<vmem>>, vector<16xi32>,
    %broadcast_in_dim3A_574 = arith.constant true
    %broadcast_in_dim3A_575 = vector.broadcast %broadcast_in_dim3A_574 : i1 to vector<16xi1>
    %masked_cumsum3A_576 = tpu.scan <sum>, %get3A_573 masked %broadcast_in_dim3A_575 : vector<16xi32>, vector<16xi1> -> vector<16xi32>
    %add3A_577 = vector.broadcast %max3A_569 : i32 to vector<16xi32>
    %add3A_578 = arith.addi %masked_cumsum3A_576, %add3A_577 : vector<16xi32>
    %le3A_579 = vector.broadcast %sub3A_524 : i32 to vector<16xi32>
    %le3A_580 = arith.cmpi sle, %add3A_578, %le3A_579 : vector<16xi32>
    %all_reduce_population_count3A_581 = tpu.all_reduce %le3A_580 {dim = 0 : i64, kind = #tpu.reduction_kind<sum>} : vector<16xi1> -> vector<16xi32>
    %reduce_max3A_582 = arith.constant true
    %reduce_max3A_583 = vector.broadcast %reduce_max3A_582 : i1 to vector<16xi1>
    %reduce_max3A_584 = arith.constant -2147483648 : i32
    %reduce_max3A_585 = vector.broadcast %reduce_max3A_584 : i32 to vector<16xi32>
    %reduce_max3A_586 = arith.xori %all_reduce_population_count3A_581, %reduce_max3A_585 : vector<16xi32>
    %reduce_max3A_587 = tpu.scan <max>, %reduce_max3A_586 masked %reduce_max3A_583 : vector<16xi32>, vector<16xi1> -> vector<16xi32>
    %reduce_max3A_588 = arith.xori %reduce_max3A_587, %reduce_max3A_585 : vector<16xi32>
    %reduce_max3A_589 = vector.extract %reduce_max3A_588[15] : i32 from vector<16xi32>
    %jit3A_590 = arith.constant 0 : i32
    %broadcast_in_dim3A_591 = vector.broadcast %jit3A_590 : i32 to vector<16xi32>
    %select_n3A_592 = arith.select %le3A_580, %add3A_578, %broadcast_in_dim3A_591 : vector<16xi1>, vector<16xi32>
    %reduce_max3A_593 = arith.constant true
    %reduce_max3A_594 = vector.broadcast %reduce_max3A_593 : i1 to vector<16xi1>
    %reduce_max3A_595 = arith.constant -2147483648 : i32
    %reduce_max3A_596 = vector.broadcast %reduce_max3A_595 : i32 to vector<16xi32>
    %reduce_max3A_597 = arith.xori %select_n3A_592, %reduce_max3A_596 : vector<16xi32>
    %reduce_max3A_598 = tpu.scan <max>, %reduce_max3A_597 masked %reduce_max3A_594 : vector<16xi32>, vector<16xi1> -> vector<16xi32>
    %reduce_max3A_599 = arith.xori %reduce_max3A_598, %reduce_max3A_596 : vector<16xi32>
    %reduce_max3A_600 = vector.extract %reduce_max3A_599[15] : i32 from vector<16xi32>
    %max3A_601 = arith.maxsi %reduce_max3A_600, %max3A_569 : i32
    %mul3A_602 = arith.constant 16 : i32
    %mul3A_603 = arith.muli %reduce_max3A_556, %mul3A_602 : i32
    %add3A_604 = arith.addi %mul3A_603, %reduce_max3A_589 : i32
    %while3A_605 = arith.constant 0 : i32
    %while3A_606 = arith.subi %reduce_max3A_523, %while3A_605 : i32
    %while3A_607 = arith.addi %while3A_605, %while3A_606 : i32
    %while3A_608 = arith.constant 1 : i32
    %while3A_609 = arith.divsi %while3A_606, %while3A_608 : i32
    %while3A_610 = arith.muli %while3A_609, %while3A_608 : i32
    %while3A_611 = arith.addi %while3A_605, %while3A_610 : i32
    %while3A_612 = arith.constant 1 : i32
    %while3A_613 = scf.for %while3A_1334 = %while3A_605 to %while3A_611 step %while3A_612 iter_args(%while3A_1335 = %broadcast_in_dim3A_3) -> (vector<16xi32>)  : i32 {
      %mul3A_1336 = arith.constant 16 : i32
      %mul3A_1337 = arith.muli %while3A_1334, %mul3A_1336 : i32
      %get3A_1338 = arith.index_cast %mul3A_1337 : i32 to index
      %get3A_1339 = tpu.vector_load %arg12[%get3A_1338] {strides = array<i32>} : memref<4096xi32, #tpu.memory_space<vmem>>, vector<16xi32>,
      %bitcast_convert_type3A = tpu.bitcast %get3A_1339 : vector<16xi32> -> vector<16xi32>
      %lt3A = vector.broadcast %while3A_1334 : i32 to vector<16xi32>
      %lt3A_1340 = arith.cmpi slt, %lt3A, %parallel_loop3A_506 : vector<16xi32>
      %shift_right_logical3A = arith.constant 24 : i32
      %shift_right_logical3A_1341 = vector.broadcast %shift_right_logical3A : i32 to vector<16xi32>
      %shift_right_logical3A_1342 = arith.shrui %bitcast_convert_type3A, %shift_right_logical3A_1341 : vector<16xi32>
      %eq3A_1343 = vector.broadcast %add3A_604 : i32 to vector<16xi32>
      %eq3A_1344 = arith.cmpi eq, %shift_right_logical3A_1342, %eq3A_1343 : vector<16xi32>
      %and3A = arith.andi %lt3A_1340, %eq3A_1344 : vector<16xi1>
      %mul3A_1345 = arith.constant 16 : i32
      %mul3A_1346 = vector.broadcast %mul3A_1345 : i32 to vector<16xi32>
      %mul3A_1347 = arith.muli %while3A_1335, %mul3A_1346 : vector<16xi32>
      %add3A_1348 = arith.addi %mul3A_1347, %iota3A : vector<16xi32>
      %bitcast_convert_type3A_1349 = tpu.bitcast %bitcast_convert_type3A : vector<16xi32> -> vector<16xi32>
      tpu.vector_store_idx %arg13[%add3A_1348], %bitcast_convert_type3A_1349 masked %and3A : memref<4096xi32, #tpu.memory_space<vmem>>[vector<16xi32>], vector<16xi32>, vector<16xi1>
      %jit3A_1350 = arith.constant 1 : i32
      %jit3A_1351 = arith.constant 0 : i32
      %broadcast_in_dim3A_1352 = vector.broadcast %jit3A_1350 : i32 to vector<16xi32>
      %broadcast_in_dim3A_1353 = vector.broadcast %jit3A_1351 : i32 to vector<16xi32>
      %select_n3A_1354 = arith.select %and3A, %broadcast_in_dim3A_1352, %broadcast_in_dim3A_1353 : vector<16xi1>, vector<16xi32>
      %add3A_1355 = arith.addi %while3A_1335, %select_n3A_1354 : vector<16xi32>
      scf.yield %add3A_1355 : vector<16xi32>
    }
    %while3A_614 = arith.constant 1 : i32
    %while3A_615 = scf.for %while3A_1334 = %while3A_611 to %while3A_607 step %while3A_614 iter_args(%while3A_1335 = %while3A_613) -> (vector<16xi32>)  : i32 {
      %mul3A_1336 = arith.constant 16 : i32
      %mul3A_1337 = arith.muli %while3A_1334, %mul3A_1336 : i32
      %get3A_1338 = arith.index_cast %mul3A_1337 : i32 to index
      %get3A_1339 = tpu.vector_load %arg12[%get3A_1338] {strides = array<i32>} : memref<4096xi32, #tpu.memory_space<vmem>>, vector<16xi32>,
      %bitcast_convert_type3A = tpu.bitcast %get3A_1339 : vector<16xi32> -> vector<16xi32>
      %lt3A = vector.broadcast %while3A_1334 : i32 to vector<16xi32>
      %lt3A_1340 = arith.cmpi slt, %lt3A, %parallel_loop3A_506 : vector<16xi32>
      %shift_right_logical3A = arith.constant 24 : i32
      %shift_right_logical3A_1341 = vector.broadcast %shift_right_logical3A : i32 to vector<16xi32>
      %shift_right_logical3A_1342 = arith.shrui %bitcast_convert_type3A, %shift_right_logical3A_1341 : vector<16xi32>
      %eq3A_1343 = vector.broadcast %add3A_604 : i32 to vector<16xi32>
      %eq3A_1344 = arith.cmpi eq, %shift_right_logical3A_1342, %eq3A_1343 : vector<16xi32>
      %and3A = arith.andi %lt3A_1340, %eq3A_1344 : vector<16xi1>
      %mul3A_1345 = arith.constant 16 : i32
      %mul3A_1346 = vector.broadcast %mul3A_1345 : i32 to vector<16xi32>
      %mul3A_1347 = arith.muli %while3A_1335, %mul3A_1346 : vector<16xi32>
      %add3A_1348 = arith.addi %mul3A_1347, %iota3A : vector<16xi32>
      %bitcast_convert_type3A_1349 = tpu.bitcast %bitcast_convert_type3A : vector<16xi32> -> vector<16xi32>
      tpu.vector_store_idx %arg13[%add3A_1348], %bitcast_convert_type3A_1349 masked %and3A : memref<4096xi32, #tpu.memory_space<vmem>>[vector<16xi32>], vector<16xi32>, vector<16xi1>
      %jit3A_1350 = arith.constant 1 : i32
      %jit3A_1351 = arith.constant 0 : i32
      %broadcast_in_dim3A_1352 = vector.broadcast %jit3A_1350 : i32 to vector<16xi32>
      %broadcast_in_dim3A_1353 = vector.broadcast %jit3A_1351 : i32 to vector<16xi32>
      %select_n3A_1354 = arith.select %and3A, %broadcast_in_dim3A_1352, %broadcast_in_dim3A_1353 : vector<16xi1>, vector<16xi32>
      %add3A_1355 = arith.addi %while3A_1335, %select_n3A_1354 : vector<16xi32>
      scf.yield %add3A_1355 : vector<16xi32>
    }
    %reduce_sum3A_616 = arith.constant true
    %reduce_sum3A_617 = vector.broadcast %reduce_sum3A_616 : i1 to vector<16xi1>
    %reduce_sum3A_618 = tpu.scan <sum>, %while3A_615 masked %reduce_sum3A_617 : vector<16xi32>, vector<16xi1> -> vector<16xi32>
    %reduce_sum3A_619 = vector.extract %reduce_sum3A_618[15] : i32 from vector<16xi32>
    %sub3A_620 = arith.subi %reduce_sum3A_510, %max3A_601 : i32
    %sub3A_621 = arith.subi %sub3A_620, %reduce_sum3A_619 : i32
    %sub3A_622 = arith.subi %sub3A_515, %sub3A_621 : i32
    %reduce_max3A_623 = arith.constant true
    %reduce_max3A_624 = vector.broadcast %reduce_max3A_623 : i1 to vector<16xi1>
    %reduce_max3A_625 = arith.constant -2147483648 : i32
    %reduce_max3A_626 = vector.broadcast %reduce_max3A_625 : i32 to vector<16xi32>
    %reduce_max3A_627 = arith.xori %while3A_615, %reduce_max3A_626 : vector<16xi32>
    %reduce_max3A_628 = tpu.scan <max>, %reduce_max3A_627 masked %reduce_max3A_624 : vector<16xi32>, vector<16xi1> -> vector<16xi32>
    %reduce_max3A_629 = arith.xori %reduce_max3A_628, %reduce_max3A_626 : vector<16xi32>
    %reduce_max3A_630 = vector.extract %reduce_max3A_629[15] : i32 from vector<16xi32>
    %scan3A_631 = arith.constant 0 : i32
    %scan3A_632 = arith.constant 511 : i32
    %scan3A_633 = arith.constant 0 : i32
    %scan3A_634 = arith.constant 9 : i32
    %scan3A_635 = arith.addi %scan3A_633, %scan3A_634 : i32
    %scan3A_636 = arith.constant 1 : i32
    %scan3A_637:2 = scf.for %scan3A_1334 = %scan3A_633 to %scan3A_635 step %scan3A_636 iter_args(%scan3A_1335 = %scan3A_631, %scan3A_1336 = %scan3A_632) -> (i32, i32)  : i32 {
      %add3A_1337 = arith.addi %scan3A_1335, %scan3A_1336 : i32
      %add3A_1338 = arith.constant 1 : i32
      %add3A_1339 = arith.addi %add3A_1337, %add3A_1338 : i32
      %shift_right_arithmetic3A = arith.constant 1 : i32
      %shift_right_arithmetic3A_1340 = arith.shrsi %add3A_1339, %shift_right_arithmetic3A : i32
      %while3A_1341 = arith.constant 0 : i32
      %while3A_1342 = arith.subi %reduce_max3A_630, %while3A_1341 : i32
      %while3A_1343 = arith.addi %while3A_1341, %while3A_1342 : i32
      %while3A_1344 = arith.constant 1 : i32
      %while3A_1345 = arith.divsi %while3A_1342, %while3A_1344 : i32
      %while3A_1346 = arith.muli %while3A_1345, %while3A_1344 : i32
      %while3A_1347 = arith.addi %while3A_1341, %while3A_1346 : i32
      %while3A_1348 = arith.constant 1 : i32
      %while3A_1349 = scf.for %while3A_1364 = %while3A_1341 to %while3A_1347 step %while3A_1348 iter_args(%while3A_1365 = %broadcast_in_dim3A_3) -> (vector<16xi32>)  : i32 {
        %mul3A_1366 = arith.constant 16 : i32
        %mul3A_1367 = arith.muli %while3A_1364, %mul3A_1366 : i32
        %get3A_1368 = arith.index_cast %mul3A_1367 : i32 to index
        %get3A_1369 = tpu.vector_load %arg13[%get3A_1368] {strides = array<i32>} : memref<4096xi32, #tpu.memory_space<vmem>>, vector<16xi32>,
        %bitcast_convert_type3A = tpu.bitcast %get3A_1369 : vector<16xi32> -> vector<16xi32>
        %shift_right_logical3A = arith.constant 15 : i32
        %shift_right_logical3A_1370 = vector.broadcast %shift_right_logical3A : i32 to vector<16xi32>
        %shift_right_logical3A_1371 = arith.shrui %bitcast_convert_type3A, %shift_right_logical3A_1370 : vector<16xi32>
        %and3A = arith.constant 511 : i32
        %and3A_1372 = vector.broadcast %and3A : i32 to vector<16xi32>
        %and3A_1373 = arith.andi %shift_right_logical3A_1371, %and3A_1372 : vector<16xi32>
        %lt3A = vector.broadcast %while3A_1364 : i32 to vector<16xi32>
        %lt3A_1374 = arith.cmpi slt, %lt3A, %while3A_615 : vector<16xi32>
        %ge3A_1375 = vector.broadcast %shift_right_arithmetic3A_1340 : i32 to vector<16xi32>
        %ge3A_1376 = arith.cmpi uge, %and3A_1373, %ge3A_1375 : vector<16xi32>
        %and3A_1377 = arith.andi %lt3A_1374, %ge3A_1376 : vector<16xi1>
        %all_reduce_population_count3A_1378 = tpu.all_reduce %and3A_1377 {dim = 0 : i64, kind = #tpu.reduction_kind<sum>} : vector<16xi1> -> vector<16xi32>
        %add3A_1379 = arith.addi %while3A_1365, %all_reduce_population_count3A_1378 : vector<16xi32>
        scf.yield %add3A_1379 : vector<16xi32>
      }
      %while3A_1350 = arith.constant 1 : i32
      %while3A_1351 = scf.for %while3A_1364 = %while3A_1347 to %while3A_1343 step %while3A_1350 iter_args(%while3A_1365 = %while3A_1349) -> (vector<16xi32>)  : i32 {
        %mul3A_1366 = arith.constant 16 : i32
        %mul3A_1367 = arith.muli %while3A_1364, %mul3A_1366 : i32
        %get3A_1368 = arith.index_cast %mul3A_1367 : i32 to index
        %get3A_1369 = tpu.vector_load %arg13[%get3A_1368] {strides = array<i32>} : memref<4096xi32, #tpu.memory_space<vmem>>, vector<16xi32>,
        %bitcast_convert_type3A = tpu.bitcast %get3A_1369 : vector<16xi32> -> vector<16xi32>
        %shift_right_logical3A = arith.constant 15 : i32
        %shift_right_logical3A_1370 = vector.broadcast %shift_right_logical3A : i32 to vector<16xi32>
        %shift_right_logical3A_1371 = arith.shrui %bitcast_convert_type3A, %shift_right_logical3A_1370 : vector<16xi32>
        %and3A = arith.constant 511 : i32
        %and3A_1372 = vector.broadcast %and3A : i32 to vector<16xi32>
        %and3A_1373 = arith.andi %shift_right_logical3A_1371, %and3A_1372 : vector<16xi32>
        %lt3A = vector.broadcast %while3A_1364 : i32 to vector<16xi32>
        %lt3A_1374 = arith.cmpi slt, %lt3A, %while3A_615 : vector<16xi32>
        %ge3A_1375 = vector.broadcast %shift_right_arithmetic3A_1340 : i32 to vector<16xi32>
        %ge3A_1376 = arith.cmpi uge, %and3A_1373, %ge3A_1375 : vector<16xi32>
        %and3A_1377 = arith.andi %lt3A_1374, %ge3A_1376 : vector<16xi1>
        %all_reduce_population_count3A_1378 = tpu.all_reduce %and3A_1377 {dim = 0 : i64, kind = #tpu.reduction_kind<sum>} : vector<16xi1> -> vector<16xi32>
        %add3A_1379 = arith.addi %while3A_1365, %all_reduce_population_count3A_1378 : vector<16xi32>
        scf.yield %add3A_1379 : vector<16xi32>
      }
      %reduce_max3A_1352 = arith.constant true
      %reduce_max3A_1353 = vector.broadcast %reduce_max3A_1352 : i1 to vector<16xi1>
      %reduce_max3A_1354 = arith.constant -2147483648 : i32
      %reduce_max3A_1355 = vector.broadcast %reduce_max3A_1354 : i32 to vector<16xi32>
      %reduce_max3A_1356 = arith.xori %while3A_1351, %reduce_max3A_1355 : vector<16xi32>
      %reduce_max3A_1357 = tpu.scan <max>, %reduce_max3A_1356 masked %reduce_max3A_1353 : vector<16xi32>, vector<16xi1> -> vector<16xi32>
      %reduce_max3A_1358 = arith.xori %reduce_max3A_1357, %reduce_max3A_1355 : vector<16xi32>
      %reduce_max3A_1359 = vector.extract %reduce_max3A_1358[15] : i32 from vector<16xi32>
      %ge3A = arith.cmpi sge, %reduce_max3A_1359, %sub3A_622 : i32
      %select_n3A_1360 = arith.select %ge3A, %shift_right_arithmetic3A_1340, %scan3A_1335 : i32
      %sub3A_1361 = arith.constant 1 : i32
      %sub3A_1362 = arith.subi %shift_right_arithmetic3A_1340, %sub3A_1361 : i32
      %select_n3A_1363 = arith.select %ge3A, %scan3A_1336, %sub3A_1362 : i32
      scf.yield %select_n3A_1360, %select_n3A_1363 : i32, i32
    }
    %scan3A_638 = arith.constant 9 : i32
    %shift_left3A_639 = arith.constant 9 : i32
    %shift_left3A_640 = arith.shli %add3A_604, %shift_left3A_639 : i32
    %or3A_641 = arith.ori %shift_left3A_640, %scan3A_637#0 : i32
    %shift_left3A_642 = arith.constant 15 : i32
    %shift_left3A_643 = arith.shli %or3A_641, %shift_left3A_642 : i32
    %broadcast_in_dim3A_644 = arith.constant 0.000000e+00 : f32
    %broadcast_in_dim3A_645 = vector.broadcast %broadcast_in_dim3A_644 : f32 to vector<16xf32>
    %while3A_646 = arith.constant 0 : i32
    %while3A_647 = arith.constant 0 : i32
    %while3A_648 = arith.subi %reduce_max3A_523, %while3A_647 : i32
    %while3A_649 = arith.addi %while3A_647, %while3A_648 : i32
    %while3A_650 = arith.constant 1 : i32
    %while3A_651 = arith.divsi %while3A_648, %while3A_650 : i32
    %while3A_652 = arith.muli %while3A_651, %while3A_650 : i32
    %while3A_653 = arith.addi %while3A_647, %while3A_652 : i32
    %while3A_654 = arith.constant 1 : i32
    scf.for %while3A_1334 = %while3A_647 to %while3A_653 step %while3A_654  : i32 {
      %mul3A_1335 = arith.constant 16 : i32
      %mul3A_1336 = arith.muli %while3A_1334, %mul3A_1335 : i32
      %get3A_1337 = arith.index_cast %mul3A_1336 : i32 to index
      %get3A_1338 = tpu.vector_load %arg12[%get3A_1337] {strides = array<i32>} : memref<4096xi32, #tpu.memory_space<vmem>>, vector<16xi32>,
      %bitcast_convert_type3A = tpu.bitcast %get3A_1338 : vector<16xi32> -> vector<16xi32>
      %lt3A = vector.broadcast %while3A_1334 : i32 to vector<16xi32>
      %lt3A_1339 = arith.cmpi slt, %lt3A, %parallel_loop3A_506 : vector<16xi32>
      %lt3A_1340 = vector.broadcast %shift_left3A_643 : i32 to vector<16xi32>
      %lt3A_1341 = arith.cmpi ult, %bitcast_convert_type3A, %lt3A_1340 : vector<16xi32>
      %and3A = arith.andi %lt3A_1339, %lt3A_1341 : vector<16xi1>
      %and3A_1342 = arith.constant 32767 : i32
      %and3A_1343 = vector.broadcast %and3A_1342 : i32 to vector<16xi32>
      %and3A_1344 = arith.andi %bitcast_convert_type3A, %and3A_1343 : vector<16xi32>
      tpu.vector_store_idx %arg7[%and3A_1344], %broadcast_in_dim3A_645 masked %and3A : memref<32768xf32, #tpu.memory_space<vmem>>[vector<16xi32>], vector<16xf32>, vector<16xi1>
    }
    %while3A_655 = arith.constant 1 : i32
    scf.for %while3A_1334 = %while3A_653 to %while3A_649 step %while3A_655  : i32 {
      %mul3A_1335 = arith.constant 16 : i32
      %mul3A_1336 = arith.muli %while3A_1334, %mul3A_1335 : i32
      %get3A_1337 = arith.index_cast %mul3A_1336 : i32 to index
      %get3A_1338 = tpu.vector_load %arg12[%get3A_1337] {strides = array<i32>} : memref<4096xi32, #tpu.memory_space<vmem>>, vector<16xi32>,
      %bitcast_convert_type3A = tpu.bitcast %get3A_1338 : vector<16xi32> -> vector<16xi32>
      %lt3A = vector.broadcast %while3A_1334 : i32 to vector<16xi32>
      %lt3A_1339 = arith.cmpi slt, %lt3A, %parallel_loop3A_506 : vector<16xi32>
      %lt3A_1340 = vector.broadcast %shift_left3A_643 : i32 to vector<16xi32>
      %lt3A_1341 = arith.cmpi ult, %bitcast_convert_type3A, %lt3A_1340 : vector<16xi32>
      %and3A = arith.andi %lt3A_1339, %lt3A_1341 : vector<16xi1>
      %and3A_1342 = arith.constant 32767 : i32
      %and3A_1343 = vector.broadcast %and3A_1342 : i32 to vector<16xi32>
      %and3A_1344 = arith.andi %bitcast_convert_type3A, %and3A_1343 : vector<16xi32>
      tpu.vector_store_idx %arg7[%and3A_1344], %broadcast_in_dim3A_645 masked %and3A : memref<32768xf32, #tpu.memory_space<vmem>>[vector<16xi32>], vector<16xf32>, vector<16xi1>
    }
    %add3A_656 = arith.constant 1 : i32
    %add3A_657 = arith.addi %mul3A_7, %add3A_656 : i32
    %dma_start3A_658 = arith.constant 0 : i32
    %dma_start3A_659 = tpu.memref_slice %arg4[%add3A_657, %dma_start3A_658] : memref<128x32768xf32, #tpu.memory_space<hbm>> -> memref<1x32768xf32, #tpu.memory_space<hbm>>
    %dma_start3A_660 = tpu.memref_squeeze %dma_start3A_659 : memref<1x32768xf32, #tpu.memory_space<hbm>> -> memref<32768xf32, #tpu.memory_space<hbm>>
    %dma_start3A_661 = arith.constant 0 : i32
    %dma_start3A_662 = tpu.memref_slice %arg4[%add3A_657, %dma_start3A_661] : memref<128x32768xf32, #tpu.memory_space<hbm>> -> memref<1x32768xf32, #tpu.memory_space<hbm>>
    %dma_start3A_663 = tpu.memref_squeeze %dma_start3A_662 : memref<1x32768xf32, #tpu.memory_space<hbm>> -> memref<32768xf32, #tpu.memory_space<hbm>>
    tpu.enqueue_dma source(%arg7 : memref<32768xf32, #tpu.memory_space<vmem>>) target(%dma_start3A_663 : memref<32768xf32, #tpu.memory_space<hbm>>) target_semaphore(%arg17 : memref<!tpu.dma_semaphore, #tpu.memory_space<semaphore_mem>>)
    %dma_wait3A_664 = arith.constant 0 : i32
    %dma_wait3A_665 = tpu.memref_slice %arg2[%add3A_496, %dma_wait3A_664] : memref<128x32768xf32, #tpu.memory_space<hbm>> -> memref<1x32768xf32, #tpu.memory_space<hbm>>
    %dma_wait3A_666 = tpu.memref_squeeze %dma_wait3A_665 : memref<1x32768xf32, #tpu.memory_space<hbm>> -> memref<32768xf32, #tpu.memory_space<hbm>>
    %dma_wait3A_667 = arith.constant 0 : i32
    %dma_wait3A_668 = tpu.memref_slice %arg2[%add3A_496, %dma_wait3A_667] : memref<128x32768xf32, #tpu.memory_space<hbm>> -> memref<1x32768xf32, #tpu.memory_space<hbm>>
    %dma_wait3A_669 = tpu.memref_squeeze %dma_wait3A_668 : memref<1x32768xf32, #tpu.memory_space<hbm>> -> memref<32768xf32, #tpu.memory_space<hbm>>
    tpu.wait_dma2 semaphore(%arg14 : memref<!tpu.dma_semaphore, #tpu.memory_space<semaphore_mem>>) src(%dma_wait3A_669 : memref<32768xf32, #tpu.memory_space<hbm>>) dst(%arg6 : memref<32768xf32, #tpu.memory_space<vmem>>)
    %parallel_loop3A_670 = arith.constant 0 : i32
    %parallel_loop3A_671 = arith.constant 512 : i32
    %parallel_loop3A_672 = arith.constant 1 : i32
    scf.for %parallel_loop3A_1334 = %parallel_loop3A_670 to %parallel_loop3A_671 step %parallel_loop3A_672  : i32 {
      %parallel_loop3A_1335 = arith.constant 16 : i32
      %parallel_loop3A_1336 = arith.muli %parallel_loop3A_1334, %parallel_loop3A_1335 : i32
      %parallel_loop3A_1337 = arith.index_cast %parallel_loop3A_1336 : i32 to index
      %parallel_loop3A_1338 = tpu.vector_load %arg8[%parallel_loop3A_1337] {strides = array<i32>} : memref<8192xi32, #tpu.memory_space<vmem>>, vector<16xi32>,
      tpu.vector_store %arg8[%parallel_loop3A_1337], %broadcast_in_dim3A_3 {strides = array<i32>} : memref<8192xi32, #tpu.memory_space<vmem>>, vector<16xi32>,
    } {sc.loop_unroll_factor = 8 : i64, sc.parallel_access}
    %parallel_loop3A_673 = arith.constant 0 : i32
    %parallel_loop3A_674 = arith.constant 2048 : i32
    %parallel_loop3A_675 = arith.constant 1 : i32
    scf.for %parallel_loop3A_1334 = %parallel_loop3A_673 to %parallel_loop3A_674 step %parallel_loop3A_675  : i32 {
      %parallel_loop3A_1335 = arith.constant 16 : i32
      %parallel_loop3A_1336 = arith.muli %parallel_loop3A_1334, %parallel_loop3A_1335 : i32
      %parallel_loop3A_1337 = arith.index_cast %parallel_loop3A_1336 : i32 to index
      %parallel_loop3A_1338 = tpu.vector_load %arg6[%parallel_loop3A_1337] {strides = array<i32>} : memref<32768xf32, #tpu.memory_space<vmem>>, vector<16xf32>,
      %parallel_loop3A_1339 = arith.index_cast %parallel_loop3A_1336 : i32 to index
      %parallel_loop3A_1340 = tpu.vector_load %arg5[%parallel_loop3A_1339] {strides = array<i32>} : memref<32768xf32, #tpu.memory_space<vmem>>, vector<16xf32>,
      %parallel_loop3A_1341 = arith.mulf %parallel_loop3A_1338, %parallel_loop3A_1340 : vector<16xf32>
      %parallel_loop3A_1342 = tpu.bitcast %parallel_loop3A_1341 : vector<16xf32> -> vector<16xi32>
      %parallel_loop3A_1343 = arith.constant 31 : i32
      %parallel_loop3A_1344 = vector.broadcast %parallel_loop3A_1343 : i32 to vector<16xi32>
      %parallel_loop3A_1345 = arith.shrui %parallel_loop3A_1342, %parallel_loop3A_1344 : vector<16xi32>
      %parallel_loop3A_1346 = arith.constant 0 : i32
      %parallel_loop3A_1347 = vector.broadcast %parallel_loop3A_1346 : i32 to vector<16xi32>
      %parallel_loop3A_1348 = arith.cmpi ne, %parallel_loop3A_1345, %parallel_loop3A_1347 : vector<16xi32>
      %parallel_loop3A_1349 = arith.constant dense<-1> : vector<16xi32>
      %parallel_loop3A_1350 = arith.xori %parallel_loop3A_1342, %parallel_loop3A_1349 : vector<16xi32>
      %parallel_loop3A_1351 = arith.constant -2147483648 : i32
      %parallel_loop3A_1352 = vector.broadcast %parallel_loop3A_1351 : i32 to vector<16xi32>
      %parallel_loop3A_1353 = arith.ori %parallel_loop3A_1342, %parallel_loop3A_1352 : vector<16xi32>
      %parallel_loop3A_1354 = arith.select %parallel_loop3A_1348, %parallel_loop3A_1350, %parallel_loop3A_1353 : vector<16xi1>, vector<16xi32>
      %parallel_loop3A_1355 = arith.constant 19 : i32
      %parallel_loop3A_1356 = vector.broadcast %parallel_loop3A_1355 : i32 to vector<16xi32>
      %parallel_loop3A_1357 = arith.shrui %parallel_loop3A_1354, %parallel_loop3A_1356 : vector<16xi32>
      tpu.vector_store_idx %arg8[%parallel_loop3A_1357], %broadcast_in_dim3A_1 {add = true} : memref<8192xi32, #tpu.memory_space<vmem>>[vector<16xi32>], vector<16xi32>,
    } {sc.loop_unroll_factor = 8 : i64, sc.parallel_access}
    %parallel_loop3A_676 = arith.constant 0 : i32
    %parallel_loop3A_677 = arith.constant 32 : i32
    %parallel_loop3A_678 = arith.constant 1 : i32
    scf.for %parallel_loop3A_1334 = %parallel_loop3A_676 to %parallel_loop3A_677 step %parallel_loop3A_678  : i32 {
      %parallel_loop3A_1335 = arith.constant 256 : i32
      %parallel_loop3A_1336 = arith.muli %parallel_loop3A_1334, %parallel_loop3A_1335 : i32
      %parallel_loop3A_1337 = arith.constant 0 : i32
      %parallel_loop3A_1338 = arith.addi %parallel_loop3A_1336, %parallel_loop3A_1337 : i32
      %parallel_loop3A_1339 = arith.index_cast %parallel_loop3A_1338 : i32 to index
      %parallel_loop3A_1340 = tpu.vector_load %arg8[%parallel_loop3A_1339] {strides = array<i32>} : memref<8192xi32, #tpu.memory_space<vmem>>, vector<16xi32>,
      %parallel_loop3A_1341 = arith.addi %broadcast_in_dim3A_3, %parallel_loop3A_1340 : vector<16xi32>
      %parallel_loop3A_1342 = arith.constant 256 : i32
      %parallel_loop3A_1343 = arith.muli %parallel_loop3A_1334, %parallel_loop3A_1342 : i32
      %parallel_loop3A_1344 = arith.constant 16 : i32
      %parallel_loop3A_1345 = arith.addi %parallel_loop3A_1343, %parallel_loop3A_1344 : i32
      %parallel_loop3A_1346 = arith.index_cast %parallel_loop3A_1345 : i32 to index
      %parallel_loop3A_1347 = tpu.vector_load %arg8[%parallel_loop3A_1346] {strides = array<i32>} : memref<8192xi32, #tpu.memory_space<vmem>>, vector<16xi32>,
      %parallel_loop3A_1348 = arith.addi %parallel_loop3A_1341, %parallel_loop3A_1347 : vector<16xi32>
      %parallel_loop3A_1349 = arith.constant 256 : i32
      %parallel_loop3A_1350 = arith.muli %parallel_loop3A_1334, %parallel_loop3A_1349 : i32
      %parallel_loop3A_1351 = arith.constant 32 : i32
      %parallel_loop3A_1352 = arith.addi %parallel_loop3A_1350, %parallel_loop3A_1351 : i32
      %parallel_loop3A_1353 = arith.index_cast %parallel_loop3A_1352 : i32 to index
      %parallel_loop3A_1354 = tpu.vector_load %arg8[%parallel_loop3A_1353] {strides = array<i32>} : memref<8192xi32, #tpu.memory_space<vmem>>, vector<16xi32>,
      %parallel_loop3A_1355 = arith.addi %parallel_loop3A_1348, %parallel_loop3A_1354 : vector<16xi32>
      %parallel_loop3A_1356 = arith.constant 256 : i32
      %parallel_loop3A_1357 = arith.muli %parallel_loop3A_1334, %parallel_loop3A_1356 : i32
      %parallel_loop3A_1358 = arith.constant 48 : i32
      %parallel_loop3A_1359 = arith.addi %parallel_loop3A_1357, %parallel_loop3A_1358 : i32
      %parallel_loop3A_1360 = arith.index_cast %parallel_loop3A_1359 : i32 to index
      %parallel_loop3A_1361 = tpu.vector_load %arg8[%parallel_loop3A_1360] {strides = array<i32>} : memref<8192xi32, #tpu.memory_space<vmem>>, vector<16xi32>,
      %parallel_loop3A_1362 = arith.addi %parallel_loop3A_1355, %parallel_loop3A_1361 : vector<16xi32>
      %parallel_loop3A_1363 = arith.constant 256 : i32
      %parallel_loop3A_1364 = arith.muli %parallel_loop3A_1334, %parallel_loop3A_1363 : i32
      %parallel_loop3A_1365 = arith.constant 64 : i32
      %parallel_loop3A_1366 = arith.addi %parallel_loop3A_1364, %parallel_loop3A_1365 : i32
      %parallel_loop3A_1367 = arith.index_cast %parallel_loop3A_1366 : i32 to index
      %parallel_loop3A_1368 = tpu.vector_load %arg8[%parallel_loop3A_1367] {strides = array<i32>} : memref<8192xi32, #tpu.memory_space<vmem>>, vector<16xi32>,
      %parallel_loop3A_1369 = arith.addi %parallel_loop3A_1362, %parallel_loop3A_1368 : vector<16xi32>
      %parallel_loop3A_1370 = arith.constant 256 : i32
      %parallel_loop3A_1371 = arith.muli %parallel_loop3A_1334, %parallel_loop3A_1370 : i32
      %parallel_loop3A_1372 = arith.constant 80 : i32
      %parallel_loop3A_1373 = arith.addi %parallel_loop3A_1371, %parallel_loop3A_1372 : i32
      %parallel_loop3A_1374 = arith.index_cast %parallel_loop3A_1373 : i32 to index
      %parallel_loop3A_1375 = tpu.vector_load %arg8[%parallel_loop3A_1374] {strides = array<i32>} : memref<8192xi32, #tpu.memory_space<vmem>>, vector<16xi32>,
      %parallel_loop3A_1376 = arith.addi %parallel_loop3A_1369, %parallel_loop3A_1375 : vector<16xi32>
      %parallel_loop3A_1377 = arith.constant 256 : i32
      %parallel_loop3A_1378 = arith.muli %parallel_loop3A_1334, %parallel_loop3A_1377 : i32
      %parallel_loop3A_1379 = arith.constant 96 : i32
      %parallel_loop3A_1380 = arith.addi %parallel_loop3A_1378, %parallel_loop3A_1379 : i32
      %parallel_loop3A_1381 = arith.index_cast %parallel_loop3A_1380 : i32 to index
      %parallel_loop3A_1382 = tpu.vector_load %arg8[%parallel_loop3A_1381] {strides = array<i32>} : memref<8192xi32, #tpu.memory_space<vmem>>, vector<16xi32>,
      %parallel_loop3A_1383 = arith.addi %parallel_loop3A_1376, %parallel_loop3A_1382 : vector<16xi32>
      %parallel_loop3A_1384 = arith.constant 256 : i32
      %parallel_loop3A_1385 = arith.muli %parallel_loop3A_1334, %parallel_loop3A_1384 : i32
      %parallel_loop3A_1386 = arith.constant 112 : i32
      %parallel_loop3A_1387 = arith.addi %parallel_loop3A_1385, %parallel_loop3A_1386 : i32
      %parallel_loop3A_1388 = arith.index_cast %parallel_loop3A_1387 : i32 to index
      %parallel_loop3A_1389 = tpu.vector_load %arg8[%parallel_loop3A_1388] {strides = array<i32>} : memref<8192xi32, #tpu.memory_space<vmem>>, vector<16xi32>,
      %parallel_loop3A_1390 = arith.addi %parallel_loop3A_1383, %parallel_loop3A_1389 : vector<16xi32>
      %parallel_loop3A_1391 = arith.constant 256 : i32
      %parallel_loop3A_1392 = arith.muli %parallel_loop3A_1334, %parallel_loop3A_1391 : i32
      %parallel_loop3A_1393 = arith.constant 128 : i32
      %parallel_loop3A_1394 = arith.addi %parallel_loop3A_1392, %parallel_loop3A_1393 : i32
      %parallel_loop3A_1395 = arith.index_cast %parallel_loop3A_1394 : i32 to index
      %parallel_loop3A_1396 = tpu.vector_load %arg8[%parallel_loop3A_1395] {strides = array<i32>} : memref<8192xi32, #tpu.memory_space<vmem>>, vector<16xi32>,
      %parallel_loop3A_1397 = arith.addi %parallel_loop3A_1390, %parallel_loop3A_1396 : vector<16xi32>
      %parallel_loop3A_1398 = arith.constant 256 : i32
      %parallel_loop3A_1399 = arith.muli %parallel_loop3A_1334, %parallel_loop3A_1398 : i32
      %parallel_loop3A_1400 = arith.constant 144 : i32
      %parallel_loop3A_1401 = arith.addi %parallel_loop3A_1399, %parallel_loop3A_1400 : i32
      %parallel_loop3A_1402 = arith.index_cast %parallel_loop3A_1401 : i32 to index
      %parallel_loop3A_1403 = tpu.vector_load %arg8[%parallel_loop3A_1402] {strides = array<i32>} : memref<8192xi32, #tpu.memory_space<vmem>>, vector<16xi32>,
      %parallel_loop3A_1404 = arith.addi %parallel_loop3A_1397, %parallel_loop3A_1403 : vector<16xi32>
      %parallel_loop3A_1405 = arith.constant 256 : i32
      %parallel_loop3A_1406 = arith.muli %parallel_loop3A_1334, %parallel_loop3A_1405 : i32
      %parallel_loop3A_1407 = arith.constant 160 : i32
      %parallel_loop3A_1408 = arith.addi %parallel_loop3A_1406, %parallel_loop3A_1407 : i32
      %parallel_loop3A_1409 = arith.index_cast %parallel_loop3A_1408 : i32 to index
      %parallel_loop3A_1410 = tpu.vector_load %arg8[%parallel_loop3A_1409] {strides = array<i32>} : memref<8192xi32, #tpu.memory_space<vmem>>, vector<16xi32>,
      %parallel_loop3A_1411 = arith.addi %parallel_loop3A_1404, %parallel_loop3A_1410 : vector<16xi32>
      %parallel_loop3A_1412 = arith.constant 256 : i32
      %parallel_loop3A_1413 = arith.muli %parallel_loop3A_1334, %parallel_loop3A_1412 : i32
      %parallel_loop3A_1414 = arith.constant 176 : i32
      %parallel_loop3A_1415 = arith.addi %parallel_loop3A_1413, %parallel_loop3A_1414 : i32
      %parallel_loop3A_1416 = arith.index_cast %parallel_loop3A_1415 : i32 to index
      %parallel_loop3A_1417 = tpu.vector_load %arg8[%parallel_loop3A_1416] {strides = array<i32>} : memref<8192xi32, #tpu.memory_space<vmem>>, vector<16xi32>,
      %parallel_loop3A_1418 = arith.addi %parallel_loop3A_1411, %parallel_loop3A_1417 : vector<16xi32>
      %parallel_loop3A_1419 = arith.constant 256 : i32
      %parallel_loop3A_1420 = arith.muli %parallel_loop3A_1334, %parallel_loop3A_1419 : i32
      %parallel_loop3A_1421 = arith.constant 192 : i32
      %parallel_loop3A_1422 = arith.addi %parallel_loop3A_1420, %parallel_loop3A_1421 : i32
      %parallel_loop3A_1423 = arith.index_cast %parallel_loop3A_1422 : i32 to index
      %parallel_loop3A_1424 = tpu.vector_load %arg8[%parallel_loop3A_1423] {strides = array<i32>} : memref<8192xi32, #tpu.memory_space<vmem>>, vector<16xi32>,
      %parallel_loop3A_1425 = arith.addi %parallel_loop3A_1418, %parallel_loop3A_1424 : vector<16xi32>
      %parallel_loop3A_1426 = arith.constant 256 : i32
      %parallel_loop3A_1427 = arith.muli %parallel_loop3A_1334, %parallel_loop3A_1426 : i32
      %parallel_loop3A_1428 = arith.constant 208 : i32
      %parallel_loop3A_1429 = arith.addi %parallel_loop3A_1427, %parallel_loop3A_1428 : i32
      %parallel_loop3A_1430 = arith.index_cast %parallel_loop3A_1429 : i32 to index
      %parallel_loop3A_1431 = tpu.vector_load %arg8[%parallel_loop3A_1430] {strides = array<i32>} : memref<8192xi32, #tpu.memory_space<vmem>>, vector<16xi32>,
      %parallel_loop3A_1432 = arith.addi %parallel_loop3A_1425, %parallel_loop3A_1431 : vector<16xi32>
      %parallel_loop3A_1433 = arith.constant 256 : i32
      %parallel_loop3A_1434 = arith.muli %parallel_loop3A_1334, %parallel_loop3A_1433 : i32
      %parallel_loop3A_1435 = arith.constant 224 : i32
      %parallel_loop3A_1436 = arith.addi %parallel_loop3A_1434, %parallel_loop3A_1435 : i32
      %parallel_loop3A_1437 = arith.index_cast %parallel_loop3A_1436 : i32 to index
      %parallel_loop3A_1438 = tpu.vector_load %arg8[%parallel_loop3A_1437] {strides = array<i32>} : memref<8192xi32, #tpu.memory_space<vmem>>, vector<16xi32>,
      %parallel_loop3A_1439 = arith.addi %parallel_loop3A_1432, %parallel_loop3A_1438 : vector<16xi32>
      %parallel_loop3A_1440 = arith.constant 256 : i32
      %parallel_loop3A_1441 = arith.muli %parallel_loop3A_1334, %parallel_loop3A_1440 : i32
      %parallel_loop3A_1442 = arith.constant 240 : i32
      %parallel_loop3A_1443 = arith.addi %parallel_loop3A_1441, %parallel_loop3A_1442 : i32
      %parallel_loop3A_1444 = arith.index_cast %parallel_loop3A_1443 : i32 to index
      %parallel_loop3A_1445 = tpu.vector_load %arg8[%parallel_loop3A_1444] {strides = array<i32>} : memref<8192xi32, #tpu.memory_space<vmem>>, vector<16xi32>,
      %parallel_loop3A_1446 = arith.addi %parallel_loop3A_1439, %parallel_loop3A_1445 : vector<16xi32>
      %parallel_loop3A_1447 = vector.broadcast %parallel_loop3A_1334 : i32 to vector<16xi32>
      %parallel_loop3A_1448 = arith.constant true
      %parallel_loop3A_1449 = vector.broadcast %parallel_loop3A_1448 : i1 to vector<16xi1>
      %parallel_loop3A_1450 = tpu.scan <sum>, %parallel_loop3A_1446 masked %parallel_loop3A_1449 : vector<16xi32>, vector<16xi1> -> vector<16xi32>
      tpu.vector_store_idx %arg9[%parallel_loop3A_1447], %parallel_loop3A_1450 masked %eq3A_5 : memref<32xi32, #tpu.memory_space<vmem>>[vector<16xi32>], vector<16xi32>, vector<16xi1>
    } {sc.loop_unroll_factor = 1 : i64, sc.parallel_access}
    %get3A_679 = arith.constant 0 : index
    %get3A_680 = tpu.vector_load %arg9[%get3A_679] {strides = array<i32>} : memref<32xi32, #tpu.memory_space<vmem>>, vector<16xi32>,
    %broadcast_in_dim3A_681 = arith.constant true
    %broadcast_in_dim3A_682 = vector.broadcast %broadcast_in_dim3A_681 : i1 to vector<16xi1>
    %masked_cumsum3A_683 = tpu.scan <sum>, %get3A_680 masked %broadcast_in_dim3A_682 : vector<16xi32>, vector<16xi1> -> vector<16xi32>
    %get3A_684 = arith.constant 16 : index
    %get3A_685 = tpu.vector_load %arg9[%get3A_684] {strides = array<i32>} : memref<32xi32, #tpu.memory_space<vmem>>, vector<16xi32>,
    %broadcast_in_dim3A_686 = arith.constant true
    %broadcast_in_dim3A_687 = vector.broadcast %broadcast_in_dim3A_686 : i1 to vector<16xi1>
    %masked_cumsum3A_688 = tpu.scan <sum>, %get3A_685 masked %broadcast_in_dim3A_687 : vector<16xi32>, vector<16xi1> -> vector<16xi32>
    %reduce_max3A_689 = arith.constant true
    %reduce_max3A_690 = vector.broadcast %reduce_max3A_689 : i1 to vector<16xi1>
    %reduce_max3A_691 = arith.constant -2147483648 : i32
    %reduce_max3A_692 = vector.broadcast %reduce_max3A_691 : i32 to vector<16xi32>
    %reduce_max3A_693 = arith.xori %masked_cumsum3A_683, %reduce_max3A_692 : vector<16xi32>
    %reduce_max3A_694 = tpu.scan <max>, %reduce_max3A_693 masked %reduce_max3A_690 : vector<16xi32>, vector<16xi1> -> vector<16xi32>
    %reduce_max3A_695 = arith.xori %reduce_max3A_694, %reduce_max3A_692 : vector<16xi32>
    %reduce_max3A_696 = vector.extract %reduce_max3A_695[15] : i32 from vector<16xi32>
    %add3A_697 = vector.broadcast %reduce_max3A_696 : i32 to vector<16xi32>
    %add3A_698 = arith.addi %masked_cumsum3A_688, %add3A_697 : vector<16xi32>
    %le3A_699 = arith.constant 29491 : i32
    %le3A_700 = vector.broadcast %le3A_699 : i32 to vector<16xi32>
    %le3A_701 = arith.cmpi sle, %masked_cumsum3A_683, %le3A_700 : vector<16xi32>
    %all_reduce_population_count3A_702 = tpu.all_reduce %le3A_701 {dim = 0 : i64, kind = #tpu.reduction_kind<sum>} : vector<16xi1> -> vector<16xi32>
    %reduce_max3A_703 = arith.constant true
    %reduce_max3A_704 = vector.broadcast %reduce_max3A_703 : i1 to vector<16xi1>
    %reduce_max3A_705 = arith.constant -2147483648 : i32
    %reduce_max3A_706 = vector.broadcast %reduce_max3A_705 : i32 to vector<16xi32>
    %reduce_max3A_707 = arith.xori %all_reduce_population_count3A_702, %reduce_max3A_706 : vector<16xi32>
    %reduce_max3A_708 = tpu.scan <max>, %reduce_max3A_707 masked %reduce_max3A_704 : vector<16xi32>, vector<16xi1> -> vector<16xi32>
    %reduce_max3A_709 = arith.xori %reduce_max3A_708, %reduce_max3A_706 : vector<16xi32>
    %reduce_max3A_710 = vector.extract %reduce_max3A_709[15] : i32 from vector<16xi32>
    %jit3A_711 = arith.constant 0 : i32
    %broadcast_in_dim3A_712 = vector.broadcast %jit3A_711 : i32 to vector<16xi32>
    %select_n3A_713 = arith.select %le3A_701, %masked_cumsum3A_683, %broadcast_in_dim3A_712 : vector<16xi1>, vector<16xi32>
    %reduce_max3A_714 = arith.constant true
    %reduce_max3A_715 = vector.broadcast %reduce_max3A_714 : i1 to vector<16xi1>
    %reduce_max3A_716 = arith.constant -2147483648 : i32
    %reduce_max3A_717 = vector.broadcast %reduce_max3A_716 : i32 to vector<16xi32>
    %reduce_max3A_718 = arith.xori %select_n3A_713, %reduce_max3A_717 : vector<16xi32>
    %reduce_max3A_719 = tpu.scan <max>, %reduce_max3A_718 masked %reduce_max3A_715 : vector<16xi32>, vector<16xi1> -> vector<16xi32>
    %reduce_max3A_720 = arith.xori %reduce_max3A_719, %reduce_max3A_717 : vector<16xi32>
    %reduce_max3A_721 = vector.extract %reduce_max3A_720[15] : i32 from vector<16xi32>
    %max3A_722 = arith.constant 0 : i32
    %max3A_723 = arith.maxsi %reduce_max3A_721, %max3A_722 : i32
    %le3A_724 = arith.constant 29491 : i32
    %le3A_725 = vector.broadcast %le3A_724 : i32 to vector<16xi32>
    %le3A_726 = arith.cmpi sle, %add3A_698, %le3A_725 : vector<16xi32>
    %all_reduce_population_count3A_727 = tpu.all_reduce %le3A_726 {dim = 0 : i64, kind = #tpu.reduction_kind<sum>} : vector<16xi1> -> vector<16xi32>
    %reduce_max3A_728 = arith.constant true
    %reduce_max3A_729 = vector.broadcast %reduce_max3A_728 : i1 to vector<16xi1>
    %reduce_max3A_730 = arith.constant -2147483648 : i32
    %reduce_max3A_731 = vector.broadcast %reduce_max3A_730 : i32 to vector<16xi32>
    %reduce_max3A_732 = arith.xori %all_reduce_population_count3A_727, %reduce_max3A_731 : vector<16xi32>
    %reduce_max3A_733 = tpu.scan <max>, %reduce_max3A_732 masked %reduce_max3A_729 : vector<16xi32>, vector<16xi1> -> vector<16xi32>
    %reduce_max3A_734 = arith.xori %reduce_max3A_733, %reduce_max3A_731 : vector<16xi32>
    %reduce_max3A_735 = vector.extract %reduce_max3A_734[15] : i32 from vector<16xi32>
    %jit3A_736 = arith.constant 0 : i32
    %broadcast_in_dim3A_737 = vector.broadcast %jit3A_736 : i32 to vector<16xi32>
    %select_n3A_738 = arith.select %le3A_726, %add3A_698, %broadcast_in_dim3A_737 : vector<16xi1>, vector<16xi32>
    %reduce_max3A_739 = arith.constant true
    %reduce_max3A_740 = vector.broadcast %reduce_max3A_739 : i1 to vector<16xi1>
    %reduce_max3A_741 = arith.constant -2147483648 : i32
    %reduce_max3A_742 = vector.broadcast %reduce_max3A_741 : i32 to vector<16xi32>
    %reduce_max3A_743 = arith.xori %select_n3A_738, %reduce_max3A_742 : vector<16xi32>
    %reduce_max3A_744 = tpu.scan <max>, %reduce_max3A_743 masked %reduce_max3A_740 : vector<16xi32>, vector<16xi1> -> vector<16xi32>
    %reduce_max3A_745 = arith.xori %reduce_max3A_744, %reduce_max3A_742 : vector<16xi32>
    %reduce_max3A_746 = vector.extract %reduce_max3A_745[15] : i32 from vector<16xi32>
    %max3A_747 = arith.maxsi %reduce_max3A_746, %max3A_723 : i32
    %add3A_748 = arith.addi %reduce_max3A_710, %reduce_max3A_735 : i32
    %parallel_loop3A_749 = arith.constant 0 : i32
    %parallel_loop3A_750 = arith.constant 16 : i32
    %parallel_loop3A_751 = arith.constant 1 : i32
    scf.for %parallel_loop3A_1334 = %parallel_loop3A_749 to %parallel_loop3A_750 step %parallel_loop3A_751  : i32 {
      %parallel_loop3A_1335 = arith.constant 256 : i32
      %parallel_loop3A_1336 = arith.muli %add3A_748, %parallel_loop3A_1335 : i32
      %parallel_loop3A_1337 = arith.constant 16 : i32
      %parallel_loop3A_1338 = arith.muli %parallel_loop3A_1334, %parallel_loop3A_1337 : i32
      %parallel_loop3A_1339 = arith.addi %parallel_loop3A_1336, %parallel_loop3A_1338 : i32
      %parallel_loop3A_1340 = arith.index_cast %parallel_loop3A_1339 : i32 to index
      %parallel_loop3A_1341 = tpu.vector_load %arg8[%parallel_loop3A_1340] {strides = array<i32>} : memref<8192xi32, #tpu.memory_space<vmem>>, vector<16xi32>,
      %parallel_loop3A_1342 = vector.broadcast %parallel_loop3A_1334 : i32 to vector<16xi32>
      %parallel_loop3A_1343 = arith.constant true
      %parallel_loop3A_1344 = vector.broadcast %parallel_loop3A_1343 : i1 to vector<16xi1>
      %parallel_loop3A_1345 = tpu.scan <sum>, %parallel_loop3A_1341 masked %parallel_loop3A_1344 : vector<16xi32>, vector<16xi1> -> vector<16xi32>
      tpu.vector_store_idx %arg10[%parallel_loop3A_1342], %parallel_loop3A_1345 masked %eq3A_5 : memref<16xi32, #tpu.memory_space<vmem>>[vector<16xi32>], vector<16xi32>, vector<16xi1>
    } {sc.loop_unroll_factor = 1 : i64, sc.parallel_access}
    %get3A_752 = arith.constant 0 : index
    %get3A_753 = tpu.vector_load %arg10[%get3A_752] {strides = array<i32>} : memref<16xi32, #tpu.memory_space<vmem>>, vector<16xi32>,
    %broadcast_in_dim3A_754 = arith.constant true
    %broadcast_in_dim3A_755 = vector.broadcast %broadcast_in_dim3A_754 : i1 to vector<16xi1>
    %masked_cumsum3A_756 = tpu.scan <sum>, %get3A_753 masked %broadcast_in_dim3A_755 : vector<16xi32>, vector<16xi1> -> vector<16xi32>
    %add3A_757 = vector.broadcast %max3A_747 : i32 to vector<16xi32>
    %add3A_758 = arith.addi %masked_cumsum3A_756, %add3A_757 : vector<16xi32>
    %le3A_759 = arith.constant 29491 : i32
    %le3A_760 = vector.broadcast %le3A_759 : i32 to vector<16xi32>
    %le3A_761 = arith.cmpi sle, %add3A_758, %le3A_760 : vector<16xi32>
    %all_reduce_population_count3A_762 = tpu.all_reduce %le3A_761 {dim = 0 : i64, kind = #tpu.reduction_kind<sum>} : vector<16xi1> -> vector<16xi32>
    %reduce_max3A_763 = arith.constant true
    %reduce_max3A_764 = vector.broadcast %reduce_max3A_763 : i1 to vector<16xi1>
    %reduce_max3A_765 = arith.constant -2147483648 : i32
    %reduce_max3A_766 = vector.broadcast %reduce_max3A_765 : i32 to vector<16xi32>
    %reduce_max3A_767 = arith.xori %all_reduce_population_count3A_762, %reduce_max3A_766 : vector<16xi32>
    %reduce_max3A_768 = tpu.scan <max>, %reduce_max3A_767 masked %reduce_max3A_764 : vector<16xi32>, vector<16xi1> -> vector<16xi32>
    %reduce_max3A_769 = arith.xori %reduce_max3A_768, %reduce_max3A_766 : vector<16xi32>
    %reduce_max3A_770 = vector.extract %reduce_max3A_769[15] : i32 from vector<16xi32>
    %jit3A_771 = arith.constant 0 : i32
    %broadcast_in_dim3A_772 = vector.broadcast %jit3A_771 : i32 to vector<16xi32>
    %select_n3A_773 = arith.select %le3A_761, %add3A_758, %broadcast_in_dim3A_772 : vector<16xi1>, vector<16xi32>
    %reduce_max3A_774 = arith.constant true
    %reduce_max3A_775 = vector.broadcast %reduce_max3A_774 : i1 to vector<16xi1>
    %reduce_max3A_776 = arith.constant -2147483648 : i32
    %reduce_max3A_777 = vector.broadcast %reduce_max3A_776 : i32 to vector<16xi32>
    %reduce_max3A_778 = arith.xori %select_n3A_773, %reduce_max3A_777 : vector<16xi32>
    %reduce_max3A_779 = tpu.scan <max>, %reduce_max3A_778 masked %reduce_max3A_775 : vector<16xi32>, vector<16xi1> -> vector<16xi32>
    %reduce_max3A_780 = arith.xori %reduce_max3A_779, %reduce_max3A_777 : vector<16xi32>
    %reduce_max3A_781 = vector.extract %reduce_max3A_780[15] : i32 from vector<16xi32>
    %max3A_782 = arith.maxsi %reduce_max3A_781, %max3A_747 : i32
    %mul3A_783 = arith.constant 256 : i32
    %mul3A_784 = arith.muli %add3A_748, %mul3A_783 : i32
    %mul3A_785 = arith.constant 16 : i32
    %mul3A_786 = arith.muli %reduce_max3A_770, %mul3A_785 : i32
    %add3A_787 = arith.addi %mul3A_784, %mul3A_786 : i32
    %get3A_788 = arith.index_cast %add3A_787 : i32 to index
    %get3A_789 = tpu.vector_load %arg8[%get3A_788] {strides = array<i32>} : memref<8192xi32, #tpu.memory_space<vmem>>, vector<16xi32>,
    %broadcast_in_dim3A_790 = arith.constant true
    %broadcast_in_dim3A_791 = vector.broadcast %broadcast_in_dim3A_790 : i1 to vector<16xi1>
    %masked_cumsum3A_792 = tpu.scan <sum>, %get3A_789 masked %broadcast_in_dim3A_791 : vector<16xi32>, vector<16xi1> -> vector<16xi32>
    %add3A_793 = vector.broadcast %max3A_782 : i32 to vector<16xi32>
    %add3A_794 = arith.addi %masked_cumsum3A_792, %add3A_793 : vector<16xi32>
    %le3A_795 = arith.constant 29491 : i32
    %le3A_796 = vector.broadcast %le3A_795 : i32 to vector<16xi32>
    %le3A_797 = arith.cmpi sle, %add3A_794, %le3A_796 : vector<16xi32>
    %all_reduce_population_count3A_798 = tpu.all_reduce %le3A_797 {dim = 0 : i64, kind = #tpu.reduction_kind<sum>} : vector<16xi1> -> vector<16xi32>
    %reduce_max3A_799 = arith.constant true
    %reduce_max3A_800 = vector.broadcast %reduce_max3A_799 : i1 to vector<16xi1>
    %reduce_max3A_801 = arith.constant -2147483648 : i32
    %reduce_max3A_802 = vector.broadcast %reduce_max3A_801 : i32 to vector<16xi32>
    %reduce_max3A_803 = arith.xori %all_reduce_population_count3A_798, %reduce_max3A_802 : vector<16xi32>
    %reduce_max3A_804 = tpu.scan <max>, %reduce_max3A_803 masked %reduce_max3A_800 : vector<16xi32>, vector<16xi1> -> vector<16xi32>
    %reduce_max3A_805 = arith.xori %reduce_max3A_804, %reduce_max3A_802 : vector<16xi32>
    %reduce_max3A_806 = vector.extract %reduce_max3A_805[15] : i32 from vector<16xi32>
    %jit3A_807 = arith.constant 0 : i32
    %broadcast_in_dim3A_808 = vector.broadcast %jit3A_807 : i32 to vector<16xi32>
    %select_n3A_809 = arith.select %le3A_797, %add3A_794, %broadcast_in_dim3A_808 : vector<16xi1>, vector<16xi32>
    %reduce_max3A_810 = arith.constant true
    %reduce_max3A_811 = vector.broadcast %reduce_max3A_810 : i1 to vector<16xi1>
    %reduce_max3A_812 = arith.constant -2147483648 : i32
    %reduce_max3A_813 = vector.broadcast %reduce_max3A_812 : i32 to vector<16xi32>
    %reduce_max3A_814 = arith.xori %select_n3A_809, %reduce_max3A_813 : vector<16xi32>
    %reduce_max3A_815 = tpu.scan <max>, %reduce_max3A_814 masked %reduce_max3A_811 : vector<16xi32>, vector<16xi1> -> vector<16xi32>
    %reduce_max3A_816 = arith.xori %reduce_max3A_815, %reduce_max3A_813 : vector<16xi32>
    %reduce_max3A_817 = vector.extract %reduce_max3A_816[15] : i32 from vector<16xi32>
    %max3A_818 = arith.maxsi %reduce_max3A_817, %max3A_782 : i32
    %mul3A_819 = arith.constant 256 : i32
    %mul3A_820 = arith.muli %add3A_748, %mul3A_819 : i32
    %mul3A_821 = arith.constant 16 : i32
    %mul3A_822 = arith.muli %reduce_max3A_770, %mul3A_821 : i32
    %add3A_823 = arith.addi %mul3A_820, %mul3A_822 : i32
    %add3A_824 = arith.addi %add3A_823, %reduce_max3A_806 : i32
    %dma_wait3A_825 = arith.constant 0 : i32
    %dma_wait3A_826 = tpu.memref_slice %arg4[%add3A_657, %dma_wait3A_825] : memref<128x32768xf32, #tpu.memory_space<hbm>> -> memref<1x32768xf32, #tpu.memory_space<hbm>>
    %dma_wait3A_827 = tpu.memref_squeeze %dma_wait3A_826 : memref<1x32768xf32, #tpu.memory_space<hbm>> -> memref<32768xf32, #tpu.memory_space<hbm>>
    %dma_wait3A_828 = arith.constant 0 : i32
    %dma_wait3A_829 = tpu.memref_slice %arg4[%add3A_657, %dma_wait3A_828] : memref<128x32768xf32, #tpu.memory_space<hbm>> -> memref<1x32768xf32, #tpu.memory_space<hbm>>
    %dma_wait3A_830 = tpu.memref_squeeze %dma_wait3A_829 : memref<1x32768xf32, #tpu.memory_space<hbm>> -> memref<32768xf32, #tpu.memory_space<hbm>>
    tpu.wait_dma2 semaphore(%arg17 : memref<!tpu.dma_semaphore, #tpu.memory_space<semaphore_mem>>) src(%arg7 : memref<32768xf32, #tpu.memory_space<vmem>>) dst(%dma_wait3A_830 : memref<32768xf32, #tpu.memory_space<hbm>>)
    %add3A_831 = arith.constant 3 : i32
    %add3A_832 = arith.addi %mul3A_7, %add3A_831 : i32
    %dma_start3A_833 = arith.constant 0 : i32
    %dma_start3A_834 = tpu.memref_slice %arg2[%add3A_832, %dma_start3A_833] : memref<128x32768xf32, #tpu.memory_space<hbm>> -> memref<1x32768xf32, #tpu.memory_space<hbm>>
    %dma_start3A_835 = tpu.memref_squeeze %dma_start3A_834 : memref<1x32768xf32, #tpu.memory_space<hbm>> -> memref<32768xf32, #tpu.memory_space<hbm>>
    %dma_start3A_836 = arith.constant 0 : i32
    %dma_start3A_837 = tpu.memref_slice %arg2[%add3A_832, %dma_start3A_836] : memref<128x32768xf32, #tpu.memory_space<hbm>> -> memref<1x32768xf32, #tpu.memory_space<hbm>>
    %dma_start3A_838 = tpu.memref_squeeze %dma_start3A_837 : memref<1x32768xf32, #tpu.memory_space<hbm>> -> memref<32768xf32, #tpu.memory_space<hbm>>
    tpu.enqueue_dma source(%dma_start3A_838 : memref<32768xf32, #tpu.memory_space<hbm>>) target(%arg7 : memref<32768xf32, #tpu.memory_space<vmem>>) target_semaphore(%arg15 : memref<!tpu.dma_semaphore, #tpu.memory_space<semaphore_mem>>)
    %parallel_loop3A_839 = arith.constant 0 : i32
    %parallel_loop3A_840 = arith.constant 2048 : i32
    %parallel_loop3A_841 = arith.constant 1 : i32
    %parallel_loop3A_842 = scf.for %parallel_loop3A_1334 = %parallel_loop3A_839 to %parallel_loop3A_840 step %parallel_loop3A_841 iter_args(%parallel_loop3A_1335 = %broadcast_in_dim3A_3) -> (vector<16xi32>)  : i32 {
      %parallel_loop3A_1336 = arith.constant 16 : i32
      %parallel_loop3A_1337 = arith.muli %parallel_loop3A_1334, %parallel_loop3A_1336 : i32
      %parallel_loop3A_1338 = arith.index_cast %parallel_loop3A_1337 : i32 to index
      %parallel_loop3A_1339 = tpu.vector_load %arg6[%parallel_loop3A_1338] {strides = array<i32>} : memref<32768xf32, #tpu.memory_space<vmem>>, vector<16xf32>,
      %parallel_loop3A_1340 = arith.index_cast %parallel_loop3A_1337 : i32 to index
      %parallel_loop3A_1341 = tpu.vector_load %arg5[%parallel_loop3A_1340] {strides = array<i32>} : memref<32768xf32, #tpu.memory_space<vmem>>, vector<16xf32>,
      %parallel_loop3A_1342 = arith.mulf %parallel_loop3A_1339, %parallel_loop3A_1341 : vector<16xf32>
      %parallel_loop3A_1343 = tpu.bitcast %parallel_loop3A_1342 : vector<16xf32> -> vector<16xi32>
      %parallel_loop3A_1344 = arith.constant 31 : i32
      %parallel_loop3A_1345 = vector.broadcast %parallel_loop3A_1344 : i32 to vector<16xi32>
      %parallel_loop3A_1346 = arith.shrui %parallel_loop3A_1343, %parallel_loop3A_1345 : vector<16xi32>
      %parallel_loop3A_1347 = arith.constant 0 : i32
      %parallel_loop3A_1348 = vector.broadcast %parallel_loop3A_1347 : i32 to vector<16xi32>
      %parallel_loop3A_1349 = arith.cmpi ne, %parallel_loop3A_1346, %parallel_loop3A_1348 : vector<16xi32>
      %parallel_loop3A_1350 = arith.constant dense<-1> : vector<16xi32>
      %parallel_loop3A_1351 = arith.xori %parallel_loop3A_1343, %parallel_loop3A_1350 : vector<16xi32>
      %parallel_loop3A_1352 = arith.constant -2147483648 : i32
      %parallel_loop3A_1353 = vector.broadcast %parallel_loop3A_1352 : i32 to vector<16xi32>
      %parallel_loop3A_1354 = arith.ori %parallel_loop3A_1343, %parallel_loop3A_1353 : vector<16xi32>
      %parallel_loop3A_1355 = arith.select %parallel_loop3A_1349, %parallel_loop3A_1351, %parallel_loop3A_1354 : vector<16xi1>, vector<16xi32>
      %parallel_loop3A_1356 = arith.constant 19 : i32
      %parallel_loop3A_1357 = vector.broadcast %parallel_loop3A_1356 : i32 to vector<16xi32>
      %parallel_loop3A_1358 = arith.shrui %parallel_loop3A_1355, %parallel_loop3A_1357 : vector<16xi32>
      %parallel_loop3A_1359 = vector.broadcast %add3A_824 : i32 to vector<16xi32>
      %parallel_loop3A_1360 = arith.cmpi sge, %parallel_loop3A_1358, %parallel_loop3A_1359 : vector<16xi32>
      %parallel_loop3A_1361 = arith.constant 0.000000e+00 : f32
      %parallel_loop3A_1362 = vector.broadcast %parallel_loop3A_1361 : f32 to vector<16xf32>
      %parallel_loop3A_1363 = arith.select %parallel_loop3A_1360, %parallel_loop3A_1339, %parallel_loop3A_1362 : vector<16xi1>, vector<16xf32>
      %parallel_loop3A_1364 = arith.index_cast %parallel_loop3A_1337 : i32 to index
      %parallel_loop3A_1365 = tpu.vector_load %arg6[%parallel_loop3A_1364] {strides = array<i32>} : memref<32768xf32, #tpu.memory_space<vmem>>, vector<16xf32>,
      tpu.vector_store %arg6[%parallel_loop3A_1364], %parallel_loop3A_1363 {strides = array<i32>} : memref<32768xf32, #tpu.memory_space<vmem>>, vector<16xf32>,
      %parallel_loop3A_1366 = vector.broadcast %add3A_824 : i32 to vector<16xi32>
      %parallel_loop3A_1367 = arith.cmpi eq, %parallel_loop3A_1358, %parallel_loop3A_1366 : vector<16xi32>
      %parallel_loop3A_1368 = arith.constant 16 : i32
      %parallel_loop3A_1369 = vector.broadcast %parallel_loop3A_1368 : i32 to vector<16xi32>
      %parallel_loop3A_1370 = arith.muli %parallel_loop3A_1335, %parallel_loop3A_1369 : vector<16xi32>
      %parallel_loop3A_1371 = arith.addi %parallel_loop3A_1370, %iota3A : vector<16xi32>
      %parallel_loop3A_1372 = arith.constant 524287 : i32
      %parallel_loop3A_1373 = vector.broadcast %parallel_loop3A_1372 : i32 to vector<16xi32>
      %parallel_loop3A_1374 = arith.andi %parallel_loop3A_1355, %parallel_loop3A_1373 : vector<16xi32>
      %parallel_loop3A_1375 = arith.constant 2 : i32
      %parallel_loop3A_1376 = vector.broadcast %parallel_loop3A_1375 : i32 to vector<16xi32>
      %parallel_loop3A_1377 = arith.shrui %parallel_loop3A_1374, %parallel_loop3A_1376 : vector<16xi32>
      %parallel_loop3A_1378 = arith.constant 15 : i32
      %parallel_loop3A_1379 = vector.broadcast %parallel_loop3A_1378 : i32 to vector<16xi32>
      %parallel_loop3A_1380 = arith.shli %parallel_loop3A_1377, %parallel_loop3A_1379 : vector<16xi32>
      %parallel_loop3A_1381 = arith.constant 16 : i32
      %parallel_loop3A_1382 = arith.muli %parallel_loop3A_1334, %parallel_loop3A_1381 : i32
      %parallel_loop3A_1383 = vector.broadcast %parallel_loop3A_1382 : i32 to vector<16xi32>
      %parallel_loop3A_1384 = arith.addi %iota3A, %parallel_loop3A_1383 : vector<16xi32>
      %parallel_loop3A_1385 = arith.ori %parallel_loop3A_1380, %parallel_loop3A_1384 : vector<16xi32>
      %parallel_loop3A_1386 = tpu.bitcast %parallel_loop3A_1385 : vector<16xi32> -> vector<16xi32>
      tpu.vector_store_idx %arg12[%parallel_loop3A_1371], %parallel_loop3A_1386 masked %parallel_loop3A_1367 : memref<4096xi32, #tpu.memory_space<vmem>>[vector<16xi32>], vector<16xi32>, vector<16xi1>
      %parallel_loop3A_1387 = arith.constant 1 : i32
      %parallel_loop3A_1388 = arith.constant 0 : i32
      %parallel_loop3A_1389 = vector.broadcast %parallel_loop3A_1387 : i32 to vector<16xi32>
      %parallel_loop3A_1390 = vector.broadcast %parallel_loop3A_1388 : i32 to vector<16xi32>
      %parallel_loop3A_1391 = arith.select %parallel_loop3A_1367, %parallel_loop3A_1389, %parallel_loop3A_1390 : vector<16xi1>, vector<16xi32>
      %parallel_loop3A_1392 = arith.addi %parallel_loop3A_1335, %parallel_loop3A_1391 : vector<16xi32>
      scf.yield %parallel_loop3A_1392 : vector<16xi32>
    } {sc.loop_unroll_factor = 8 : i64, sc.parallel_access}
    %reduce_sum3A_843 = arith.constant true
    %reduce_sum3A_844 = vector.broadcast %reduce_sum3A_843 : i1 to vector<16xi1>
    %reduce_sum3A_845 = tpu.scan <sum>, %parallel_loop3A_842 masked %reduce_sum3A_844 : vector<16xi32>, vector<16xi1> -> vector<16xi32>
    %reduce_sum3A_846 = vector.extract %reduce_sum3A_845[15] : i32 from vector<16xi32>
    %sub3A_847 = arith.constant 32768 : i32
    %sub3A_848 = arith.subi %sub3A_847, %max3A_818 : i32
    %sub3A_849 = arith.subi %sub3A_848, %reduce_sum3A_846 : i32
    %sub3A_850 = arith.constant 3277 : i32
    %sub3A_851 = arith.subi %sub3A_850, %sub3A_849 : i32
    %reduce_max3A_852 = arith.constant true
    %reduce_max3A_853 = vector.broadcast %reduce_max3A_852 : i1 to vector<16xi1>
    %reduce_max3A_854 = arith.constant -2147483648 : i32
    %reduce_max3A_855 = vector.broadcast %reduce_max3A_854 : i32 to vector<16xi32>
    %reduce_max3A_856 = arith.xori %parallel_loop3A_842, %reduce_max3A_855 : vector<16xi32>
    %reduce_max3A_857 = tpu.scan <max>, %reduce_max3A_856 masked %reduce_max3A_853 : vector<16xi32>, vector<16xi1> -> vector<16xi32>
    %reduce_max3A_858 = arith.xori %reduce_max3A_857, %reduce_max3A_855 : vector<16xi32>
    %reduce_max3A_859 = vector.extract %reduce_max3A_858[15] : i32 from vector<16xi32>
    %sub3A_860 = arith.subi %reduce_sum3A_846, %sub3A_851 : i32
    %parallel_loop3A_861 = arith.constant 0 : i32
    %parallel_loop3A_862 = arith.constant 16 : i32
    %parallel_loop3A_863 = arith.constant 1 : i32
    scf.for %parallel_loop3A_1334 = %parallel_loop3A_861 to %parallel_loop3A_862 step %parallel_loop3A_863  : i32 {
      %parallel_loop3A_1335 = arith.constant 16 : i32
      %parallel_loop3A_1336 = arith.muli %parallel_loop3A_1334, %parallel_loop3A_1335 : i32
      %parallel_loop3A_1337 = arith.index_cast %parallel_loop3A_1336 : i32 to index
      %parallel_loop3A_1338 = tpu.vector_load %arg11[%parallel_loop3A_1337] {strides = array<i32>} : memref<256xi32, #tpu.memory_space<vmem>>, vector<16xi32>,
      tpu.vector_store %arg11[%parallel_loop3A_1337], %broadcast_in_dim3A_3 {strides = array<i32>} : memref<256xi32, #tpu.memory_space<vmem>>, vector<16xi32>,
    } {sc.loop_unroll_factor = 1 : i64, sc.parallel_access}
    %while3A_864 = arith.constant 0 : i32
    %while3A_865 = arith.constant 0 : i32
    %while3A_866 = arith.subi %reduce_max3A_859, %while3A_865 : i32
    %while3A_867 = arith.addi %while3A_865, %while3A_866 : i32
    %while3A_868 = arith.constant 1 : i32
    %while3A_869 = arith.divsi %while3A_866, %while3A_868 : i32
    %while3A_870 = arith.muli %while3A_869, %while3A_868 : i32
    %while3A_871 = arith.addi %while3A_865, %while3A_870 : i32
    %while3A_872 = arith.constant 1 : i32
    scf.for %while3A_1334 = %while3A_865 to %while3A_871 step %while3A_872  : i32 {
      %mul3A_1335 = arith.constant 16 : i32
      %mul3A_1336 = arith.muli %while3A_1334, %mul3A_1335 : i32
      %get3A_1337 = arith.index_cast %mul3A_1336 : i32 to index
      %get3A_1338 = tpu.vector_load %arg12[%get3A_1337] {strides = array<i32>} : memref<4096xi32, #tpu.memory_space<vmem>>, vector<16xi32>,
      %bitcast_convert_type3A = tpu.bitcast %get3A_1338 : vector<16xi32> -> vector<16xi32>
      %shift_right_logical3A = arith.constant 24 : i32
      %shift_right_logical3A_1339 = vector.broadcast %shift_right_logical3A : i32 to vector<16xi32>
      %shift_right_logical3A_1340 = arith.shrui %bitcast_convert_type3A, %shift_right_logical3A_1339 : vector<16xi32>
      %lt3A = vector.broadcast %while3A_1334 : i32 to vector<16xi32>
      %lt3A_1341 = arith.cmpi slt, %lt3A, %parallel_loop3A_842 : vector<16xi32>
      tpu.vector_store_idx %arg11[%shift_right_logical3A_1340], %broadcast_in_dim3A_1 masked %lt3A_1341 {add = true} : memref<256xi32, #tpu.memory_space<vmem>>[vector<16xi32>], vector<16xi32>, vector<16xi1>
    }
    %while3A_873 = arith.constant 1 : i32
    scf.for %while3A_1334 = %while3A_871 to %while3A_867 step %while3A_873  : i32 {
      %mul3A_1335 = arith.constant 16 : i32
      %mul3A_1336 = arith.muli %while3A_1334, %mul3A_1335 : i32
      %get3A_1337 = arith.index_cast %mul3A_1336 : i32 to index
      %get3A_1338 = tpu.vector_load %arg12[%get3A_1337] {strides = array<i32>} : memref<4096xi32, #tpu.memory_space<vmem>>, vector<16xi32>,
      %bitcast_convert_type3A = tpu.bitcast %get3A_1338 : vector<16xi32> -> vector<16xi32>
      %shift_right_logical3A = arith.constant 24 : i32
      %shift_right_logical3A_1339 = vector.broadcast %shift_right_logical3A : i32 to vector<16xi32>
      %shift_right_logical3A_1340 = arith.shrui %bitcast_convert_type3A, %shift_right_logical3A_1339 : vector<16xi32>
      %lt3A = vector.broadcast %while3A_1334 : i32 to vector<16xi32>
      %lt3A_1341 = arith.cmpi slt, %lt3A, %parallel_loop3A_842 : vector<16xi32>
      tpu.vector_store_idx %arg11[%shift_right_logical3A_1340], %broadcast_in_dim3A_1 masked %lt3A_1341 {add = true} : memref<256xi32, #tpu.memory_space<vmem>>[vector<16xi32>], vector<16xi32>, vector<16xi1>
    }
    %parallel_loop3A_874 = arith.constant 0 : i32
    %parallel_loop3A_875 = arith.constant 16 : i32
    %parallel_loop3A_876 = arith.constant 1 : i32
    scf.for %parallel_loop3A_1334 = %parallel_loop3A_874 to %parallel_loop3A_875 step %parallel_loop3A_876  : i32 {
      %parallel_loop3A_1335 = arith.constant 16 : i32
      %parallel_loop3A_1336 = arith.muli %parallel_loop3A_1334, %parallel_loop3A_1335 : i32
      %parallel_loop3A_1337 = arith.index_cast %parallel_loop3A_1336 : i32 to index
      %parallel_loop3A_1338 = tpu.vector_load %arg11[%parallel_loop3A_1337] {strides = array<i32>} : memref<256xi32, #tpu.memory_space<vmem>>, vector<16xi32>,
      %parallel_loop3A_1339 = vector.broadcast %parallel_loop3A_1334 : i32 to vector<16xi32>
      %parallel_loop3A_1340 = arith.constant true
      %parallel_loop3A_1341 = vector.broadcast %parallel_loop3A_1340 : i1 to vector<16xi1>
      %parallel_loop3A_1342 = tpu.scan <sum>, %parallel_loop3A_1338 masked %parallel_loop3A_1341 : vector<16xi32>, vector<16xi1> -> vector<16xi32>
      tpu.vector_store_idx %arg10[%parallel_loop3A_1339], %parallel_loop3A_1342 masked %eq3A_5 : memref<16xi32, #tpu.memory_space<vmem>>[vector<16xi32>], vector<16xi32>, vector<16xi1>
    } {sc.loop_unroll_factor = 1 : i64, sc.parallel_access}
    %get3A_877 = arith.constant 0 : index
    %get3A_878 = tpu.vector_load %arg10[%get3A_877] {strides = array<i32>} : memref<16xi32, #tpu.memory_space<vmem>>, vector<16xi32>,
    %broadcast_in_dim3A_879 = arith.constant true
    %broadcast_in_dim3A_880 = vector.broadcast %broadcast_in_dim3A_879 : i1 to vector<16xi1>
    %masked_cumsum3A_881 = tpu.scan <sum>, %get3A_878 masked %broadcast_in_dim3A_880 : vector<16xi32>, vector<16xi1> -> vector<16xi32>
    %le3A_882 = vector.broadcast %sub3A_860 : i32 to vector<16xi32>
    %le3A_883 = arith.cmpi sle, %masked_cumsum3A_881, %le3A_882 : vector<16xi32>
    %all_reduce_population_count3A_884 = tpu.all_reduce %le3A_883 {dim = 0 : i64, kind = #tpu.reduction_kind<sum>} : vector<16xi1> -> vector<16xi32>
    %reduce_max3A_885 = arith.constant true
    %reduce_max3A_886 = vector.broadcast %reduce_max3A_885 : i1 to vector<16xi1>
    %reduce_max3A_887 = arith.constant -2147483648 : i32
    %reduce_max3A_888 = vector.broadcast %reduce_max3A_887 : i32 to vector<16xi32>
    %reduce_max3A_889 = arith.xori %all_reduce_population_count3A_884, %reduce_max3A_888 : vector<16xi32>
    %reduce_max3A_890 = tpu.scan <max>, %reduce_max3A_889 masked %reduce_max3A_886 : vector<16xi32>, vector<16xi1> -> vector<16xi32>
    %reduce_max3A_891 = arith.xori %reduce_max3A_890, %reduce_max3A_888 : vector<16xi32>
    %reduce_max3A_892 = vector.extract %reduce_max3A_891[15] : i32 from vector<16xi32>
    %jit3A_893 = arith.constant 0 : i32
    %broadcast_in_dim3A_894 = vector.broadcast %jit3A_893 : i32 to vector<16xi32>
    %select_n3A_895 = arith.select %le3A_883, %masked_cumsum3A_881, %broadcast_in_dim3A_894 : vector<16xi1>, vector<16xi32>
    %reduce_max3A_896 = arith.constant true
    %reduce_max3A_897 = vector.broadcast %reduce_max3A_896 : i1 to vector<16xi1>
    %reduce_max3A_898 = arith.constant -2147483648 : i32
    %reduce_max3A_899 = vector.broadcast %reduce_max3A_898 : i32 to vector<16xi32>
    %reduce_max3A_900 = arith.xori %select_n3A_895, %reduce_max3A_899 : vector<16xi32>
    %reduce_max3A_901 = tpu.scan <max>, %reduce_max3A_900 masked %reduce_max3A_897 : vector<16xi32>, vector<16xi1> -> vector<16xi32>
    %reduce_max3A_902 = arith.xori %reduce_max3A_901, %reduce_max3A_899 : vector<16xi32>
    %reduce_max3A_903 = vector.extract %reduce_max3A_902[15] : i32 from vector<16xi32>
    %max3A_904 = arith.constant 0 : i32
    %max3A_905 = arith.maxsi %reduce_max3A_903, %max3A_904 : i32
    %mul3A_906 = arith.constant 16 : i32
    %mul3A_907 = arith.muli %reduce_max3A_892, %mul3A_906 : i32
    %get3A_908 = arith.index_cast %mul3A_907 : i32 to index
    %get3A_909 = tpu.vector_load %arg11[%get3A_908] {strides = array<i32>} : memref<256xi32, #tpu.memory_space<vmem>>, vector<16xi32>,
    %broadcast_in_dim3A_910 = arith.constant true
    %broadcast_in_dim3A_911 = vector.broadcast %broadcast_in_dim3A_910 : i1 to vector<16xi1>
    %masked_cumsum3A_912 = tpu.scan <sum>, %get3A_909 masked %broadcast_in_dim3A_911 : vector<16xi32>, vector<16xi1> -> vector<16xi32>
    %add3A_913 = vector.broadcast %max3A_905 : i32 to vector<16xi32>
    %add3A_914 = arith.addi %masked_cumsum3A_912, %add3A_913 : vector<16xi32>
    %le3A_915 = vector.broadcast %sub3A_860 : i32 to vector<16xi32>
    %le3A_916 = arith.cmpi sle, %add3A_914, %le3A_915 : vector<16xi32>
    %all_reduce_population_count3A_917 = tpu.all_reduce %le3A_916 {dim = 0 : i64, kind = #tpu.reduction_kind<sum>} : vector<16xi1> -> vector<16xi32>
    %reduce_max3A_918 = arith.constant true
    %reduce_max3A_919 = vector.broadcast %reduce_max3A_918 : i1 to vector<16xi1>
    %reduce_max3A_920 = arith.constant -2147483648 : i32
    %reduce_max3A_921 = vector.broadcast %reduce_max3A_920 : i32 to vector<16xi32>
    %reduce_max3A_922 = arith.xori %all_reduce_population_count3A_917, %reduce_max3A_921 : vector<16xi32>
    %reduce_max3A_923 = tpu.scan <max>, %reduce_max3A_922 masked %reduce_max3A_919 : vector<16xi32>, vector<16xi1> -> vector<16xi32>
    %reduce_max3A_924 = arith.xori %reduce_max3A_923, %reduce_max3A_921 : vector<16xi32>
    %reduce_max3A_925 = vector.extract %reduce_max3A_924[15] : i32 from vector<16xi32>
    %jit3A_926 = arith.constant 0 : i32
    %broadcast_in_dim3A_927 = vector.broadcast %jit3A_926 : i32 to vector<16xi32>
    %select_n3A_928 = arith.select %le3A_916, %add3A_914, %broadcast_in_dim3A_927 : vector<16xi1>, vector<16xi32>
    %reduce_max3A_929 = arith.constant true
    %reduce_max3A_930 = vector.broadcast %reduce_max3A_929 : i1 to vector<16xi1>
    %reduce_max3A_931 = arith.constant -2147483648 : i32
    %reduce_max3A_932 = vector.broadcast %reduce_max3A_931 : i32 to vector<16xi32>
    %reduce_max3A_933 = arith.xori %select_n3A_928, %reduce_max3A_932 : vector<16xi32>
    %reduce_max3A_934 = tpu.scan <max>, %reduce_max3A_933 masked %reduce_max3A_930 : vector<16xi32>, vector<16xi1> -> vector<16xi32>
    %reduce_max3A_935 = arith.xori %reduce_max3A_934, %reduce_max3A_932 : vector<16xi32>
    %reduce_max3A_936 = vector.extract %reduce_max3A_935[15] : i32 from vector<16xi32>
    %max3A_937 = arith.maxsi %reduce_max3A_936, %max3A_905 : i32
    %mul3A_938 = arith.constant 16 : i32
    %mul3A_939 = arith.muli %reduce_max3A_892, %mul3A_938 : i32
    %add3A_940 = arith.addi %mul3A_939, %reduce_max3A_925 : i32
    %while3A_941 = arith.constant 0 : i32
    %while3A_942 = arith.subi %reduce_max3A_859, %while3A_941 : i32
    %while3A_943 = arith.addi %while3A_941, %while3A_942 : i32
    %while3A_944 = arith.constant 1 : i32
    %while3A_945 = arith.divsi %while3A_942, %while3A_944 : i32
    %while3A_946 = arith.muli %while3A_945, %while3A_944 : i32
    %while3A_947 = arith.addi %while3A_941, %while3A_946 : i32
    %while3A_948 = arith.constant 1 : i32
    %while3A_949 = scf.for %while3A_1334 = %while3A_941 to %while3A_947 step %while3A_948 iter_args(%while3A_1335 = %broadcast_in_dim3A_3) -> (vector<16xi32>)  : i32 {
      %mul3A_1336 = arith.constant 16 : i32
      %mul3A_1337 = arith.muli %while3A_1334, %mul3A_1336 : i32
      %get3A_1338 = arith.index_cast %mul3A_1337 : i32 to index
      %get3A_1339 = tpu.vector_load %arg12[%get3A_1338] {strides = array<i32>} : memref<4096xi32, #tpu.memory_space<vmem>>, vector<16xi32>,
      %bitcast_convert_type3A = tpu.bitcast %get3A_1339 : vector<16xi32> -> vector<16xi32>
      %lt3A = vector.broadcast %while3A_1334 : i32 to vector<16xi32>
      %lt3A_1340 = arith.cmpi slt, %lt3A, %parallel_loop3A_842 : vector<16xi32>
      %shift_right_logical3A = arith.constant 24 : i32
      %shift_right_logical3A_1341 = vector.broadcast %shift_right_logical3A : i32 to vector<16xi32>
      %shift_right_logical3A_1342 = arith.shrui %bitcast_convert_type3A, %shift_right_logical3A_1341 : vector<16xi32>
      %eq3A_1343 = vector.broadcast %add3A_940 : i32 to vector<16xi32>
      %eq3A_1344 = arith.cmpi eq, %shift_right_logical3A_1342, %eq3A_1343 : vector<16xi32>
      %and3A = arith.andi %lt3A_1340, %eq3A_1344 : vector<16xi1>
      %mul3A_1345 = arith.constant 16 : i32
      %mul3A_1346 = vector.broadcast %mul3A_1345 : i32 to vector<16xi32>
      %mul3A_1347 = arith.muli %while3A_1335, %mul3A_1346 : vector<16xi32>
      %add3A_1348 = arith.addi %mul3A_1347, %iota3A : vector<16xi32>
      %bitcast_convert_type3A_1349 = tpu.bitcast %bitcast_convert_type3A : vector<16xi32> -> vector<16xi32>
      tpu.vector_store_idx %arg13[%add3A_1348], %bitcast_convert_type3A_1349 masked %and3A : memref<4096xi32, #tpu.memory_space<vmem>>[vector<16xi32>], vector<16xi32>, vector<16xi1>
      %jit3A_1350 = arith.constant 1 : i32
      %jit3A_1351 = arith.constant 0 : i32
      %broadcast_in_dim3A_1352 = vector.broadcast %jit3A_1350 : i32 to vector<16xi32>
      %broadcast_in_dim3A_1353 = vector.broadcast %jit3A_1351 : i32 to vector<16xi32>
      %select_n3A_1354 = arith.select %and3A, %broadcast_in_dim3A_1352, %broadcast_in_dim3A_1353 : vector<16xi1>, vector<16xi32>
      %add3A_1355 = arith.addi %while3A_1335, %select_n3A_1354 : vector<16xi32>
      scf.yield %add3A_1355 : vector<16xi32>
    }
    %while3A_950 = arith.constant 1 : i32
    %while3A_951 = scf.for %while3A_1334 = %while3A_947 to %while3A_943 step %while3A_950 iter_args(%while3A_1335 = %while3A_949) -> (vector<16xi32>)  : i32 {
      %mul3A_1336 = arith.constant 16 : i32
      %mul3A_1337 = arith.muli %while3A_1334, %mul3A_1336 : i32
      %get3A_1338 = arith.index_cast %mul3A_1337 : i32 to index
      %get3A_1339 = tpu.vector_load %arg12[%get3A_1338] {strides = array<i32>} : memref<4096xi32, #tpu.memory_space<vmem>>, vector<16xi32>,
      %bitcast_convert_type3A = tpu.bitcast %get3A_1339 : vector<16xi32> -> vector<16xi32>
      %lt3A = vector.broadcast %while3A_1334 : i32 to vector<16xi32>
      %lt3A_1340 = arith.cmpi slt, %lt3A, %parallel_loop3A_842 : vector<16xi32>
      %shift_right_logical3A = arith.constant 24 : i32
      %shift_right_logical3A_1341 = vector.broadcast %shift_right_logical3A : i32 to vector<16xi32>
      %shift_right_logical3A_1342 = arith.shrui %bitcast_convert_type3A, %shift_right_logical3A_1341 : vector<16xi32>
      %eq3A_1343 = vector.broadcast %add3A_940 : i32 to vector<16xi32>
      %eq3A_1344 = arith.cmpi eq, %shift_right_logical3A_1342, %eq3A_1343 : vector<16xi32>
      %and3A = arith.andi %lt3A_1340, %eq3A_1344 : vector<16xi1>
      %mul3A_1345 = arith.constant 16 : i32
      %mul3A_1346 = vector.broadcast %mul3A_1345 : i32 to vector<16xi32>
      %mul3A_1347 = arith.muli %while3A_1335, %mul3A_1346 : vector<16xi32>
      %add3A_1348 = arith.addi %mul3A_1347, %iota3A : vector<16xi32>
      %bitcast_convert_type3A_1349 = tpu.bitcast %bitcast_convert_type3A : vector<16xi32> -> vector<16xi32>
      tpu.vector_store_idx %arg13[%add3A_1348], %bitcast_convert_type3A_1349 masked %and3A : memref<4096xi32, #tpu.memory_space<vmem>>[vector<16xi32>], vector<16xi32>, vector<16xi1>
      %jit3A_1350 = arith.constant 1 : i32
      %jit3A_1351 = arith.constant 0 : i32
      %broadcast_in_dim3A_1352 = vector.broadcast %jit3A_1350 : i32 to vector<16xi32>
      %broadcast_in_dim3A_1353 = vector.broadcast %jit3A_1351 : i32 to vector<16xi32>
      %select_n3A_1354 = arith.select %and3A, %broadcast_in_dim3A_1352, %broadcast_in_dim3A_1353 : vector<16xi1>, vector<16xi32>
      %add3A_1355 = arith.addi %while3A_1335, %select_n3A_1354 : vector<16xi32>
      scf.yield %add3A_1355 : vector<16xi32>
    }
    %reduce_sum3A_952 = arith.constant true
    %reduce_sum3A_953 = vector.broadcast %reduce_sum3A_952 : i1 to vector<16xi1>
    %reduce_sum3A_954 = tpu.scan <sum>, %while3A_951 masked %reduce_sum3A_953 : vector<16xi32>, vector<16xi1> -> vector<16xi32>
    %reduce_sum3A_955 = vector.extract %reduce_sum3A_954[15] : i32 from vector<16xi32>
    %sub3A_956 = arith.subi %reduce_sum3A_846, %max3A_937 : i32
    %sub3A_957 = arith.subi %sub3A_956, %reduce_sum3A_955 : i32
    %sub3A_958 = arith.subi %sub3A_851, %sub3A_957 : i32
    %reduce_max3A_959 = arith.constant true
    %reduce_max3A_960 = vector.broadcast %reduce_max3A_959 : i1 to vector<16xi1>
    %reduce_max3A_961 = arith.constant -2147483648 : i32
    %reduce_max3A_962 = vector.broadcast %reduce_max3A_961 : i32 to vector<16xi32>
    %reduce_max3A_963 = arith.xori %while3A_951, %reduce_max3A_962 : vector<16xi32>
    %reduce_max3A_964 = tpu.scan <max>, %reduce_max3A_963 masked %reduce_max3A_960 : vector<16xi32>, vector<16xi1> -> vector<16xi32>
    %reduce_max3A_965 = arith.xori %reduce_max3A_964, %reduce_max3A_962 : vector<16xi32>
    %reduce_max3A_966 = vector.extract %reduce_max3A_965[15] : i32 from vector<16xi32>
    %scan3A_967 = arith.constant 0 : i32
    %scan3A_968 = arith.constant 511 : i32
    %scan3A_969 = arith.constant 0 : i32
    %scan3A_970 = arith.constant 9 : i32
    %scan3A_971 = arith.addi %scan3A_969, %scan3A_970 : i32
    %scan3A_972 = arith.constant 1 : i32
    %scan3A_973:2 = scf.for %scan3A_1334 = %scan3A_969 to %scan3A_971 step %scan3A_972 iter_args(%scan3A_1335 = %scan3A_967, %scan3A_1336 = %scan3A_968) -> (i32, i32)  : i32 {
      %add3A_1337 = arith.addi %scan3A_1335, %scan3A_1336 : i32
      %add3A_1338 = arith.constant 1 : i32
      %add3A_1339 = arith.addi %add3A_1337, %add3A_1338 : i32
      %shift_right_arithmetic3A = arith.constant 1 : i32
      %shift_right_arithmetic3A_1340 = arith.shrsi %add3A_1339, %shift_right_arithmetic3A : i32
      %while3A_1341 = arith.constant 0 : i32
      %while3A_1342 = arith.subi %reduce_max3A_966, %while3A_1341 : i32
      %while3A_1343 = arith.addi %while3A_1341, %while3A_1342 : i32
      %while3A_1344 = arith.constant 1 : i32
      %while3A_1345 = arith.divsi %while3A_1342, %while3A_1344 : i32
      %while3A_1346 = arith.muli %while3A_1345, %while3A_1344 : i32
      %while3A_1347 = arith.addi %while3A_1341, %while3A_1346 : i32
      %while3A_1348 = arith.constant 1 : i32
      %while3A_1349 = scf.for %while3A_1364 = %while3A_1341 to %while3A_1347 step %while3A_1348 iter_args(%while3A_1365 = %broadcast_in_dim3A_3) -> (vector<16xi32>)  : i32 {
        %mul3A_1366 = arith.constant 16 : i32
        %mul3A_1367 = arith.muli %while3A_1364, %mul3A_1366 : i32
        %get3A_1368 = arith.index_cast %mul3A_1367 : i32 to index
        %get3A_1369 = tpu.vector_load %arg13[%get3A_1368] {strides = array<i32>} : memref<4096xi32, #tpu.memory_space<vmem>>, vector<16xi32>,
        %bitcast_convert_type3A = tpu.bitcast %get3A_1369 : vector<16xi32> -> vector<16xi32>
        %shift_right_logical3A = arith.constant 15 : i32
        %shift_right_logical3A_1370 = vector.broadcast %shift_right_logical3A : i32 to vector<16xi32>
        %shift_right_logical3A_1371 = arith.shrui %bitcast_convert_type3A, %shift_right_logical3A_1370 : vector<16xi32>
        %and3A = arith.constant 511 : i32
        %and3A_1372 = vector.broadcast %and3A : i32 to vector<16xi32>
        %and3A_1373 = arith.andi %shift_right_logical3A_1371, %and3A_1372 : vector<16xi32>
        %lt3A = vector.broadcast %while3A_1364 : i32 to vector<16xi32>
        %lt3A_1374 = arith.cmpi slt, %lt3A, %while3A_951 : vector<16xi32>
        %ge3A_1375 = vector.broadcast %shift_right_arithmetic3A_1340 : i32 to vector<16xi32>
        %ge3A_1376 = arith.cmpi uge, %and3A_1373, %ge3A_1375 : vector<16xi32>
        %and3A_1377 = arith.andi %lt3A_1374, %ge3A_1376 : vector<16xi1>
        %all_reduce_population_count3A_1378 = tpu.all_reduce %and3A_1377 {dim = 0 : i64, kind = #tpu.reduction_kind<sum>} : vector<16xi1> -> vector<16xi32>
        %add3A_1379 = arith.addi %while3A_1365, %all_reduce_population_count3A_1378 : vector<16xi32>
        scf.yield %add3A_1379 : vector<16xi32>
      }
      %while3A_1350 = arith.constant 1 : i32
      %while3A_1351 = scf.for %while3A_1364 = %while3A_1347 to %while3A_1343 step %while3A_1350 iter_args(%while3A_1365 = %while3A_1349) -> (vector<16xi32>)  : i32 {
        %mul3A_1366 = arith.constant 16 : i32
        %mul3A_1367 = arith.muli %while3A_1364, %mul3A_1366 : i32
        %get3A_1368 = arith.index_cast %mul3A_1367 : i32 to index
        %get3A_1369 = tpu.vector_load %arg13[%get3A_1368] {strides = array<i32>} : memref<4096xi32, #tpu.memory_space<vmem>>, vector<16xi32>,
        %bitcast_convert_type3A = tpu.bitcast %get3A_1369 : vector<16xi32> -> vector<16xi32>
        %shift_right_logical3A = arith.constant 15 : i32
        %shift_right_logical3A_1370 = vector.broadcast %shift_right_logical3A : i32 to vector<16xi32>
        %shift_right_logical3A_1371 = arith.shrui %bitcast_convert_type3A, %shift_right_logical3A_1370 : vector<16xi32>
        %and3A = arith.constant 511 : i32
        %and3A_1372 = vector.broadcast %and3A : i32 to vector<16xi32>
        %and3A_1373 = arith.andi %shift_right_logical3A_1371, %and3A_1372 : vector<16xi32>
        %lt3A = vector.broadcast %while3A_1364 : i32 to vector<16xi32>
        %lt3A_1374 = arith.cmpi slt, %lt3A, %while3A_951 : vector<16xi32>
        %ge3A_1375 = vector.broadcast %shift_right_arithmetic3A_1340 : i32 to vector<16xi32>
        %ge3A_1376 = arith.cmpi uge, %and3A_1373, %ge3A_1375 : vector<16xi32>
        %and3A_1377 = arith.andi %lt3A_1374, %ge3A_1376 : vector<16xi1>
        %all_reduce_population_count3A_1378 = tpu.all_reduce %and3A_1377 {dim = 0 : i64, kind = #tpu.reduction_kind<sum>} : vector<16xi1> -> vector<16xi32>
        %add3A_1379 = arith.addi %while3A_1365, %all_reduce_population_count3A_1378 : vector<16xi32>
        scf.yield %add3A_1379 : vector<16xi32>
      }
      %reduce_max3A_1352 = arith.constant true
      %reduce_max3A_1353 = vector.broadcast %reduce_max3A_1352 : i1 to vector<16xi1>
      %reduce_max3A_1354 = arith.constant -2147483648 : i32
      %reduce_max3A_1355 = vector.broadcast %reduce_max3A_1354 : i32 to vector<16xi32>
      %reduce_max3A_1356 = arith.xori %while3A_1351, %reduce_max3A_1355 : vector<16xi32>
      %reduce_max3A_1357 = tpu.scan <max>, %reduce_max3A_1356 masked %reduce_max3A_1353 : vector<16xi32>, vector<16xi1> -> vector<16xi32>
      %reduce_max3A_1358 = arith.xori %reduce_max3A_1357, %reduce_max3A_1355 : vector<16xi32>
      %reduce_max3A_1359 = vector.extract %reduce_max3A_1358[15] : i32 from vector<16xi32>
      %ge3A = arith.cmpi sge, %reduce_max3A_1359, %sub3A_958 : i32
      %select_n3A_1360 = arith.select %ge3A, %shift_right_arithmetic3A_1340, %scan3A_1335 : i32
      %sub3A_1361 = arith.constant 1 : i32
      %sub3A_1362 = arith.subi %shift_right_arithmetic3A_1340, %sub3A_1361 : i32
      %select_n3A_1363 = arith.select %ge3A, %scan3A_1336, %sub3A_1362 : i32
      scf.yield %select_n3A_1360, %select_n3A_1363 : i32, i32
    }
    %scan3A_974 = arith.constant 9 : i32
    %shift_left3A_975 = arith.constant 9 : i32
    %shift_left3A_976 = arith.shli %add3A_940, %shift_left3A_975 : i32
    %or3A_977 = arith.ori %shift_left3A_976, %scan3A_973#0 : i32
    %shift_left3A_978 = arith.constant 15 : i32
    %shift_left3A_979 = arith.shli %or3A_977, %shift_left3A_978 : i32
    %broadcast_in_dim3A_980 = arith.constant 0.000000e+00 : f32
    %broadcast_in_dim3A_981 = vector.broadcast %broadcast_in_dim3A_980 : f32 to vector<16xf32>
    %while3A_982 = arith.constant 0 : i32
    %while3A_983 = arith.constant 0 : i32
    %while3A_984 = arith.subi %reduce_max3A_859, %while3A_983 : i32
    %while3A_985 = arith.addi %while3A_983, %while3A_984 : i32
    %while3A_986 = arith.constant 1 : i32
    %while3A_987 = arith.divsi %while3A_984, %while3A_986 : i32
    %while3A_988 = arith.muli %while3A_987, %while3A_986 : i32
    %while3A_989 = arith.addi %while3A_983, %while3A_988 : i32
    %while3A_990 = arith.constant 1 : i32
    scf.for %while3A_1334 = %while3A_983 to %while3A_989 step %while3A_990  : i32 {
      %mul3A_1335 = arith.constant 16 : i32
      %mul3A_1336 = arith.muli %while3A_1334, %mul3A_1335 : i32
      %get3A_1337 = arith.index_cast %mul3A_1336 : i32 to index
      %get3A_1338 = tpu.vector_load %arg12[%get3A_1337] {strides = array<i32>} : memref<4096xi32, #tpu.memory_space<vmem>>, vector<16xi32>,
      %bitcast_convert_type3A = tpu.bitcast %get3A_1338 : vector<16xi32> -> vector<16xi32>
      %lt3A = vector.broadcast %while3A_1334 : i32 to vector<16xi32>
      %lt3A_1339 = arith.cmpi slt, %lt3A, %parallel_loop3A_842 : vector<16xi32>
      %lt3A_1340 = vector.broadcast %shift_left3A_979 : i32 to vector<16xi32>
      %lt3A_1341 = arith.cmpi ult, %bitcast_convert_type3A, %lt3A_1340 : vector<16xi32>
      %and3A = arith.andi %lt3A_1339, %lt3A_1341 : vector<16xi1>
      %and3A_1342 = arith.constant 32767 : i32
      %and3A_1343 = vector.broadcast %and3A_1342 : i32 to vector<16xi32>
      %and3A_1344 = arith.andi %bitcast_convert_type3A, %and3A_1343 : vector<16xi32>
      tpu.vector_store_idx %arg6[%and3A_1344], %broadcast_in_dim3A_981 masked %and3A : memref<32768xf32, #tpu.memory_space<vmem>>[vector<16xi32>], vector<16xf32>, vector<16xi1>
    }
    %while3A_991 = arith.constant 1 : i32
    scf.for %while3A_1334 = %while3A_989 to %while3A_985 step %while3A_991  : i32 {
      %mul3A_1335 = arith.constant 16 : i32
      %mul3A_1336 = arith.muli %while3A_1334, %mul3A_1335 : i32
      %get3A_1337 = arith.index_cast %mul3A_1336 : i32 to index
      %get3A_1338 = tpu.vector_load %arg12[%get3A_1337] {strides = array<i32>} : memref<4096xi32, #tpu.memory_space<vmem>>, vector<16xi32>,
      %bitcast_convert_type3A = tpu.bitcast %get3A_1338 : vector<16xi32> -> vector<16xi32>
      %lt3A = vector.broadcast %while3A_1334 : i32 to vector<16xi32>
      %lt3A_1339 = arith.cmpi slt, %lt3A, %parallel_loop3A_842 : vector<16xi32>
      %lt3A_1340 = vector.broadcast %shift_left3A_979 : i32 to vector<16xi32>
      %lt3A_1341 = arith.cmpi ult, %bitcast_convert_type3A, %lt3A_1340 : vector<16xi32>
      %and3A = arith.andi %lt3A_1339, %lt3A_1341 : vector<16xi1>
      %and3A_1342 = arith.constant 32767 : i32
      %and3A_1343 = vector.broadcast %and3A_1342 : i32 to vector<16xi32>
      %and3A_1344 = arith.andi %bitcast_convert_type3A, %and3A_1343 : vector<16xi32>
      tpu.vector_store_idx %arg6[%and3A_1344], %broadcast_in_dim3A_981 masked %and3A : memref<32768xf32, #tpu.memory_space<vmem>>[vector<16xi32>], vector<16xf32>, vector<16xi1>
    }
    %add3A_992 = arith.constant 2 : i32
    %add3A_993 = arith.addi %mul3A_7, %add3A_992 : i32
    %dma_start3A_994 = arith.constant 0 : i32
    %dma_start3A_995 = tpu.memref_slice %arg4[%add3A_993, %dma_start3A_994] : memref<128x32768xf32, #tpu.memory_space<hbm>> -> memref<1x32768xf32, #tpu.memory_space<hbm>>
    %dma_start3A_996 = tpu.memref_squeeze %dma_start3A_995 : memref<1x32768xf32, #tpu.memory_space<hbm>> -> memref<32768xf32, #tpu.memory_space<hbm>>
    %dma_start3A_997 = arith.constant 0 : i32
    %dma_start3A_998 = tpu.memref_slice %arg4[%add3A_993, %dma_start3A_997] : memref<128x32768xf32, #tpu.memory_space<hbm>> -> memref<1x32768xf32, #tpu.memory_space<hbm>>
    %dma_start3A_999 = tpu.memref_squeeze %dma_start3A_998 : memref<1x32768xf32, #tpu.memory_space<hbm>> -> memref<32768xf32, #tpu.memory_space<hbm>>
    tpu.enqueue_dma source(%arg6 : memref<32768xf32, #tpu.memory_space<vmem>>) target(%dma_start3A_999 : memref<32768xf32, #tpu.memory_space<hbm>>) target_semaphore(%arg16 : memref<!tpu.dma_semaphore, #tpu.memory_space<semaphore_mem>>)
    %dma_wait3A_1000 = arith.constant 0 : i32
    %dma_wait3A_1001 = tpu.memref_slice %arg2[%add3A_832, %dma_wait3A_1000] : memref<128x32768xf32, #tpu.memory_space<hbm>> -> memref<1x32768xf32, #tpu.memory_space<hbm>>
    %dma_wait3A_1002 = tpu.memref_squeeze %dma_wait3A_1001 : memref<1x32768xf32, #tpu.memory_space<hbm>> -> memref<32768xf32, #tpu.memory_space<hbm>>
    %dma_wait3A_1003 = arith.constant 0 : i32
    %dma_wait3A_1004 = tpu.memref_slice %arg2[%add3A_832, %dma_wait3A_1003] : memref<128x32768xf32, #tpu.memory_space<hbm>> -> memref<1x32768xf32, #tpu.memory_space<hbm>>
    %dma_wait3A_1005 = tpu.memref_squeeze %dma_wait3A_1004 : memref<1x32768xf32, #tpu.memory_space<hbm>> -> memref<32768xf32, #tpu.memory_space<hbm>>
    tpu.wait_dma2 semaphore(%arg15 : memref<!tpu.dma_semaphore, #tpu.memory_space<semaphore_mem>>) src(%dma_wait3A_1005 : memref<32768xf32, #tpu.memory_space<hbm>>) dst(%arg7 : memref<32768xf32, #tpu.memory_space<vmem>>)
    %parallel_loop3A_1006 = arith.constant 0 : i32
    %parallel_loop3A_1007 = arith.constant 512 : i32
    %parallel_loop3A_1008 = arith.constant 1 : i32
    scf.for %parallel_loop3A_1334 = %parallel_loop3A_1006 to %parallel_loop3A_1007 step %parallel_loop3A_1008  : i32 {
      %parallel_loop3A_1335 = arith.constant 16 : i32
      %parallel_loop3A_1336 = arith.muli %parallel_loop3A_1334, %parallel_loop3A_1335 : i32
      %parallel_loop3A_1337 = arith.index_cast %parallel_loop3A_1336 : i32 to index
      %parallel_loop3A_1338 = tpu.vector_load %arg8[%parallel_loop3A_1337] {strides = array<i32>} : memref<8192xi32, #tpu.memory_space<vmem>>, vector<16xi32>,
      tpu.vector_store %arg8[%parallel_loop3A_1337], %broadcast_in_dim3A_3 {strides = array<i32>} : memref<8192xi32, #tpu.memory_space<vmem>>, vector<16xi32>,
    } {sc.loop_unroll_factor = 8 : i64, sc.parallel_access}
    %parallel_loop3A_1009 = arith.constant 0 : i32
    %parallel_loop3A_1010 = arith.constant 2048 : i32
    %parallel_loop3A_1011 = arith.constant 1 : i32
    scf.for %parallel_loop3A_1334 = %parallel_loop3A_1009 to %parallel_loop3A_1010 step %parallel_loop3A_1011  : i32 {
      %parallel_loop3A_1335 = arith.constant 16 : i32
      %parallel_loop3A_1336 = arith.muli %parallel_loop3A_1334, %parallel_loop3A_1335 : i32
      %parallel_loop3A_1337 = arith.index_cast %parallel_loop3A_1336 : i32 to index
      %parallel_loop3A_1338 = tpu.vector_load %arg7[%parallel_loop3A_1337] {strides = array<i32>} : memref<32768xf32, #tpu.memory_space<vmem>>, vector<16xf32>,
      %parallel_loop3A_1339 = arith.index_cast %parallel_loop3A_1336 : i32 to index
      %parallel_loop3A_1340 = tpu.vector_load %arg5[%parallel_loop3A_1339] {strides = array<i32>} : memref<32768xf32, #tpu.memory_space<vmem>>, vector<16xf32>,
      %parallel_loop3A_1341 = arith.mulf %parallel_loop3A_1338, %parallel_loop3A_1340 : vector<16xf32>
      %parallel_loop3A_1342 = tpu.bitcast %parallel_loop3A_1341 : vector<16xf32> -> vector<16xi32>
      %parallel_loop3A_1343 = arith.constant 31 : i32
      %parallel_loop3A_1344 = vector.broadcast %parallel_loop3A_1343 : i32 to vector<16xi32>
      %parallel_loop3A_1345 = arith.shrui %parallel_loop3A_1342, %parallel_loop3A_1344 : vector<16xi32>
      %parallel_loop3A_1346 = arith.constant 0 : i32
      %parallel_loop3A_1347 = vector.broadcast %parallel_loop3A_1346 : i32 to vector<16xi32>
      %parallel_loop3A_1348 = arith.cmpi ne, %parallel_loop3A_1345, %parallel_loop3A_1347 : vector<16xi32>
      %parallel_loop3A_1349 = arith.constant dense<-1> : vector<16xi32>
      %parallel_loop3A_1350 = arith.xori %parallel_loop3A_1342, %parallel_loop3A_1349 : vector<16xi32>
      %parallel_loop3A_1351 = arith.constant -2147483648 : i32
      %parallel_loop3A_1352 = vector.broadcast %parallel_loop3A_1351 : i32 to vector<16xi32>
      %parallel_loop3A_1353 = arith.ori %parallel_loop3A_1342, %parallel_loop3A_1352 : vector<16xi32>
      %parallel_loop3A_1354 = arith.select %parallel_loop3A_1348, %parallel_loop3A_1350, %parallel_loop3A_1353 : vector<16xi1>, vector<16xi32>
      %parallel_loop3A_1355 = arith.constant 19 : i32
      %parallel_loop3A_1356 = vector.broadcast %parallel_loop3A_1355 : i32 to vector<16xi32>
      %parallel_loop3A_1357 = arith.shrui %parallel_loop3A_1354, %parallel_loop3A_1356 : vector<16xi32>
      tpu.vector_store_idx %arg8[%parallel_loop3A_1357], %broadcast_in_dim3A_1 {add = true} : memref<8192xi32, #tpu.memory_space<vmem>>[vector<16xi32>], vector<16xi32>,
    } {sc.loop_unroll_factor = 8 : i64, sc.parallel_access}
    %parallel_loop3A_1012 = arith.constant 0 : i32
    %parallel_loop3A_1013 = arith.constant 32 : i32
    %parallel_loop3A_1014 = arith.constant 1 : i32
    scf.for %parallel_loop3A_1334 = %parallel_loop3A_1012 to %parallel_loop3A_1013 step %parallel_loop3A_1014  : i32 {
      %parallel_loop3A_1335 = arith.constant 256 : i32
      %parallel_loop3A_1336 = arith.muli %parallel_loop3A_1334, %parallel_loop3A_1335 : i32
      %parallel_loop3A_1337 = arith.constant 0 : i32
      %parallel_loop3A_1338 = arith.addi %parallel_loop3A_1336, %parallel_loop3A_1337 : i32
      %parallel_loop3A_1339 = arith.index_cast %parallel_loop3A_1338 : i32 to index
      %parallel_loop3A_1340 = tpu.vector_load %arg8[%parallel_loop3A_1339] {strides = array<i32>} : memref<8192xi32, #tpu.memory_space<vmem>>, vector<16xi32>,
      %parallel_loop3A_1341 = arith.addi %broadcast_in_dim3A_3, %parallel_loop3A_1340 : vector<16xi32>
      %parallel_loop3A_1342 = arith.constant 256 : i32
      %parallel_loop3A_1343 = arith.muli %parallel_loop3A_1334, %parallel_loop3A_1342 : i32
      %parallel_loop3A_1344 = arith.constant 16 : i32
      %parallel_loop3A_1345 = arith.addi %parallel_loop3A_1343, %parallel_loop3A_1344 : i32
      %parallel_loop3A_1346 = arith.index_cast %parallel_loop3A_1345 : i32 to index
      %parallel_loop3A_1347 = tpu.vector_load %arg8[%parallel_loop3A_1346] {strides = array<i32>} : memref<8192xi32, #tpu.memory_space<vmem>>, vector<16xi32>,
      %parallel_loop3A_1348 = arith.addi %parallel_loop3A_1341, %parallel_loop3A_1347 : vector<16xi32>
      %parallel_loop3A_1349 = arith.constant 256 : i32
      %parallel_loop3A_1350 = arith.muli %parallel_loop3A_1334, %parallel_loop3A_1349 : i32
      %parallel_loop3A_1351 = arith.constant 32 : i32
      %parallel_loop3A_1352 = arith.addi %parallel_loop3A_1350, %parallel_loop3A_1351 : i32
      %parallel_loop3A_1353 = arith.index_cast %parallel_loop3A_1352 : i32 to index
      %parallel_loop3A_1354 = tpu.vector_load %arg8[%parallel_loop3A_1353] {strides = array<i32>} : memref<8192xi32, #tpu.memory_space<vmem>>, vector<16xi32>,
      %parallel_loop3A_1355 = arith.addi %parallel_loop3A_1348, %parallel_loop3A_1354 : vector<16xi32>
      %parallel_loop3A_1356 = arith.constant 256 : i32
      %parallel_loop3A_1357 = arith.muli %parallel_loop3A_1334, %parallel_loop3A_1356 : i32
      %parallel_loop3A_1358 = arith.constant 48 : i32
      %parallel_loop3A_1359 = arith.addi %parallel_loop3A_1357, %parallel_loop3A_1358 : i32
      %parallel_loop3A_1360 = arith.index_cast %parallel_loop3A_1359 : i32 to index
      %parallel_loop3A_1361 = tpu.vector_load %arg8[%parallel_loop3A_1360] {strides = array<i32>} : memref<8192xi32, #tpu.memory_space<vmem>>, vector<16xi32>,
      %parallel_loop3A_1362 = arith.addi %parallel_loop3A_1355, %parallel_loop3A_1361 : vector<16xi32>
      %parallel_loop3A_1363 = arith.constant 256 : i32
      %parallel_loop3A_1364 = arith.muli %parallel_loop3A_1334, %parallel_loop3A_1363 : i32
      %parallel_loop3A_1365 = arith.constant 64 : i32
      %parallel_loop3A_1366 = arith.addi %parallel_loop3A_1364, %parallel_loop3A_1365 : i32
      %parallel_loop3A_1367 = arith.index_cast %parallel_loop3A_1366 : i32 to index
      %parallel_loop3A_1368 = tpu.vector_load %arg8[%parallel_loop3A_1367] {strides = array<i32>} : memref<8192xi32, #tpu.memory_space<vmem>>, vector<16xi32>,
      %parallel_loop3A_1369 = arith.addi %parallel_loop3A_1362, %parallel_loop3A_1368 : vector<16xi32>
      %parallel_loop3A_1370 = arith.constant 256 : i32
      %parallel_loop3A_1371 = arith.muli %parallel_loop3A_1334, %parallel_loop3A_1370 : i32
      %parallel_loop3A_1372 = arith.constant 80 : i32
      %parallel_loop3A_1373 = arith.addi %parallel_loop3A_1371, %parallel_loop3A_1372 : i32
      %parallel_loop3A_1374 = arith.index_cast %parallel_loop3A_1373 : i32 to index
      %parallel_loop3A_1375 = tpu.vector_load %arg8[%parallel_loop3A_1374] {strides = array<i32>} : memref<8192xi32, #tpu.memory_space<vmem>>, vector<16xi32>,
      %parallel_loop3A_1376 = arith.addi %parallel_loop3A_1369, %parallel_loop3A_1375 : vector<16xi32>
      %parallel_loop3A_1377 = arith.constant 256 : i32
      %parallel_loop3A_1378 = arith.muli %parallel_loop3A_1334, %parallel_loop3A_1377 : i32
      %parallel_loop3A_1379 = arith.constant 96 : i32
      %parallel_loop3A_1380 = arith.addi %parallel_loop3A_1378, %parallel_loop3A_1379 : i32
      %parallel_loop3A_1381 = arith.index_cast %parallel_loop3A_1380 : i32 to index
      %parallel_loop3A_1382 = tpu.vector_load %arg8[%parallel_loop3A_1381] {strides = array<i32>} : memref<8192xi32, #tpu.memory_space<vmem>>, vector<16xi32>,
      %parallel_loop3A_1383 = arith.addi %parallel_loop3A_1376, %parallel_loop3A_1382 : vector<16xi32>
      %parallel_loop3A_1384 = arith.constant 256 : i32
      %parallel_loop3A_1385 = arith.muli %parallel_loop3A_1334, %parallel_loop3A_1384 : i32
      %parallel_loop3A_1386 = arith.constant 112 : i32
      %parallel_loop3A_1387 = arith.addi %parallel_loop3A_1385, %parallel_loop3A_1386 : i32
      %parallel_loop3A_1388 = arith.index_cast %parallel_loop3A_1387 : i32 to index
      %parallel_loop3A_1389 = tpu.vector_load %arg8[%parallel_loop3A_1388] {strides = array<i32>} : memref<8192xi32, #tpu.memory_space<vmem>>, vector<16xi32>,
      %parallel_loop3A_1390 = arith.addi %parallel_loop3A_1383, %parallel_loop3A_1389 : vector<16xi32>
      %parallel_loop3A_1391 = arith.constant 256 : i32
      %parallel_loop3A_1392 = arith.muli %parallel_loop3A_1334, %parallel_loop3A_1391 : i32
      %parallel_loop3A_1393 = arith.constant 128 : i32
      %parallel_loop3A_1394 = arith.addi %parallel_loop3A_1392, %parallel_loop3A_1393 : i32
      %parallel_loop3A_1395 = arith.index_cast %parallel_loop3A_1394 : i32 to index
      %parallel_loop3A_1396 = tpu.vector_load %arg8[%parallel_loop3A_1395] {strides = array<i32>} : memref<8192xi32, #tpu.memory_space<vmem>>, vector<16xi32>,
      %parallel_loop3A_1397 = arith.addi %parallel_loop3A_1390, %parallel_loop3A_1396 : vector<16xi32>
      %parallel_loop3A_1398 = arith.constant 256 : i32
      %parallel_loop3A_1399 = arith.muli %parallel_loop3A_1334, %parallel_loop3A_1398 : i32
      %parallel_loop3A_1400 = arith.constant 144 : i32
      %parallel_loop3A_1401 = arith.addi %parallel_loop3A_1399, %parallel_loop3A_1400 : i32
      %parallel_loop3A_1402 = arith.index_cast %parallel_loop3A_1401 : i32 to index
      %parallel_loop3A_1403 = tpu.vector_load %arg8[%parallel_loop3A_1402] {strides = array<i32>} : memref<8192xi32, #tpu.memory_space<vmem>>, vector<16xi32>,
      %parallel_loop3A_1404 = arith.addi %parallel_loop3A_1397, %parallel_loop3A_1403 : vector<16xi32>
      %parallel_loop3A_1405 = arith.constant 256 : i32
      %parallel_loop3A_1406 = arith.muli %parallel_loop3A_1334, %parallel_loop3A_1405 : i32
      %parallel_loop3A_1407 = arith.constant 160 : i32
      %parallel_loop3A_1408 = arith.addi %parallel_loop3A_1406, %parallel_loop3A_1407 : i32
      %parallel_loop3A_1409 = arith.index_cast %parallel_loop3A_1408 : i32 to index
      %parallel_loop3A_1410 = tpu.vector_load %arg8[%parallel_loop3A_1409] {strides = array<i32>} : memref<8192xi32, #tpu.memory_space<vmem>>, vector<16xi32>,
      %parallel_loop3A_1411 = arith.addi %parallel_loop3A_1404, %parallel_loop3A_1410 : vector<16xi32>
      %parallel_loop3A_1412 = arith.constant 256 : i32
      %parallel_loop3A_1413 = arith.muli %parallel_loop3A_1334, %parallel_loop3A_1412 : i32
      %parallel_loop3A_1414 = arith.constant 176 : i32
      %parallel_loop3A_1415 = arith.addi %parallel_loop3A_1413, %parallel_loop3A_1414 : i32
      %parallel_loop3A_1416 = arith.index_cast %parallel_loop3A_1415 : i32 to index
      %parallel_loop3A_1417 = tpu.vector_load %arg8[%parallel_loop3A_1416] {strides = array<i32>} : memref<8192xi32, #tpu.memory_space<vmem>>, vector<16xi32>,
      %parallel_loop3A_1418 = arith.addi %parallel_loop3A_1411, %parallel_loop3A_1417 : vector<16xi32>
      %parallel_loop3A_1419 = arith.constant 256 : i32
      %parallel_loop3A_1420 = arith.muli %parallel_loop3A_1334, %parallel_loop3A_1419 : i32
      %parallel_loop3A_1421 = arith.constant 192 : i32
      %parallel_loop3A_1422 = arith.addi %parallel_loop3A_1420, %parallel_loop3A_1421 : i32
      %parallel_loop3A_1423 = arith.index_cast %parallel_loop3A_1422 : i32 to index
      %parallel_loop3A_1424 = tpu.vector_load %arg8[%parallel_loop3A_1423] {strides = array<i32>} : memref<8192xi32, #tpu.memory_space<vmem>>, vector<16xi32>,
      %parallel_loop3A_1425 = arith.addi %parallel_loop3A_1418, %parallel_loop3A_1424 : vector<16xi32>
      %parallel_loop3A_1426 = arith.constant 256 : i32
      %parallel_loop3A_1427 = arith.muli %parallel_loop3A_1334, %parallel_loop3A_1426 : i32
      %parallel_loop3A_1428 = arith.constant 208 : i32
      %parallel_loop3A_1429 = arith.addi %parallel_loop3A_1427, %parallel_loop3A_1428 : i32
      %parallel_loop3A_1430 = arith.index_cast %parallel_loop3A_1429 : i32 to index
      %parallel_loop3A_1431 = tpu.vector_load %arg8[%parallel_loop3A_1430] {strides = array<i32>} : memref<8192xi32, #tpu.memory_space<vmem>>, vector<16xi32>,
      %parallel_loop3A_1432 = arith.addi %parallel_loop3A_1425, %parallel_loop3A_1431 : vector<16xi32>
      %parallel_loop3A_1433 = arith.constant 256 : i32
      %parallel_loop3A_1434 = arith.muli %parallel_loop3A_1334, %parallel_loop3A_1433 : i32
      %parallel_loop3A_1435 = arith.constant 224 : i32
      %parallel_loop3A_1436 = arith.addi %parallel_loop3A_1434, %parallel_loop3A_1435 : i32
      %parallel_loop3A_1437 = arith.index_cast %parallel_loop3A_1436 : i32 to index
      %parallel_loop3A_1438 = tpu.vector_load %arg8[%parallel_loop3A_1437] {strides = array<i32>} : memref<8192xi32, #tpu.memory_space<vmem>>, vector<16xi32>,
      %parallel_loop3A_1439 = arith.addi %parallel_loop3A_1432, %parallel_loop3A_1438 : vector<16xi32>
      %parallel_loop3A_1440 = arith.constant 256 : i32
      %parallel_loop3A_1441 = arith.muli %parallel_loop3A_1334, %parallel_loop3A_1440 : i32
      %parallel_loop3A_1442 = arith.constant 240 : i32
      %parallel_loop3A_1443 = arith.addi %parallel_loop3A_1441, %parallel_loop3A_1442 : i32
      %parallel_loop3A_1444 = arith.index_cast %parallel_loop3A_1443 : i32 to index
      %parallel_loop3A_1445 = tpu.vector_load %arg8[%parallel_loop3A_1444] {strides = array<i32>} : memref<8192xi32, #tpu.memory_space<vmem>>, vector<16xi32>,
      %parallel_loop3A_1446 = arith.addi %parallel_loop3A_1439, %parallel_loop3A_1445 : vector<16xi32>
      %parallel_loop3A_1447 = vector.broadcast %parallel_loop3A_1334 : i32 to vector<16xi32>
      %parallel_loop3A_1448 = arith.constant true
      %parallel_loop3A_1449 = vector.broadcast %parallel_loop3A_1448 : i1 to vector<16xi1>
      %parallel_loop3A_1450 = tpu.scan <sum>, %parallel_loop3A_1446 masked %parallel_loop3A_1449 : vector<16xi32>, vector<16xi1> -> vector<16xi32>
      tpu.vector_store_idx %arg9[%parallel_loop3A_1447], %parallel_loop3A_1450 masked %eq3A_5 : memref<32xi32, #tpu.memory_space<vmem>>[vector<16xi32>], vector<16xi32>, vector<16xi1>
    } {sc.loop_unroll_factor = 1 : i64, sc.parallel_access}
    %get3A_1015 = arith.constant 0 : index
    %get3A_1016 = tpu.vector_load %arg9[%get3A_1015] {strides = array<i32>} : memref<32xi32, #tpu.memory_space<vmem>>, vector<16xi32>,
    %broadcast_in_dim3A_1017 = arith.constant true
    %broadcast_in_dim3A_1018 = vector.broadcast %broadcast_in_dim3A_1017 : i1 to vector<16xi1>
    %masked_cumsum3A_1019 = tpu.scan <sum>, %get3A_1016 masked %broadcast_in_dim3A_1018 : vector<16xi32>, vector<16xi1> -> vector<16xi32>
    %get3A_1020 = arith.constant 16 : index
    %get3A_1021 = tpu.vector_load %arg9[%get3A_1020] {strides = array<i32>} : memref<32xi32, #tpu.memory_space<vmem>>, vector<16xi32>,
    %broadcast_in_dim3A_1022 = arith.constant true
    %broadcast_in_dim3A_1023 = vector.broadcast %broadcast_in_dim3A_1022 : i1 to vector<16xi1>
    %masked_cumsum3A_1024 = tpu.scan <sum>, %get3A_1021 masked %broadcast_in_dim3A_1023 : vector<16xi32>, vector<16xi1> -> vector<16xi32>
    %reduce_max3A_1025 = arith.constant true
    %reduce_max3A_1026 = vector.broadcast %reduce_max3A_1025 : i1 to vector<16xi1>
    %reduce_max3A_1027 = arith.constant -2147483648 : i32
    %reduce_max3A_1028 = vector.broadcast %reduce_max3A_1027 : i32 to vector<16xi32>
    %reduce_max3A_1029 = arith.xori %masked_cumsum3A_1019, %reduce_max3A_1028 : vector<16xi32>
    %reduce_max3A_1030 = tpu.scan <max>, %reduce_max3A_1029 masked %reduce_max3A_1026 : vector<16xi32>, vector<16xi1> -> vector<16xi32>
    %reduce_max3A_1031 = arith.xori %reduce_max3A_1030, %reduce_max3A_1028 : vector<16xi32>
    %reduce_max3A_1032 = vector.extract %reduce_max3A_1031[15] : i32 from vector<16xi32>
    %add3A_1033 = vector.broadcast %reduce_max3A_1032 : i32 to vector<16xi32>
    %add3A_1034 = arith.addi %masked_cumsum3A_1024, %add3A_1033 : vector<16xi32>
    %le3A_1035 = arith.constant 29491 : i32
    %le3A_1036 = vector.broadcast %le3A_1035 : i32 to vector<16xi32>
    %le3A_1037 = arith.cmpi sle, %masked_cumsum3A_1019, %le3A_1036 : vector<16xi32>
    %all_reduce_population_count3A_1038 = tpu.all_reduce %le3A_1037 {dim = 0 : i64, kind = #tpu.reduction_kind<sum>} : vector<16xi1> -> vector<16xi32>
    %reduce_max3A_1039 = arith.constant true
    %reduce_max3A_1040 = vector.broadcast %reduce_max3A_1039 : i1 to vector<16xi1>
    %reduce_max3A_1041 = arith.constant -2147483648 : i32
    %reduce_max3A_1042 = vector.broadcast %reduce_max3A_1041 : i32 to vector<16xi32>
    %reduce_max3A_1043 = arith.xori %all_reduce_population_count3A_1038, %reduce_max3A_1042 : vector<16xi32>
    %reduce_max3A_1044 = tpu.scan <max>, %reduce_max3A_1043 masked %reduce_max3A_1040 : vector<16xi32>, vector<16xi1> -> vector<16xi32>
    %reduce_max3A_1045 = arith.xori %reduce_max3A_1044, %reduce_max3A_1042 : vector<16xi32>
    %reduce_max3A_1046 = vector.extract %reduce_max3A_1045[15] : i32 from vector<16xi32>
    %jit3A_1047 = arith.constant 0 : i32
    %broadcast_in_dim3A_1048 = vector.broadcast %jit3A_1047 : i32 to vector<16xi32>
    %select_n3A_1049 = arith.select %le3A_1037, %masked_cumsum3A_1019, %broadcast_in_dim3A_1048 : vector<16xi1>, vector<16xi32>
    %reduce_max3A_1050 = arith.constant true
    %reduce_max3A_1051 = vector.broadcast %reduce_max3A_1050 : i1 to vector<16xi1>
    %reduce_max3A_1052 = arith.constant -2147483648 : i32
    %reduce_max3A_1053 = vector.broadcast %reduce_max3A_1052 : i32 to vector<16xi32>
    %reduce_max3A_1054 = arith.xori %select_n3A_1049, %reduce_max3A_1053 : vector<16xi32>
    %reduce_max3A_1055 = tpu.scan <max>, %reduce_max3A_1054 masked %reduce_max3A_1051 : vector<16xi32>, vector<16xi1> -> vector<16xi32>
    %reduce_max3A_1056 = arith.xori %reduce_max3A_1055, %reduce_max3A_1053 : vector<16xi32>
    %reduce_max3A_1057 = vector.extract %reduce_max3A_1056[15] : i32 from vector<16xi32>
    %max3A_1058 = arith.constant 0 : i32
    %max3A_1059 = arith.maxsi %reduce_max3A_1057, %max3A_1058 : i32
    %le3A_1060 = arith.constant 29491 : i32
    %le3A_1061 = vector.broadcast %le3A_1060 : i32 to vector<16xi32>
    %le3A_1062 = arith.cmpi sle, %add3A_1034, %le3A_1061 : vector<16xi32>
    %all_reduce_population_count3A_1063 = tpu.all_reduce %le3A_1062 {dim = 0 : i64, kind = #tpu.reduction_kind<sum>} : vector<16xi1> -> vector<16xi32>
    %reduce_max3A_1064 = arith.constant true
    %reduce_max3A_1065 = vector.broadcast %reduce_max3A_1064 : i1 to vector<16xi1>
    %reduce_max3A_1066 = arith.constant -2147483648 : i32
    %reduce_max3A_1067 = vector.broadcast %reduce_max3A_1066 : i32 to vector<16xi32>
    %reduce_max3A_1068 = arith.xori %all_reduce_population_count3A_1063, %reduce_max3A_1067 : vector<16xi32>
    %reduce_max3A_1069 = tpu.scan <max>, %reduce_max3A_1068 masked %reduce_max3A_1065 : vector<16xi32>, vector<16xi1> -> vector<16xi32>
    %reduce_max3A_1070 = arith.xori %reduce_max3A_1069, %reduce_max3A_1067 : vector<16xi32>
    %reduce_max3A_1071 = vector.extract %reduce_max3A_1070[15] : i32 from vector<16xi32>
    %jit3A_1072 = arith.constant 0 : i32
    %broadcast_in_dim3A_1073 = vector.broadcast %jit3A_1072 : i32 to vector<16xi32>
    %select_n3A_1074 = arith.select %le3A_1062, %add3A_1034, %broadcast_in_dim3A_1073 : vector<16xi1>, vector<16xi32>
    %reduce_max3A_1075 = arith.constant true
    %reduce_max3A_1076 = vector.broadcast %reduce_max3A_1075 : i1 to vector<16xi1>
    %reduce_max3A_1077 = arith.constant -2147483648 : i32
    %reduce_max3A_1078 = vector.broadcast %reduce_max3A_1077 : i32 to vector<16xi32>
    %reduce_max3A_1079 = arith.xori %select_n3A_1074, %reduce_max3A_1078 : vector<16xi32>
    %reduce_max3A_1080 = tpu.scan <max>, %reduce_max3A_1079 masked %reduce_max3A_1076 : vector<16xi32>, vector<16xi1> -> vector<16xi32>
    %reduce_max3A_1081 = arith.xori %reduce_max3A_1080, %reduce_max3A_1078 : vector<16xi32>
    %reduce_max3A_1082 = vector.extract %reduce_max3A_1081[15] : i32 from vector<16xi32>
    %max3A_1083 = arith.maxsi %reduce_max3A_1082, %max3A_1059 : i32
    %add3A_1084 = arith.addi %reduce_max3A_1046, %reduce_max3A_1071 : i32
    %parallel_loop3A_1085 = arith.constant 0 : i32
    %parallel_loop3A_1086 = arith.constant 16 : i32
    %parallel_loop3A_1087 = arith.constant 1 : i32
    scf.for %parallel_loop3A_1334 = %parallel_loop3A_1085 to %parallel_loop3A_1086 step %parallel_loop3A_1087  : i32 {
      %parallel_loop3A_1335 = arith.constant 256 : i32
      %parallel_loop3A_1336 = arith.muli %add3A_1084, %parallel_loop3A_1335 : i32
      %parallel_loop3A_1337 = arith.constant 16 : i32
      %parallel_loop3A_1338 = arith.muli %parallel_loop3A_1334, %parallel_loop3A_1337 : i32
      %parallel_loop3A_1339 = arith.addi %parallel_loop3A_1336, %parallel_loop3A_1338 : i32
      %parallel_loop3A_1340 = arith.index_cast %parallel_loop3A_1339 : i32 to index
      %parallel_loop3A_1341 = tpu.vector_load %arg8[%parallel_loop3A_1340] {strides = array<i32>} : memref<8192xi32, #tpu.memory_space<vmem>>, vector<16xi32>,
      %parallel_loop3A_1342 = vector.broadcast %parallel_loop3A_1334 : i32 to vector<16xi32>
      %parallel_loop3A_1343 = arith.constant true
      %parallel_loop3A_1344 = vector.broadcast %parallel_loop3A_1343 : i1 to vector<16xi1>
      %parallel_loop3A_1345 = tpu.scan <sum>, %parallel_loop3A_1341 masked %parallel_loop3A_1344 : vector<16xi32>, vector<16xi1> -> vector<16xi32>
      tpu.vector_store_idx %arg10[%parallel_loop3A_1342], %parallel_loop3A_1345 masked %eq3A_5 : memref<16xi32, #tpu.memory_space<vmem>>[vector<16xi32>], vector<16xi32>, vector<16xi1>
    } {sc.loop_unroll_factor = 1 : i64, sc.parallel_access}
    %get3A_1088 = arith.constant 0 : index
    %get3A_1089 = tpu.vector_load %arg10[%get3A_1088] {strides = array<i32>} : memref<16xi32, #tpu.memory_space<vmem>>, vector<16xi32>,
    %broadcast_in_dim3A_1090 = arith.constant true
    %broadcast_in_dim3A_1091 = vector.broadcast %broadcast_in_dim3A_1090 : i1 to vector<16xi1>
    %masked_cumsum3A_1092 = tpu.scan <sum>, %get3A_1089 masked %broadcast_in_dim3A_1091 : vector<16xi32>, vector<16xi1> -> vector<16xi32>
    %add3A_1093 = vector.broadcast %max3A_1083 : i32 to vector<16xi32>
    %add3A_1094 = arith.addi %masked_cumsum3A_1092, %add3A_1093 : vector<16xi32>
    %le3A_1095 = arith.constant 29491 : i32
    %le3A_1096 = vector.broadcast %le3A_1095 : i32 to vector<16xi32>
    %le3A_1097 = arith.cmpi sle, %add3A_1094, %le3A_1096 : vector<16xi32>
    %all_reduce_population_count3A_1098 = tpu.all_reduce %le3A_1097 {dim = 0 : i64, kind = #tpu.reduction_kind<sum>} : vector<16xi1> -> vector<16xi32>
    %reduce_max3A_1099 = arith.constant true
    %reduce_max3A_1100 = vector.broadcast %reduce_max3A_1099 : i1 to vector<16xi1>
    %reduce_max3A_1101 = arith.constant -2147483648 : i32
    %reduce_max3A_1102 = vector.broadcast %reduce_max3A_1101 : i32 to vector<16xi32>
    %reduce_max3A_1103 = arith.xori %all_reduce_population_count3A_1098, %reduce_max3A_1102 : vector<16xi32>
    %reduce_max3A_1104 = tpu.scan <max>, %reduce_max3A_1103 masked %reduce_max3A_1100 : vector<16xi32>, vector<16xi1> -> vector<16xi32>
    %reduce_max3A_1105 = arith.xori %reduce_max3A_1104, %reduce_max3A_1102 : vector<16xi32>
    %reduce_max3A_1106 = vector.extract %reduce_max3A_1105[15] : i32 from vector<16xi32>
    %jit3A_1107 = arith.constant 0 : i32
    %broadcast_in_dim3A_1108 = vector.broadcast %jit3A_1107 : i32 to vector<16xi32>
    %select_n3A_1109 = arith.select %le3A_1097, %add3A_1094, %broadcast_in_dim3A_1108 : vector<16xi1>, vector<16xi32>
    %reduce_max3A_1110 = arith.constant true
    %reduce_max3A_1111 = vector.broadcast %reduce_max3A_1110 : i1 to vector<16xi1>
    %reduce_max3A_1112 = arith.constant -2147483648 : i32
    %reduce_max3A_1113 = vector.broadcast %reduce_max3A_1112 : i32 to vector<16xi32>
    %reduce_max3A_1114 = arith.xori %select_n3A_1109, %reduce_max3A_1113 : vector<16xi32>
    %reduce_max3A_1115 = tpu.scan <max>, %reduce_max3A_1114 masked %reduce_max3A_1111 : vector<16xi32>, vector<16xi1> -> vector<16xi32>
    %reduce_max3A_1116 = arith.xori %reduce_max3A_1115, %reduce_max3A_1113 : vector<16xi32>
    %reduce_max3A_1117 = vector.extract %reduce_max3A_1116[15] : i32 from vector<16xi32>
    %max3A_1118 = arith.maxsi %reduce_max3A_1117, %max3A_1083 : i32
    %mul3A_1119 = arith.constant 256 : i32
    %mul3A_1120 = arith.muli %add3A_1084, %mul3A_1119 : i32
    %mul3A_1121 = arith.constant 16 : i32
    %mul3A_1122 = arith.muli %reduce_max3A_1106, %mul3A_1121 : i32
    %add3A_1123 = arith.addi %mul3A_1120, %mul3A_1122 : i32
    %get3A_1124 = arith.index_cast %add3A_1123 : i32 to index
    %get3A_1125 = tpu.vector_load %arg8[%get3A_1124] {strides = array<i32>} : memref<8192xi32, #tpu.memory_space<vmem>>, vector<16xi32>,
    %broadcast_in_dim3A_1126 = arith.constant true
    %broadcast_in_dim3A_1127 = vector.broadcast %broadcast_in_dim3A_1126 : i1 to vector<16xi1>
    %masked_cumsum3A_1128 = tpu.scan <sum>, %get3A_1125 masked %broadcast_in_dim3A_1127 : vector<16xi32>, vector<16xi1> -> vector<16xi32>
    %add3A_1129 = vector.broadcast %max3A_1118 : i32 to vector<16xi32>
    %add3A_1130 = arith.addi %masked_cumsum3A_1128, %add3A_1129 : vector<16xi32>
    %le3A_1131 = arith.constant 29491 : i32
    %le3A_1132 = vector.broadcast %le3A_1131 : i32 to vector<16xi32>
    %le3A_1133 = arith.cmpi sle, %add3A_1130, %le3A_1132 : vector<16xi32>
    %all_reduce_population_count3A_1134 = tpu.all_reduce %le3A_1133 {dim = 0 : i64, kind = #tpu.reduction_kind<sum>} : vector<16xi1> -> vector<16xi32>
    %reduce_max3A_1135 = arith.constant true
    %reduce_max3A_1136 = vector.broadcast %reduce_max3A_1135 : i1 to vector<16xi1>
    %reduce_max3A_1137 = arith.constant -2147483648 : i32
    %reduce_max3A_1138 = vector.broadcast %reduce_max3A_1137 : i32 to vector<16xi32>
    %reduce_max3A_1139 = arith.xori %all_reduce_population_count3A_1134, %reduce_max3A_1138 : vector<16xi32>
    %reduce_max3A_1140 = tpu.scan <max>, %reduce_max3A_1139 masked %reduce_max3A_1136 : vector<16xi32>, vector<16xi1> -> vector<16xi32>
    %reduce_max3A_1141 = arith.xori %reduce_max3A_1140, %reduce_max3A_1138 : vector<16xi32>
    %reduce_max3A_1142 = vector.extract %reduce_max3A_1141[15] : i32 from vector<16xi32>
    %jit3A_1143 = arith.constant 0 : i32
    %broadcast_in_dim3A_1144 = vector.broadcast %jit3A_1143 : i32 to vector<16xi32>
    %select_n3A_1145 = arith.select %le3A_1133, %add3A_1130, %broadcast_in_dim3A_1144 : vector<16xi1>, vector<16xi32>
    %reduce_max3A_1146 = arith.constant true
    %reduce_max3A_1147 = vector.broadcast %reduce_max3A_1146 : i1 to vector<16xi1>
    %reduce_max3A_1148 = arith.constant -2147483648 : i32
    %reduce_max3A_1149 = vector.broadcast %reduce_max3A_1148 : i32 to vector<16xi32>
    %reduce_max3A_1150 = arith.xori %select_n3A_1145, %reduce_max3A_1149 : vector<16xi32>
    %reduce_max3A_1151 = tpu.scan <max>, %reduce_max3A_1150 masked %reduce_max3A_1147 : vector<16xi32>, vector<16xi1> -> vector<16xi32>
    %reduce_max3A_1152 = arith.xori %reduce_max3A_1151, %reduce_max3A_1149 : vector<16xi32>
    %reduce_max3A_1153 = vector.extract %reduce_max3A_1152[15] : i32 from vector<16xi32>
    %max3A_1154 = arith.maxsi %reduce_max3A_1153, %max3A_1118 : i32
    %mul3A_1155 = arith.constant 256 : i32
    %mul3A_1156 = arith.muli %add3A_1084, %mul3A_1155 : i32
    %mul3A_1157 = arith.constant 16 : i32
    %mul3A_1158 = arith.muli %reduce_max3A_1106, %mul3A_1157 : i32
    %add3A_1159 = arith.addi %mul3A_1156, %mul3A_1158 : i32
    %add3A_1160 = arith.addi %add3A_1159, %reduce_max3A_1142 : i32
    %parallel_loop3A_1161 = arith.constant 0 : i32
    %parallel_loop3A_1162 = arith.constant 2048 : i32
    %parallel_loop3A_1163 = arith.constant 1 : i32
    %parallel_loop3A_1164 = scf.for %parallel_loop3A_1334 = %parallel_loop3A_1161 to %parallel_loop3A_1162 step %parallel_loop3A_1163 iter_args(%parallel_loop3A_1335 = %broadcast_in_dim3A_3) -> (vector<16xi32>)  : i32 {
      %parallel_loop3A_1336 = arith.constant 16 : i32
      %parallel_loop3A_1337 = arith.muli %parallel_loop3A_1334, %parallel_loop3A_1336 : i32
      %parallel_loop3A_1338 = arith.index_cast %parallel_loop3A_1337 : i32 to index
      %parallel_loop3A_1339 = tpu.vector_load %arg7[%parallel_loop3A_1338] {strides = array<i32>} : memref<32768xf32, #tpu.memory_space<vmem>>, vector<16xf32>,
      %parallel_loop3A_1340 = arith.index_cast %parallel_loop3A_1337 : i32 to index
      %parallel_loop3A_1341 = tpu.vector_load %arg5[%parallel_loop3A_1340] {strides = array<i32>} : memref<32768xf32, #tpu.memory_space<vmem>>, vector<16xf32>,
      %parallel_loop3A_1342 = arith.mulf %parallel_loop3A_1339, %parallel_loop3A_1341 : vector<16xf32>
      %parallel_loop3A_1343 = tpu.bitcast %parallel_loop3A_1342 : vector<16xf32> -> vector<16xi32>
      %parallel_loop3A_1344 = arith.constant 31 : i32
      %parallel_loop3A_1345 = vector.broadcast %parallel_loop3A_1344 : i32 to vector<16xi32>
      %parallel_loop3A_1346 = arith.shrui %parallel_loop3A_1343, %parallel_loop3A_1345 : vector<16xi32>
      %parallel_loop3A_1347 = arith.constant 0 : i32
      %parallel_loop3A_1348 = vector.broadcast %parallel_loop3A_1347 : i32 to vector<16xi32>
      %parallel_loop3A_1349 = arith.cmpi ne, %parallel_loop3A_1346, %parallel_loop3A_1348 : vector<16xi32>
      %parallel_loop3A_1350 = arith.constant dense<-1> : vector<16xi32>
      %parallel_loop3A_1351 = arith.xori %parallel_loop3A_1343, %parallel_loop3A_1350 : vector<16xi32>
      %parallel_loop3A_1352 = arith.constant -2147483648 : i32
      %parallel_loop3A_1353 = vector.broadcast %parallel_loop3A_1352 : i32 to vector<16xi32>
      %parallel_loop3A_1354 = arith.ori %parallel_loop3A_1343, %parallel_loop3A_1353 : vector<16xi32>
      %parallel_loop3A_1355 = arith.select %parallel_loop3A_1349, %parallel_loop3A_1351, %parallel_loop3A_1354 : vector<16xi1>, vector<16xi32>
      %parallel_loop3A_1356 = arith.constant 19 : i32
      %parallel_loop3A_1357 = vector.broadcast %parallel_loop3A_1356 : i32 to vector<16xi32>
      %parallel_loop3A_1358 = arith.shrui %parallel_loop3A_1355, %parallel_loop3A_1357 : vector<16xi32>
      %parallel_loop3A_1359 = vector.broadcast %add3A_1160 : i32 to vector<16xi32>
      %parallel_loop3A_1360 = arith.cmpi sge, %parallel_loop3A_1358, %parallel_loop3A_1359 : vector<16xi32>
      %parallel_loop3A_1361 = arith.constant 0.000000e+00 : f32
      %parallel_loop3A_1362 = vector.broadcast %parallel_loop3A_1361 : f32 to vector<16xf32>
      %parallel_loop3A_1363 = arith.select %parallel_loop3A_1360, %parallel_loop3A_1339, %parallel_loop3A_1362 : vector<16xi1>, vector<16xf32>
      %parallel_loop3A_1364 = arith.index_cast %parallel_loop3A_1337 : i32 to index
      %parallel_loop3A_1365 = tpu.vector_load %arg7[%parallel_loop3A_1364] {strides = array<i32>} : memref<32768xf32, #tpu.memory_space<vmem>>, vector<16xf32>,
      tpu.vector_store %arg7[%parallel_loop3A_1364], %parallel_loop3A_1363 {strides = array<i32>} : memref<32768xf32, #tpu.memory_space<vmem>>, vector<16xf32>,
      %parallel_loop3A_1366 = vector.broadcast %add3A_1160 : i32 to vector<16xi32>
      %parallel_loop3A_1367 = arith.cmpi eq, %parallel_loop3A_1358, %parallel_loop3A_1366 : vector<16xi32>
      %parallel_loop3A_1368 = arith.constant 16 : i32
      %parallel_loop3A_1369 = vector.broadcast %parallel_loop3A_1368 : i32 to vector<16xi32>
      %parallel_loop3A_1370 = arith.muli %parallel_loop3A_1335, %parallel_loop3A_1369 : vector<16xi32>
      %parallel_loop3A_1371 = arith.addi %parallel_loop3A_1370, %iota3A : vector<16xi32>
      %parallel_loop3A_1372 = arith.constant 524287 : i32
      %parallel_loop3A_1373 = vector.broadcast %parallel_loop3A_1372 : i32 to vector<16xi32>
      %parallel_loop3A_1374 = arith.andi %parallel_loop3A_1355, %parallel_loop3A_1373 : vector<16xi32>
      %parallel_loop3A_1375 = arith.constant 2 : i32
      %parallel_loop3A_1376 = vector.broadcast %parallel_loop3A_1375 : i32 to vector<16xi32>
      %parallel_loop3A_1377 = arith.shrui %parallel_loop3A_1374, %parallel_loop3A_1376 : vector<16xi32>
      %parallel_loop3A_1378 = arith.constant 15 : i32
      %parallel_loop3A_1379 = vector.broadcast %parallel_loop3A_1378 : i32 to vector<16xi32>
      %parallel_loop3A_1380 = arith.shli %parallel_loop3A_1377, %parallel_loop3A_1379 : vector<16xi32>
      %parallel_loop3A_1381 = arith.constant 16 : i32
      %parallel_loop3A_1382 = arith.muli %parallel_loop3A_1334, %parallel_loop3A_1381 : i32
      %parallel_loop3A_1383 = vector.broadcast %parallel_loop3A_1382 : i32 to vector<16xi32>
      %parallel_loop3A_1384 = arith.addi %iota3A, %parallel_loop3A_1383 : vector<16xi32>
      %parallel_loop3A_1385 = arith.ori %parallel_loop3A_1380, %parallel_loop3A_1384 : vector<16xi32>
      %parallel_loop3A_1386 = tpu.bitcast %parallel_loop3A_1385 : vector<16xi32> -> vector<16xi32>
      tpu.vector_store_idx %arg12[%parallel_loop3A_1371], %parallel_loop3A_1386 masked %parallel_loop3A_1367 : memref<4096xi32, #tpu.memory_space<vmem>>[vector<16xi32>], vector<16xi32>, vector<16xi1>
      %parallel_loop3A_1387 = arith.constant 1 : i32
      %parallel_loop3A_1388 = arith.constant 0 : i32
      %parallel_loop3A_1389 = vector.broadcast %parallel_loop3A_1387 : i32 to vector<16xi32>
      %parallel_loop3A_1390 = vector.broadcast %parallel_loop3A_1388 : i32 to vector<16xi32>
      %parallel_loop3A_1391 = arith.select %parallel_loop3A_1367, %parallel_loop3A_1389, %parallel_loop3A_1390 : vector<16xi1>, vector<16xi32>
      %parallel_loop3A_1392 = arith.addi %parallel_loop3A_1335, %parallel_loop3A_1391 : vector<16xi32>
      scf.yield %parallel_loop3A_1392 : vector<16xi32>
    } {sc.loop_unroll_factor = 8 : i64, sc.parallel_access}
    %reduce_sum3A_1165 = arith.constant true
    %reduce_sum3A_1166 = vector.broadcast %reduce_sum3A_1165 : i1 to vector<16xi1>
    %reduce_sum3A_1167 = tpu.scan <sum>, %parallel_loop3A_1164 masked %reduce_sum3A_1166 : vector<16xi32>, vector<16xi1> -> vector<16xi32>
    %reduce_sum3A_1168 = vector.extract %reduce_sum3A_1167[15] : i32 from vector<16xi32>
    %sub3A_1169 = arith.constant 32768 : i32
    %sub3A_1170 = arith.subi %sub3A_1169, %max3A_1154 : i32
    %sub3A_1171 = arith.subi %sub3A_1170, %reduce_sum3A_1168 : i32
    %sub3A_1172 = arith.constant 3277 : i32
    %sub3A_1173 = arith.subi %sub3A_1172, %sub3A_1171 : i32
    %reduce_max3A_1174 = arith.constant true
    %reduce_max3A_1175 = vector.broadcast %reduce_max3A_1174 : i1 to vector<16xi1>
    %reduce_max3A_1176 = arith.constant -2147483648 : i32
    %reduce_max3A_1177 = vector.broadcast %reduce_max3A_1176 : i32 to vector<16xi32>
    %reduce_max3A_1178 = arith.xori %parallel_loop3A_1164, %reduce_max3A_1177 : vector<16xi32>
    %reduce_max3A_1179 = tpu.scan <max>, %reduce_max3A_1178 masked %reduce_max3A_1175 : vector<16xi32>, vector<16xi1> -> vector<16xi32>
    %reduce_max3A_1180 = arith.xori %reduce_max3A_1179, %reduce_max3A_1177 : vector<16xi32>
    %reduce_max3A_1181 = vector.extract %reduce_max3A_1180[15] : i32 from vector<16xi32>
    %sub3A_1182 = arith.subi %reduce_sum3A_1168, %sub3A_1173 : i32
    %parallel_loop3A_1183 = arith.constant 0 : i32
    %parallel_loop3A_1184 = arith.constant 16 : i32
    %parallel_loop3A_1185 = arith.constant 1 : i32
    scf.for %parallel_loop3A_1334 = %parallel_loop3A_1183 to %parallel_loop3A_1184 step %parallel_loop3A_1185  : i32 {
      %parallel_loop3A_1335 = arith.constant 16 : i32
      %parallel_loop3A_1336 = arith.muli %parallel_loop3A_1334, %parallel_loop3A_1335 : i32
      %parallel_loop3A_1337 = arith.index_cast %parallel_loop3A_1336 : i32 to index
      %parallel_loop3A_1338 = tpu.vector_load %arg11[%parallel_loop3A_1337] {strides = array<i32>} : memref<256xi32, #tpu.memory_space<vmem>>, vector<16xi32>,
      tpu.vector_store %arg11[%parallel_loop3A_1337], %broadcast_in_dim3A_3 {strides = array<i32>} : memref<256xi32, #tpu.memory_space<vmem>>, vector<16xi32>,
    } {sc.loop_unroll_factor = 1 : i64, sc.parallel_access}
    %while3A_1186 = arith.constant 0 : i32
    %while3A_1187 = arith.constant 0 : i32
    %while3A_1188 = arith.subi %reduce_max3A_1181, %while3A_1187 : i32
    %while3A_1189 = arith.addi %while3A_1187, %while3A_1188 : i32
    %while3A_1190 = arith.constant 1 : i32
    %while3A_1191 = arith.divsi %while3A_1188, %while3A_1190 : i32
    %while3A_1192 = arith.muli %while3A_1191, %while3A_1190 : i32
    %while3A_1193 = arith.addi %while3A_1187, %while3A_1192 : i32
    %while3A_1194 = arith.constant 1 : i32
    scf.for %while3A_1334 = %while3A_1187 to %while3A_1193 step %while3A_1194  : i32 {
      %mul3A_1335 = arith.constant 16 : i32
      %mul3A_1336 = arith.muli %while3A_1334, %mul3A_1335 : i32
      %get3A_1337 = arith.index_cast %mul3A_1336 : i32 to index
      %get3A_1338 = tpu.vector_load %arg12[%get3A_1337] {strides = array<i32>} : memref<4096xi32, #tpu.memory_space<vmem>>, vector<16xi32>,
      %bitcast_convert_type3A = tpu.bitcast %get3A_1338 : vector<16xi32> -> vector<16xi32>
      %shift_right_logical3A = arith.constant 24 : i32
      %shift_right_logical3A_1339 = vector.broadcast %shift_right_logical3A : i32 to vector<16xi32>
      %shift_right_logical3A_1340 = arith.shrui %bitcast_convert_type3A, %shift_right_logical3A_1339 : vector<16xi32>
      %lt3A = vector.broadcast %while3A_1334 : i32 to vector<16xi32>
      %lt3A_1341 = arith.cmpi slt, %lt3A, %parallel_loop3A_1164 : vector<16xi32>
      tpu.vector_store_idx %arg11[%shift_right_logical3A_1340], %broadcast_in_dim3A_1 masked %lt3A_1341 {add = true} : memref<256xi32, #tpu.memory_space<vmem>>[vector<16xi32>], vector<16xi32>, vector<16xi1>
    }
    %while3A_1195 = arith.constant 1 : i32
    scf.for %while3A_1334 = %while3A_1193 to %while3A_1189 step %while3A_1195  : i32 {
      %mul3A_1335 = arith.constant 16 : i32
      %mul3A_1336 = arith.muli %while3A_1334, %mul3A_1335 : i32
      %get3A_1337 = arith.index_cast %mul3A_1336 : i32 to index
      %get3A_1338 = tpu.vector_load %arg12[%get3A_1337] {strides = array<i32>} : memref<4096xi32, #tpu.memory_space<vmem>>, vector<16xi32>,
      %bitcast_convert_type3A = tpu.bitcast %get3A_1338 : vector<16xi32> -> vector<16xi32>
      %shift_right_logical3A = arith.constant 24 : i32
      %shift_right_logical3A_1339 = vector.broadcast %shift_right_logical3A : i32 to vector<16xi32>
      %shift_right_logical3A_1340 = arith.shrui %bitcast_convert_type3A, %shift_right_logical3A_1339 : vector<16xi32>
      %lt3A = vector.broadcast %while3A_1334 : i32 to vector<16xi32>
      %lt3A_1341 = arith.cmpi slt, %lt3A, %parallel_loop3A_1164 : vector<16xi32>
      tpu.vector_store_idx %arg11[%shift_right_logical3A_1340], %broadcast_in_dim3A_1 masked %lt3A_1341 {add = true} : memref<256xi32, #tpu.memory_space<vmem>>[vector<16xi32>], vector<16xi32>, vector<16xi1>
    }
    %parallel_loop3A_1196 = arith.constant 0 : i32
    %parallel_loop3A_1197 = arith.constant 16 : i32
    %parallel_loop3A_1198 = arith.constant 1 : i32
    scf.for %parallel_loop3A_1334 = %parallel_loop3A_1196 to %parallel_loop3A_1197 step %parallel_loop3A_1198  : i32 {
      %parallel_loop3A_1335 = arith.constant 16 : i32
      %parallel_loop3A_1336 = arith.muli %parallel_loop3A_1334, %parallel_loop3A_1335 : i32
      %parallel_loop3A_1337 = arith.index_cast %parallel_loop3A_1336 : i32 to index
      %parallel_loop3A_1338 = tpu.vector_load %arg11[%parallel_loop3A_1337] {strides = array<i32>} : memref<256xi32, #tpu.memory_space<vmem>>, vector<16xi32>,
      %parallel_loop3A_1339 = vector.broadcast %parallel_loop3A_1334 : i32 to vector<16xi32>
      %parallel_loop3A_1340 = arith.constant true
      %parallel_loop3A_1341 = vector.broadcast %parallel_loop3A_1340 : i1 to vector<16xi1>
      %parallel_loop3A_1342 = tpu.scan <sum>, %parallel_loop3A_1338 masked %parallel_loop3A_1341 : vector<16xi32>, vector<16xi1> -> vector<16xi32>
      tpu.vector_store_idx %arg10[%parallel_loop3A_1339], %parallel_loop3A_1342 masked %eq3A_5 : memref<16xi32, #tpu.memory_space<vmem>>[vector<16xi32>], vector<16xi32>, vector<16xi1>
    } {sc.loop_unroll_factor = 1 : i64, sc.parallel_access}
    %get3A_1199 = arith.constant 0 : index
    %get3A_1200 = tpu.vector_load %arg10[%get3A_1199] {strides = array<i32>} : memref<16xi32, #tpu.memory_space<vmem>>, vector<16xi32>,
    %broadcast_in_dim3A_1201 = arith.constant true
    %broadcast_in_dim3A_1202 = vector.broadcast %broadcast_in_dim3A_1201 : i1 to vector<16xi1>
    %masked_cumsum3A_1203 = tpu.scan <sum>, %get3A_1200 masked %broadcast_in_dim3A_1202 : vector<16xi32>, vector<16xi1> -> vector<16xi32>
    %le3A_1204 = vector.broadcast %sub3A_1182 : i32 to vector<16xi32>
    %le3A_1205 = arith.cmpi sle, %masked_cumsum3A_1203, %le3A_1204 : vector<16xi32>
    %all_reduce_population_count3A_1206 = tpu.all_reduce %le3A_1205 {dim = 0 : i64, kind = #tpu.reduction_kind<sum>} : vector<16xi1> -> vector<16xi32>
    %reduce_max3A_1207 = arith.constant true
    %reduce_max3A_1208 = vector.broadcast %reduce_max3A_1207 : i1 to vector<16xi1>
    %reduce_max3A_1209 = arith.constant -2147483648 : i32
    %reduce_max3A_1210 = vector.broadcast %reduce_max3A_1209 : i32 to vector<16xi32>
    %reduce_max3A_1211 = arith.xori %all_reduce_population_count3A_1206, %reduce_max3A_1210 : vector<16xi32>
    %reduce_max3A_1212 = tpu.scan <max>, %reduce_max3A_1211 masked %reduce_max3A_1208 : vector<16xi32>, vector<16xi1> -> vector<16xi32>
    %reduce_max3A_1213 = arith.xori %reduce_max3A_1212, %reduce_max3A_1210 : vector<16xi32>
    %reduce_max3A_1214 = vector.extract %reduce_max3A_1213[15] : i32 from vector<16xi32>
    %jit3A_1215 = arith.constant 0 : i32
    %broadcast_in_dim3A_1216 = vector.broadcast %jit3A_1215 : i32 to vector<16xi32>
    %select_n3A_1217 = arith.select %le3A_1205, %masked_cumsum3A_1203, %broadcast_in_dim3A_1216 : vector<16xi1>, vector<16xi32>
    %reduce_max3A_1218 = arith.constant true
    %reduce_max3A_1219 = vector.broadcast %reduce_max3A_1218 : i1 to vector<16xi1>
    %reduce_max3A_1220 = arith.constant -2147483648 : i32
    %reduce_max3A_1221 = vector.broadcast %reduce_max3A_1220 : i32 to vector<16xi32>
    %reduce_max3A_1222 = arith.xori %select_n3A_1217, %reduce_max3A_1221 : vector<16xi32>
    %reduce_max3A_1223 = tpu.scan <max>, %reduce_max3A_1222 masked %reduce_max3A_1219 : vector<16xi32>, vector<16xi1> -> vector<16xi32>
    %reduce_max3A_1224 = arith.xori %reduce_max3A_1223, %reduce_max3A_1221 : vector<16xi32>
    %reduce_max3A_1225 = vector.extract %reduce_max3A_1224[15] : i32 from vector<16xi32>
    %max3A_1226 = arith.constant 0 : i32
    %max3A_1227 = arith.maxsi %reduce_max3A_1225, %max3A_1226 : i32
    %mul3A_1228 = arith.constant 16 : i32
    %mul3A_1229 = arith.muli %reduce_max3A_1214, %mul3A_1228 : i32
    %get3A_1230 = arith.index_cast %mul3A_1229 : i32 to index
    %get3A_1231 = tpu.vector_load %arg11[%get3A_1230] {strides = array<i32>} : memref<256xi32, #tpu.memory_space<vmem>>, vector<16xi32>,
    %broadcast_in_dim3A_1232 = arith.constant true
    %broadcast_in_dim3A_1233 = vector.broadcast %broadcast_in_dim3A_1232 : i1 to vector<16xi1>
    %masked_cumsum3A_1234 = tpu.scan <sum>, %get3A_1231 masked %broadcast_in_dim3A_1233 : vector<16xi32>, vector<16xi1> -> vector<16xi32>
    %add3A_1235 = vector.broadcast %max3A_1227 : i32 to vector<16xi32>
    %add3A_1236 = arith.addi %masked_cumsum3A_1234, %add3A_1235 : vector<16xi32>
    %le3A_1237 = vector.broadcast %sub3A_1182 : i32 to vector<16xi32>
    %le3A_1238 = arith.cmpi sle, %add3A_1236, %le3A_1237 : vector<16xi32>
    %all_reduce_population_count3A_1239 = tpu.all_reduce %le3A_1238 {dim = 0 : i64, kind = #tpu.reduction_kind<sum>} : vector<16xi1> -> vector<16xi32>
    %reduce_max3A_1240 = arith.constant true
    %reduce_max3A_1241 = vector.broadcast %reduce_max3A_1240 : i1 to vector<16xi1>
    %reduce_max3A_1242 = arith.constant -2147483648 : i32
    %reduce_max3A_1243 = vector.broadcast %reduce_max3A_1242 : i32 to vector<16xi32>
    %reduce_max3A_1244 = arith.xori %all_reduce_population_count3A_1239, %reduce_max3A_1243 : vector<16xi32>
    %reduce_max3A_1245 = tpu.scan <max>, %reduce_max3A_1244 masked %reduce_max3A_1241 : vector<16xi32>, vector<16xi1> -> vector<16xi32>
    %reduce_max3A_1246 = arith.xori %reduce_max3A_1245, %reduce_max3A_1243 : vector<16xi32>
    %reduce_max3A_1247 = vector.extract %reduce_max3A_1246[15] : i32 from vector<16xi32>
    %jit3A_1248 = arith.constant 0 : i32
    %broadcast_in_dim3A_1249 = vector.broadcast %jit3A_1248 : i32 to vector<16xi32>
    %select_n3A_1250 = arith.select %le3A_1238, %add3A_1236, %broadcast_in_dim3A_1249 : vector<16xi1>, vector<16xi32>
    %reduce_max3A_1251 = arith.constant true
    %reduce_max3A_1252 = vector.broadcast %reduce_max3A_1251 : i1 to vector<16xi1>
    %reduce_max3A_1253 = arith.constant -2147483648 : i32
    %reduce_max3A_1254 = vector.broadcast %reduce_max3A_1253 : i32 to vector<16xi32>
    %reduce_max3A_1255 = arith.xori %select_n3A_1250, %reduce_max3A_1254 : vector<16xi32>
    %reduce_max3A_1256 = tpu.scan <max>, %reduce_max3A_1255 masked %reduce_max3A_1252 : vector<16xi32>, vector<16xi1> -> vector<16xi32>
    %reduce_max3A_1257 = arith.xori %reduce_max3A_1256, %reduce_max3A_1254 : vector<16xi32>
    %reduce_max3A_1258 = vector.extract %reduce_max3A_1257[15] : i32 from vector<16xi32>
    %max3A_1259 = arith.maxsi %reduce_max3A_1258, %max3A_1227 : i32
    %mul3A_1260 = arith.constant 16 : i32
    %mul3A_1261 = arith.muli %reduce_max3A_1214, %mul3A_1260 : i32
    %add3A_1262 = arith.addi %mul3A_1261, %reduce_max3A_1247 : i32
    %while3A_1263 = arith.constant 0 : i32
    %while3A_1264 = arith.subi %reduce_max3A_1181, %while3A_1263 : i32
    %while3A_1265 = arith.addi %while3A_1263, %while3A_1264 : i32
    %while3A_1266 = arith.constant 1 : i32
    %while3A_1267 = arith.divsi %while3A_1264, %while3A_1266 : i32
    %while3A_1268 = arith.muli %while3A_1267, %while3A_1266 : i32
    %while3A_1269 = arith.addi %while3A_1263, %while3A_1268 : i32
    %while3A_1270 = arith.constant 1 : i32
    %while3A_1271 = scf.for %while3A_1334 = %while3A_1263 to %while3A_1269 step %while3A_1270 iter_args(%while3A_1335 = %broadcast_in_dim3A_3) -> (vector<16xi32>)  : i32 {
      %mul3A_1336 = arith.constant 16 : i32
      %mul3A_1337 = arith.muli %while3A_1334, %mul3A_1336 : i32
      %get3A_1338 = arith.index_cast %mul3A_1337 : i32 to index
      %get3A_1339 = tpu.vector_load %arg12[%get3A_1338] {strides = array<i32>} : memref<4096xi32, #tpu.memory_space<vmem>>, vector<16xi32>,
      %bitcast_convert_type3A = tpu.bitcast %get3A_1339 : vector<16xi32> -> vector<16xi32>
      %lt3A = vector.broadcast %while3A_1334 : i32 to vector<16xi32>
      %lt3A_1340 = arith.cmpi slt, %lt3A, %parallel_loop3A_1164 : vector<16xi32>
      %shift_right_logical3A = arith.constant 24 : i32
      %shift_right_logical3A_1341 = vector.broadcast %shift_right_logical3A : i32 to vector<16xi32>
      %shift_right_logical3A_1342 = arith.shrui %bitcast_convert_type3A, %shift_right_logical3A_1341 : vector<16xi32>
      %eq3A_1343 = vector.broadcast %add3A_1262 : i32 to vector<16xi32>
      %eq3A_1344 = arith.cmpi eq, %shift_right_logical3A_1342, %eq3A_1343 : vector<16xi32>
      %and3A = arith.andi %lt3A_1340, %eq3A_1344 : vector<16xi1>
      %mul3A_1345 = arith.constant 16 : i32
      %mul3A_1346 = vector.broadcast %mul3A_1345 : i32 to vector<16xi32>
      %mul3A_1347 = arith.muli %while3A_1335, %mul3A_1346 : vector<16xi32>
      %add3A_1348 = arith.addi %mul3A_1347, %iota3A : vector<16xi32>
      %bitcast_convert_type3A_1349 = tpu.bitcast %bitcast_convert_type3A : vector<16xi32> -> vector<16xi32>
      tpu.vector_store_idx %arg13[%add3A_1348], %bitcast_convert_type3A_1349 masked %and3A : memref<4096xi32, #tpu.memory_space<vmem>>[vector<16xi32>], vector<16xi32>, vector<16xi1>
      %jit3A_1350 = arith.constant 1 : i32
      %jit3A_1351 = arith.constant 0 : i32
      %broadcast_in_dim3A_1352 = vector.broadcast %jit3A_1350 : i32 to vector<16xi32>
      %broadcast_in_dim3A_1353 = vector.broadcast %jit3A_1351 : i32 to vector<16xi32>
      %select_n3A_1354 = arith.select %and3A, %broadcast_in_dim3A_1352, %broadcast_in_dim3A_1353 : vector<16xi1>, vector<16xi32>
      %add3A_1355 = arith.addi %while3A_1335, %select_n3A_1354 : vector<16xi32>
      scf.yield %add3A_1355 : vector<16xi32>
    }
    %while3A_1272 = arith.constant 1 : i32
    %while3A_1273 = scf.for %while3A_1334 = %while3A_1269 to %while3A_1265 step %while3A_1272 iter_args(%while3A_1335 = %while3A_1271) -> (vector<16xi32>)  : i32 {
      %mul3A_1336 = arith.constant 16 : i32
      %mul3A_1337 = arith.muli %while3A_1334, %mul3A_1336 : i32
      %get3A_1338 = arith.index_cast %mul3A_1337 : i32 to index
      %get3A_1339 = tpu.vector_load %arg12[%get3A_1338] {strides = array<i32>} : memref<4096xi32, #tpu.memory_space<vmem>>, vector<16xi32>,
      %bitcast_convert_type3A = tpu.bitcast %get3A_1339 : vector<16xi32> -> vector<16xi32>
      %lt3A = vector.broadcast %while3A_1334 : i32 to vector<16xi32>
      %lt3A_1340 = arith.cmpi slt, %lt3A, %parallel_loop3A_1164 : vector<16xi32>
      %shift_right_logical3A = arith.constant 24 : i32
      %shift_right_logical3A_1341 = vector.broadcast %shift_right_logical3A : i32 to vector<16xi32>
      %shift_right_logical3A_1342 = arith.shrui %bitcast_convert_type3A, %shift_right_logical3A_1341 : vector<16xi32>
      %eq3A_1343 = vector.broadcast %add3A_1262 : i32 to vector<16xi32>
      %eq3A_1344 = arith.cmpi eq, %shift_right_logical3A_1342, %eq3A_1343 : vector<16xi32>
      %and3A = arith.andi %lt3A_1340, %eq3A_1344 : vector<16xi1>
      %mul3A_1345 = arith.constant 16 : i32
      %mul3A_1346 = vector.broadcast %mul3A_1345 : i32 to vector<16xi32>
      %mul3A_1347 = arith.muli %while3A_1335, %mul3A_1346 : vector<16xi32>
      %add3A_1348 = arith.addi %mul3A_1347, %iota3A : vector<16xi32>
      %bitcast_convert_type3A_1349 = tpu.bitcast %bitcast_convert_type3A : vector<16xi32> -> vector<16xi32>
      tpu.vector_store_idx %arg13[%add3A_1348], %bitcast_convert_type3A_1349 masked %and3A : memref<4096xi32, #tpu.memory_space<vmem>>[vector<16xi32>], vector<16xi32>, vector<16xi1>
      %jit3A_1350 = arith.constant 1 : i32
      %jit3A_1351 = arith.constant 0 : i32
      %broadcast_in_dim3A_1352 = vector.broadcast %jit3A_1350 : i32 to vector<16xi32>
      %broadcast_in_dim3A_1353 = vector.broadcast %jit3A_1351 : i32 to vector<16xi32>
      %select_n3A_1354 = arith.select %and3A, %broadcast_in_dim3A_1352, %broadcast_in_dim3A_1353 : vector<16xi1>, vector<16xi32>
      %add3A_1355 = arith.addi %while3A_1335, %select_n3A_1354 : vector<16xi32>
      scf.yield %add3A_1355 : vector<16xi32>
    }
    %reduce_sum3A_1274 = arith.constant true
    %reduce_sum3A_1275 = vector.broadcast %reduce_sum3A_1274 : i1 to vector<16xi1>
    %reduce_sum3A_1276 = tpu.scan <sum>, %while3A_1273 masked %reduce_sum3A_1275 : vector<16xi32>, vector<16xi1> -> vector<16xi32>
    %reduce_sum3A_1277 = vector.extract %reduce_sum3A_1276[15] : i32 from vector<16xi32>
    %sub3A_1278 = arith.subi %reduce_sum3A_1168, %max3A_1259 : i32
    %sub3A_1279 = arith.subi %sub3A_1278, %reduce_sum3A_1277 : i32
    %sub3A_1280 = arith.subi %sub3A_1173, %sub3A_1279 : i32
    %reduce_max3A_1281 = arith.constant true
    %reduce_max3A_1282 = vector.broadcast %reduce_max3A_1281 : i1 to vector<16xi1>
    %reduce_max3A_1283 = arith.constant -2147483648 : i32
    %reduce_max3A_1284 = vector.broadcast %reduce_max3A_1283 : i32 to vector<16xi32>
    %reduce_max3A_1285 = arith.xori %while3A_1273, %reduce_max3A_1284 : vector<16xi32>
    %reduce_max3A_1286 = tpu.scan <max>, %reduce_max3A_1285 masked %reduce_max3A_1282 : vector<16xi32>, vector<16xi1> -> vector<16xi32>
    %reduce_max3A_1287 = arith.xori %reduce_max3A_1286, %reduce_max3A_1284 : vector<16xi32>
    %reduce_max3A_1288 = vector.extract %reduce_max3A_1287[15] : i32 from vector<16xi32>
    %scan3A_1289 = arith.constant 0 : i32
    %scan3A_1290 = arith.constant 511 : i32
    %scan3A_1291 = arith.constant 0 : i32
    %scan3A_1292 = arith.constant 9 : i32
    %scan3A_1293 = arith.addi %scan3A_1291, %scan3A_1292 : i32
    %scan3A_1294 = arith.constant 1 : i32
    %scan3A_1295:2 = scf.for %scan3A_1334 = %scan3A_1291 to %scan3A_1293 step %scan3A_1294 iter_args(%scan3A_1335 = %scan3A_1289, %scan3A_1336 = %scan3A_1290) -> (i32, i32)  : i32 {
      %add3A_1337 = arith.addi %scan3A_1335, %scan3A_1336 : i32
      %add3A_1338 = arith.constant 1 : i32
      %add3A_1339 = arith.addi %add3A_1337, %add3A_1338 : i32
      %shift_right_arithmetic3A = arith.constant 1 : i32
      %shift_right_arithmetic3A_1340 = arith.shrsi %add3A_1339, %shift_right_arithmetic3A : i32
      %while3A_1341 = arith.constant 0 : i32
      %while3A_1342 = arith.subi %reduce_max3A_1288, %while3A_1341 : i32
      %while3A_1343 = arith.addi %while3A_1341, %while3A_1342 : i32
      %while3A_1344 = arith.constant 1 : i32
      %while3A_1345 = arith.divsi %while3A_1342, %while3A_1344 : i32
      %while3A_1346 = arith.muli %while3A_1345, %while3A_1344 : i32
      %while3A_1347 = arith.addi %while3A_1341, %while3A_1346 : i32
      %while3A_1348 = arith.constant 1 : i32
      %while3A_1349 = scf.for %while3A_1364 = %while3A_1341 to %while3A_1347 step %while3A_1348 iter_args(%while3A_1365 = %broadcast_in_dim3A_3) -> (vector<16xi32>)  : i32 {
        %mul3A_1366 = arith.constant 16 : i32
        %mul3A_1367 = arith.muli %while3A_1364, %mul3A_1366 : i32
        %get3A_1368 = arith.index_cast %mul3A_1367 : i32 to index
        %get3A_1369 = tpu.vector_load %arg13[%get3A_1368] {strides = array<i32>} : memref<4096xi32, #tpu.memory_space<vmem>>, vector<16xi32>,
        %bitcast_convert_type3A = tpu.bitcast %get3A_1369 : vector<16xi32> -> vector<16xi32>
        %shift_right_logical3A = arith.constant 15 : i32
        %shift_right_logical3A_1370 = vector.broadcast %shift_right_logical3A : i32 to vector<16xi32>
        %shift_right_logical3A_1371 = arith.shrui %bitcast_convert_type3A, %shift_right_logical3A_1370 : vector<16xi32>
        %and3A = arith.constant 511 : i32
        %and3A_1372 = vector.broadcast %and3A : i32 to vector<16xi32>
        %and3A_1373 = arith.andi %shift_right_logical3A_1371, %and3A_1372 : vector<16xi32>
        %lt3A = vector.broadcast %while3A_1364 : i32 to vector<16xi32>
        %lt3A_1374 = arith.cmpi slt, %lt3A, %while3A_1273 : vector<16xi32>
        %ge3A_1375 = vector.broadcast %shift_right_arithmetic3A_1340 : i32 to vector<16xi32>
        %ge3A_1376 = arith.cmpi uge, %and3A_1373, %ge3A_1375 : vector<16xi32>
        %and3A_1377 = arith.andi %lt3A_1374, %ge3A_1376 : vector<16xi1>
        %all_reduce_population_count3A_1378 = tpu.all_reduce %and3A_1377 {dim = 0 : i64, kind = #tpu.reduction_kind<sum>} : vector<16xi1> -> vector<16xi32>
        %add3A_1379 = arith.addi %while3A_1365, %all_reduce_population_count3A_1378 : vector<16xi32>
        scf.yield %add3A_1379 : vector<16xi32>
      }
      %while3A_1350 = arith.constant 1 : i32
      %while3A_1351 = scf.for %while3A_1364 = %while3A_1347 to %while3A_1343 step %while3A_1350 iter_args(%while3A_1365 = %while3A_1349) -> (vector<16xi32>)  : i32 {
        %mul3A_1366 = arith.constant 16 : i32
        %mul3A_1367 = arith.muli %while3A_1364, %mul3A_1366 : i32
        %get3A_1368 = arith.index_cast %mul3A_1367 : i32 to index
        %get3A_1369 = tpu.vector_load %arg13[%get3A_1368] {strides = array<i32>} : memref<4096xi32, #tpu.memory_space<vmem>>, vector<16xi32>,
        %bitcast_convert_type3A = tpu.bitcast %get3A_1369 : vector<16xi32> -> vector<16xi32>
        %shift_right_logical3A = arith.constant 15 : i32
        %shift_right_logical3A_1370 = vector.broadcast %shift_right_logical3A : i32 to vector<16xi32>
        %shift_right_logical3A_1371 = arith.shrui %bitcast_convert_type3A, %shift_right_logical3A_1370 : vector<16xi32>
        %and3A = arith.constant 511 : i32
        %and3A_1372 = vector.broadcast %and3A : i32 to vector<16xi32>
        %and3A_1373 = arith.andi %shift_right_logical3A_1371, %and3A_1372 : vector<16xi32>
        %lt3A = vector.broadcast %while3A_1364 : i32 to vector<16xi32>
        %lt3A_1374 = arith.cmpi slt, %lt3A, %while3A_1273 : vector<16xi32>
        %ge3A_1375 = vector.broadcast %shift_right_arithmetic3A_1340 : i32 to vector<16xi32>
        %ge3A_1376 = arith.cmpi uge, %and3A_1373, %ge3A_1375 : vector<16xi32>
        %and3A_1377 = arith.andi %lt3A_1374, %ge3A_1376 : vector<16xi1>
        %all_reduce_population_count3A_1378 = tpu.all_reduce %and3A_1377 {dim = 0 : i64, kind = #tpu.reduction_kind<sum>} : vector<16xi1> -> vector<16xi32>
        %add3A_1379 = arith.addi %while3A_1365, %all_reduce_population_count3A_1378 : vector<16xi32>
        scf.yield %add3A_1379 : vector<16xi32>
      }
      %reduce_max3A_1352 = arith.constant true
      %reduce_max3A_1353 = vector.broadcast %reduce_max3A_1352 : i1 to vector<16xi1>
      %reduce_max3A_1354 = arith.constant -2147483648 : i32
      %reduce_max3A_1355 = vector.broadcast %reduce_max3A_1354 : i32 to vector<16xi32>
      %reduce_max3A_1356 = arith.xori %while3A_1351, %reduce_max3A_1355 : vector<16xi32>
      %reduce_max3A_1357 = tpu.scan <max>, %reduce_max3A_1356 masked %reduce_max3A_1353 : vector<16xi32>, vector<16xi1> -> vector<16xi32>
      %reduce_max3A_1358 = arith.xori %reduce_max3A_1357, %reduce_max3A_1355 : vector<16xi32>
      %reduce_max3A_1359 = vector.extract %reduce_max3A_1358[15] : i32 from vector<16xi32>
      %ge3A = arith.cmpi sge, %reduce_max3A_1359, %sub3A_1280 : i32
      %select_n3A_1360 = arith.select %ge3A, %shift_right_arithmetic3A_1340, %scan3A_1335 : i32
      %sub3A_1361 = arith.constant 1 : i32
      %sub3A_1362 = arith.subi %shift_right_arithmetic3A_1340, %sub3A_1361 : i32
      %select_n3A_1363 = arith.select %ge3A, %scan3A_1336, %sub3A_1362 : i32
      scf.yield %select_n3A_1360, %select_n3A_1363 : i32, i32
    }
    %scan3A_1296 = arith.constant 9 : i32
    %shift_left3A_1297 = arith.constant 9 : i32
    %shift_left3A_1298 = arith.shli %add3A_1262, %shift_left3A_1297 : i32
    %or3A_1299 = arith.ori %shift_left3A_1298, %scan3A_1295#0 : i32
    %shift_left3A_1300 = arith.constant 15 : i32
    %shift_left3A_1301 = arith.shli %or3A_1299, %shift_left3A_1300 : i32
    %broadcast_in_dim3A_1302 = arith.constant 0.000000e+00 : f32
    %broadcast_in_dim3A_1303 = vector.broadcast %broadcast_in_dim3A_1302 : f32 to vector<16xf32>
    %while3A_1304 = arith.constant 0 : i32
    %while3A_1305 = arith.constant 0 : i32
    %while3A_1306 = arith.subi %reduce_max3A_1181, %while3A_1305 : i32
    %while3A_1307 = arith.addi %while3A_1305, %while3A_1306 : i32
    %while3A_1308 = arith.constant 1 : i32
    %while3A_1309 = arith.divsi %while3A_1306, %while3A_1308 : i32
    %while3A_1310 = arith.muli %while3A_1309, %while3A_1308 : i32
    %while3A_1311 = arith.addi %while3A_1305, %while3A_1310 : i32
    %while3A_1312 = arith.constant 1 : i32
    scf.for %while3A_1334 = %while3A_1305 to %while3A_1311 step %while3A_1312  : i32 {
      %mul3A_1335 = arith.constant 16 : i32
      %mul3A_1336 = arith.muli %while3A_1334, %mul3A_1335 : i32
      %get3A_1337 = arith.index_cast %mul3A_1336 : i32 to index
      %get3A_1338 = tpu.vector_load %arg12[%get3A_1337] {strides = array<i32>} : memref<4096xi32, #tpu.memory_space<vmem>>, vector<16xi32>,
      %bitcast_convert_type3A = tpu.bitcast %get3A_1338 : vector<16xi32> -> vector<16xi32>
      %lt3A = vector.broadcast %while3A_1334 : i32 to vector<16xi32>
      %lt3A_1339 = arith.cmpi slt, %lt3A, %parallel_loop3A_1164 : vector<16xi32>
      %lt3A_1340 = vector.broadcast %shift_left3A_1301 : i32 to vector<16xi32>
      %lt3A_1341 = arith.cmpi ult, %bitcast_convert_type3A, %lt3A_1340 : vector<16xi32>
      %and3A = arith.andi %lt3A_1339, %lt3A_1341 : vector<16xi1>
      %and3A_1342 = arith.constant 32767 : i32
      %and3A_1343 = vector.broadcast %and3A_1342 : i32 to vector<16xi32>
      %and3A_1344 = arith.andi %bitcast_convert_type3A, %and3A_1343 : vector<16xi32>
      tpu.vector_store_idx %arg7[%and3A_1344], %broadcast_in_dim3A_1303 masked %and3A : memref<32768xf32, #tpu.memory_space<vmem>>[vector<16xi32>], vector<16xf32>, vector<16xi1>
    }
    %while3A_1313 = arith.constant 1 : i32
    scf.for %while3A_1334 = %while3A_1311 to %while3A_1307 step %while3A_1313  : i32 {
      %mul3A_1335 = arith.constant 16 : i32
      %mul3A_1336 = arith.muli %while3A_1334, %mul3A_1335 : i32
      %get3A_1337 = arith.index_cast %mul3A_1336 : i32 to index
      %get3A_1338 = tpu.vector_load %arg12[%get3A_1337] {strides = array<i32>} : memref<4096xi32, #tpu.memory_space<vmem>>, vector<16xi32>,
      %bitcast_convert_type3A = tpu.bitcast %get3A_1338 : vector<16xi32> -> vector<16xi32>
      %lt3A = vector.broadcast %while3A_1334 : i32 to vector<16xi32>
      %lt3A_1339 = arith.cmpi slt, %lt3A, %parallel_loop3A_1164 : vector<16xi32>
      %lt3A_1340 = vector.broadcast %shift_left3A_1301 : i32 to vector<16xi32>
      %lt3A_1341 = arith.cmpi ult, %bitcast_convert_type3A, %lt3A_1340 : vector<16xi32>
      %and3A = arith.andi %lt3A_1339, %lt3A_1341 : vector<16xi1>
      %and3A_1342 = arith.constant 32767 : i32
      %and3A_1343 = vector.broadcast %and3A_1342 : i32 to vector<16xi32>
      %and3A_1344 = arith.andi %bitcast_convert_type3A, %and3A_1343 : vector<16xi32>
      tpu.vector_store_idx %arg7[%and3A_1344], %broadcast_in_dim3A_1303 masked %and3A : memref<32768xf32, #tpu.memory_space<vmem>>[vector<16xi32>], vector<16xf32>, vector<16xi1>
    }
    %add3A_1314 = arith.constant 3 : i32
    %add3A_1315 = arith.addi %mul3A_7, %add3A_1314 : i32
    %dma_start3A_1316 = arith.constant 0 : i32
    %dma_start3A_1317 = tpu.memref_slice %arg4[%add3A_1315, %dma_start3A_1316] : memref<128x32768xf32, #tpu.memory_space<hbm>> -> memref<1x32768xf32, #tpu.memory_space<hbm>>
    %dma_start3A_1318 = tpu.memref_squeeze %dma_start3A_1317 : memref<1x32768xf32, #tpu.memory_space<hbm>> -> memref<32768xf32, #tpu.memory_space<hbm>>
    %dma_start3A_1319 = arith.constant 0 : i32
    %dma_start3A_1320 = tpu.memref_slice %arg4[%add3A_1315, %dma_start3A_1319] : memref<128x32768xf32, #tpu.memory_space<hbm>> -> memref<1x32768xf32, #tpu.memory_space<hbm>>
    %dma_start3A_1321 = tpu.memref_squeeze %dma_start3A_1320 : memref<1x32768xf32, #tpu.memory_space<hbm>> -> memref<32768xf32, #tpu.memory_space<hbm>>
    tpu.enqueue_dma source(%arg7 : memref<32768xf32, #tpu.memory_space<vmem>>) target(%dma_start3A_1321 : memref<32768xf32, #tpu.memory_space<hbm>>) target_semaphore(%arg17 : memref<!tpu.dma_semaphore, #tpu.memory_space<semaphore_mem>>)
    %dma_wait3A_1322 = arith.constant 0 : i32
    %dma_wait3A_1323 = tpu.memref_slice %arg4[%add3A_993, %dma_wait3A_1322] : memref<128x32768xf32, #tpu.memory_space<hbm>> -> memref<1x32768xf32, #tpu.memory_space<hbm>>
    %dma_wait3A_1324 = tpu.memref_squeeze %dma_wait3A_1323 : memref<1x32768xf32, #tpu.memory_space<hbm>> -> memref<32768xf32, #tpu.memory_space<hbm>>
    %dma_wait3A_1325 = arith.constant 0 : i32
    %dma_wait3A_1326 = tpu.memref_slice %arg4[%add3A_993, %dma_wait3A_1325] : memref<128x32768xf32, #tpu.memory_space<hbm>> -> memref<1x32768xf32, #tpu.memory_space<hbm>>
    %dma_wait3A_1327 = tpu.memref_squeeze %dma_wait3A_1326 : memref<1x32768xf32, #tpu.memory_space<hbm>> -> memref<32768xf32, #tpu.memory_space<hbm>>
    tpu.wait_dma2 semaphore(%arg16 : memref<!tpu.dma_semaphore, #tpu.memory_space<semaphore_mem>>) src(%arg6 : memref<32768xf32, #tpu.memory_space<vmem>>) dst(%dma_wait3A_1327 : memref<32768xf32, #tpu.memory_space<hbm>>)
    %dma_wait3A_1328 = arith.constant 0 : i32
    %dma_wait3A_1329 = tpu.memref_slice %arg4[%add3A_1315, %dma_wait3A_1328] : memref<128x32768xf32, #tpu.memory_space<hbm>> -> memref<1x32768xf32, #tpu.memory_space<hbm>>
    %dma_wait3A_1330 = tpu.memref_squeeze %dma_wait3A_1329 : memref<1x32768xf32, #tpu.memory_space<hbm>> -> memref<32768xf32, #tpu.memory_space<hbm>>
    %dma_wait3A_1331 = arith.constant 0 : i32
    %dma_wait3A_1332 = tpu.memref_slice %arg4[%add3A_1315, %dma_wait3A_1331] : memref<128x32768xf32, #tpu.memory_space<hbm>> -> memref<1x32768xf32, #tpu.memory_space<hbm>>
    %dma_wait3A_1333 = tpu.memref_squeeze %dma_wait3A_1332 : memref<1x32768xf32, #tpu.memory_space<hbm>> -> memref<32768xf32, #tpu.memory_space<hbm>>
    tpu.wait_dma2 semaphore(%arg17 : memref<!tpu.dma_semaphore, #tpu.memory_space<semaphore_mem>>) src(%arg7 : memref<32768xf32, #tpu.memory_space<vmem>>) dst(%dma_wait3A_1333 : memref<32768xf32, #tpu.memory_space<hbm>>)
    return
  }
}

</mosaic_0001>

<sc_bundles>
// kernel: kernel.3.cloned.1.call-start
scs
__scs_entry_jumppad:
0x0: {  	(pc) =	sbr.rel $0x88, $3  }
0x1: {  	(tag) =	ssettag $0x0;
	lr =	simm.s32 $0x1  }
0x2: {  	[smem:$0x3F9F] =	sst lr;
	_ =	strace $0xD0000000  }
0x3: {  	_ = 	snop  }
0x4: {  	_ = 	snop  }
0x5: {  	_ = 	snop  }
0x6: {  	_ = 	snop  }
0x7: {  	_ = 	snop  }
__scs_overlays_trampoline_lowered:
0x8: {  	[smem:$0x3FAE] =	sst s0  }
0x9: {  	[smem:$0x3FAF] =	sst s1  }
0xa: {  	[smem:$0x3FB0] =	sst s2  }
0xb: {  	[smem:$0x3FB1] =	sst s3  }
0xc: {  	[smem:$0x3FB2] =	sst s4  }
0xd: {  	[smem:$0x3FB3] =	sst s5  }
0xe: {  	[smem:$0x3FB4] =	sst s6  }
0xf: {  	[smem:$0x3FB5] =	sst s7  }
0x10: {  	[smem:$0x3FB6] =	sst s8  }
0x11: {  	[smem:$0x3FB7] =	sst s9;
	s0 =	simm.s32 @!p0 $0x0  }
0x12: {  	s1 =	sld [smem:$0x3F9D];
	s0 =	simm.s32 @p0 $0x1  }
0x13: {  	[smem:$0x3FB8] =	sst s0;
	s0 =	simm.s32 @!p1 $0x0  }
0x14: {  	s2 =	sld [smem:$0x3F9C];
	s0 =	simm.s32 @p1 $0x1  }
0x15: {  	[smem:$0x3FB9] =	sst s0;
	s0 =	simm.s32 @!p2 $0x0  }
0x16: {  	s3 =	sld [smem:$0x3FDB];
	s0 =	simm.s32 @p2 $0x1  }
0x17: {  	s4 =	simm.s32 $0x1BF5;
	[smem:$0x3FBB] =	sst s0  }
0x18: {  	s0 =	sld [smem:$0x3F9E];
	_ =	swait.ge [sflag:s4], $0x0  }
0x19: {  	s7 =	sld [smem:$0x3F9F]  }
0x1a: {  	s8 =	sadd.s32 $0xFFFFE003, lr  }
0x1b: {  	s9 =	sadd.s32 $0xFFFFFEF7, lr;
	s5 =	simm.s32 $0xFFFFFFFF;
	p2 =	slt.u32 s8, $0xFFFFF086  }
0x1c: {  	p1 =	slt.u32 s9, $0xF7A;
	s5 =	simm.s32 @!p2 $0x0  }
0x1d: {  	s5 =	simm.s32 @p1 $0x1;
	p0 =	seq.s32 s7, s2  }
0x1e: {  	s7 =	smul.u32 @!p0 $0xF7A, s2;
	p2 =	seq.s32 @!p0 s5, $0x0  }
0x1f: {  	s9 =	smul.u32 $0xF7A, s1;
	s8 =	simm.s32 @!p0 $0x1BF5;
	p2 =	por !p2, p0  }
0x20: {  	[sflag:s8] =	ssyncset.s32 @!p0 $0xFFFFF086;
	s6 =	sadd.s32 @!p0 s3, s7;
	s7 =	simm.s32 @!p0 $0x108  }
0x21: {  	s3 =	sadd.s32 s3, s9;
	s6 =	sadd.s32 @!p0 $0x88, s6;
	s7 =	simm.s32 @p2 $0x1082  }
0x22: {  	[simem:s7], [sflag:s8] =	dma.local @!p0 [hbm:s6], $0xF7A  }
0x23: {  	s9 =	sor.u32 $0xD0000000, s2;
	s6 =	simm.s32 $0x108;
	_ =	swait.ge @!p0 [sflag:s8], $0x0  }
0x24: {  	s3 =	sadd.s32 $0x88, s3;
	s6 =	simm.s32 @!p1 $0x1082;
	[sflag:s4] =	ssyncset.s32 $0xFFFFF086  }
0x25: {  	[simem:s6], [sflag:s4] =	dma.local [hbm:s3], $0xF7A  }
0x26: {  	[smem:$0x3F9F] =	sst s1;
	(tag) =	ssettag s2;
	_ =	strace s9  }
0x27: {  	s1 =	sld [smem:$0x3FAF]  }
0x28: {  	s2 =	sld [smem:$0x3FB0]  }
0x29: {  	s4 =	sld [smem:$0x3FB2]  }
0x2a: {  	p0 =	seq.s32 s5, $0x0;
	s5 =	sld [smem:$0x3FB3]  }
0x2b: {  	s6 =	sld [smem:$0x3FB4]  }
0x2c: {  	s7 =	sld [smem:$0x3FB5]  }
0x2d: {  	s3 =	simm.s32 $0x108;
	s8 =	sld [smem:$0x3FB6]  }
0x2e: {  	s3 =	simm.s32 @!p0 $0x1082;
	s9 =	sld [smem:$0x3FB7]  }
0x2f: {  	lr =	sadd.s32 s0, s3;
	s0 =	sld [smem:$0x3FAE]  }
0x30: {  	s3 =	sld [smem:$0x3FB1]  }
0x31: {  	[smem:$0x3FBA] =	sst s10  }
0x32: {  	s10 =	sld [smem:$0x3FB8];
	_ =	sdelay $0x3  }
0x33: {  	p0 =	seq.s32 s10, $0x1;
	s10 =	sld [smem:$0x3FBA];
	_ =	sdelay $0x3  }
0x34: {  	[smem:$0x3FBA] =	sst s10  }
0x35: {  	s10 =	sld [smem:$0x3FB9];
	_ =	sdelay $0x3  }
0x36: {  	p1 =	seq.s32 s10, $0x1;
	s10 =	sld [smem:$0x3FBA];
	_ =	sdelay $0x3  }
0x37: {  	[smem:$0x3FBA] =	sst s10  }
0x38: {  	s10 =	sld [smem:$0x3FBB]  }
0x39: {  	_ = 	snop;
	(pc) =	sbr.ind lr, $3  }
0x3a: {  	_ = 	snop  }
0x3b: {  	_ = 	snop  }
0x3c: {  	p2 =	seq.s32 s10, $0x1;
	s10 =	sld [smem:$0x3FBA]  }
0x3d: {  	_ =	shalt  }
0x3e: {  	_ =	shalt  }
0x3f: {  	_ =	shalt  }
0x40: {  	_ =	shalt  }
0x41: {  	_ =	shalt  }
0x42: {  	_ =	shalt  }
0x43: {  	_ =	shalt  }
0x44: {  	_ =	shalt  }
0x45: {  	_ =	shalt  }
0x46: {  	_ =	shalt  }
0x47: {  	_ =	shalt  }
0x48: {  	_ =	shalt  }
0x49: {  	_ =	shalt  }
0x4a: {  	_ =	shalt  }
0x4b: {  	_ =	shalt  }
0x4c: {  	_ =	shalt  }
0x4d: {  	_ =	shalt  }
0x4e: {  	_ =	shalt  }
0x4f: {  	_ =	shalt  }
0x50: {  	_ =	shalt  }
0x51: {  	_ =	shalt  }
0x52: {  	_ =	shalt  }
0x53: {  	_ =	shalt  }
0x54: {  	_ =	shalt  }
0x55: {  	_ =	shalt  }
0x56: {  	_ =	shalt  }
0x57: {  	_ =	shalt  }
0x58: {  	_ =	shalt  }
0x59: {  	_ =	shalt  }
0x5a: {  	_ =	shalt  }
0x5b: {  	_ =	shalt  }
0x5c: {  	_ =	shalt  }
0x5d: {  	_ =	shalt  }
0x5e: {  	_ =	shalt  }
0x5f: {  	_ =	shalt  }
0x60: {  	_ =	shalt  }
0x61: {  	_ =	shalt  }
0x62: {  	_ =	shalt  }
0x63: {  	_ =	shalt  }
0x64: {  	_ =	shalt  }
0x65: {  	_ =	shalt  }
0x66: {  	_ =	shalt  }
0x67: {  	_ =	shalt  }
0x68: {  	_ =	shalt  }
0x69: {  	_ =	shalt  }
0x6a: {  	_ =	shalt  }
0x6b: {  	_ =	shalt  }
0x6c: {  	_ =	shalt  }
0x6d: {  	_ =	shalt  }
0x6e: {  	_ =	shalt  }
0x6f: {  	_ =	shalt  }
0x70: {  	_ =	shalt  }
0x71: {  	_ =	shalt  }
0x72: {  	_ =	shalt  }
0x73: {  	_ =	shalt  }
0x74: {  	_ =	shalt  }
0x75: {  	_ =	shalt  }
0x76: {  	_ =	shalt  }
0x77: {  	_ =	shalt  }
0x78: {  	_ =	shalt  }
0x79: {  	_ =	shalt  }
0x7a: {  	_ =	shalt  }
0x7b: {  	_ =	shalt  }
0x7c: {  	_ =	shalt  }
0x7d: {  	_ =	shalt  }
0x7e: {  	_ =	shalt  }
0x7f: {  	_ =	shalt  }
0x80: {  	_ =	shalt  }
0x81: {  	_ =	shalt  }
0x82: {  	_ =	shalt  }
0x83: {  	_ =	shalt  }
0x84: {  	_ =	shalt  }
0x85: {  	_ =	shalt  }
0x86: {  	_ =	shalt  }
0x87: {  	_ =	shalt  }
.Lfunc_end0:
.L_simem_size_0:
called_computation_lowered:
.L_overlay_start_0:
0x88: {  	s2 =	sld [smem:$0x3FD9]  }
0x89: {  	s3 =	sld [smem:$0x3FFE];
	_ =	sdelay $0x1  }
0x8a: {  	s1 =	srdreg.scid  }
0x8b: {  	s0 =	sand.u32 $0x1, s1  }
0x8c: {  	s18 =	sshll.u32 s0, $0xA;
	s2 =	sadd.s32 s3, s2  }
0x8d: {  	s2 =	sadd.s32 s2, s18  }
0x8e: {  	[smem:$0x3FC6] =	sst s2  }
0x8f: {  	_ = 	snop  }
0x90: {  	s2 =	sld [smem:$0x3FC9]  }
0x91: {  	s19 =	sld [smem:$0x3FC8]  }
0x92: {  	s4 =	sld [smem:$0x3FD0];
	(tm) =	ssettm $0x1  }
0x93: {  	s5 =	sld [smem:$0x3FFB];
	_ =	sdelay $0x3  }
0x94: {  	_ =	strace s5  }
0x95: {  	s5 =	sld [smem:$0x3FFC];
	_ =	sdelay $0x3  }
0x96: {  	_ =	strace s5  }
0x97: {  	s5 =	sld [smem:$0x3FFD];
	_ =	sdelay $0x3  }
0x98: {  	_ =	strace s5  }
0x99: {  	_ =	strace $0x8FFFFFFF  }
0x9a: {  	s20 =	sld [smem:$0x3FDB];
	_ =	sdelay $0x1  }
0x9b: {  	s6 =	simm.s32 $_scs_section_size  }
0x9c: {  	s7 =	simm.s32 $_size__tile_overlayer_lowered;
	s8 =	simm.s32 $_tile_overlayer_lowered  }
0x9d: {  	s23 =	simm.s32 $0x1BFF;
	s22 =	sshll.u32 s8, $0x1;
	s5 =	sadd.s32 s6, s20  }
0x9e: {  	s9 =	simm.s32 $0x0;
	s21 =	sshll.u32 s7, $0x1;
	s7 =	sadd.s32 s22, s5  }
0x9f: {  	[timem:s9], [sflag:s23] =	dma.local [hbm:s7], s21  }
0xa0: {  	_ =	swait.ge [sflag:s23], s21  }
0xa1: {  	s6 =	ssub.s32 $0x0, s21;
	[sflag:s23] =	ssyncset.done $0x0  }
0xa2: {  	[sflag:s23] =	ssyncadd.s32 s6;
	_ =	sdelay $0x1  }
0xa3: {  	s24 =	simm.s32 $0x1B8B  }
0xa4: {  	_ =	swait.ge [sflag:s24], $0x1  }
0xa5: {  	[sflag:s24] =	ssyncset.done $0x0  }
0xa6: {  	s25 =	simm.s32 $0x1B8E;
	[sflag:s24] =	ssyncadd.s32 $0xFFFFFFFF  }
0xa7: {  	s26 =	simm.s32 $execute0_lowered;
	[smem:$0x3FD2] =	sst s25  }
0xa8: {  	s6 =	sshll.u32 s26, $0x1;
	_ =	strace $0x80000046;
	[dreg:$0x1] =	wrdreg $0xFFFFFFFF  }
0xa9: {  	s28 =	simm.s32 $_size_execute0_lowered;
	s5 =	sadd.s32 s5, s6;
	[dreg:$0x0] =	wrdreg $0x0  }
0xaa: {  	s6 =	sshll.u32 s28, $0x1;
	[dreg:$0x2] =	wrdreg s5  }
0xab: {  	[dreg:$0x3] =	wrdreg s6  }
0xac: {  	[dreg:$0x4] =	wrdreg $0xC0  }
0xad: {  	_ =	task [dreg:s9], $0x5FFFF  }
0xae: {  	[dreg:$0x1] =	wrdreg $0xFFFFFFFF  }
0xaf: {  	[dreg:$0x0] =	wrdreg $0x60  }
0xb0: {  	[dreg:$0x2] =	wrdreg s2  }
0xb1: {  	[dreg:$0x3] =	wrdreg s19  }
0xb2: {  	[dreg:$0x4] =	wrdreg s4  }
0xb3: {  	[dreg:$0x5] =	wrdreg $0x9  }
0xb4: {  	_ =	task.clear_ibuf [dreg:s9], $0x6FFFF;
	_ =	strace $0x90000046  }
0xb5: {  	s29 =	simm.s32 $0x9;
	_ =	strace $0x80000048  }
0xb6: {  	_ =	swait.ge [sflag:s29], $0x1  }
0xb7: {  	[sflag:s29] =	ssyncadd.s32 $0xFFFFFFFF  }
0xb8: {  	_ =	strace $0x90000048  }
0xb9: {  	_ =	sfence  }
0xba: {  	s30 =	sld [smem:$0x0];
	_ =	sdelay $0x2  }
0xbb: {  	s31 =	sshll.u32 s1, $0xD;
	s1 =	sshrl.u32 s1, $0x2  }
0xbc: {  	s3 =	sand.u32 $0x4000, s31;
	s1 =	sadd.s32 s1, s30  }
0xbd: {  	s0 =	sor.u32 s3, s0;
	s1 =	sshll.u32 s1, $0x11  }
0xbe: {  	s0 =	sor.u32 s1, s0  }
0xbf: {  	s0 =	sadd.s32 $0x8F2B, s0  }
0xc0: {  	[sflag:s0] =	ssyncadd.remote.s32 $0x1  }
0xc1: {  	_ =	sfence.sel $0xFFFF  }
0xc2: {  	[dreg:$0x0] =	wrdreg $0xFFFFFFFF;
	(pc) =	sbr.abs _section_cstart, $3  }
0xc3: {  	[dreg:$0x1] =	wrdreg $0xFFFFFFFF  }
0xc4: {  	_ =	task.clear_ibuf [dreg:s9], $0x2FFFF;
	_ =	strace $0x9FFFFFFF  }
0xc5: {  	(tm) =	ssettm $0x7FFFFFFF  }
tec
execute0_lowered:
.L_overlay_start_1:
0x0: {  	(tag) =	ssettag $0x1  }
0x1: {  	s0 =	rddreg [dreg:$0x0]  }
0x2: {  	s1 =	rddreg [dreg:$0x2];
	s2 =	srdreg.scid;
	s5 =	simm.s32 $0x0  }
0x3: {  	s4 =	stileid.u32;
	s13 =	simm.s32 $0x80;
	s14 =	simm.s32 $0x400  }
0x4: {  	s15 =	simm.s32 $0x8000;
	s16 =	simm.s32 $0x10000;
	s17 =	simm.s32 $0x5  }
0x5: {  	s18 =	simm.s32 $0x1;
	s19 =	simm.s32 $0x18000;
	s20 =	simm.s32 $0x1A000  }
0x6: {  	s21 =	simm.s32 $0x1A080;
	s22 =	simm.s32 $0x1A200;
	s23 =	simm.s32 $0x1A100  }
0x7: {  	s28 =	simm.s32 $0x4;
	s29 =	simm.s32 $0x0;
	s2 =	sand.u32 $0x1, s2  }
0x8: {  	s4 =	sshll.u32 s4, $0xF;
	s3 =	ssub.s32 $0x2, s2;
	s2 =	sshll.u32 s2, $0x6  }
0x9: {  	[smem:$0x7FF] =	sst s5;
	s24 =	sshrl.u32 s3, $0x1;
	s2 =	sor.u32 s2, s4  }
0xa: {  	_ =	strace $0x80000047;
	s3 =	ssub.s32 s3, s24;
	s4 =	sor.u32 $0x10, s2  }
0xb: {  	s25 =	sadd.s32 s0, s2;
	s30 =	sor.u32 $0x20, s2;
	s6 =	sadd.s32 s1, s2  }
0xc: {  	vm0 =	vcmask $0x3F3C;
	s2 =	sor.u32 $0x30, s2;
	s24 =	simm.s32 $0x1B200;
	[dreg:$0x4] =	wrdreg s25  }
.Ltmp0:
0xd: {  	s26 =	sadd.s32 s0, s4;
	[dreg:$0x6] =	wrdreg s6;
	(pc) =	sbr.rel .LBB2_1-.Ltmp0, $4  }
0xe: {  	s31 =	sadd.s32 s0, s30;
	s4 =	sadd.s32 s1, s4;
	[dreg:$0x5] =	wrdreg s26  }
0xf: {  	s0 =	sadd.s32 s0, s2;
	s10 =	sadd.s32 s1, s30;
	[dreg:$0x7] =	wrdreg s31  }
0x10: {  	v0 =	vimm.s32 $0x0;
	s11 =	sadd.s32 s1, s2;
	s12 =	smax.u32 s3, $0x1;
	[dreg:$0x8] =	wrdreg s4  }
0x11: {  	v1 =	vimm.s32 $0x1;
	v2 =	vlaneseq.u32;
	v3 =	vimm.f32 $0.0e+00;
	s25 =	simm.s32 $0x2;
	[dreg:$0x9] =	wrdreg s0;
	s26 =	simm.s32 $0x3  }
.LBB2_154:
0x12: {  	_ =	sdelay $0x4  }
0x13: {  	[tilespmem:v6+s16+$0x0] =	vst.idx.msk vm1, v3  }
.LBB2_155:
0x14: {  	[hbm4b:s11+s13] =	stream.strided.scatter [tilespmem:s16], [sflag:$0x4], $0x8000, s14, s13, $0x38;
	[tilespmem:$0x1C200] =	vst v63  }
0x15: {  	s29 =	sadd.s32 $0x1, s29  }
0x16: {  	_ =	swait.ge [sflag:s26], $0x8000;
	p0 =	sne.s32 s29, s12  }
.Ltmp1:
0x17: {  	[sflag:s26] =	ssyncset.done $0x0;
	(pc) =	sbr.rel @!p0 .LBB2_156-.Ltmp1, $4  }
0x18: {  	[sflag:s26] =	ssyncadd.s32 $0xFFFF8000  }
0x19: {  	_ =	swait.ge [sflag:s28], $0x8000  }
0x1a: {  	[sflag:s28] =	ssyncset.done $0x0  }
0x1b: {  	[sflag:s28] =	ssyncadd.s32 $0xFFFF8000  }
.LBB2_1:
0x1c: {  	s0 =	rddreg [dreg:$0x4]  }
0x1d: {  	[tilespmem:s15], [sflag:$0x1] =	stream.strided.gather [hbm4b:s0+s13], $0x8000, s14, s13, $0x38;
	[tilespmem:$0x1C200] =	vst v63  }
0x1e: {  	s30 =	rddreg [dreg:$0x5]  }
0x1f: {  	[tilespmem:s16], [sflag:$0x2] =	stream.strided.gather [hbm4b:s30+s13], $0x8000, s14, s13, $0x38;
	[tilespmem:$0x1C200] =	vst v63  }
0x20: {  	s31 =	rddreg [dreg:$0x1];
	s1 =	simm.s32 $0x0  }
0x21: {  	[tilespmem:s1], [sflag:$0x5] =	stream.linear.gather [hbm4b:s31+s1], $0x8000, $0x38;
	[tilespmem:$0x1C200] =	vst v63  }
0x22: {  	_ =	swait.ge [sflag:s17], $0x8000  }
0x23: {  	[sflag:s17] =	ssyncset.done $0x0  }
0x24: {  	s1 =	simm.s32 $0x40;
	[sflag:s17] =	ssyncadd.s32 $0xFFFF8000  }
0x25: {  	v4 =	vld [tilespmem:s1+$0x30]  }
0x26: {  	v5 =	vld [tilespmem:s1+$0xFFFFFFD0]  }
0x27: {  	v6 =	vld [tilespmem:s1+$0xFFFFFFE0]  }
0x28: {  	v7 =	vld [tilespmem:s1+$0xFFFFFFF0]  }
0x29: {  	v8 =	vld [tilespmem:s1+$0x0]  }
0x2a: {  	v9 =	vld [tilespmem:s1+$0x10];
	v4 =	vsub.f32 $1.000061040e-01, v4  }
0x2b: {  	v10 =	vld [tilespmem:s1+$0x20];
	v5 =	vsub.f32 $1.000061040e-01, v5  }
0x2c: {  	v11 =	vld [tilespmem:s1+$0xFFFFFFC0];
	v6 =	vsub.f32 $1.000061040e-01, v6;
	v4 =	vmul.f32 $1.442695020e+00, v4  }
0x2d: {  	s0 =	simm.s32 $0xC0;
	v7 =	vsub.f32 $1.000061040e-01, v7;
	v5 =	vmul.f32 $1.442695020e+00, v5  }
0x2e: {  	v12 =	vld [tilespmem:s0+$0x30];
	v8 =	vsub.f32 $1.000061040e-01, v8;
	v6 =	vmul.f32 $1.442695020e+00, v6;
	(erf) = vpow2.f32 v4  }
0x2f: {  	v13 =	vld [tilespmem:s0+$0xFFFFFFD0];
	v4 =	vmul.f32 $1.442695020e+00, v7;
	v7 =	vsub.f32 $1.000061040e-01, v9;
	(erf) = vpow2.f32 v5  }
0x30: {  	v9 =	vld [tilespmem:s0+$0xFFFFFFE0];
	v5 =	vmul.f32 $1.442695020e+00, v8;
	v8 =	vsub.f32 $1.000061040e-01, v10;
	(erf) = vpow2.f32 v6  }
0x31: {  	v14 =	vld [tilespmem:s0+$0xFFFFFFF0];
	v6 =	vsub.f32 $1.000061040e-01, v11;
	v10 =	vmul.f32 $1.442695020e+00, v7;
	(erf) = vpow2.f32 v4  }
0x32: {  	v7 =	vld [tilespmem:s0+$0x0];
	v8 =	vmul.f32 $1.442695020e+00, v8;
	(erf) = vpow2.f32 v5  }
0x33: {  	v11 =	vsub.f32 $1.000061040e-01, v12;
	v4 =	vld [tilespmem:s0+$0x10];
	v63 =	vmul.f32 $1.442695020e+00, v6;
	(erf) = vpow2.f32 v10  }
0x34: {  	v13 =	vsub.f32 $1.000061040e-01, v13;
	v5 =	vld [tilespmem:s0+$0x20];
	(erf) = vpow2.f32 v8  }
0x35: {  	v6 =	vld [tilespmem:s0+$0xFFFFFFC0];
	v10 =	vsub.f32 $1.000061040e-01, v9;
	v9 =	vmul.f32 $1.442695020e+00, v11;
	(erf) = vpow2.f32 v63  }
0x36: {  	s2 =	simm.s32 $0x8;
	s3 =	simm.s32 $0x140;
	v11 =	vsub.f32 $1.000061040e-01, v14;
	v8 =	vmul.f32 $1.442695020e+00, v13  }
.LBB2_2:
0x37: {  	v12 =	vld [tilespmem:s3+$0x30];
	s2 =	sadd.s32 $0x8, s2;
	v10 =	vmul.f32 $1.442695020e+00, v10;
	v15 =	vsub.f32 $1.000061040e-01, v7;
	(erf) = vpow2.f32 v9;
	v9 =	vpop (erf)  }
0x38: {  	v13 =	vld [tilespmem:s3+$0xFFFFFFD0];
	p0 =	slt.u32 s2, $0x7F8;
	v11 =	vmul.f32 $1.442695020e+00, v11;
	v16 =	vsub.f32 $1.000061040e-01, v4;
	(erf) = vpow2.f32 v8;
	[tilespmem:s1+$0x30] =	vst v9;
	v8 =	vpop (erf)  }
0x39: {  	v9 =	vld [tilespmem:s3+$0xFFFFFFE0];
	v14 =	vmul.f32 $1.442695020e+00, v15;
	v17 =	vsub.f32 $1.000061040e-01, v5;
	(erf) = vpow2.f32 v10;
	[tilespmem:s1+$0xFFFFFFD0] =	vst v8;
	v7 =	vpop (erf)  }
0x3a: {  	v15 =	vld [tilespmem:s3+$0xFFFFFFF0];
	v18 =	vsub.f32 $1.000061040e-01, v6;
	v8 =	vmul.f32 $1.442695020e+00, v16;
	(erf) = vpow2.f32 v11;
	[tilespmem:s1+$0xFFFFFFE0] =	vst v7;
	v4 =	vpop (erf)  }
.Ltmp2:
0x3b: {  	v7 =	vld [tilespmem:s3+$0x0];
	v10 =	vmul.f32 $1.442695020e+00, v17;
	(erf) = vpow2.f32 v14;
	[tilespmem:s1+$0xFFFFFFF0] =	vst v4;
	v5 =	vpop (erf);
	(pc) =	sbr.rel @p0 .LBB2_2-.Ltmp2, $4  }
0x3c: {  	v4 =	vld [tilespmem:s3+$0x10];
	v11 =	vsub.f32 $1.000061040e-01, v12;
	v14 =	vmul.f32 $1.442695020e+00, v18;
	(erf) = vpow2.f32 v8;
	[tilespmem:s1+$0x0] =	vst v5;
	v6 =	vpop (erf)  }
0x3d: {  	v8 =	vsub.f32 $1.000061040e-01, v13;
	v5 =	vld [tilespmem:s3+$0x20];
	(erf) = vpow2.f32 v10;
	[tilespmem:s1+$0x10] =	vst v6;
	v13 =	vpop (erf)  }
0x3e: {  	v6 =	vld [tilespmem:s3+$0xFFFFFFC0];
	v10 =	vsub.f32 $1.000061040e-01, v9;
	v9 =	vmul.f32 $1.442695020e+00, v11;
	(erf) = vpow2.f32 v14;
	[tilespmem:s1+$0x20] =	vst v13;
	v12 =	vpop (erf)  }
0x3f: {  	v8 =	vmul.f32 $1.442695020e+00, v8;
	v11 =	vsub.f32 $1.000061040e-01, v15;
	[tilespmem:s1+$0xFFFFFFC0] =	vst v12;
	s1 =	smov.u32 s0;
	s0 =	smov.u32 s3;
	s3 =	sadd.s32 $0x80, s3  }
0x40: {  	v10 =	vmul.f32 $1.442695020e+00, v10;
	v7 =	vsub.f32 $1.000061040e-01, v7  }
0x41: {  	(erf) = vpow2.f32 v9;
	v11 =	vmul.f32 $1.442695020e+00, v11;
	v4 =	vsub.f32 $1.000061040e-01, v4  }
0x42: {  	v59 =	vpop (erf);
	(erf) = vpow2.f32 v8;
	v7 =	vmul.f32 $1.442695020e+00, v7  }
0x43: {  	[tilespmem:s1+$0x30] =	vst v59;
	v60 =	vpop (erf);
	v5 =	vsub.f32 $1.000061040e-01, v5;
	(erf) = vpow2.f32 v10;
	v4 =	vmul.f32 $1.442695020e+00, v4  }
0x44: {  	[tilespmem:s1+$0xFFFFFFD0] =	vst v60;
	v61 =	vpop (erf);
	v6 =	vsub.f32 $1.000061040e-01, v6;
	(erf) = vpow2.f32 v11  }
0x45: {  	[tilespmem:s1+$0xFFFFFFE0] =	vst v61;
	v62 =	vpop (erf);
	v5 =	vmul.f32 $1.442695020e+00, v5;
	(erf) = vpow2.f32 v7  }
0x46: {  	[tilespmem:s1+$0xFFFFFFF0] =	vst v62;
	v63 =	vpop (erf);
	v6 =	vmul.f32 $1.442695020e+00, v6;
	(erf) = vpow2.f32 v4  }
0x47: {  	[tilespmem:s1+$0x0] =	vst v63;
	v4 =	vpop (erf);
	(erf) = vpow2.f32 v5  }
0x48: {  	[tilespmem:s1+$0x10] =	vst v4;
	v4 =	vpop (erf);
	(erf) = vpow2.f32 v6  }
0x49: {  	[tilespmem:s1+$0x20] =	vst v4;
	v4 =	vpop (erf)  }
0x4a: {  	[tilespmem:s1+$0xFFFFFFC0] =	vst v4;
	v4 =	vpop (erf)  }
0x4b: {  	[tilespmem:s0+$0x30] =	vst v4;
	v4 =	vpop (erf)  }
0x4c: {  	[tilespmem:s0+$0xFFFFFFD0] =	vst v4;
	v4 =	vpop (erf)  }
0x4d: {  	[tilespmem:s0+$0xFFFFFFE0] =	vst v4;
	v4 =	vpop (erf)  }
0x4e: {  	[tilespmem:s0+$0xFFFFFFF0] =	vst v4;
	v4 =	vpop (erf)  }
0x4f: {  	[tilespmem:s0+$0x0] =	vst v4;
	v4 =	vpop (erf)  }
0x50: {  	[tilespmem:s0+$0x10] =	vst v4;
	v4 =	vpop (erf)  }
0x51: {  	[tilespmem:s0+$0x20] =	vst v4;
	v4 =	vpop (erf)  }
0x52: {  	[tilespmem:s0+$0xFFFFFFC0] =	vst v4  }
0x53: {  	_ =	swait.ge [sflag:s18], $0x8000  }
0x54: {  	[sflag:s18] =	ssyncset.done $0x0  }
0x55: {  	s2 =	simm.s32 $0x18040;
	[sflag:s18] =	ssyncadd.s32 $0xFFFF8000  }
0x56: {  	[tilespmem:s2+$0xFFFFFFC0] =	vst v0  }
0x57: {  	[tilespmem:s2+$0x30] =	vst v0  }
0x58: {  	[tilespmem:s2+$0x20] =	vst v0  }
0x59: {  	[tilespmem:s2+$0x10] =	vst v0  }
0x5a: {  	[tilespmem:s2+$0x0] =	vst v0  }
0x5b: {  	[tilespmem:s2+$0xFFFFFFF0] =	vst v0  }
0x5c: {  	s3 =	simm.s32 $0x0;
	[tilespmem:s2+$0xFFFFFFE0] =	vst v0  }
.LBB2_4:
0x5d: {  	s3 =	sadd.s32 $0x8, s3;
	[tilespmem:s2+$0xFFFFFFD0] =	vst v0;
	s2 =	sadd.s32 $0x80, s2;
	s0 =	simm.s32 $0x8040  }
0x5e: {  	[tilespmem:s2+$0xFFFFFFC0] =	vst v0;
	p0 =	slt.u32 s3, $0x1F8  }
0x5f: {  	[tilespmem:s2+$0x30] =	vst v0  }
.Ltmp3:
0x60: {  	[tilespmem:s2+$0x20] =	vst v0;
	(pc) =	sbr.rel @p0 .LBB2_4-.Ltmp3, $4  }
0x61: {  	[tilespmem:s2+$0x10] =	vst v0  }
0x62: {  	[tilespmem:s2+$0x0] =	vst v0  }
0x63: {  	[tilespmem:s2+$0xFFFFFFF0] =	vst v0  }
0x64: {  	s1 =	simm.s32 $0x40;
	[tilespmem:s2+$0xFFFFFFE0] =	vst v0  }
0x65: {  	[tilespmem:s2+$0xFFFFFFD0] =	vst v0  }
0x66: {  	v4 =	vld [tilespmem:s0+$0x30]  }
0x67: {  	v5 =	vld [tilespmem:s1+$0x30]  }
0x68: {  	v9 =	vld [tilespmem:s1+$0xFFFFFFC0]  }
0x69: {  	v6 =	vld [tilespmem:s0+$0xFFFFFFD0]  }
0x6a: {  	v8 =	vld [tilespmem:s0+$0xFFFFFFE0]  }
0x6b: {  	v10 =	vld [tilespmem:s1+$0xFFFFFFE0]  }
0x6c: {  	v7 =	vld [tilespmem:s1+$0xFFFFFFD0]  }
0x6d: {  	v18 =	vld [tilespmem:s0+$0xFFFFFFC0]  }
0x6e: {  	v11 =	vld [tilespmem:s1+$0xFFFFFFF0];
	v4 =	vmul.f32 v5, v4  }
0x6f: {  	v15 =	vld [tilespmem:s1+$0x10]  }
0x70: {  	v5 =	vld [tilespmem:s0+$0xFFFFFFF0];
	v8 =	vmul.f32 v10, v8;
	v12 =	vand.u32 $0x7FFFFFFF, v4  }
0x71: {  	v10 =	vld [tilespmem:s0+$0x10];
	v14 =	vxor.u32 $0xFFFFFFFF, v4;
	vm1 =	vlt.s32 v4, $0x0;
	v4 =	vmul.f32 v7, v6  }
0x72: {  	v13 =	vld [tilespmem:s0+$0x0];
	v63 =	vmul.f32 v9, v18;
	v16 =	vxor.u32 $0xFFFFFFFF, v8;
	v12 =	vxor.u32 $0x80000000, v12  }
0x73: {  	v6 =	vld [tilespmem:s1+$0x0];
	vm2 =	vlt.s32 v8, $0x0;
	v7 =	vsel vm1, v14, v12;
	v14 =	vand.u32 $0x7FFFFFFF, v4  }
0x74: {  	vm1 =	vlt.s32 v4, $0x0;
	v12 =	vshrl.u32 v7, $0x13;
	v7 =	vxor.u32 $0xFFFFFFFF, v4  }
0x75: {  	v17 =	vld [tilespmem:s1+$0x20];
	v4 =	vxor.u32 $0x80000000, v14;
	v14 =	vand.u32 $0x7FFFFFFF, v8;
	v5 =	vmul.f32 v11, v5  }
0x76: {  	vm5 =	vlt.s32 v63, $0x0;
	v11 =	vld [tilespmem:s0+$0x20];
	v15 =	vmul.f32 v15, v10;
	v14 =	vxor.u32 $0x80000000, v14  }
0x77: {  	v4 =	vsel vm1, v7, v4;
	v19 =	vxor.u32 $0xFFFFFFFF, v5;
	v8 =	vand.u32 $0x7FFFFFFF, v5  }
0x78: {  	v13 =	vmul.f32 v6, v13;
	vm4 =	vlt.s32 v5, $0x0;
	v5 =	vsel vm2, v16, v14  }
0x79: {  	v10 =	vand.u32 $0x7FFFFFFF, v15;
	vm3 =	vlt.s32 v15, $0x0;
	v20 =	vxor.u32 $0x80000000, v8  }
0x7a: {  	v8 =	vxor.u32 $0xFFFFFFFF, v15;
	v10 =	vxor.u32 $0x80000000, v10;
	v15 =	vand.u32 $0x7FFFFFFF, v63  }
0x7b: {  	v6 =	vxor.u32 $0xFFFFFFFF, v13;
	v7 =	vand.u32 $0x7FFFFFFF, v13;
	v11 =	vmul.f32 v17, v11  }
0x7c: {  	vm1 =	vlt.s32 v13, $0x0;
	v13 =	vxor.u32 $0xFFFFFFFF, v63;
	v7 =	vxor.u32 $0x80000000, v7  }
0x7d: {  	[tilespmem:v12+s19+$0x0] =	vst.idx.add.s32.msk $0xffff, v1;
	v12 =	vsel vm4, v19, v20;
	v9 =	vxor.u32 $0xFFFFFFFF, v11;
	v14 =	vand.u32 $0x7FFFFFFF, v11  }
0x7e: {  	s3 =	simm.s32 $0x0;
	s2 =	simm.s32 $0x18080;
	s4 =	simm.s32 $0x80C0;
	vm2 =	vlt.s32 v11, $0x0;
	v11 =	vxor.u32 $0x80000000, v14;
	v14 =	vxor.u32 $0x80000000, v15  }
.LBB2_6:
0x7f: {  	v15 =	vld [tilespmem:s4+$0x30];
	v13 =	vsel vm5, v13, v14;
	v6 =	vsel vm1, v6, v7;
	v7 =	vsel vm3, v8, v10;
	s1 =	sadd.s32 $0x80, s1  }
0x80: {  	s3 =	sadd.s32 $0x8, s3;
	v8 =	vld [tilespmem:s1+$0x30];
	v10 =	vshrl.u32 v13, $0x13;
	v13 =	vshrl.u32 v4, $0x13;
	v4 =	vsel vm2, v9, v11  }
0x81: {  	v12 =	vshrl.u32 v12, $0x13;
	p0 =	slt.u32 s3, $0x7F8;
	v11 =	vshrl.u32 v5, $0x13;
	v14 =	vshrl.u32 v6, $0x13;
	v9 =	vld [tilespmem:s1+$0xFFFFFFC0]  }
0x82: {  	v16 =	vshrl.u32 v7, $0x13;
	v17 =	vshrl.u32 v4, $0x13;
	v5 =	vld [tilespmem:s4+$0xFFFFFFD0]  }
0x83: {  	v4 =	vld [tilespmem:s1+$0xFFFFFFD0]  }
0x84: {  	v6 =	vld [tilespmem:s4+$0xFFFFFFE0]  }
0x85: {  	v7 =	vld [tilespmem:s1+$0xFFFFFFE0];
	v8 =	vmul.f32 v8, v15  }
0x86: {  	v15 =	vld [tilespmem:s4+$0xFFFFFFF0]  }
0x87: {  	v18 =	vld [tilespmem:s1+$0xFFFFFFF0];
	v19 =	vand.u32 $0x7FFFFFFF, v8  }
0x88: {  	v21 =	vxor.u32 $0xFFFFFFFF, v8;
	vm1 =	vlt.s32 v8, $0x0;
	v20 =	vld [tilespmem:s4+$0x0];
	v19 =	vxor.u32 $0x80000000, v19  }
0x89: {  	v4 =	vmul.f32 v4, v5;
	v5 =	vld [tilespmem:s1+$0x0];
	v8 =	vsel vm1, v21, v19  }
0x8a: {  	v6 =	vmul.f32 v7, v6;
	v7 =	vld [tilespmem:s4+$0x10];
	v8 =	vshrl.u32 v8, $0x13  }
0x8b: {  	v19 =	vxor.u32 $0xFFFFFFFF, v4;
	v21 =	vand.u32 $0x7FFFFFFF, v4;
	vm1 =	vlt.s32 v4, $0x0;
	v22 =	vld [tilespmem:s1+$0x10]  }
0x8c: {  	v4 =	vxor.u32 $0x80000000, v21;
	v21 =	vand.u32 $0x7FFFFFFF, v6;
	v15 =	vmul.f32 v18, v15;
	v18 =	vld [tilespmem:s4+$0x20]  }
0x8d: {  	v23 =	vxor.u32 $0xFFFFFFFF, v6;
	vm2 =	vlt.s32 v6, $0x0;
	v21 =	vxor.u32 $0x80000000, v21;
	v24 =	vld [tilespmem:s1+$0x20]  }
0x8e: {  	v25 =	vld [tilespmem:s4+$0xFFFFFFC0];
	v26 =	vxor.u32 $0xFFFFFFFF, v15;
	v6 =	vand.u32 $0x7FFFFFFF, v15;
	v20 =	vmul.f32 v5, v20  }
0x8f: {  	s0 =	simm.s32 $0x0;
	v4 =	vsel vm1, v19, v4;
	vm4 =	vlt.s32 v15, $0x0;
	v19 =	vxor.u32 $0x80000000, v6;
	[tilespmem:v8+s19+$0x0] =	vst.idx.add.s32.msk $0xffff, v1  }
0x90: {  	v6 =	vxor.u32 $0xFFFFFFFF, v20;
	v8 =	vand.u32 $0x7FFFFFFF, v20;
	v15 =	vmul.f32 v22, v7;
	[tilespmem:v10+s19+$0x0] =	vst.idx.add.s32.msk $0xffff, v1  }
0x91: {  	v5 =	vsel vm2, v23, v21;
	vm1 =	vlt.s32 v20, $0x0;
	v7 =	vxor.u32 $0x80000000, v8;
	[tilespmem:v13+s19+$0x0] =	vst.idx.add.s32.msk $0xffff, v1  }
.Ltmp4:
0x92: {  	v8 =	vxor.u32 $0xFFFFFFFF, v15;
	v10 =	vand.u32 $0x7FFFFFFF, v15;
	v13 =	vmul.f32 v24, v18;
	[tilespmem:v11+s19+$0x0] =	vst.idx.add.s32.msk $0xffff, v1;
	(pc) =	sbr.rel @p0 .LBB2_6-.Ltmp4, $4  }
0x93: {  	vm3 =	vlt.s32 v15, $0x0;
	v18 =	vmul.f32 v9, v25;
	v10 =	vxor.u32 $0x80000000, v10;
	[tilespmem:v12+s19+$0x0] =	vst.idx.add.s32.msk $0xffff, v1  }
0x94: {  	v9 =	vxor.u32 $0xFFFFFFFF, v13;
	v11 =	vand.u32 $0x7FFFFFFF, v13;
	vm2 =	vlt.s32 v13, $0x0;
	[tilespmem:v14+s19+$0x0] =	vst.idx.add.s32.msk $0xffff, v1  }
0x95: {  	v13 =	vxor.u32 $0xFFFFFFFF, v18;
	v12 =	vand.u32 $0x7FFFFFFF, v18;
	v11 =	vxor.u32 $0x80000000, v11;
	[tilespmem:v16+s19+$0x0] =	vst.idx.add.s32.msk $0xffff, v1  }
0x96: {  	s4 =	sadd.s32 $0x80, s4;
	vm5 =	vlt.s32 v18, $0x0;
	v14 =	vxor.u32 $0x80000000, v12;
	v12 =	vsel vm4, v26, v19;
	[tilespmem:v17+s19+$0x0] =	vst.idx.add.s32.msk $0xffff, v1  }
0x97: {  	v4 =	vshrl.u32 v4, $0x13  }
0x98: {  	v5 =	vshrl.u32 v5, $0x13  }
0x99: {  	v13 =	vsel vm5, v13, v14;
	v6 =	vsel vm1, v6, v7;
	v7 =	vshrl.u32 v12, $0x13  }
0x9a: {  	v13 =	vshrl.u32 v13, $0x13  }
0x9b: {  	v8 =	vsel vm3, v8, v10;
	v6 =	vshrl.u32 v6, $0x13  }
0x9c: {  	v9 =	vsel vm2, v9, v11;
	v8 =	vshrl.u32 v8, $0x13;
	[tilespmem:v4+s19+$0x0] =	vst.idx.add.s32.msk $0xffff, v1  }
0x9d: {  	v9 =	vshrl.u32 v9, $0x13;
	[tilespmem:v5+s19+$0x0] =	vst.idx.add.s32.msk $0xffff, v1  }
0x9e: {  	[tilespmem:v7+s19+$0x0] =	vst.idx.add.s32.msk $0xffff, v1  }
0x9f: {  	[tilespmem:v13+s19+$0x0] =	vst.idx.add.s32.msk $0xffff, v1  }
0xa0: {  	[tilespmem:v6+s19+$0x0] =	vst.idx.add.s32.msk $0xffff, v1  }
0xa1: {  	[tilespmem:v8+s19+$0x0] =	vst.idx.add.s32.msk $0xffff, v1  }
0xa2: {  	[tilespmem:v9+s19+$0x0] =	vst.idx.add.s32.msk $0xffff, v1  }
0xa3: {  	v4 =	vld [tilespmem:s2+$0xFFFFFF80]  }
0xa4: {  	v5 =	vld [tilespmem:s2+$0xFFFFFF90]  }
0xa5: {  	v6 =	vld [tilespmem:s2+$0xFFFFFFA0]  }
0xa6: {  	v7 =	vld [tilespmem:s2+$0xFFFFFFB0]  }
0xa7: {  	v8 =	vld [tilespmem:s2+$0xFFFFFFC0]  }
0xa8: {  	v9 =	vld [tilespmem:s2+$0xFFFFFFD0]  }
0xa9: {  	v4 =	vadd.s32 v4, v5;
	v5 =	vld [tilespmem:s2+$0xFFFFFFE0]  }
0xaa: {  	v4 =	vadd.s32 v6, v4;
	v6 =	vld [tilespmem:s2+$0xFFFFFFF0]  }
0xab: {  	v4 =	vadd.s32 v7, v4;
	v7 =	vld [tilespmem:s2+$0x0]  }
0xac: {  	v4 =	vadd.s32 v8, v4;
	v8 =	vld [tilespmem:s2+$0x10]  }
0xad: {  	v4 =	vadd.s32 v9, v4;
	v9 =	vld [tilespmem:s2+$0x20]  }
0xae: {  	v10 =	vld [tilespmem:s2+$0x30];
	v4 =	vadd.s32 v5, v4  }
0xaf: {  	v11 =	vld [tilespmem:s2+$0x40];
	v4 =	vadd.s32 v6, v4  }
0xb0: {  	v5 =	vadd.s32 v7, v4;
	v4 =	vld [tilespmem:s2+$0x50]  }
0xb1: {  	v6 =	vadd.s32 v8, v5;
	v5 =	vld [tilespmem:s2+$0x60]  }
0xb2: {  	v7 =	vadd.s32 v9, v6;
	v6 =	vld [tilespmem:s2+$0x70];
	s2 =	simm.s32 $0x18180  }
0xb3: {  	v8 =	vld [tilespmem:s2+$0xFFFFFF80];
	v7 =	vadd.s32 v10, v7  }
0xb4: {  	s1 =	simm.s32 $0x1;
	s3 =	simm.s32 $0x2;
	v9 =	vld [tilespmem:s2+$0xFFFFFF90];
	v7 =	vadd.s32 v11, v7  }
.LBB2_8:
0xb5: {  	p0 =	sne.s32 s3, $0x1F;
	v10 =	vld [tilespmem:s2+$0xFFFFFFA0];
	v4 =	vadd.s32 v4, v7  }
0xb6: {  	v7 =	vld [tilespmem:s2+$0xFFFFFFB0];
	v4 =	vadd.s32 v5, v4  }
0xb7: {  	v5 =	vld [tilespmem:s2+$0xFFFFFFC0];
	v4 =	vadd.s32 v6, v4  }
0xb8: {  	v6 =	vld [tilespmem:s2+$0xFFFFFFD0];
	(xrf0) =	vadd.scan.msk.s32 $0xffff, v4  }
0xb9: {  	v4 =	vadd.s32 v8, v9;
	v8 =	vld [tilespmem:s2+$0xFFFFFFE0]  }
0xba: {  	v4 =	vadd.s32 v10, v4;
	v9 =	vld [tilespmem:s2+$0xFFFFFFF0];
	v10 =	vmov s0;
	s0 =	smov.u32 s1;
	s1 =	smov.u32 s3  }
0xbb: {  	v4 =	vadd.s32 v7, v4;
	v7 =	vld [tilespmem:s2+$0x0]  }
0xbc: {  	v4 =	vadd.s32 v5, v4;
	v5 =	vld [tilespmem:s2+$0x10]  }
0xbd: {  	v4 =	vadd.s32 v6, v4;
	v6 =	vld [tilespmem:s2+$0x20]  }
0xbe: {  	v4 =	vadd.s32 v8, v4;
	v11 =	vld [tilespmem:s2+$0x30];
	v8, _, _ =	vpop (xrf0)  }
0xbf: {  	v4 =	vadd.s32 v9, v4;
	v12 =	vld [tilespmem:s2+$0x40];
	[tilespmem:v10+s20+$0x0] =	vst.idx.msk vm0, v8  }
.Ltmp5:
0xc0: {  	v7 =	vadd.s32 v7, v4;
	v4 =	vld [tilespmem:s2+$0x50];
	(pc) =	sbr.rel @p0 .LBB2_8-.Ltmp5, $4  }
0xc1: {  	v7 =	vadd.s32 v5, v7;
	v5 =	vld [tilespmem:s2+$0x60]  }
0xc2: {  	v7 =	vadd.s32 v6, v7;
	v6 =	vld [tilespmem:s2+$0x70];
	s2 =	sadd.s32 $0x100, s2  }
0xc3: {  	v8 =	vld [tilespmem:s2+$0xFFFFFF80];
	v7 =	vadd.s32 v11, v7  }
0xc4: {  	s3 =	sadd.s32 $0x1, s3;
	v9 =	vld [tilespmem:s2+$0xFFFFFF90];
	v7 =	vadd.s32 v12, v7  }
0xc5: {  	v10 =	vld [tilespmem:s2+$0xFFFFFFA0]  }
0xc6: {  	v11 =	vld [tilespmem:s2+$0xFFFFFFB0]  }
0xc7: {  	v12 =	vld [tilespmem:s2+$0xFFFFFFC0]  }
0xc8: {  	v13 =	vld [tilespmem:s2+$0xFFFFFFD0]  }
0xc9: {  	v54 =	vld [tilespmem:s2+$0xFFFFFFE0];
	v8 =	vadd.s32 v8, v9  }
0xca: {  	v55 =	vld [tilespmem:s2+$0xFFFFFFF0];
	v8 =	vadd.s32 v10, v8  }
0xcb: {  	v56 =	vld [tilespmem:s2+$0x0];
	v8 =	vadd.s32 v11, v8  }
0xcc: {  	v57 =	vld [tilespmem:s2+$0x10];
	v8 =	vadd.s32 v12, v8  }
0xcd: {  	v58 =	vld [tilespmem:s2+$0x20];
	v8 =	vadd.s32 v13, v8  }
0xce: {  	v59 =	vld [tilespmem:s2+$0x30];
	v8 =	vadd.s32 v54, v8  }
0xcf: {  	v60 =	vld [tilespmem:s2+$0x40];
	v8 =	vadd.s32 v55, v8  }
0xd0: {  	v61 =	vld [tilespmem:s2+$0x50];
	v8 =	vadd.s32 v56, v8  }
0xd1: {  	v62 =	vld [tilespmem:s2+$0x60];
	v8 =	vadd.s32 v57, v8  }
0xd2: {  	v63 =	vld [tilespmem:s2+$0x70];
	v8 =	vadd.s32 v58, v8  }
0xd3: {  	v8 =	vadd.s32 v59, v8  }
0xd4: {  	v4 =	vadd.s32 v4, v7;
	v7 =	vadd.s32 v60, v8  }
0xd5: {  	v4 =	vadd.s32 v5, v4;
	v5 =	vadd.s32 v61, v7  }
0xd6: {  	v4 =	vadd.s32 v6, v4;
	v5 =	vadd.s32 v62, v5  }
0xd7: {  	(xrf0) =	vadd.scan.msk.s32 $0xffff, v4;
	v4 =	vadd.s32 v63, v5  }
0xd8: {  	(xrf0) =	vadd.scan.msk.s32 $0xffff, v4  }
0xd9: {  	v4 =	vmov s0  }
0xda: {  	v5 =	vmov s1;
	_ =	sdelay $0x2  }
0xdb: {  	v6, _, _ =	vpop (xrf0)  }
0xdc: {  	[tilespmem:v4+s20+$0x0] =	vst.idx.msk vm0, v6;
	v4, _, _ =	vpop (xrf0)  }
0xdd: {  	[tilespmem:v5+s20+$0x0] =	vst.idx.msk vm0, v4  }
0xde: {  	v4 =	vld [tilespmem:$0x1A000];
	_ =	sdelay $0x4  }
0xdf: {  	(xrf0) =	vadd.scan.msk.s32 $0xffff, v4;
	_ =	sdelay $0x1  }
0xe0: {  	v4 =	vld [tilespmem:$0x1A010];
	_ =	sdelay $0x3  }
0xe1: {  	v6, _, _ =	vpop (xrf0)  }
0xe2: {  	(xrf0) =	vadd.scan.msk.s32 $0xffff, v4;
	v4 =	vxor.u32 $0x80000000, v6  }
0xe3: {  	(xrf0) =	vmax.scan.msk.u32 $0xffff, v4;
	_ =	sdelay $0x4  }
0xe4: {  	v5, _, _ =	vpop (xrf0)  }
0xe5: {  	v7, _, _ =	vpop (xrf0)  }
0xe6: {  	(v2sf) =	vpush v7, $0xF;
	_ =	sdelay $0xe  }
0xe7: {  	s6 =	spop (v2sf)  }
0xe8: {  	s0 =	sxor.u32 $0x80000000, s6  }
0xe9: {  	vm2 =	vlt.s32 v6, $0x7334;
	v5 =	vadd.s32 s0, v5  }
0xea: {  	v6 =	vmpcnt.ones.xlane vm2;
	vm1 =	vlt.s32 v5, $0x7334  }
0xeb: {  	v7 =	vmpcnt.ones.xlane vm1  }
0xec: {  	v6 =	vxor.u32 $0x80000000, v6  }
0xed: {  	(xrf0) =	vmax.scan.msk.u32 $0xffff, v6;
	v6 =	vxor.u32 $0x80000000, v7  }
0xee: {  	(xrf0) =	vmax.scan.msk.u32 $0xffff, v6;
	_ =	sdelay $0x4  }
0xef: {  	v6, _, _ =	vpop (xrf0)  }
0xf0: {  	(v2sf) =	vpush v6, $0xF;
	v6, _, _ =	vpop (xrf0)  }
0xf1: {  	(v2sf) =	vpush v6, $0xF;
	_ =	sdelay $0xd  }
0xf2: {  	s7 =	spop (v2sf)  }
0xf3: {  	s8 =	spop (v2sf)  }
0xf4: {  	s0 =	sadd.s32 s7, s8  }
0xf5: {  	s1 =	sshll.u32 s0, $0xA  }
0xf6: {  	s4 =	simm.s32 $0x0;
	s1 =	sshra.s32 s1, $0x2  }
0xf7: {  	s9 =	sand.u32 $0x80, s4;
	s2 =	sadd.s32 $0x18000, s1  }
0xf8: {  	s3 =	sand.u32 $0x70, s4;
	s1 =	sadd.s32 s9, s2  }
0xf9: {  	s1 =	sadd.s32 s3, s1  }
0xfa: {  	v6 =	vld [tilespmem:s1+$0x0];
	_ =	sdelay $0x1  }
0xfb: {  	s30 =	simm.s32 $0x10  }
0xfc: {  	s31 =	sand.u32 $0x80, s30  }
0xfd: {  	s3 =	sadd.s32 s31, s2;
	s1 =	sand.u32 $0x70, s30  }
0xfe: {  	s5 =	sadd.s32 s1, s3;
	(xrf0) =	vadd.scan.msk.s32 $0xffff, v6  }
0xff: {  	v7 =	vld [tilespmem:s5+$0x0]  }
0x100: {  	s1 =	simm.s32 $0x1;
	s3 =	simm.s32 $0x2;
	v6 =	vmov s4;
	s4 =	simm.s32 $0x20  }
.LBB2_10:
0x101: {  	s5 =	sand.u32 $0x80, s4  }
0x102: {  	p0 =	sne.s32 s3, $0xF;
	s6 =	smov.u32 s3;
	s3 =	sadd.s32 $0x1, s3  }
.Ltmp6:
0x103: {  	s7 =	sand.u32 $0x70, s4;
	s5 =	sadd.s32 s5, s2;
	(pc) =	sbr.rel @p0 .LBB2_10-.Ltmp6, $4  }
0x104: {  	s5 =	sadd.s32 s7, s5;
	(xrf0) =	vadd.scan.msk.s32 $0xffff, v7;
	v8, _, _ =	vpop (xrf0)  }
0x105: {  	v7 =	vld [tilespmem:s5+$0x0];
	[tilespmem:v6+s21+$0x0] =	vst.idx.msk vm0, v8  }
0x106: {  	v6 =	vmov s1;
	s1 =	smov.u32 s6  }
0x107: {  	s4 =	sadd.s32 $0x10, s4  }
0x108: {  	_ =	sdelay $0x1  }
0x109: {  	v4 =	vnsel vm2, $0x80000000, v4;
	v5 =	vxor.u32 $0x80000000, v5;
	(xrf0) =	vadd.scan.msk.s32 $0xffff, v7  }
0x10a: {  	(xrf0) =	vmax.scan.msk.u32 $0xffff, v4;
	v4 =	vnsel vm1, $0x80000000, v5  }
0x10b: {  	(xrf0) =	vmax.scan.msk.u32 $0xffff, v4;
	_ =	sdelay $0x2  }
0x10c: {  	v4, _, _ =	vpop (xrf0)  }
0x10d: {  	v5, _, _ =	vpop (xrf0)  }
0x10e: {  	v7, _, _ =	vpop (xrf0)  }
0x10f: {  	(v2sf) =	vpush v7, $0xF;
	v7, _, _ =	vpop (xrf0)  }
0x110: {  	(v2sf) =	vpush v7, $0xF;
	_ =	sdelay $0x2  }
0x111: {  	v7 =	vmov s1;
	_ =	sdelay $0x3  }
0x112: {  	[tilespmem:v6+s21+$0x0] =	vst.idx.msk vm0, v4  }
0x113: {  	[tilespmem:v7+s21+$0x0] =	vst.idx.msk vm0, v5  }
0x114: {  	v4 =	vld [tilespmem:$0x1A080];
	_ =	sdelay $0x4  }
0x115: {  	(xrf0) =	vadd.scan.msk.s32 $0xffff, v4;
	s7 =	spop (v2sf)  }
0x116: {  	s2 =	spop (v2sf)  }
0x117: {  	s1 =	sxor.u32 $0x80000000, s7;
	s30 =	sxor.u32 $0x80000000, s2  }
0x118: {  	p0 =	sgt.s32 s1, s30  }
0x119: {  	s30 =	smov.u32 @p0 s1  }
0x11a: {  	p0 =	sgt.s32 s30, $0x0  }
0x11b: {  	v4, _, _ =	vpop (xrf0);
	s30 =	simm.s32 @!p0 $0x0  }
0x11c: {  	v4 =	vadd.s32 s30, v4  }
0x11d: {  	vm1 =	vlt.s32 v4, $0x7334  }
0x11e: {  	v5 =	vmpcnt.ones.xlane vm1;
	_ =	sdelay $0x1  }
0x11f: {  	v5 =	vxor.u32 $0x80000000, v5  }
0x120: {  	(xrf0) =	vmax.scan.msk.u32 $0xffff, v5;
	_ =	sdelay $0x5  }
0x121: {  	v5, _, _ =	vpop (xrf0)  }
0x122: {  	(v2sf) =	vpush v5, $0xF;
	_ =	sdelay $0x3  }
0x123: {  	v4 =	vxor.u32 $0x80000000, v4  }
0x124: {  	v4 =	vnsel vm1, $0x80000000, v4  }
0x125: {  	(xrf0) =	vmax.scan.msk.u32 $0xffff, v4;
	_ =	sdelay $0x5  }
0x126: {  	v4, _, _ =	vpop (xrf0)  }
0x127: {  	(v2sf) =	vpush v4, $0xF;
	_ =	sdelay $0x1  }
0x128: {  	s8 =	spop (v2sf)  }
0x129: {  	s0 =	sshll.u32 s0, $0x8;
	s1 =	sshll.u32 s8, $0x4  }
0x12a: {  	s0 =	sadd.s32 s0, s1  }
0x12b: {  	s1 =	sand.u32 $0x70, s1;
	s9 =	sand.u32 $0xFFFFFF80, s0  }
0x12c: {  	s1 =	sor.u32 s1, s9  }
0x12d: {  	v4 =	vld [tilespmem:s1+$0x18000];
	_ =	sdelay $0x4  }
0x12e: {  	(xrf0) =	vadd.scan.msk.s32 $0xffff, v4;
	_ =	sdelay $0x2  }
0x12f: {  	s3 =	spop (v2sf)  }
0x130: {  	s1 =	sxor.u32 $0x80000000, s3  }
0x131: {  	p0 =	sgt.s32 s1, s30  }
0x132: {  	s30 =	smov.u32 @p0 s1;
	v4, _, _ =	vpop (xrf0)  }
0x133: {  	v4 =	vadd.s32 s30, v4  }
0x134: {  	vm1 =	vlt.s32 v4, $0x7334  }
0x135: {  	s4 =	simm.s32 $0x40;
	v5 =	vmpcnt.ones.xlane vm1  }
0x136: {  	v6 =	vld [tilespmem:s4+$0x30]  }
0x137: {  	v8 =	vld [tilespmem:s4+$0x20];
	v5 =	vxor.u32 $0x80000000, v5  }
0x138: {  	s31 =	simm.s32 $0x8040;
	v7 =	vld [tilespmem:s4+$0x10];
	(xrf0) =	vmax.scan.msk.u32 $0xffff, v5  }
0x139: {  	v13 =	vld [tilespmem:s31+$0x10]  }
0x13a: {  	v16 =	vld [tilespmem:s31+$0x20]  }
0x13b: {  	v9 =	vld [tilespmem:s4+$0x0]  }
0x13c: {  	v15 =	vld [tilespmem:s4+$0xFFFFFFD0]  }
0x13d: {  	v20 =	vld [tilespmem:s31+$0xFFFFFFD0]  }
0x13e: {  	v18 =	vmul.f32 v7, v13;
	v7 =	vld [tilespmem:s31+$0x0];
	v5, _, _ =	vpop (xrf0)  }
0x13f: {  	(v2sf) =	vpush v5, $0xF;
	v5 =	vld [tilespmem:s31+$0x30];
	_ =	sdelay $0x1  }
0x140: {  	v17 =	vimm.s32 $0x0;
	v21 =	vmul.f32 v8, v16  }
0x141: {  	v15 =	vmul.f32 v15, v20;
	v22 =	vand.u32 $0x7FFFFFFF, v18;
	vm3 =	vlt.s32 v18, $0x0  }
0x142: {  	v23 =	vand.u32 $0x7FFFFFFF, v21;
	v25 =	vxor.u32 $0xFFFFFFFF, v21;
	v27 =	vmul.f32 v9, v7  }
0x143: {  	v14 =	vld [tilespmem:s31+$0xFFFFFFC0];
	v28 =	vxor.u32 $0xFFFFFFFF, v15;
	vm4 =	vlt.s32 v15, $0x0;
	v10 =	vmul.f32 v6, v5  }
0x144: {  	v12 =	vld [tilespmem:s4+$0xFFFFFFF0];
	v22 =	vxor.u32 $0x80000000, v22;
	v23 =	vxor.u32 $0x80000000, v23;
	v31 =	vxor.u32 $0xFFFFFFFF, v27  }
0x145: {  	v11 =	vand.u32 $0x7FFFFFFF, v10;
	vm2 =	vlt.s32 v10, $0x0;
	v19 =	vxor.u32 $0xFFFFFFFF, v10;
	v10 =	vld [tilespmem:s31+$0xFFFFFFF0]  }
0x146: {  	v24 =	vld [tilespmem:s4+$0xFFFFFFE0];
	vm5 =	vlt.s32 v27, $0x0;
	v8 =	vxor.u32 $0x80000000, v11;
	v11 =	vxor.u32 $0xFFFFFFFF, v18  }
0x147: {  	v18 =	vld [tilespmem:s4+$0xFFFFFFC0];
	v19 =	vsel vm2, v19, v8;
	v22 =	vsel vm3, v11, v22;
	vm2 =	vlt.s32 v21, $0x0  }
0x148: {  	v11 =	vld [tilespmem:s31+$0xFFFFFFE0];
	v8 =	vshrl.u32 v19, $0x13;
	v26 =	vshrl.u32 v22, $0x13;
	v22 =	vshll.u32 v22, $0xD  }
0x149: {  	v19 =	vshll.u32 v19, $0xD;
	v23 =	vsel vm2, v25, v23;
	v25 =	vand.u32 $0x7FFFFFFF, v15  }
0x14a: {  	v9 =	vand.u32 $0xFFFF8000, v19;
	v19 =	vshll.u32 v17, $0x4;
	v21 =	vmul.f32 v12, v10  }
0x14b: {  	v22 =	vand.u32 $0xFFFF8000, v22;
	v33 =	vshrl.u32 v23, $0x13;
	v34 =	vor.u32 v2, v19  }
0x14c: {  	v12 =	vmul.f32 v18, v14;
	v18 =	vand.u32 $0x7FFFFFFF, v27;
	v29 =	vand.u32 $0x7FFFFFFF, v21  }
0x14d: {  	v24 =	vmul.f32 v24, v11;
	vm3 =	vlt.s32 v21, $0x0;
	v15 =	vxor.u32 $0x80000000, v18  }
0x14e: {  	v19 =	vxor.u32 $0xFFFFFFFF, v21;
	v30 =	vand.u32 $0x7FFFFFFF, v12;
	v27 =	vxor.u32 $0xFFFFFFFF, v12  }
0x14f: {  	s5 =	spop (v2sf);
	v29 =	vxor.u32 $0x80000000, v29;
	vm2 =	vlt.s32 v12, $0x0;
	v15 =	vsel vm5, v31, v15  }
0x150: {  	s0 =	sadd.s32 s5, s0;
	v32 =	vand.u32 $0x7FFFFFFF, v24;
	v30 =	vxor.u32 $0x80000000, v30;
	vm6 =	vlt.s32 v24, $0x0  }
0x151: {  	v19 =	vsel vm3, v19, v29;
	s0 =	sadd.s32 $0x80000000, s0;
	v12 =	vsel vm2, v27, v30;
	v27 =	vshll.u32 v23, $0xD  }
0x152: {  	v59 =	vxor.u32 $0x80000000, v32;
	v6 =	vmov s0;
	v18 =	vshrl.u32 v12, $0x13  }
0x153: {  	v30 =	vshll.u32 v12, $0xD;
	v12 =	vshll.u32 v15, $0xD;
	v15 =	vshrl.u32 v15, $0x13  }
0x154: {  	vm7 =	vlt.s32 v26, v6;
	vm5 =	vlt.s32 v18, v6;
	vm8 =	veq.s32 v18, v6  }
0x155: {  	s6 =	simm.s32 $0x0;
	v18 =	vand.u32 $0xFFFF8000, v30;
	vm2 =	veq.s32 v15, v6;
	vm3 =	veq.s32 v33, v6  }
0x156: {  	v57 =	vsel vm8, $0x1, v0;
	v58 =	vor.u32 s6, v18;
	v18 =	vxor.u32 $0xFFFFFFFF, v24  }
0x157: {  	v24 =	vxor.u32 $0x80000000, v25;
	v60 =	vsel vm2, $0x1, v0;
	v14 =	vsel vm5, $0x0, v14  }
0x158: {  	v13 =	vsel vm7, $0x0, v13;
	v17 =	vadd.s32 v57, v17;
	v24 =	vsel vm4, v28, v24  }
0x159: {  	v18 =	vsel vm6, v18, v59;
	vm4 =	veq.s32 v26, v6;
	v26 =	vor.u32 v2, v58  }
0x15a: {  	v25 =	vshll.u32 v17, $0x4;
	v28 =	vshrl.u32 v24, $0x13;
	v61 =	vshll.u32 v18, $0xD  }
0x15b: {  	v24 =	vshll.u32 v24, $0xD;
	v18 =	vshrl.u32 v18, $0x13;
	v62 =	vsel vm4, $0x1, v0  }
0x15c: {  	v25 =	vor.u32 v2, v25;
	vm9 =	veq.s32 v28, v6;
	vm6 =	veq.s32 v18, v6  }
0x15d: {  	s7 =	simm.s32 $0x10;
	[tilespmem:s31+$0xFFFFFFC0] =	vst v14;
	vm10 =	vlt.s32 v28, v6;
	v14 =	vand.u32 $0xFFFF8000, v24;
	v23 =	vsel vm9, $0x1, v0  }
0x15e: {  	v21 =	vsel vm6, $0x1, v0;
	v20 =	vsel vm10, $0x0, v20;
	v14 =	vor.u32 s7, v14  }
0x15f: {  	v17 =	vadd.s32 v23, v17;
	v23 =	vshrl.u32 v19, $0x13;
	[tilespmem:v34+s22+$0x0] =	vst.idx.msk vm8, v26;
	v14 =	vor.u32 v2, v14  }
0x160: {  	[tilespmem:s31+$0xFFFFFFD0] =	vst v20;
	vm8 =	vlt.s32 v33, v6;
	v20 =	vsel vm3, $0x1, v0;
	vm5 =	veq.s32 v23, v6  }
0x161: {  	v35 =	vshll.u32 v17, $0x4;
	v21 =	vadd.s32 v21, v17;
	v26 =	vsel vm5, $0x1, v0  }
0x162: {  	s8 =	simm.s32 $0x20;
	v17 =	vand.u32 $0xFFFF8000, v61;
	v24 =	vor.u32 v2, v35;
	v63 =	vadd.s32 v26, v21  }
0x163: {  	s9 =	simm.s32 $0x60;
	[tilespmem:s31+$0x10] =	vst v13;
	v26 =	vor.u32 s8, v17;
	v17 =	vand.u32 $0xFFFF8000, v27;
	v30 =	vadd.s32 v60, v63  }
0x164: {  	s2 =	simm.s32 $0x70;
	s3 =	simm.s32 $0x50;
	s1 =	simm.s32 $0x0;
	[tilespmem:v25+s22+$0x0] =	vst.idx.msk vm9, v14;
	v14 =	vsel vm8, $0x0, v16;
	v17 =	vor.u32 s9, v17;
	v25 =	vshll.u32 v63, $0x4  }
0x165: {  	s4 =	simm.s32 $0xC0;
	s0 =	simm.s32 $0x70;
	v16 =	vshll.u32 v30, $0x4;
	[tilespmem:s31+$0x20] =	vst v14;
	v14 =	vor.u32 s3, v22;
	v22 =	vadd.s32 v62, v30;
	s3 =	simm.s32 $0x80C0  }
.LBB2_12:
0x166: {  	v13 =	vld [tilespmem:s3+$0xFFFFFFC0];
	s1 =	sadd.s32 $0x8, s1;
	vm7 =	vlt.s32 v18, v6;
	vm8 =	vlt.s32 v23, v6;
	v18 =	vshll.u32 v21, $0x4;
	s2 =	sadd.s32 $0x80, s2  }
0x167: {  	v21 =	vld [tilespmem:s4+$0x30];
	p0 =	slt.u32 s1, $0x7F8;
	v11 =	vsel vm7, $0x0, v11;
	v10 =	vsel vm8, $0x0, v10;
	v18 =	vor.u32 v2, v18  }
0x168: {  	v19 =	vshll.u32 v19, $0xD;
	vm7 =	vlt.s32 v15, v6;
	v23 =	vld [tilespmem:s3+$0x30];
	[tilespmem:s31+$0xFFFFFFE0] =	vst v11;
	v11 =	vor.u32 v2, v26  }
0x169: {  	s5 =	sadd.s32 $0xFFFFFFC0, s0;
	s6 =	sadd.s32 $0xFFFFFFD0, s0;
	v12 =	vand.u32 $0xFFFF8000, v12;
	v7 =	vsel vm7, $0x0, v7;
	v15 =	vld [tilespmem:s4+$0x20];
	[tilespmem:v24+s22+$0x0] =	vst.idx.msk vm6, v11;
	v11 =	vand.u32 $0xFFFF8000, v19  }
0x16a: {  	vm6 =	vlt.s32 v8, v6;
	v19 =	vld [tilespmem:s4+$0x10];
	[tilespmem:s31+$0xFFFFFFF0] =	vst v10;
	v10 =	vor.u32 s5, v11;
	v11 =	vor.u32 s6, v12  }
0x16b: {  	v9 =	vor.u32 s0, v9;
	s0 =	smov.u32 s2;
	v12 =	vld [tilespmem:s4+$0x0];
	v10 =	vor.u32 v2, v10;
	[tilespmem:s31+$0x0] =	vst v7;
	v7 =	vor.u32 v2, v14  }
0x16c: {  	v9 =	vor.u32 v2, v9;
	v26 =	vsel vm6, $0x0, v5;
	v14 =	vld [tilespmem:s3+$0x10];
	[tilespmem:v18+s22+$0x0] =	vst.idx.msk vm5, v10;
	v10 =	vor.u32 v2, v16  }
0x16d: {  	v11 =	vor.u32 v2, v11;
	v18 =	vor.u32 v2, v25;
	vm5 =	veq.s32 v8, v6;
	v16 =	vld [tilespmem:s3+$0x20];
	[tilespmem:s31+$0x30] =	vst v26;
	s31 =	smov.u32 s3  }
0x16e: {  	v20 =	vadd.s32 v20, v22;
	v8 =	vmul.f32 v21, v23;
	v21 =	vsel vm5, $0x1, v0;
	v5 =	vmovc v23;
	v24 =	vld [tilespmem:s4+$0xFFFFFFF0]  }
0x16f: {  	v22 =	vshll.u32 v22, $0x4;
	v25 =	vor.u32 v2, v17;
	v17 =	vshll.u32 v20, $0x4;
	v23 =	vld [tilespmem:s4+$0xFFFFFFE0]  }
0x170: {  	v28 =	vor.u32 v2, v17;
	v27 =	vand.u32 $0x7FFFFFFF, v8;
	vm6 =	vlt.s32 v8, $0x0;
	v26 =	vld [tilespmem:s4+$0xFFFFFFD0]  }
0x171: {  	v22 =	vor.u32 v2, v22;
	v8 =	vxor.u32 $0xFFFFFFFF, v8;
	v17 =	vld [tilespmem:s3+$0xFFFFFFD0];
	v19 =	vmul.f32 v19, v14;
	[tilespmem:v10+s22+$0x0] =	vst.idx.msk vm4, v7  }
0x172: {  	v27 =	vxor.u32 $0x80000000, v27;
	v7 =	vld [tilespmem:s3+$0x0];
	v15 =	vmul.f32 v15, v16;
	[tilespmem:v18+s22+$0x0] =	vst.idx.msk vm2, v11;
	v18 =	vadd.s32 v21, v20  }
0x173: {  	v10 =	vld [tilespmem:s3+$0xFFFFFFF0];
	v20 =	vxor.u32 $0xFFFFFFFF, v19;
	v11 =	vand.u32 $0x7FFFFFFF, v19;
	vm2 =	vlt.s32 v19, $0x0  }
0x174: {  	v27 =	vsel vm6, v8, v27;
	v19 =	vld [tilespmem:s4+$0xFFFFFFC0];
	v21 =	vxor.u32 $0x80000000, v11;
	v29 =	vand.u32 $0x7FFFFFFF, v15  }
0x175: {  	v8 =	vshrl.u32 v27, $0x13;
	v11 =	vld [tilespmem:s3+$0xFFFFFFE0];
	v20 =	vsel vm2, v20, v21;
	v21 =	vxor.u32 $0xFFFFFFFF, v15;
	[tilespmem:v28+s22+$0x0] =	vst.idx.msk vm5, v9  }
0x176: {  	v9 =	vshll.u32 v27, $0xD;
	v28 =	vshrl.u32 v20, $0x13;
	v20 =	vshll.u32 v20, $0xD;
	[tilespmem:v22+s22+$0x0] =	vst.idx.msk vm3, v25  }
0x177: {  	vm4 =	vlt.s32 v15, $0x0;
	v12 =	vmul.f32 v12, v7;
	vm7 =	vlt.s32 v28, v6  }
0x178: {  	v15 =	vmul.f32 v26, v17;
	v9 =	vand.u32 $0xFFFF8000, v9;
	v22 =	vmul.f32 v24, v10  }
0x179: {  	v24 =	vshll.u32 v18, $0x4;
	v19 =	vmul.f32 v19, v13;
	v25 =	vand.u32 $0x7FFFFFFF, v12  }
0x17a: {  	v29 =	vxor.u32 $0x80000000, v29;
	v26 =	vxor.u32 $0xFFFFFFFF, v15;
	v27 =	vand.u32 $0x7FFFFFFF, v22  }
0x17b: {  	v31 =	vxor.u32 $0xFFFFFFFF, v12;
	v23 =	vmul.f32 v23, v11;
	v30 =	vand.u32 $0x7FFFFFFF, v19  }
0x17c: {  	v32 =	vand.u32 $0xFFFF8000, v20;
	vm2 =	vlt.s32 v15, $0x0;
	vm5 =	vlt.s32 v12, $0x0  }
0x17d: {  	v12 =	vxor.u32 $0xFFFFFFFF, v19;
	v27 =	vxor.u32 $0x80000000, v27;
	v20 =	vand.u32 $0x7FFFFFFF, v23  }
0x17e: {  	v21 =	vsel vm4, v21, v29;
	vm3 =	vlt.s32 v22, $0x0;
	v30 =	vxor.u32 $0x80000000, v30  }
0x17f: {  	vm4 =	vlt.s32 v19, $0x0;
	v19 =	vand.u32 $0x7FFFFFFF, v15;
	vm6 =	vlt.s32 v23, $0x0  }
0x180: {  	v15 =	vxor.u32 $0x80000000, v25;
	v25 =	vshll.u32 v21, $0xD;
	v12 =	vsel vm4, v12, v30  }
0x181: {  	v15 =	vsel vm5, v31, v15;
	v29 =	vshrl.u32 v12, $0x13;
	v30 =	vshll.u32 v12, $0xD  }
0x182: {  	v12 =	vshll.u32 v15, $0xD;
	vm5 =	vlt.s32 v29, v6;
	vm8 =	veq.s32 v29, v6  }
0x183: {  	s5 =	sadd.s32 $0xFFFFFF90, s2;
	v15 =	vshrl.u32 v15, $0x13;
	v29 =	vand.u32 $0xFFFF8000, v30;
	v30 =	vsel vm8, $0x1, v0  }
0x184: {  	v29 =	vor.u32 s5, v29;
	v30 =	vadd.s32 v30, v18;
	v18 =	vxor.u32 $0xFFFFFFFF, v23  }
0x185: {  	v19 =	vxor.u32 $0x80000000, v19;
	v20 =	vxor.u32 $0x80000000, v20;
	v23 =	vshll.u32 v30, $0x4  }
0x186: {  	v19 =	vsel vm2, v26, v19;
	vm2 =	veq.s32 v15, v6;
	v31 =	vor.u32 v2, v23  }
0x187: {  	v26 =	vshrl.u32 v19, $0x13;
	v18 =	vsel vm6, v18, v20;
	v20 =	vsel vm2, $0x1, v0  }
0x188: {  	v33 =	vshrl.u32 v21, $0x13;
	vm9 =	veq.s32 v26, v6;
	v23 =	vshll.u32 v18, $0xD  }
0x189: {  	v34 =	vshll.u32 v19, $0xD;
	v19 =	vsel vm9, $0x1, v0;
	v18 =	vshrl.u32 v18, $0x13  }
0x18a: {  	v24 =	vor.u32 v2, v24;
	v21 =	vadd.s32 v19, v30;
	v19 =	vxor.u32 $0xFFFFFFFF, v22  }
0x18b: {  	vm4 =	veq.s32 v28, v6;
	v22 =	vshll.u32 v21, $0x4;
	vm6 =	veq.s32 v18, v6  }
0x18c: {  	v19 =	vsel vm3, v19, v27;
	v27 =	vsel vm4, $0x1, v0;
	v28 =	vsel vm6, $0x1, v0  }
0x18d: {  	v13 =	vsel vm5, $0x0, v13;
	v29 =	vor.u32 v2, v29;
	v21 =	vadd.s32 v28, v21  }
0x18e: {  	vm3 =	veq.s32 v33, v6;
	v28 =	vand.u32 $0xFFFF8000, v23;
	v23 =	vshrl.u32 v19, $0x13  }
0x18f: {  	vm10 =	vlt.s32 v26, v6;
	s5 =	sadd.s32 $0xFFFFFFA0, s2;
	vm5 =	veq.s32 v23, v6;
	[tilespmem:s3+$0xFFFFFFC0] =	vst v13;
	v13 =	vand.u32 $0xFFFF8000, v34  }
0x190: {  	v17 =	vsel vm10, $0x0, v17;
	v26 =	vsel vm5, $0x1, v0;
	[tilespmem:v24+s22+$0x0] =	vst.idx.msk vm8, v29;
	v13 =	vor.u32 s5, v13  }
.Ltmp7:
0x191: {  	s5 =	sadd.s32 $0xFFFFFFB0, s2;
	v24 =	vor.u32 v2, v22;
	v22 =	vadd.s32 v26, v21;
	v13 =	vor.u32 v2, v13;
	(pc) =	sbr.rel @p0 .LBB2_12-.Ltmp7, $4  }
0x192: {  	vm8 =	vlt.s32 v33, v6;
	v26 =	vor.u32 s5, v28;
	v28 =	vadd.s32 v20, v22;
	[tilespmem:s3+$0xFFFFFFD0] =	vst v17  }
0x193: {  	s5 =	sadd.s32 $0xFFFFFFF0, s2;
	v20 =	vsel vm3, $0x1, v0;
	v17 =	vand.u32 $0xFFFF8000, v25;
	[tilespmem:v31+s22+$0x0] =	vst.idx.msk vm9, v13;
	v13 =	vsel vm8, $0x0, v16  }
0x194: {  	s6 =	sadd.s32 $0xFFFFFFE0, s2;
	v14 =	vsel vm7, $0x0, v14;
	v16 =	vshll.u32 v28, $0x4;
	v17 =	vor.u32 s5, v17;
	[tilespmem:s3+$0x20] =	vst v13  }
0x195: {  	s4 =	sadd.s32 $0x80, s4;
	v25 =	vshll.u32 v22, $0x4;
	v22 =	vadd.s32 v27, v28;
	s3 =	sadd.s32 $0x80, s3;
	[tilespmem:s31+$0x10] =	vst v14;
	v14 =	vor.u32 s6, v32  }
0x196: {  	vm7 =	vlt.s32 v18, v6;
	vm8 =	vlt.s32 v23, v6;
	v13 =	vshll.u32 v21, $0x4  }
0x197: {  	v51 =	vshll.u32 v19, $0xD;
	v52 =	vor.u32 v2, v26;
	vm13 =	vlt.s32 v15, v6  }
0x198: {  	vm14 =	vlt.s32 v8, v6;
	v55 =	vor.u32 v2, v16;
	v11 =	vsel vm7, $0x0, v11  }
0x199: {  	v56 =	vadd.s32 v20, v22;
	v57 =	vor.u32 v2, v25;
	v10 =	vsel vm8, $0x0, v10;
	[tilespmem:s31+$0xFFFFFFE0] =	vst v11  }
0x19a: {  	vm15 =	veq.s32 v8, v6;
	v59 =	vand.u32 $0xFFFF8000, v12;
	v7 =	vsel vm13, $0x0, v7;
	[tilespmem:s31+$0xFFFFFFF0] =	vst v10  }
0x19b: {  	v13 =	vor.u32 v2, v13;
	v6 =	vshll.u32 v56, $0x4;
	v5 =	vsel vm14, $0x0, v5;
	[tilespmem:s31+$0x0] =	vst v7  }
0x19c: {  	s9 =	sadd.s32 $0xFFFFFFD0, s0;
	v61 =	vor.u32 v2, v14;
	v7 =	vshll.u32 v22, $0x4;
	v6 =	vor.u32 v2, v6;
	[tilespmem:s31+$0x30] =	vst v5  }
0x19d: {  	s1 =	sadd.s32 $0xFFFFFFC0, s0;
	v53 =	vand.u32 $0xFFFF8000, v51;
	v60 =	vor.u32 s9, v59;
	[tilespmem:v24+s22+$0x0] =	vst.idx.msk vm6, v52;
	v7 =	vor.u32 v2, v7  }
0x19e: {  	v54 =	vor.u32 s1, v53;
	v8 =	vor.u32 v2, v60;
	[tilespmem:v55+s22+$0x0] =	vst.idx.msk vm4, v61  }
0x19f: {  	v5 =	vor.u32 s0, v9;
	v58 =	vor.u32 v2, v54;
	[tilespmem:v57+s22+$0x0] =	vst.idx.msk vm2, v8  }
0x1a0: {  	v5 =	vor.u32 v2, v5;
	[tilespmem:v13+s22+$0x0] =	vst.idx.msk vm5, v58  }
0x1a1: {  	v63 =	vor.u32 v2, v17;
	v62 =	vsel vm15, $0x1, v0;
	[tilespmem:v6+s22+$0x0] =	vst.idx.msk vm15, v5  }
0x1a2: {  	s0 =	simm.s32 $0x40;
	s1 =	simm.s32 $0x0;
	v5 =	vadd.s32 v62, v56;
	[tilespmem:v7+s22+$0x0] =	vst.idx.msk vm3, v63  }
.LBB2_14:
0x1a3: {  	p0 =	seq.s32 s0, $0x3C0;
	[tilespmem:s1+$0x1A100] =	vst v0;
	s1 =	smov.u32 s0;
	s0 =	sadd.s32 $0x40, s0  }
.Ltmp8:
0x1a4: {  	(pc) =	sbr.rel @!p0 .LBB2_14-.Ltmp8, $2  }
0x1a5: {  	_ =	sdelay $0x2  }
0x1a6: {  	s1 =	sshra.s32 s1, $0x2  }
0x1a7: {  	v4 =	vxor.u32 $0x80000000, v4  }
0x1a8: {  	v4 =	vnsel vm1, $0x80000000, v4  }
0x1a9: {  	(xrf0) =	vmax.scan.msk.u32 $0xffff, v4;
	v4 =	vxor.u32 $0x80000000, v5  }
0x1aa: {  	(xrf0) =	vmax.scan.msk.u32 $0xffff, v4;
	_ =	sdelay $0x4  }
0x1ab: {  	v4, _, _ =	vpop (xrf0)  }
0x1ac: {  	(v2sf) =	vpush v4, $0xF;
	v4, _, _ =	vpop (xrf0)  }
0x1ad: {  	(v2sf) =	vpush v4, $0xF;
	_ =	sdelay $0xd  }
0x1ae: {  	s0 =	spop (v2sf)  }
0x1af: {  	s9 =	spop (v2sf)  }
0x1b0: {  	s31 =	sxor.u32 $0x80000000, s9  }
0x1b1: {  	p0 =	sgt.s32 s31, $0x0  }
.Ltmp9:
0x1b2: {  	_ = 	snop;
	(pc) =	sbr.rel @!p0 .LBB2_19-.Ltmp9, $2  }
0x1b3: {  	_ =	sdelay $0x2  }
0x1b4: {  	[tilespmem:s1+$0x1A100] =	vst v0  }
0x1b5: {  	s1 =	simm.s32 $0x1A200  }
0x1b6: {  	p0 =	sne.s32 s31, $0x1;
	v4 =	vld [tilespmem:s1+$0x0]  }
.Ltmp10:
0x1b7: {  	_ = 	snop;
	(pc) =	sbr.rel @!p0 .LBB2_18-.Ltmp10, $4  }
0x1b8: {  	s2 =	simm.s32 $0x0  }
0x1b9: {  	v6 =	vmov s2  }
0x1ba: {  	vm1 =	vlt.s32 v6, v5  }
0x1bb: {  	s2 =	simm.s32 $0x1;
	v4 =	vshrl.u32 v4, $0x18  }
.LBB2_17:
0x1bc: {  	_ =	sdelay $0x3  }
0x1bd: {  	[tilespmem:v4+s23+$0x0] =	vst.idx.add.s32.msk vm1, v1;
	s1 =	sadd.s32 $0x10, s1;
	s3 =	smov.u32 s2;
	s2 =	sadd.s32 $0x1, s2  }
0x1be: {  	v4 =	vld [tilespmem:s1+$0x0];
	p0 =	sne.s32 s31, s2  }
.Ltmp11:
0x1bf: {  	(pc) =	sbr.rel @p0 .LBB2_17-.Ltmp11, $4  }
0x1c0: {  	_ = 	snop  }
0x1c1: {  	v6 =	vmov s3  }
0x1c2: {  	vm1 =	vlt.s32 v6, v5  }
0x1c3: {  	v4 =	vshrl.u32 v4, $0x18  }
.LBB2_18:
0x1c4: {  	_ =	sdelay $0x4  }
0x1c5: {  	[tilespmem:v4+s23+$0x0] =	vst.idx.add.s32.msk vm1, v1  }
.LBB2_19:
0x1c6: {  	s1 =	simm.s32 $0x1A100  }
0x1c7: {  	v4 =	vld [tilespmem:s1+$0x0];
	_ =	sdelay $0x4  }
0x1c8: {  	s9 =	simm.s32 $0x1A110;
	(xrf0) =	vadd.scan.msk.s32 $0xffff, v4  }
0x1c9: {  	s4 =	simm.s32 $0x0;
	v6 =	vld [tilespmem:s9+$0x0]  }
0x1ca: {  	v4 =	vmov s4  }
0x1cb: {  	s0 =	sxor.u32 $0x80000000, s0  }
0x1cc: {  	p0 =	sgt.s32 s0, s30  }
0x1cd: {  	s2 =	simm.s32 $0x1;
	s3 =	simm.s32 $0x2;
	s30 =	smov.u32 @p0 s0  }
0x1ce: {  	s1 =	sadd.s32 $0xFFFF8CCD, s30;
	s0 =	ssub.s32 $0x7333, s30;
	s4 =	simm.s32 $0x1A120;
	(xrf0) =	vadd.scan.msk.s32 $0xffff, v6;
	v6, _, _ =	vpop (xrf0)  }
.LBB2_20:
0x1cf: {  	v7 =	vld [tilespmem:s4+$0x0];
	p0 =	sne.s32 s3, $0xF;
	[tilespmem:v4+s21+$0x0] =	vst.idx.msk vm0, v6;
	s5 =	smov.u32 s3;
	s3 =	sadd.s32 $0x1, s3  }
.Ltmp12:
0x1d0: {  	v4 =	vmov s2;
	s2 =	smov.u32 s5;
	(pc) =	sbr.rel @p0 .LBB2_20-.Ltmp12, $2  }
0x1d1: {  	_ =	sdelay $0x2  }
0x1d2: {  	s4 =	sadd.s32 $0x10, s4;
	(xrf0) =	vadd.scan.msk.s32 $0xffff, v7;
	v6, _, _ =	vpop (xrf0)  }
0x1d3: {  	_ = 	snop  }
0x1d4: {  	v7 =	vmov s2;
	_ =	sdelay $0x3  }
0x1d5: {  	[tilespmem:v4+s21+$0x0] =	vst.idx.msk vm0, v6;
	v4, _, _ =	vpop (xrf0)  }
0x1d6: {  	[tilespmem:v7+s21+$0x0] =	vst.idx.msk vm0, v4  }
0x1d7: {  	v4 =	vld [tilespmem:$0x1A080];
	_ =	sdelay $0x4  }
0x1d8: {  	(xrf0) =	vadd.scan.msk.s32 $0xffff, v4;
	_ =	sdelay $0x5  }
0x1d9: {  	v4, _, _ =	vpop (xrf0)  }
0x1da: {  	vm1 =	vle.s32 v4, s0  }
0x1db: {  	v6 =	vmpcnt.ones.xlane vm1;
	_ =	sdelay $0x1  }
0x1dc: {  	v6 =	vxor.u32 $0x80000000, v6  }
0x1dd: {  	(xrf0) =	vmax.scan.msk.u32 $0xffff, v6;
	_ =	sdelay $0x5  }
0x1de: {  	v6, _, _ =	vpop (xrf0)  }
0x1df: {  	(v2sf) =	vpush v6, $0xF  }
0x1e0: {  	v4 =	vxor.u32 $0x80000000, v4  }
0x1e1: {  	v4 =	vnsel vm1, $0x80000000, v4  }
0x1e2: {  	(xrf0) =	vmax.scan.msk.u32 $0xffff, v4;
	_ =	sdelay $0x5  }
0x1e3: {  	v4, _, _ =	vpop (xrf0)  }
0x1e4: {  	(v2sf) =	vpush v4, $0xF;
	_ =	sdelay $0x4  }
0x1e5: {  	s8 =	spop (v2sf)  }
0x1e6: {  	s3 =	sshll.u32 s8, $0x4  }
0x1e7: {  	v4 =	vld [tilespmem:s3+$0x1A100];
	_ =	sdelay $0x4  }
0x1e8: {  	(xrf0) =	vadd.scan.msk.s32 $0xffff, v4;
	_ =	sdelay $0x2  }
0x1e9: {  	s9 =	spop (v2sf)  }
0x1ea: {  	s2 =	sxor.u32 $0x80000000, s9  }
0x1eb: {  	p0 =	sgt.s32 s2, $0x0  }
0x1ec: {  	s2 =	simm.s32 @!p0 $0x0;
	v4, _, _ =	vpop (xrf0)  }
0x1ed: {  	v4 =	vadd.s32 s2, v4  }
0x1ee: {  	vm1 =	vle.s32 v4, s0  }
0x1ef: {  	v6 =	vmpcnt.ones.xlane vm1;
	_ =	sdelay $0x1  }
0x1f0: {  	v6 =	vxor.u32 $0x80000000, v6  }
0x1f1: {  	v4 =	vxor.u32 $0x80000000, v4;
	(xrf0) =	vmax.scan.msk.u32 $0xffff, v6  }
0x1f2: {  	v4 =	vnsel vm1, $0x80000000, v4  }
0x1f3: {  	(xrf0) =	vmax.scan.msk.u32 $0xffff, v4;
	_ =	sdelay $0x3  }
0x1f4: {  	v4, _, _ =	vpop (xrf0)  }
0x1f5: {  	(v2sf) =	vpush v4, $0xF  }
0x1f6: {  	v4, _, _ =	vpop (xrf0)  }
0x1f7: {  	(v2sf) =	vpush v4, $0xF;
	_ =	sdelay $0x9  }
0x1f8: {  	p0 =	slt.s32 s31, $0x1  }
.Ltmp13:
0x1f9: {  	_ = 	snop;
	(pc) =	sbr.rel @p0 .LBB2_22-.Ltmp13, $4  }
0x1fa: {  	_ = 	snop  }
0x1fb: {  	s30 =	spop (v2sf)  }
0x1fc: {  	s0 =	sadd.s32 s30, s3  }
0x1fd: {  	s3 =	spop (v2sf);
	s0 =	sadd.s32 $0x80000000, s0  }
0x1fe: {  	s4 =	simm.s32 $0x1A200  }
0x1ff: {  	v7 =	vld [tilespmem:s4+$0x0];
	_ =	sdelay $0x3  }
0x200: {  	s5 =	simm.s32 $0x0;
	p1 =	sne.s32 s31, $0x1  }
.Ltmp14:
0x201: {  	v6 =	vmov s0;
	v4 =	vmov s5;
	v8 =	vshrl.u32 v7, $0x18;
	(pc) =	sbr.rel @!p1 .LBB2_25-.Ltmp14, $4  }
0x202: {  	vm1 =	vlt.s32 v4, v5;
	v4 =	vimm.s32 $0x0;
	vm2 =	veq.s32 v8, v6  }
0x203: {  	v8 =	vshll.u32 v4, $0x4;
	vm1 =	vmand vm1, vm2  }
0x204: {  	v8 =	vor.u32 v2, v8;
	v9 =	vsel vm1, $0x1, v0  }
0x205: {  	s5 =	simm.s32 $0x1;
	v4 =	vadd.s32 v9, v4  }
.LBB2_24:
0x206: {  	_ =	sdelay $0x2  }
0x207: {  	[tilespmem:v8+s24+$0x0] =	vst.idx.msk vm1, v7;
	s4 =	sadd.s32 $0x10, s4;
	s6 =	smov.u32 s5;
	s5 =	sadd.s32 $0x1, s5  }
0x208: {  	v7 =	vld [tilespmem:s4+$0x0];
	p1 =	sne.s32 s31, s5;
	_ =	sdelay $0x4  }
.Ltmp15:
0x209: {  	v8 =	vmov s6;
	v9 =	vshrl.u32 v7, $0x18;
	(pc) =	sbr.rel @p1 .LBB2_24-.Ltmp15, $4  }
0x20a: {  	vm1 =	vlt.s32 v8, v5;
	vm2 =	veq.s32 v9, v6  }
0x20b: {  	v8 =	vshll.u32 v4, $0x4;
	vm1 =	vmand vm1, vm2  }
0x20c: {  	v8 =	vor.u32 v2, v8;
	v9 =	vsel vm1, $0x1, v0  }
0x20d: {  	v4 =	vadd.s32 v9, v4  }
.LBB2_25:
0x20e: {  	_ = 	snop  }
.Ltmp16:
0x20f: {  	_ = 	snop;
	(pc) =	sbr.rel .LBB2_26-.Ltmp16, $2  }
0x210: {  	_ =	sdelay $0x2  }
0x211: {  	[tilespmem:v8+s24+$0x0] =	vst.idx.msk vm1, v7  }
.LBB2_22:
0x212: {  	v4 =	vimm.s32 $0x0  }
.LBB2_26:
0x213: {  	(xrf0) =	vadd.scan.msk.s32 $0xffff, v4;
	v6 =	vxor.u32 $0x80000000, v4  }
0x214: {  	(xrf0) =	vmax.scan.msk.u32 $0xffff, v6;
	_ =	sdelay $0x4  }
0x215: {  	v6, _, _ =	vpop (xrf0)  }
0x216: {  	(v2sf) =	vpush v6, $0xF;
	v6, _, _ =	vpop (xrf0)  }
0x217: {  	(v2sf) =	vpush v6, $0xF;
	_ =	sdelay $0xc  }
.Ltmp17:
0x218: {  	s3 =	sxor.u32 $0x80000000, s3;
	(pc) =	sbr.rel .LBB2_27-.Ltmp17, $4  }
0x219: {  	p1 =	sgt.s32 s3, s2;
	s4 =	spop (v2sf)  }
0x21a: {  	s30 =	simm.s32 $0x0;
	s2 =	smov.u32 @p1 s3;
	s9 =	spop (v2sf)  }
0x21b: {  	s5 =	simm.s32 $0x0;
	s1 =	sadd.s32 s2, s1;
	s2 =	sxor.u32 $0x80000000, s9  }
0x21c: {  	s1 =	sadd.s32 s4, s1;
	s4 =	simm.s32 $0x1FF;
	p1 =	slt.s32 s2, $0x1  }
.LBB2_28:
0x21d: {  	v6 =	vimm.s32 $0x80000000  }
.LBB2_36:
0x21e: {  	(xrf0) =	vmax.scan.msk.u32 $0xffff, v6;
	_ =	sdelay $0x5  }
0x21f: {  	v6, _, _ =	vpop (xrf0)  }
0x220: {  	(v2sf) =	vpush v6, $0xF;
	_ =	sdelay $0xc  }
0x221: {  	s5 =	sadd.s32 $0x1, s5  }
0x222: {  	p3 =	sne.s32 s5, $0x9  }
.Ltmp18:
0x223: {  	s6 =	spop (v2sf);
	(pc) =	sbr.rel @!p3 .LBB2_37-.Ltmp18, $4  }
0x224: {  	s6 =	sxor.u32 $0x80000000, s6  }
0x225: {  	p2 =	slt.s32 s6, s1  }
0x226: {  	s6 =	sadd.s32 $0xFFFFFFFF, s3;
	s3 =	smov.u32 @p2 s30  }
0x227: {  	s4 =	smov.u32 @p2 s6;
	s30 =	smov.u32 s3  }
.LBB2_27:
.Ltmp19:
0x228: {  	(pc) =	sbr.rel @p1 .LBB2_28-.Ltmp19, $4  }
0x229: {  	_ = 	snop  }
0x22a: {  	s3 =	sadd.s32 s4, s30  }
0x22b: {  	s3 =	sadd.s32 $0x1, s3  }
0x22c: {  	s3 =	sshra.s32 s3, $0x1  }
0x22d: {  	p3 =	sne.s32 s2, $0x1  }
.Ltmp20:
0x22e: {  	_ = 	snop;
	(pc) =	sbr.rel @!p3 .LBB2_30-.Ltmp20, $3  }
0x22f: {  	_ =	sdelay $0x1  }
0x230: {  	s8 =	simm.s32 $0x1B200  }
0x231: {  	v7 =	vmov s3;
	s7 =	simm.s32 $0x0;
	v6 =	vimm.s32 $0x0;
	s6 =	simm.s32 $0x1;
	p2 =	por $0x0, $0x0;
	v9 =	vld [tilespmem:s8+$0x0]  }
0x232: {  	_ =	sdelay $0x2  }
0x233: {  	p3 =	sne.s32 s2, $0x2  }
.Ltmp21:
0x234: {  	v8 =	vshrl.u32 v9, $0xF;
	(pc) =	sbr.rel @!p3 .LBB2_32-.Ltmp21, $4  }
0x235: {  	v9 =	vmov s7;
	s7 =	simm.s32 $0x1B210;
	v8 =	vand.u32 $0x1FF, v8  }
0x236: {  	vm1 =	vlt.s32 v9, v4;
	v9 =	vld [tilespmem:s7+$0x0];
	vm2 =	vge.u32 v8, v7  }
0x237: {  	vm1 =	vmand vm1, vm2  }
0x238: {  	s8 =	simm.s32 $0x2;
	p2 =	por $0x1, $0x1;
	v8 =	vimm.s32 $0x0;
	v10 =	vmpcnt.ones.xlane vm1  }
.LBB2_33:
0x239: {  	s9 =	smov.u32 s8;
	s8 =	sadd.s32 $0x1, s8  }
0x23a: {  	p3 =	sne.s32 s2, s8  }
.Ltmp22:
0x23b: {  	s7 =	sadd.s32 $0x10, s7;
	v11 =	vshrl.u32 v9, $0xF;
	v8 =	vadd.s32 v8, v10;
	(pc) =	sbr.rel @p3 .LBB2_33-.Ltmp22, $4  }
0x23c: {  	v9 =	vld [tilespmem:s7+$0x0];
	v10 =	vand.u32 $0x1FF, v11;
	v11 =	vmov s6;
	s6 =	smov.u32 s9  }
0x23d: {  	vm1 =	vlt.s32 v11, v4;
	vm2 =	vge.u32 v10, v7  }
0x23e: {  	vm1 =	vmand vm1, vm2  }
0x23f: {  	v10 =	vmpcnt.ones.xlane vm1  }
0x240: {  	s7 =	smov.u32 s6  }
.LBB2_35:
0x241: {  	v9 =	vshrl.u32 v9, $0xF  }
0x242: {  	v11 =	vmov s7;
	v9 =	vand.u32 $0x1FF, v9  }
0x243: {  	vm1 =	vlt.s32 v11, v4;
	vm2 =	vge.u32 v9, v7  }
.Ltmp23:
0x244: {  	vm1 =	vmand vm1, vm2;
	(pc) =	sbr.rel .LBB2_36-.Ltmp23, $4  }
0x245: {  	v7 =	vadd.s32 @p2 v8, v10;
	v8 =	vmpcnt.ones.xlane vm1  }
0x246: {  	v6 =	vpsel p2, v7, v6  }
0x247: {  	v6 =	vadd.s32 v6, v8  }
0x248: {  	v6 =	vxor.u32 $0x80000000, v6  }
.LBB2_30:
.Ltmp24:
0x249: {  	(pc) =	sbr.rel .LBB2_35-.Ltmp24, $2  }
0x24a: {  	_ =	sdelay $0x2  }
0x24b: {  	v8 =	vimm.s32 $0x0  }
.LBB2_32:
.Ltmp25:
0x24c: {  	(pc) =	sbr.rel .LBB2_35-.Ltmp25, $2  }
0x24d: {  	_ =	sdelay $0x2  }
0x24e: {  	v8 =	vimm.s32 $0x0;
	s7 =	simm.s32 $0x1  }
.LBB2_37:
.Ltmp26:
0x24f: {  	(pc) =	sbr.rel @p0 .LBB2_41-.Ltmp26, $1  }
0x250: {  	_ =	sdelay $0x3  }
0x251: {  	s1 =	simm.s32 $0x1A200  }
0x252: {  	v6 =	vld [tilespmem:s1+$0x0];
	_ =	sdelay $0x1  }
0x253: {  	s2 =	sshll.u32 s3, $0xF;
	s0 =	sshll.u32 s0, $0x18;
	p0 =	sne.s32 s31, $0x1  }
.Ltmp27:
0x254: {  	s30 =	simm.s32 $0x0;
	s0 =	sor.u32 s0, s2;
	(pc) =	sbr.rel @!p0 .LBB2_40-.Ltmp27, $4  }
0x255: {  	v7 =	vmov s30;
	v4 =	vmov s0  }
0x256: {  	vm1 =	vlt.s32 v7, v5;
	vm2 =	vlt.u32 v6, v4  }
0x257: {  	vm1 =	vmand vm1, vm2  }
0x258: {  	s0 =	simm.s32 $0x1;
	v6 =	vand.u32 $0x7FFF, v6  }
.LBB2_39:
0x259: {  	_ =	sdelay $0x3  }
0x25a: {  	[tilespmem:v6+s15+$0x0] =	vst.idx.msk vm1, v3;
	s1 =	sadd.s32 $0x10, s1;
	s2 =	smov.u32 s0;
	s0 =	sadd.s32 $0x1, s0  }
0x25b: {  	v6 =	vld [tilespmem:s1+$0x0];
	p0 =	sne.s32 s31, s0;
	_ =	sdelay $0x2  }
.Ltmp28:
0x25c: {  	(pc) =	sbr.rel @p0 .LBB2_39-.Ltmp28, $4  }
0x25d: {  	v7 =	vmov s2  }
0x25e: {  	vm1 =	vlt.s32 v7, v5;
	vm2 =	vlt.u32 v6, v4  }
0x25f: {  	vm1 =	vmand vm1, vm2  }
0x260: {  	v6 =	vand.u32 $0x7FFF, v6  }
.LBB2_40:
0x261: {  	_ =	sdelay $0x4  }
0x262: {  	[tilespmem:v6+s15+$0x0] =	vst.idx.msk vm1, v3  }
.LBB2_41:
0x263: {  	s0 =	rddreg [dreg:$0x6]  }
0x264: {  	[hbm4b:s0+s13] =	stream.strided.scatter [tilespmem:s15], [sflag:$0x3], $0x8000, s14, s13, $0x38;
	[tilespmem:$0x1C200] =	vst v63  }
0x265: {  	_ =	swait.ge [sflag:s25], $0x8000  }
0x266: {  	[sflag:s25] =	ssyncset.done $0x0  }
0x267: {  	s2 =	simm.s32 $0x18040;
	[sflag:s25] =	ssyncadd.s32 $0xFFFF8000  }
0x268: {  	[tilespmem:s2+$0xFFFFFFC0] =	vst v0  }
0x269: {  	[tilespmem:s2+$0x30] =	vst v0  }
0x26a: {  	[tilespmem:s2+$0x20] =	vst v0  }
0x26b: {  	[tilespmem:s2+$0x10] =	vst v0  }
0x26c: {  	[tilespmem:s2+$0x0] =	vst v0  }
0x26d: {  	[tilespmem:s2+$0xFFFFFFF0] =	vst v0  }
0x26e: {  	s3 =	simm.s32 $0x0;
	[tilespmem:s2+$0xFFFFFFE0] =	vst v0  }
.LBB2_42:
0x26f: {  	s3 =	sadd.s32 $0x8, s3;
	[tilespmem:s2+$0xFFFFFFD0] =	vst v0;
	s2 =	sadd.s32 $0x80, s2;
	s0 =	simm.s32 $0x10040  }
0x270: {  	[tilespmem:s2+$0xFFFFFFC0] =	vst v0;
	p0 =	slt.u32 s3, $0x1F8  }
0x271: {  	[tilespmem:s2+$0x30] =	vst v0  }
.Ltmp29:
0x272: {  	[tilespmem:s2+$0x20] =	vst v0;
	(pc) =	sbr.rel @p0 .LBB2_42-.Ltmp29, $4  }
0x273: {  	[tilespmem:s2+$0x10] =	vst v0  }
0x274: {  	[tilespmem:s2+$0x0] =	vst v0  }
0x275: {  	[tilespmem:s2+$0xFFFFFFF0] =	vst v0  }
0x276: {  	s1 =	simm.s32 $0x40;
	[tilespmem:s2+$0xFFFFFFE0] =	vst v0  }
0x277: {  	[tilespmem:s2+$0xFFFFFFD0] =	vst v0  }
0x278: {  	v4 =	vld [tilespmem:s0+$0x30]  }
0x279: {  	v5 =	vld [tilespmem:s1+$0x30]  }
0x27a: {  	v9 =	vld [tilespmem:s1+$0xFFFFFFC0]  }
0x27b: {  	v6 =	vld [tilespmem:s0+$0xFFFFFFD0]  }
0x27c: {  	v8 =	vld [tilespmem:s0+$0xFFFFFFE0]  }
0x27d: {  	v10 =	vld [tilespmem:s1+$0xFFFFFFE0]  }
0x27e: {  	v7 =	vld [tilespmem:s1+$0xFFFFFFD0]  }
0x27f: {  	v18 =	vld [tilespmem:s0+$0xFFFFFFC0]  }
0x280: {  	v11 =	vld [tilespmem:s1+$0xFFFFFFF0];
	v4 =	vmul.f32 v5, v4  }
0x281: {  	v15 =	vld [tilespmem:s1+$0x10]  }
0x282: {  	v5 =	vld [tilespmem:s0+$0xFFFFFFF0];
	v8 =	vmul.f32 v10, v8;
	v12 =	vand.u32 $0x7FFFFFFF, v4  }
0x283: {  	v10 =	vld [tilespmem:s0+$0x10];
	v14 =	vxor.u32 $0xFFFFFFFF, v4;
	vm1 =	vlt.s32 v4, $0x0;
	v4 =	vmul.f32 v7, v6  }
0x284: {  	v13 =	vld [tilespmem:s0+$0x0];
	v63 =	vmul.f32 v9, v18;
	v16 =	vxor.u32 $0xFFFFFFFF, v8;
	v12 =	vxor.u32 $0x80000000, v12  }
0x285: {  	v6 =	vld [tilespmem:s1+$0x0];
	vm2 =	vlt.s32 v8, $0x0;
	v7 =	vsel vm1, v14, v12;
	v14 =	vand.u32 $0x7FFFFFFF, v4  }
0x286: {  	vm1 =	vlt.s32 v4, $0x0;
	v12 =	vshrl.u32 v7, $0x13;
	v7 =	vxor.u32 $0xFFFFFFFF, v4  }
0x287: {  	v17 =	vld [tilespmem:s1+$0x20];
	v4 =	vxor.u32 $0x80000000, v14;
	v14 =	vand.u32 $0x7FFFFFFF, v8;
	v5 =	vmul.f32 v11, v5  }
0x288: {  	vm5 =	vlt.s32 v63, $0x0;
	v11 =	vld [tilespmem:s0+$0x20];
	v15 =	vmul.f32 v15, v10;
	v14 =	vxor.u32 $0x80000000, v14  }
0x289: {  	v4 =	vsel vm1, v7, v4;
	v19 =	vxor.u32 $0xFFFFFFFF, v5;
	v8 =	vand.u32 $0x7FFFFFFF, v5  }
0x28a: {  	v13 =	vmul.f32 v6, v13;
	vm4 =	vlt.s32 v5, $0x0;
	v5 =	vsel vm2, v16, v14  }
0x28b: {  	v10 =	vand.u32 $0x7FFFFFFF, v15;
	vm3 =	vlt.s32 v15, $0x0;
	v20 =	vxor.u32 $0x80000000, v8  }
0x28c: {  	v8 =	vxor.u32 $0xFFFFFFFF, v15;
	v10 =	vxor.u32 $0x80000000, v10;
	v15 =	vand.u32 $0x7FFFFFFF, v63  }
0x28d: {  	v6 =	vxor.u32 $0xFFFFFFFF, v13;
	v7 =	vand.u32 $0x7FFFFFFF, v13;
	v11 =	vmul.f32 v17, v11  }
0x28e: {  	vm1 =	vlt.s32 v13, $0x0;
	v13 =	vxor.u32 $0xFFFFFFFF, v63;
	v7 =	vxor.u32 $0x80000000, v7  }
0x28f: {  	[tilespmem:v12+s19+$0x0] =	vst.idx.add.s32.msk $0xffff, v1;
	v12 =	vsel vm4, v19, v20;
	v9 =	vxor.u32 $0xFFFFFFFF, v11;
	v14 =	vand.u32 $0x7FFFFFFF, v11  }
0x290: {  	s2 =	simm.s32 $0x0;
	s3 =	simm.s32 $0x100C0;
	vm2 =	vlt.s32 v11, $0x0;
	v11 =	vxor.u32 $0x80000000, v14;
	v14 =	vxor.u32 $0x80000000, v15  }
.LBB2_44:
0x291: {  	v15 =	vld [tilespmem:s3+$0x30];
	v13 =	vsel vm5, v13, v14;
	v6 =	vsel vm1, v6, v7;
	v7 =	vsel vm3, v8, v10;
	s1 =	sadd.s32 $0x80, s1  }
0x292: {  	s2 =	sadd.s32 $0x8, s2;
	v8 =	vld [tilespmem:s1+$0x30];
	v10 =	vshrl.u32 v13, $0x13;
	v13 =	vshrl.u32 v4, $0x13;
	v4 =	vsel vm2, v9, v11  }
0x293: {  	v12 =	vshrl.u32 v12, $0x13;
	p0 =	slt.u32 s2, $0x7F8;
	v11 =	vshrl.u32 v5, $0x13;
	v14 =	vshrl.u32 v6, $0x13;
	v9 =	vld [tilespmem:s1+$0xFFFFFFC0]  }
0x294: {  	v16 =	vshrl.u32 v7, $0x13;
	v17 =	vshrl.u32 v4, $0x13;
	v5 =	vld [tilespmem:s3+$0xFFFFFFD0]  }
0x295: {  	v4 =	vld [tilespmem:s1+$0xFFFFFFD0]  }
0x296: {  	v6 =	vld [tilespmem:s3+$0xFFFFFFE0]  }
0x297: {  	v7 =	vld [tilespmem:s1+$0xFFFFFFE0];
	v8 =	vmul.f32 v8, v15  }
0x298: {  	v15 =	vld [tilespmem:s3+$0xFFFFFFF0]  }
0x299: {  	v18 =	vld [tilespmem:s1+$0xFFFFFFF0];
	v19 =	vand.u32 $0x7FFFFFFF, v8  }
0x29a: {  	v21 =	vxor.u32 $0xFFFFFFFF, v8;
	vm1 =	vlt.s32 v8, $0x0;
	v20 =	vld [tilespmem:s3+$0x0];
	v19 =	vxor.u32 $0x80000000, v19  }
0x29b: {  	v4 =	vmul.f32 v4, v5;
	v5 =	vld [tilespmem:s1+$0x0];
	v8 =	vsel vm1, v21, v19  }
0x29c: {  	v6 =	vmul.f32 v7, v6;
	v7 =	vld [tilespmem:s3+$0x10];
	v8 =	vshrl.u32 v8, $0x13  }
0x29d: {  	v19 =	vxor.u32 $0xFFFFFFFF, v4;
	v21 =	vand.u32 $0x7FFFFFFF, v4;
	vm1 =	vlt.s32 v4, $0x0;
	v22 =	vld [tilespmem:s1+$0x10]  }
0x29e: {  	v4 =	vxor.u32 $0x80000000, v21;
	v21 =	vand.u32 $0x7FFFFFFF, v6;
	v15 =	vmul.f32 v18, v15;
	v18 =	vld [tilespmem:s3+$0x20]  }
0x29f: {  	v23 =	vxor.u32 $0xFFFFFFFF, v6;
	vm2 =	vlt.s32 v6, $0x0;
	v21 =	vxor.u32 $0x80000000, v21;
	v24 =	vld [tilespmem:s1+$0x20]  }
0x2a0: {  	v25 =	vld [tilespmem:s3+$0xFFFFFFC0];
	v26 =	vxor.u32 $0xFFFFFFFF, v15;
	v6 =	vand.u32 $0x7FFFFFFF, v15;
	v20 =	vmul.f32 v5, v20  }
0x2a1: {  	s0 =	simm.s32 $0x0;
	s4 =	simm.s32 $0x18080;
	v4 =	vsel vm1, v19, v4;
	vm4 =	vlt.s32 v15, $0x0;
	v19 =	vxor.u32 $0x80000000, v6;
	[tilespmem:v8+s19+$0x0] =	vst.idx.add.s32.msk $0xffff, v1  }
0x2a2: {  	v6 =	vxor.u32 $0xFFFFFFFF, v20;
	v8 =	vand.u32 $0x7FFFFFFF, v20;
	v15 =	vmul.f32 v22, v7;
	[tilespmem:v10+s19+$0x0] =	vst.idx.add.s32.msk $0xffff, v1  }
0x2a3: {  	v5 =	vsel vm2, v23, v21;
	vm1 =	vlt.s32 v20, $0x0;
	v7 =	vxor.u32 $0x80000000, v8;
	[tilespmem:v13+s19+$0x0] =	vst.idx.add.s32.msk $0xffff, v1  }
.Ltmp30:
0x2a4: {  	v8 =	vxor.u32 $0xFFFFFFFF, v15;
	v10 =	vand.u32 $0x7FFFFFFF, v15;
	v13 =	vmul.f32 v24, v18;
	[tilespmem:v11+s19+$0x0] =	vst.idx.add.s32.msk $0xffff, v1;
	(pc) =	sbr.rel @p0 .LBB2_44-.Ltmp30, $4  }
0x2a5: {  	vm3 =	vlt.s32 v15, $0x0;
	v18 =	vmul.f32 v9, v25;
	v10 =	vxor.u32 $0x80000000, v10;
	[tilespmem:v12+s19+$0x0] =	vst.idx.add.s32.msk $0xffff, v1  }
0x2a6: {  	v9 =	vxor.u32 $0xFFFFFFFF, v13;
	v11 =	vand.u32 $0x7FFFFFFF, v13;
	vm2 =	vlt.s32 v13, $0x0;
	[tilespmem:v14+s19+$0x0] =	vst.idx.add.s32.msk $0xffff, v1  }
0x2a7: {  	v13 =	vxor.u32 $0xFFFFFFFF, v18;
	v12 =	vand.u32 $0x7FFFFFFF, v18;
	v11 =	vxor.u32 $0x80000000, v11;
	[tilespmem:v16+s19+$0x0] =	vst.idx.add.s32.msk $0xffff, v1  }
0x2a8: {  	s3 =	sadd.s32 $0x80, s3;
	vm5 =	vlt.s32 v18, $0x0;
	v14 =	vxor.u32 $0x80000000, v12;
	v12 =	vsel vm4, v26, v19;
	[tilespmem:v17+s19+$0x0] =	vst.idx.add.s32.msk $0xffff, v1  }
0x2a9: {  	v4 =	vshrl.u32 v4, $0x13  }
0x2aa: {  	v5 =	vshrl.u32 v5, $0x13  }
0x2ab: {  	v13 =	vsel vm5, v13, v14;
	v6 =	vsel vm1, v6, v7;
	v7 =	vshrl.u32 v12, $0x13  }
0x2ac: {  	v13 =	vshrl.u32 v13, $0x13  }
0x2ad: {  	v8 =	vsel vm3, v8, v10;
	v6 =	vshrl.u32 v6, $0x13  }
0x2ae: {  	v9 =	vsel vm2, v9, v11;
	v8 =	vshrl.u32 v8, $0x13;
	[tilespmem:v4+s19+$0x0] =	vst.idx.add.s32.msk $0xffff, v1  }
0x2af: {  	v9 =	vshrl.u32 v9, $0x13;
	[tilespmem:v5+s19+$0x0] =	vst.idx.add.s32.msk $0xffff, v1  }
0x2b0: {  	[tilespmem:v7+s19+$0x0] =	vst.idx.add.s32.msk $0xffff, v1  }
0x2b1: {  	[tilespmem:v13+s19+$0x0] =	vst.idx.add.s32.msk $0xffff, v1  }
0x2b2: {  	[tilespmem:v6+s19+$0x0] =	vst.idx.add.s32.msk $0xffff, v1  }
0x2b3: {  	[tilespmem:v8+s19+$0x0] =	vst.idx.add.s32.msk $0xffff, v1  }
0x2b4: {  	[tilespmem:v9+s19+$0x0] =	vst.idx.add.s32.msk $0xffff, v1  }
0x2b5: {  	v4 =	vld [tilespmem:s4+$0xFFFFFF80]  }
0x2b6: {  	v5 =	vld [tilespmem:s4+$0xFFFFFF90]  }
0x2b7: {  	v6 =	vld [tilespmem:s4+$0xFFFFFFA0]  }
0x2b8: {  	v7 =	vld [tilespmem:s4+$0xFFFFFFB0]  }
0x2b9: {  	v8 =	vld [tilespmem:s4+$0xFFFFFFC0]  }
0x2ba: {  	v9 =	vld [tilespmem:s4+$0xFFFFFFD0]  }
0x2bb: {  	v4 =	vadd.s32 v4, v5;
	v5 =	vld [tilespmem:s4+$0xFFFFFFE0]  }
0x2bc: {  	v4 =	vadd.s32 v6, v4;
	v6 =	vld [tilespmem:s4+$0xFFFFFFF0]  }
0x2bd: {  	v4 =	vadd.s32 v7, v4;
	v7 =	vld [tilespmem:s4+$0x0]  }
0x2be: {  	v4 =	vadd.s32 v8, v4;
	v8 =	vld [tilespmem:s4+$0x10]  }
0x2bf: {  	v4 =	vadd.s32 v9, v4;
	v9 =	vld [tilespmem:s4+$0x20]  }
0x2c0: {  	v10 =	vld [tilespmem:s4+$0x30];
	v4 =	vadd.s32 v5, v4  }
0x2c1: {  	v11 =	vld [tilespmem:s4+$0x40];
	v4 =	vadd.s32 v6, v4  }
0x2c2: {  	v5 =	vadd.s32 v7, v4;
	v4 =	vld [tilespmem:s4+$0x50]  }
0x2c3: {  	v6 =	vadd.s32 v8, v5;
	v5 =	vld [tilespmem:s4+$0x60]  }
0x2c4: {  	s2 =	simm.s32 $0x18180;
	v7 =	vadd.s32 v9, v6;
	v6 =	vld [tilespmem:s4+$0x70]  }
0x2c5: {  	v8 =	vld [tilespmem:s2+$0xFFFFFF80];
	v7 =	vadd.s32 v10, v7  }
0x2c6: {  	s1 =	simm.s32 $0x1;
	s3 =	simm.s32 $0x2;
	v9 =	vld [tilespmem:s2+$0xFFFFFF90];
	v7 =	vadd.s32 v11, v7  }
.LBB2_46:
0x2c7: {  	p0 =	sne.s32 s3, $0x1F;
	v10 =	vld [tilespmem:s2+$0xFFFFFFA0];
	v4 =	vadd.s32 v4, v7  }
0x2c8: {  	v7 =	vld [tilespmem:s2+$0xFFFFFFB0];
	v4 =	vadd.s32 v5, v4  }
0x2c9: {  	v5 =	vld [tilespmem:s2+$0xFFFFFFC0];
	v4 =	vadd.s32 v6, v4  }
0x2ca: {  	v6 =	vld [tilespmem:s2+$0xFFFFFFD0];
	(xrf0) =	vadd.scan.msk.s32 $0xffff, v4  }
0x2cb: {  	v4 =	vadd.s32 v8, v9;
	v8 =	vld [tilespmem:s2+$0xFFFFFFE0]  }
0x2cc: {  	v4 =	vadd.s32 v10, v4;
	v9 =	vld [tilespmem:s2+$0xFFFFFFF0];
	v10 =	vmov s0;
	s0 =	smov.u32 s1;
	s1 =	smov.u32 s3  }
0x2cd: {  	v4 =	vadd.s32 v7, v4;
	v7 =	vld [tilespmem:s2+$0x0]  }
0x2ce: {  	v4 =	vadd.s32 v5, v4;
	v5 =	vld [tilespmem:s2+$0x10]  }
0x2cf: {  	v4 =	vadd.s32 v6, v4;
	v6 =	vld [tilespmem:s2+$0x20]  }
0x2d0: {  	v4 =	vadd.s32 v8, v4;
	v11 =	vld [tilespmem:s2+$0x30];
	v8, _, _ =	vpop (xrf0)  }
0x2d1: {  	v4 =	vadd.s32 v9, v4;
	v12 =	vld [tilespmem:s2+$0x40];
	[tilespmem:v10+s20+$0x0] =	vst.idx.msk vm0, v8  }
.Ltmp31:
0x2d2: {  	v7 =	vadd.s32 v7, v4;
	v4 =	vld [tilespmem:s2+$0x50];
	(pc) =	sbr.rel @p0 .LBB2_46-.Ltmp31, $4  }
0x2d3: {  	v7 =	vadd.s32 v5, v7;
	v5 =	vld [tilespmem:s2+$0x60]  }
0x2d4: {  	v7 =	vadd.s32 v6, v7;
	v6 =	vld [tilespmem:s2+$0x70];
	s2 =	sadd.s32 $0x100, s2  }
0x2d5: {  	v8 =	vld [tilespmem:s2+$0xFFFFFF80];
	v7 =	vadd.s32 v11, v7  }
0x2d6: {  	s3 =	sadd.s32 $0x1, s3;
	v9 =	vld [tilespmem:s2+$0xFFFFFF90];
	v7 =	vadd.s32 v12, v7  }
0x2d7: {  	v10 =	vld [tilespmem:s2+$0xFFFFFFA0]  }
0x2d8: {  	v11 =	vld [tilespmem:s2+$0xFFFFFFB0]  }
0x2d9: {  	v12 =	vld [tilespmem:s2+$0xFFFFFFC0]  }
0x2da: {  	v13 =	vld [tilespmem:s2+$0xFFFFFFD0]  }
0x2db: {  	v54 =	vld [tilespmem:s2+$0xFFFFFFE0];
	v8 =	vadd.s32 v8, v9  }
0x2dc: {  	v55 =	vld [tilespmem:s2+$0xFFFFFFF0];
	v8 =	vadd.s32 v10, v8  }
0x2dd: {  	v56 =	vld [tilespmem:s2+$0x0];
	v8 =	vadd.s32 v11, v8  }
0x2de: {  	v57 =	vld [tilespmem:s2+$0x10];
	v8 =	vadd.s32 v12, v8  }
0x2df: {  	v58 =	vld [tilespmem:s2+$0x20];
	v8 =	vadd.s32 v13, v8  }
0x2e0: {  	v59 =	vld [tilespmem:s2+$0x30];
	v8 =	vadd.s32 v54, v8  }
0x2e1: {  	v60 =	vld [tilespmem:s2+$0x40];
	v8 =	vadd.s32 v55, v8  }
0x2e2: {  	v61 =	vld [tilespmem:s2+$0x50];
	v8 =	vadd.s32 v56, v8  }
0x2e3: {  	v62 =	vld [tilespmem:s2+$0x60];
	v8 =	vadd.s32 v57, v8  }
0x2e4: {  	v63 =	vld [tilespmem:s2+$0x70];
	v8 =	vadd.s32 v58, v8  }
0x2e5: {  	v8 =	vadd.s32 v59, v8  }
0x2e6: {  	v4 =	vadd.s32 v4, v7;
	v7 =	vadd.s32 v60, v8  }
0x2e7: {  	v4 =	vadd.s32 v5, v4;
	v5 =	vadd.s32 v61, v7  }
0x2e8: {  	v4 =	vadd.s32 v6, v4;
	v5 =	vadd.s32 v62, v5  }
0x2e9: {  	(xrf0) =	vadd.scan.msk.s32 $0xffff, v4;
	v4 =	vadd.s32 v63, v5  }
0x2ea: {  	(xrf0) =	vadd.scan.msk.s32 $0xffff, v4  }
0x2eb: {  	v4 =	vmov s0  }
0x2ec: {  	v5 =	vmov s1;
	_ =	sdelay $0x2  }
0x2ed: {  	v6, _, _ =	vpop (xrf0)  }
0x2ee: {  	[tilespmem:v4+s20+$0x0] =	vst.idx.msk vm0, v6;
	v4, _, _ =	vpop (xrf0)  }
0x2ef: {  	[tilespmem:v5+s20+$0x0] =	vst.idx.msk vm0, v4  }
0x2f0: {  	v4 =	vld [tilespmem:$0x1A000];
	_ =	sdelay $0x4  }
0x2f1: {  	(xrf0) =	vadd.scan.msk.s32 $0xffff, v4;
	_ =	sdelay $0x1  }
0x2f2: {  	v4 =	vld [tilespmem:$0x1A010];
	_ =	sdelay $0x3  }
0x2f3: {  	v6, _, _ =	vpop (xrf0)  }
0x2f4: {  	(xrf0) =	vadd.scan.msk.s32 $0xffff, v4;
	v4 =	vxor.u32 $0x80000000, v6  }
0x2f5: {  	(xrf0) =	vmax.scan.msk.u32 $0xffff, v4;
	_ =	sdelay $0x4  }
0x2f6: {  	v5, _, _ =	vpop (xrf0)  }
0x2f7: {  	v7, _, _ =	vpop (xrf0)  }
0x2f8: {  	(v2sf) =	vpush v7, $0xF;
	_ =	sdelay $0xe  }
0x2f9: {  	s6 =	spop (v2sf)  }
0x2fa: {  	s0 =	sxor.u32 $0x80000000, s6  }
0x2fb: {  	vm2 =	vlt.s32 v6, $0x7334;
	v5 =	vadd.s32 s0, v5  }
0x2fc: {  	v6 =	vmpcnt.ones.xlane vm2;
	vm1 =	vlt.s32 v5, $0x7334  }
0x2fd: {  	v7 =	vmpcnt.ones.xlane vm1  }
0x2fe: {  	v6 =	vxor.u32 $0x80000000, v6  }
0x2ff: {  	(xrf0) =	vmax.scan.msk.u32 $0xffff, v6;
	v6 =	vxor.u32 $0x80000000, v7  }
0x300: {  	(xrf0) =	vmax.scan.msk.u32 $0xffff, v6;
	_ =	sdelay $0x4  }
0x301: {  	v6, _, _ =	vpop (xrf0)  }
0x302: {  	(v2sf) =	vpush v6, $0xF;
	v6, _, _ =	vpop (xrf0)  }
0x303: {  	(v2sf) =	vpush v6, $0xF;
	_ =	sdelay $0xd  }
0x304: {  	s7 =	spop (v2sf)  }
0x305: {  	s8 =	spop (v2sf)  }
0x306: {  	s0 =	sadd.s32 s7, s8  }
0x307: {  	s1 =	sshll.u32 s0, $0xA  }
0x308: {  	s4 =	simm.s32 $0x0;
	s1 =	sshra.s32 s1, $0x2  }
0x309: {  	s9 =	sand.u32 $0x80, s4;
	s2 =	sadd.s32 $0x18000, s1  }
0x30a: {  	s3 =	sand.u32 $0x70, s4;
	s1 =	sadd.s32 s9, s2  }
0x30b: {  	s1 =	sadd.s32 s3, s1  }
0x30c: {  	v6 =	vld [tilespmem:s1+$0x0];
	_ =	sdelay $0x1  }
0x30d: {  	s30 =	simm.s32 $0x10  }
0x30e: {  	s31 =	sand.u32 $0x80, s30  }
0x30f: {  	s3 =	sadd.s32 s31, s2;
	s1 =	sand.u32 $0x70, s30  }
0x310: {  	s5 =	sadd.s32 s1, s3;
	(xrf0) =	vadd.scan.msk.s32 $0xffff, v6  }
0x311: {  	v7 =	vld [tilespmem:s5+$0x0]  }
0x312: {  	s1 =	simm.s32 $0x1;
	s3 =	simm.s32 $0x2;
	v6 =	vmov s4;
	s4 =	simm.s32 $0x20  }
.LBB2_48:
0x313: {  	s5 =	sand.u32 $0x80, s4  }
0x314: {  	p0 =	sne.s32 s3, $0xF;
	s6 =	smov.u32 s3;
	s3 =	sadd.s32 $0x1, s3  }
.Ltmp32:
0x315: {  	s7 =	sand.u32 $0x70, s4;
	s5 =	sadd.s32 s5, s2;
	(pc) =	sbr.rel @p0 .LBB2_48-.Ltmp32, $4  }
0x316: {  	s5 =	sadd.s32 s7, s5;
	(xrf0) =	vadd.scan.msk.s32 $0xffff, v7;
	v8, _, _ =	vpop (xrf0)  }
0x317: {  	v7 =	vld [tilespmem:s5+$0x0];
	[tilespmem:v6+s21+$0x0] =	vst.idx.msk vm0, v8  }
0x318: {  	v6 =	vmov s1;
	s1 =	smov.u32 s6  }
0x319: {  	s4 =	sadd.s32 $0x10, s4  }
0x31a: {  	_ =	sdelay $0x1  }
0x31b: {  	v4 =	vnsel vm2, $0x80000000, v4;
	v5 =	vxor.u32 $0x80000000, v5;
	(xrf0) =	vadd.scan.msk.s32 $0xffff, v7  }
0x31c: {  	(xrf0) =	vmax.scan.msk.u32 $0xffff, v4;
	v4 =	vnsel vm1, $0x80000000, v5  }
0x31d: {  	(xrf0) =	vmax.scan.msk.u32 $0xffff, v4;
	_ =	sdelay $0x2  }
0x31e: {  	v4, _, _ =	vpop (xrf0)  }
0x31f: {  	v5, _, _ =	vpop (xrf0)  }
0x320: {  	v7, _, _ =	vpop (xrf0)  }
0x321: {  	(v2sf) =	vpush v7, $0xF;
	v7, _, _ =	vpop (xrf0)  }
0x322: {  	(v2sf) =	vpush v7, $0xF;
	_ =	sdelay $0x2  }
0x323: {  	v7 =	vmov s1;
	_ =	sdelay $0x3  }
0x324: {  	[tilespmem:v6+s21+$0x0] =	vst.idx.msk vm0, v4  }
0x325: {  	[tilespmem:v7+s21+$0x0] =	vst.idx.msk vm0, v5  }
0x326: {  	v4 =	vld [tilespmem:$0x1A080];
	_ =	sdelay $0x4  }
0x327: {  	(xrf0) =	vadd.scan.msk.s32 $0xffff, v4;
	s7 =	spop (v2sf)  }
0x328: {  	s2 =	spop (v2sf)  }
0x329: {  	s1 =	sxor.u32 $0x80000000, s7;
	s30 =	sxor.u32 $0x80000000, s2  }
0x32a: {  	p0 =	sgt.s32 s1, s30  }
0x32b: {  	s30 =	smov.u32 @p0 s1  }
0x32c: {  	p0 =	sgt.s32 s30, $0x0  }
0x32d: {  	v4, _, _ =	vpop (xrf0);
	s30 =	simm.s32 @!p0 $0x0  }
0x32e: {  	v4 =	vadd.s32 s30, v4  }
0x32f: {  	vm1 =	vlt.s32 v4, $0x7334  }
0x330: {  	v5 =	vmpcnt.ones.xlane vm1;
	_ =	sdelay $0x1  }
0x331: {  	v5 =	vxor.u32 $0x80000000, v5  }
0x332: {  	(xrf0) =	vmax.scan.msk.u32 $0xffff, v5;
	_ =	sdelay $0x5  }
0x333: {  	v5, _, _ =	vpop (xrf0)  }
0x334: {  	(v2sf) =	vpush v5, $0xF;
	_ =	sdelay $0x3  }
0x335: {  	v4 =	vxor.u32 $0x80000000, v4  }
0x336: {  	v4 =	vnsel vm1, $0x80000000, v4  }
0x337: {  	(xrf0) =	vmax.scan.msk.u32 $0xffff, v4;
	_ =	sdelay $0x5  }
0x338: {  	v4, _, _ =	vpop (xrf0)  }
0x339: {  	(v2sf) =	vpush v4, $0xF;
	_ =	sdelay $0x1  }
0x33a: {  	s8 =	spop (v2sf)  }
0x33b: {  	s0 =	sshll.u32 s0, $0x8;
	s1 =	sshll.u32 s8, $0x4  }
0x33c: {  	s0 =	sadd.s32 s0, s1  }
0x33d: {  	s1 =	sand.u32 $0x70, s1;
	s9 =	sand.u32 $0xFFFFFF80, s0  }
0x33e: {  	s1 =	sor.u32 s1, s9  }
0x33f: {  	v4 =	vld [tilespmem:s1+$0x18000];
	_ =	sdelay $0x4  }
0x340: {  	(xrf0) =	vadd.scan.msk.s32 $0xffff, v4;
	_ =	sdelay $0x2  }
0x341: {  	s2 =	spop (v2sf)  }
0x342: {  	s1 =	sxor.u32 $0x80000000, s2  }
0x343: {  	p0 =	sgt.s32 s1, s30  }
0x344: {  	s30 =	smov.u32 @p0 s1;
	v4, _, _ =	vpop (xrf0)  }
0x345: {  	v4 =	vadd.s32 s30, v4  }
0x346: {  	vm1 =	vlt.s32 v4, $0x7334  }
0x347: {  	v5 =	vmpcnt.ones.xlane vm1;
	_ =	sdelay $0x1  }
0x348: {  	v5 =	vxor.u32 $0x80000000, v5  }
0x349: {  	(xrf0) =	vmax.scan.msk.u32 $0xffff, v5;
	_ =	sdelay $0x5  }
0x34a: {  	v5, _, _ =	vpop (xrf0)  }
0x34b: {  	(v2sf) =	vpush v5, $0xF;
	_ =	sdelay $0xe  }
0x34c: {  	s3 =	spop (v2sf)  }
0x34d: {  	_ =	swait.ge [sflag:s26], $0x8000  }
0x34e: {  	[sflag:s26] =	ssyncset.done $0x0  }
0x34f: {  	s5 =	simm.s32 $0x40;
	s4 =	rddreg [dreg:$0x7];
	[sflag:s26] =	ssyncadd.s32 $0xFFFF8000  }
0x350: {  	[tilespmem:s15], [sflag:$0x1] =	stream.strided.gather [hbm4b:s4+s13], $0x8000, s14, s13, $0x38;
	[tilespmem:$0x1C200] =	vst v63  }
0x351: {  	s31 =	simm.s32 $0x10040;
	v6 =	vld [tilespmem:s5+$0x30]  }
0x352: {  	v5 =	vld [tilespmem:s31+$0x30]  }
0x353: {  	v8 =	vld [tilespmem:s5+$0x20]  }
0x354: {  	v7 =	vld [tilespmem:s5+$0x10]  }
0x355: {  	v13 =	vld [tilespmem:s31+$0x10]  }
0x356: {  	v16 =	vld [tilespmem:s31+$0x20]  }
0x357: {  	v15 =	vld [tilespmem:s5+$0xFFFFFFD0]  }
0x358: {  	v20 =	vld [tilespmem:s31+$0xFFFFFFD0];
	_ =	sdelay $0x2  }
0x359: {  	s0 =	sadd.s32 s3, s0  }
0x35a: {  	v17 =	vimm.s32 $0x0;
	s0 =	sadd.s32 $0x80000000, s0;
	v10 =	vmul.f32 v6, v5;
	v18 =	vmul.f32 v7, v13  }
0x35b: {  	v6 =	vmov s0;
	v21 =	vmul.f32 v8, v16;
	v15 =	vmul.f32 v15, v20  }
0x35c: {  	v9 =	vld [tilespmem:s5+$0x0];
	v11 =	vand.u32 $0x7FFFFFFF, v10;
	vm2 =	vlt.s32 v10, $0x0;
	v19 =	vxor.u32 $0xFFFFFFFF, v10  }
0x35d: {  	v7 =	vld [tilespmem:s31+$0x0];
	v22 =	vand.u32 $0x7FFFFFFF, v18;
	vm3 =	vlt.s32 v18, $0x0;
	v23 =	vand.u32 $0x7FFFFFFF, v21  }
0x35e: {  	v14 =	vld [tilespmem:s31+$0xFFFFFFC0];
	v25 =	vxor.u32 $0xFFFFFFFF, v21;
	v28 =	vxor.u32 $0xFFFFFFFF, v15;
	vm4 =	vlt.s32 v15, $0x0  }
0x35f: {  	v12 =	vld [tilespmem:s5+$0xFFFFFFF0];
	v8 =	vxor.u32 $0x80000000, v11;
	v11 =	vxor.u32 $0xFFFFFFFF, v18;
	v22 =	vxor.u32 $0x80000000, v22  }
0x360: {  	v10 =	vld [tilespmem:s31+$0xFFFFFFF0];
	v23 =	vxor.u32 $0x80000000, v23;
	v19 =	vsel vm2, v19, v8;
	v22 =	vsel vm3, v11, v22  }
0x361: {  	v24 =	vld [tilespmem:s5+$0xFFFFFFE0];
	vm2 =	vlt.s32 v21, $0x0;
	v8 =	vshrl.u32 v19, $0x13;
	v26 =	vshrl.u32 v22, $0x13  }
0x362: {  	v18 =	vld [tilespmem:s5+$0xFFFFFFC0];
	v22 =	vshll.u32 v22, $0xD;
	v19 =	vshll.u32 v19, $0xD;
	v27 =	vmul.f32 v9, v7  }
0x363: {  	v11 =	vld [tilespmem:s31+$0xFFFFFFE0];
	v23 =	vsel vm2, v25, v23;
	v25 =	vand.u32 $0x7FFFFFFF, v15;
	vm7 =	vlt.s32 v26, v6  }
0x364: {  	v9 =	vand.u32 $0xFFFF8000, v19;
	v19 =	vshll.u32 v17, $0x4;
	v22 =	vand.u32 $0xFFFF8000, v22  }
0x365: {  	v33 =	vshrl.u32 v23, $0x13;
	v21 =	vmul.f32 v12, v10;
	v31 =	vxor.u32 $0xFFFFFFFF, v27  }
0x366: {  	vm5 =	vlt.s32 v27, $0x0;
	v34 =	vor.u32 v2, v19;
	v13 =	vsel vm7, $0x0, v13  }
0x367: {  	v12 =	vmul.f32 v18, v14;
	v18 =	vand.u32 $0x7FFFFFFF, v27;
	v29 =	vand.u32 $0x7FFFFFFF, v21  }
0x368: {  	v24 =	vmul.f32 v24, v11;
	vm3 =	vlt.s32 v21, $0x0;
	v15 =	vxor.u32 $0x80000000, v18  }
0x369: {  	v19 =	vxor.u32 $0xFFFFFFFF, v21;
	v30 =	vand.u32 $0x7FFFFFFF, v12;
	v27 =	vxor.u32 $0xFFFFFFFF, v12  }
0x36a: {  	v29 =	vxor.u32 $0x80000000, v29;
	vm2 =	vlt.s32 v12, $0x0;
	v15 =	vsel vm5, v31, v15  }
0x36b: {  	v32 =	vand.u32 $0x7FFFFFFF, v24;
	v30 =	vxor.u32 $0x80000000, v30;
	vm6 =	vlt.s32 v24, $0x0  }
0x36c: {  	v19 =	vsel vm3, v19, v29;
	vm3 =	veq.s32 v33, v6;
	v12 =	vsel vm2, v27, v30  }
0x36d: {  	v27 =	vshll.u32 v23, $0xD;
	v59 =	vxor.u32 $0x80000000, v32;
	v18 =	vshrl.u32 v12, $0x13  }
0x36e: {  	v30 =	vshll.u32 v12, $0xD;
	v12 =	vshll.u32 v15, $0xD;
	v15 =	vshrl.u32 v15, $0x13  }
0x36f: {  	s6 =	simm.s32 $0x0;
	vm5 =	vlt.s32 v18, v6;
	vm8 =	veq.s32 v18, v6;
	v18 =	vand.u32 $0xFFFF8000, v30  }
0x370: {  	vm2 =	veq.s32 v15, v6;
	v57 =	vsel vm8, $0x1, v0;
	v58 =	vor.u32 s6, v18  }
0x371: {  	v18 =	vxor.u32 $0xFFFFFFFF, v24;
	v24 =	vxor.u32 $0x80000000, v25;
	v60 =	vsel vm2, $0x1, v0  }
0x372: {  	v14 =	vsel vm5, $0x0, v14;
	v17 =	vadd.s32 v57, v17;
	v24 =	vsel vm4, v28, v24  }
0x373: {  	v18 =	vsel vm6, v18, v59;
	vm4 =	veq.s32 v26, v6;
	v26 =	vor.u32 v2, v58  }
0x374: {  	v25 =	vshll.u32 v17, $0x4;
	v28 =	vshrl.u32 v24, $0x13;
	v61 =	vshll.u32 v18, $0xD  }
0x375: {  	v24 =	vshll.u32 v24, $0xD;
	v18 =	vshrl.u32 v18, $0x13;
	v62 =	vsel vm4, $0x1, v0  }
0x376: {  	v25 =	vor.u32 v2, v25;
	vm9 =	veq.s32 v28, v6;
	vm6 =	veq.s32 v18, v6  }
0x377: {  	s7 =	simm.s32 $0x10;
	[tilespmem:s31+$0xFFFFFFC0] =	vst v14;
	vm10 =	vlt.s32 v28, v6;
	v14 =	vand.u32 $0xFFFF8000, v24;
	v23 =	vsel vm9, $0x1, v0  }
0x378: {  	v21 =	vsel vm6, $0x1, v0;
	v20 =	vsel vm10, $0x0, v20;
	v14 =	vor.u32 s7, v14  }
0x379: {  	v17 =	vadd.s32 v23, v17;
	v23 =	vshrl.u32 v19, $0x13;
	[tilespmem:v34+s22+$0x0] =	vst.idx.msk vm8, v26;
	v14 =	vor.u32 v2, v14  }
0x37a: {  	[tilespmem:s31+$0xFFFFFFD0] =	vst v20;
	vm8 =	vlt.s32 v33, v6;
	v20 =	vsel vm3, $0x1, v0;
	vm5 =	veq.s32 v23, v6  }
0x37b: {  	v35 =	vshll.u32 v17, $0x4;
	v21 =	vadd.s32 v21, v17;
	v26 =	vsel vm5, $0x1, v0  }
0x37c: {  	s8 =	simm.s32 $0x20;
	v17 =	vand.u32 $0xFFFF8000, v61;
	v24 =	vor.u32 v2, v35;
	v63 =	vadd.s32 v26, v21  }
0x37d: {  	s9 =	simm.s32 $0x60;
	[tilespmem:s31+$0x10] =	vst v13;
	v26 =	vor.u32 s8, v17;
	v17 =	vand.u32 $0xFFFF8000, v27;
	v30 =	vadd.s32 v60, v63  }
0x37e: {  	s2 =	simm.s32 $0x70;
	s1 =	simm.s32 $0x0;
	s3 =	simm.s32 $0x50;
	[tilespmem:v25+s22+$0x0] =	vst.idx.msk vm9, v14;
	v14 =	vsel vm8, $0x0, v16;
	v17 =	vor.u32 s9, v17;
	v25 =	vshll.u32 v63, $0x4  }
0x37f: {  	s4 =	simm.s32 $0xC0;
	s0 =	simm.s32 $0x70;
	v16 =	vshll.u32 v30, $0x4;
	[tilespmem:s31+$0x20] =	vst v14;
	v14 =	vor.u32 s3, v22;
	v22 =	vadd.s32 v62, v30;
	s3 =	simm.s32 $0x100C0  }
.LBB2_50:
0x380: {  	v13 =	vld [tilespmem:s3+$0xFFFFFFC0];
	s1 =	sadd.s32 $0x8, s1;
	vm7 =	vlt.s32 v18, v6;
	vm8 =	vlt.s32 v23, v6;
	v18 =	vshll.u32 v21, $0x4;
	s2 =	sadd.s32 $0x80, s2  }
0x381: {  	v21 =	vld [tilespmem:s4+$0x30];
	p0 =	slt.u32 s1, $0x7F8;
	v11 =	vsel vm7, $0x0, v11;
	v10 =	vsel vm8, $0x0, v10;
	v18 =	vor.u32 v2, v18  }
0x382: {  	v19 =	vshll.u32 v19, $0xD;
	vm7 =	vlt.s32 v15, v6;
	v23 =	vld [tilespmem:s3+$0x30];
	[tilespmem:s31+$0xFFFFFFE0] =	vst v11;
	v11 =	vor.u32 v2, v26  }
0x383: {  	s5 =	sadd.s32 $0xFFFFFFC0, s0;
	s6 =	sadd.s32 $0xFFFFFFD0, s0;
	v12 =	vand.u32 $0xFFFF8000, v12;
	v7 =	vsel vm7, $0x0, v7;
	v15 =	vld [tilespmem:s4+$0x20];
	[tilespmem:v24+s22+$0x0] =	vst.idx.msk vm6, v11;
	v11 =	vand.u32 $0xFFFF8000, v19  }
0x384: {  	vm6 =	vlt.s32 v8, v6;
	v19 =	vld [tilespmem:s4+$0x10];
	[tilespmem:s31+$0xFFFFFFF0] =	vst v10;
	v10 =	vor.u32 s5, v11;
	v11 =	vor.u32 s6, v12  }
0x385: {  	v9 =	vor.u32 s0, v9;
	s0 =	smov.u32 s2;
	v12 =	vld [tilespmem:s4+$0x0];
	v10 =	vor.u32 v2, v10;
	[tilespmem:s31+$0x0] =	vst v7;
	v7 =	vor.u32 v2, v14  }
0x386: {  	v9 =	vor.u32 v2, v9;
	v26 =	vsel vm6, $0x0, v5;
	v14 =	vld [tilespmem:s3+$0x10];
	[tilespmem:v18+s22+$0x0] =	vst.idx.msk vm5, v10;
	v10 =	vor.u32 v2, v16  }
0x387: {  	v11 =	vor.u32 v2, v11;
	v18 =	vor.u32 v2, v25;
	vm5 =	veq.s32 v8, v6;
	v16 =	vld [tilespmem:s3+$0x20];
	[tilespmem:s31+$0x30] =	vst v26;
	s31 =	smov.u32 s3  }
0x388: {  	v20 =	vadd.s32 v20, v22;
	v8 =	vmul.f32 v21, v23;
	v21 =	vsel vm5, $0x1, v0;
	v5 =	vmovc v23;
	v24 =	vld [tilespmem:s4+$0xFFFFFFF0]  }
0x389: {  	v22 =	vshll.u32 v22, $0x4;
	v25 =	vor.u32 v2, v17;
	v17 =	vshll.u32 v20, $0x4;
	v23 =	vld [tilespmem:s4+$0xFFFFFFE0]  }
0x38a: {  	v28 =	vor.u32 v2, v17;
	v27 =	vand.u32 $0x7FFFFFFF, v8;
	vm6 =	vlt.s32 v8, $0x0;
	v26 =	vld [tilespmem:s4+$0xFFFFFFD0]  }
0x38b: {  	v22 =	vor.u32 v2, v22;
	v8 =	vxor.u32 $0xFFFFFFFF, v8;
	v17 =	vld [tilespmem:s3+$0xFFFFFFD0];
	v19 =	vmul.f32 v19, v14;
	[tilespmem:v10+s22+$0x0] =	vst.idx.msk vm4, v7  }
0x38c: {  	v27 =	vxor.u32 $0x80000000, v27;
	v7 =	vld [tilespmem:s3+$0x0];
	v15 =	vmul.f32 v15, v16;
	[tilespmem:v18+s22+$0x0] =	vst.idx.msk vm2, v11;
	v18 =	vadd.s32 v21, v20  }
0x38d: {  	v10 =	vld [tilespmem:s3+$0xFFFFFFF0];
	v20 =	vxor.u32 $0xFFFFFFFF, v19;
	v11 =	vand.u32 $0x7FFFFFFF, v19;
	vm2 =	vlt.s32 v19, $0x0  }
0x38e: {  	v27 =	vsel vm6, v8, v27;
	v19 =	vld [tilespmem:s4+$0xFFFFFFC0];
	v21 =	vxor.u32 $0x80000000, v11;
	v29 =	vand.u32 $0x7FFFFFFF, v15  }
0x38f: {  	v8 =	vshrl.u32 v27, $0x13;
	v11 =	vld [tilespmem:s3+$0xFFFFFFE0];
	v20 =	vsel vm2, v20, v21;
	v21 =	vxor.u32 $0xFFFFFFFF, v15;
	[tilespmem:v28+s22+$0x0] =	vst.idx.msk vm5, v9  }
0x390: {  	v9 =	vshll.u32 v27, $0xD;
	v28 =	vshrl.u32 v20, $0x13;
	v20 =	vshll.u32 v20, $0xD;
	[tilespmem:v22+s22+$0x0] =	vst.idx.msk vm3, v25  }
0x391: {  	vm4 =	vlt.s32 v15, $0x0;
	v12 =	vmul.f32 v12, v7;
	vm7 =	vlt.s32 v28, v6  }
0x392: {  	v15 =	vmul.f32 v26, v17;
	v9 =	vand.u32 $0xFFFF8000, v9;
	v22 =	vmul.f32 v24, v10  }
0x393: {  	v24 =	vshll.u32 v18, $0x4;
	v19 =	vmul.f32 v19, v13;
	v25 =	vand.u32 $0x7FFFFFFF, v12  }
0x394: {  	v29 =	vxor.u32 $0x80000000, v29;
	v26 =	vxor.u32 $0xFFFFFFFF, v15;
	v27 =	vand.u32 $0x7FFFFFFF, v22  }
0x395: {  	v31 =	vxor.u32 $0xFFFFFFFF, v12;
	v23 =	vmul.f32 v23, v11;
	v30 =	vand.u32 $0x7FFFFFFF, v19  }
0x396: {  	v32 =	vand.u32 $0xFFFF8000, v20;
	vm2 =	vlt.s32 v15, $0x0;
	vm5 =	vlt.s32 v12, $0x0  }
0x397: {  	v12 =	vxor.u32 $0xFFFFFFFF, v19;
	v27 =	vxor.u32 $0x80000000, v27;
	v20 =	vand.u32 $0x7FFFFFFF, v23  }
0x398: {  	v21 =	vsel vm4, v21, v29;
	vm3 =	vlt.s32 v22, $0x0;
	v30 =	vxor.u32 $0x80000000, v30  }
0x399: {  	vm4 =	vlt.s32 v19, $0x0;
	v19 =	vand.u32 $0x7FFFFFFF, v15;
	vm6 =	vlt.s32 v23, $0x0  }
0x39a: {  	v15 =	vxor.u32 $0x80000000, v25;
	v25 =	vshll.u32 v21, $0xD;
	v12 =	vsel vm4, v12, v30  }
0x39b: {  	v15 =	vsel vm5, v31, v15;
	v29 =	vshrl.u32 v12, $0x13;
	v30 =	vshll.u32 v12, $0xD  }
0x39c: {  	v12 =	vshll.u32 v15, $0xD;
	vm5 =	vlt.s32 v29, v6;
	vm8 =	veq.s32 v29, v6  }
0x39d: {  	s5 =	sadd.s32 $0xFFFFFF90, s2;
	v15 =	vshrl.u32 v15, $0x13;
	v29 =	vand.u32 $0xFFFF8000, v30;
	v30 =	vsel vm8, $0x1, v0  }
0x39e: {  	v29 =	vor.u32 s5, v29;
	v30 =	vadd.s32 v30, v18;
	v18 =	vxor.u32 $0xFFFFFFFF, v23  }
0x39f: {  	v19 =	vxor.u32 $0x80000000, v19;
	v20 =	vxor.u32 $0x80000000, v20;
	v23 =	vshll.u32 v30, $0x4  }
0x3a0: {  	v19 =	vsel vm2, v26, v19;
	vm2 =	veq.s32 v15, v6;
	v31 =	vor.u32 v2, v23  }
0x3a1: {  	v26 =	vshrl.u32 v19, $0x13;
	v18 =	vsel vm6, v18, v20;
	v20 =	vsel vm2, $0x1, v0  }
0x3a2: {  	v33 =	vshrl.u32 v21, $0x13;
	vm9 =	veq.s32 v26, v6;
	v23 =	vshll.u32 v18, $0xD  }
0x3a3: {  	v34 =	vshll.u32 v19, $0xD;
	v19 =	vsel vm9, $0x1, v0;
	v18 =	vshrl.u32 v18, $0x13  }
0x3a4: {  	v24 =	vor.u32 v2, v24;
	v21 =	vadd.s32 v19, v30;
	v19 =	vxor.u32 $0xFFFFFFFF, v22  }
0x3a5: {  	vm4 =	veq.s32 v28, v6;
	v22 =	vshll.u32 v21, $0x4;
	vm6 =	veq.s32 v18, v6  }
0x3a6: {  	v19 =	vsel vm3, v19, v27;
	v27 =	vsel vm4, $0x1, v0;
	v28 =	vsel vm6, $0x1, v0  }
0x3a7: {  	v13 =	vsel vm5, $0x0, v13;
	v29 =	vor.u32 v2, v29;
	v21 =	vadd.s32 v28, v21  }
0x3a8: {  	vm3 =	veq.s32 v33, v6;
	v28 =	vand.u32 $0xFFFF8000, v23;
	v23 =	vshrl.u32 v19, $0x13  }
0x3a9: {  	vm10 =	vlt.s32 v26, v6;
	s5 =	sadd.s32 $0xFFFFFFA0, s2;
	vm5 =	veq.s32 v23, v6;
	[tilespmem:s3+$0xFFFFFFC0] =	vst v13;
	v13 =	vand.u32 $0xFFFF8000, v34  }
0x3aa: {  	v17 =	vsel vm10, $0x0, v17;
	v26 =	vsel vm5, $0x1, v0;
	[tilespmem:v24+s22+$0x0] =	vst.idx.msk vm8, v29;
	v13 =	vor.u32 s5, v13  }
.Ltmp33:
0x3ab: {  	s5 =	sadd.s32 $0xFFFFFFB0, s2;
	v24 =	vor.u32 v2, v22;
	v22 =	vadd.s32 v26, v21;
	v13 =	vor.u32 v2, v13;
	(pc) =	sbr.rel @p0 .LBB2_50-.Ltmp33, $4  }
0x3ac: {  	vm8 =	vlt.s32 v33, v6;
	v26 =	vor.u32 s5, v28;
	v28 =	vadd.s32 v20, v22;
	[tilespmem:s3+$0xFFFFFFD0] =	vst v17  }
0x3ad: {  	s5 =	sadd.s32 $0xFFFFFFF0, s2;
	v20 =	vsel vm3, $0x1, v0;
	v17 =	vand.u32 $0xFFFF8000, v25;
	[tilespmem:v31+s22+$0x0] =	vst.idx.msk vm9, v13;
	v13 =	vsel vm8, $0x0, v16  }
0x3ae: {  	s6 =	sadd.s32 $0xFFFFFFE0, s2;
	v14 =	vsel vm7, $0x0, v14;
	v16 =	vshll.u32 v28, $0x4;
	v17 =	vor.u32 s5, v17;
	[tilespmem:s3+$0x20] =	vst v13  }
0x3af: {  	s4 =	sadd.s32 $0x80, s4;
	v25 =	vshll.u32 v22, $0x4;
	v22 =	vadd.s32 v27, v28;
	s3 =	sadd.s32 $0x80, s3;
	[tilespmem:s31+$0x10] =	vst v14;
	v14 =	vor.u32 s6, v32  }
0x3b0: {  	vm7 =	vlt.s32 v18, v6;
	vm8 =	vlt.s32 v23, v6;
	v13 =	vshll.u32 v21, $0x4  }
0x3b1: {  	v51 =	vshll.u32 v19, $0xD;
	v52 =	vor.u32 v2, v26;
	vm13 =	vlt.s32 v15, v6  }
0x3b2: {  	vm14 =	vlt.s32 v8, v6;
	v55 =	vor.u32 v2, v16;
	v11 =	vsel vm7, $0x0, v11  }
0x3b3: {  	v56 =	vadd.s32 v20, v22;
	v57 =	vor.u32 v2, v25;
	v10 =	vsel vm8, $0x0, v10;
	[tilespmem:s31+$0xFFFFFFE0] =	vst v11  }
0x3b4: {  	vm15 =	veq.s32 v8, v6;
	v59 =	vand.u32 $0xFFFF8000, v12;
	v7 =	vsel vm13, $0x0, v7;
	[tilespmem:s31+$0xFFFFFFF0] =	vst v10  }
0x3b5: {  	v13 =	vor.u32 v2, v13;
	v6 =	vshll.u32 v56, $0x4;
	v5 =	vsel vm14, $0x0, v5;
	[tilespmem:s31+$0x0] =	vst v7  }
0x3b6: {  	s9 =	sadd.s32 $0xFFFFFFD0, s0;
	v61 =	vor.u32 v2, v14;
	v7 =	vshll.u32 v22, $0x4;
	v6 =	vor.u32 v2, v6;
	[tilespmem:s31+$0x30] =	vst v5  }
0x3b7: {  	s1 =	sadd.s32 $0xFFFFFFC0, s0;
	v53 =	vand.u32 $0xFFFF8000, v51;
	v60 =	vor.u32 s9, v59;
	[tilespmem:v24+s22+$0x0] =	vst.idx.msk vm6, v52;
	v7 =	vor.u32 v2, v7  }
0x3b8: {  	v54 =	vor.u32 s1, v53;
	v8 =	vor.u32 v2, v60;
	[tilespmem:v55+s22+$0x0] =	vst.idx.msk vm4, v61  }
0x3b9: {  	v5 =	vor.u32 s0, v9;
	v58 =	vor.u32 v2, v54;
	[tilespmem:v57+s22+$0x0] =	vst.idx.msk vm2, v8  }
0x3ba: {  	v5 =	vor.u32 v2, v5;
	[tilespmem:v13+s22+$0x0] =	vst.idx.msk vm5, v58  }
0x3bb: {  	v63 =	vor.u32 v2, v17;
	v62 =	vsel vm15, $0x1, v0;
	[tilespmem:v6+s22+$0x0] =	vst.idx.msk vm15, v5  }
0x3bc: {  	s0 =	simm.s32 $0x40;
	s1 =	simm.s32 $0x0;
	v5 =	vadd.s32 v62, v56;
	[tilespmem:v7+s22+$0x0] =	vst.idx.msk vm3, v63  }
.LBB2_52:
0x3bd: {  	p0 =	seq.s32 s0, $0x3C0;
	[tilespmem:s1+$0x1A100] =	vst v0;
	s1 =	smov.u32 s0;
	s0 =	sadd.s32 $0x40, s0  }
.Ltmp34:
0x3be: {  	(pc) =	sbr.rel @!p0 .LBB2_52-.Ltmp34, $2  }
0x3bf: {  	_ =	sdelay $0x2  }
0x3c0: {  	s1 =	sshra.s32 s1, $0x2  }
0x3c1: {  	v4 =	vxor.u32 $0x80000000, v4  }
0x3c2: {  	v4 =	vnsel vm1, $0x80000000, v4  }
0x3c3: {  	(xrf0) =	vmax.scan.msk.u32 $0xffff, v4;
	v4 =	vxor.u32 $0x80000000, v5  }
0x3c4: {  	(xrf0) =	vmax.scan.msk.u32 $0xffff, v4;
	_ =	sdelay $0x4  }
0x3c5: {  	v4, _, _ =	vpop (xrf0)  }
0x3c6: {  	(v2sf) =	vpush v4, $0xF;
	v4, _, _ =	vpop (xrf0)  }
0x3c7: {  	(v2sf) =	vpush v4, $0xF;
	_ =	sdelay $0xd  }
0x3c8: {  	s0 =	spop (v2sf)  }
0x3c9: {  	s9 =	spop (v2sf)  }
0x3ca: {  	s31 =	sxor.u32 $0x80000000, s9  }
0x3cb: {  	p0 =	sgt.s32 s31, $0x0  }
.Ltmp35:
0x3cc: {  	_ = 	snop;
	(pc) =	sbr.rel @!p0 .LBB2_57-.Ltmp35, $2  }
0x3cd: {  	_ =	sdelay $0x2  }
0x3ce: {  	[tilespmem:s1+$0x1A100] =	vst v0  }
0x3cf: {  	s1 =	simm.s32 $0x1A200  }
0x3d0: {  	p0 =	sne.s32 s31, $0x1;
	v4 =	vld [tilespmem:s1+$0x0]  }
.Ltmp36:
0x3d1: {  	_ = 	snop;
	(pc) =	sbr.rel @!p0 .LBB2_56-.Ltmp36, $4  }
0x3d2: {  	s2 =	simm.s32 $0x0  }
0x3d3: {  	v6 =	vmov s2  }
0x3d4: {  	vm1 =	vlt.s32 v6, v5  }
0x3d5: {  	s2 =	simm.s32 $0x1;
	v4 =	vshrl.u32 v4, $0x18  }
.LBB2_55:
0x3d6: {  	_ =	sdelay $0x3  }
0x3d7: {  	[tilespmem:v4+s23+$0x0] =	vst.idx.add.s32.msk vm1, v1;
	s1 =	sadd.s32 $0x10, s1;
	s3 =	smov.u32 s2;
	s2 =	sadd.s32 $0x1, s2  }
0x3d8: {  	v4 =	vld [tilespmem:s1+$0x0];
	p0 =	sne.s32 s31, s2  }
.Ltmp37:
0x3d9: {  	(pc) =	sbr.rel @p0 .LBB2_55-.Ltmp37, $4  }
0x3da: {  	_ = 	snop  }
0x3db: {  	v6 =	vmov s3  }
0x3dc: {  	vm1 =	vlt.s32 v6, v5  }
0x3dd: {  	v4 =	vshrl.u32 v4, $0x18  }
.LBB2_56:
0x3de: {  	_ =	sdelay $0x4  }
0x3df: {  	[tilespmem:v4+s23+$0x0] =	vst.idx.add.s32.msk vm1, v1  }
.LBB2_57:
0x3e0: {  	s1 =	simm.s32 $0x1A100  }
0x3e1: {  	v4 =	vld [tilespmem:s1+$0x0];
	_ =	sdelay $0x4  }
0x3e2: {  	s9 =	simm.s32 $0x1A110;
	(xrf0) =	vadd.scan.msk.s32 $0xffff, v4  }
0x3e3: {  	s4 =	simm.s32 $0x0;
	v6 =	vld [tilespmem:s9+$0x0]  }
0x3e4: {  	v4 =	vmov s4  }
0x3e5: {  	s0 =	sxor.u32 $0x80000000, s0  }
0x3e6: {  	p0 =	sgt.s32 s0, s30  }
0x3e7: {  	s2 =	simm.s32 $0x1;
	s3 =	simm.s32 $0x2;
	s30 =	smov.u32 @p0 s0  }
0x3e8: {  	s1 =	sadd.s32 $0xFFFF8CCD, s30;
	s0 =	ssub.s32 $0x7333, s30;
	s4 =	simm.s32 $0x1A120;
	(xrf0) =	vadd.scan.msk.s32 $0xffff, v6;
	v6, _, _ =	vpop (xrf0)  }
.LBB2_58:
0x3e9: {  	v7 =	vld [tilespmem:s4+$0x0];
	p0 =	sne.s32 s3, $0xF;
	[tilespmem:v4+s21+$0x0] =	vst.idx.msk vm0, v6;
	s5 =	smov.u32 s3;
	s3 =	sadd.s32 $0x1, s3  }
.Ltmp38:
0x3ea: {  	v4 =	vmov s2;
	s2 =	smov.u32 s5;
	(pc) =	sbr.rel @p0 .LBB2_58-.Ltmp38, $2  }
0x3eb: {  	_ =	sdelay $0x2  }
0x3ec: {  	s4 =	sadd.s32 $0x10, s4;
	(xrf0) =	vadd.scan.msk.s32 $0xffff, v7;
	v6, _, _ =	vpop (xrf0)  }
0x3ed: {  	_ = 	snop  }
0x3ee: {  	v7 =	vmov s2;
	_ =	sdelay $0x3  }
0x3ef: {  	[tilespmem:v4+s21+$0x0] =	vst.idx.msk vm0, v6;
	v4, _, _ =	vpop (xrf0)  }
0x3f0: {  	[tilespmem:v7+s21+$0x0] =	vst.idx.msk vm0, v4  }
0x3f1: {  	v4 =	vld [tilespmem:$0x1A080];
	_ =	sdelay $0x4  }
0x3f2: {  	(xrf0) =	vadd.scan.msk.s32 $0xffff, v4;
	_ =	sdelay $0x5  }
0x3f3: {  	v4, _, _ =	vpop (xrf0)  }
0x3f4: {  	vm1 =	vle.s32 v4, s0  }
0x3f5: {  	v6 =	vmpcnt.ones.xlane vm1;
	_ =	sdelay $0x1  }
0x3f6: {  	v6 =	vxor.u32 $0x80000000, v6  }
0x3f7: {  	(xrf0) =	vmax.scan.msk.u32 $0xffff, v6;
	_ =	sdelay $0x5  }
0x3f8: {  	v6, _, _ =	vpop (xrf0)  }
0x3f9: {  	(v2sf) =	vpush v6, $0xF  }
0x3fa: {  	v4 =	vxor.u32 $0x80000000, v4  }
0x3fb: {  	v4 =	vnsel vm1, $0x80000000, v4  }
0x3fc: {  	(xrf0) =	vmax.scan.msk.u32 $0xffff, v4;
	_ =	sdelay $0x5  }
0x3fd: {  	v4, _, _ =	vpop (xrf0)  }
0x3fe: {  	(v2sf) =	vpush v4, $0xF;
	_ =	sdelay $0x4  }
0x3ff: {  	s8 =	spop (v2sf)  }
0x400: {  	s3 =	sshll.u32 s8, $0x4  }
0x401: {  	v4 =	vld [tilespmem:s3+$0x1A100];
	_ =	sdelay $0x4  }
0x402: {  	(xrf0) =	vadd.scan.msk.s32 $0xffff, v4;
	_ =	sdelay $0x2  }
0x403: {  	s9 =	spop (v2sf)  }
0x404: {  	s2 =	sxor.u32 $0x80000000, s9  }
0x405: {  	p0 =	sgt.s32 s2, $0x0  }
0x406: {  	s2 =	simm.s32 @!p0 $0x0;
	v4, _, _ =	vpop (xrf0)  }
0x407: {  	v4 =	vadd.s32 s2, v4  }
0x408: {  	vm1 =	vle.s32 v4, s0  }
0x409: {  	v6 =	vmpcnt.ones.xlane vm1;
	_ =	sdelay $0x1  }
0x40a: {  	v6 =	vxor.u32 $0x80000000, v6  }
0x40b: {  	v4 =	vxor.u32 $0x80000000, v4;
	(xrf0) =	vmax.scan.msk.u32 $0xffff, v6  }
0x40c: {  	v4 =	vnsel vm1, $0x80000000, v4  }
0x40d: {  	(xrf0) =	vmax.scan.msk.u32 $0xffff, v4;
	_ =	sdelay $0x3  }
0x40e: {  	v4, _, _ =	vpop (xrf0)  }
0x40f: {  	(v2sf) =	vpush v4, $0xF  }
0x410: {  	v4, _, _ =	vpop (xrf0)  }
0x411: {  	(v2sf) =	vpush v4, $0xF;
	_ =	sdelay $0x9  }
0x412: {  	p0 =	slt.s32 s31, $0x1  }
.Ltmp39:
0x413: {  	_ = 	snop;
	(pc) =	sbr.rel @p0 .LBB2_60-.Ltmp39, $4  }
0x414: {  	_ = 	snop  }
0x415: {  	s30 =	spop (v2sf)  }
0x416: {  	s0 =	sadd.s32 s30, s3  }
0x417: {  	s3 =	spop (v2sf);
	s0 =	sadd.s32 $0x80000000, s0  }
0x418: {  	s4 =	simm.s32 $0x1A200  }
0x419: {  	v7 =	vld [tilespmem:s4+$0x0];
	_ =	sdelay $0x3  }
0x41a: {  	s5 =	simm.s32 $0x0;
	p1 =	sne.s32 s31, $0x1  }
.Ltmp40:
0x41b: {  	v6 =	vmov s0;
	v4 =	vmov s5;
	v8 =	vshrl.u32 v7, $0x18;
	(pc) =	sbr.rel @!p1 .LBB2_63-.Ltmp40, $4  }
0x41c: {  	vm1 =	vlt.s32 v4, v5;
	v4 =	vimm.s32 $0x0;
	vm2 =	veq.s32 v8, v6  }
0x41d: {  	v8 =	vshll.u32 v4, $0x4;
	vm1 =	vmand vm1, vm2  }
0x41e: {  	v8 =	vor.u32 v2, v8;
	v9 =	vsel vm1, $0x1, v0  }
0x41f: {  	s5 =	simm.s32 $0x1;
	v4 =	vadd.s32 v9, v4  }
.LBB2_62:
0x420: {  	_ =	sdelay $0x2  }
0x421: {  	[tilespmem:v8+s24+$0x0] =	vst.idx.msk vm1, v7;
	s4 =	sadd.s32 $0x10, s4;
	s6 =	smov.u32 s5;
	s5 =	sadd.s32 $0x1, s5  }
0x422: {  	v7 =	vld [tilespmem:s4+$0x0];
	p1 =	sne.s32 s31, s5;
	_ =	sdelay $0x4  }
.Ltmp41:
0x423: {  	v8 =	vmov s6;
	v9 =	vshrl.u32 v7, $0x18;
	(pc) =	sbr.rel @p1 .LBB2_62-.Ltmp41, $4  }
0x424: {  	vm1 =	vlt.s32 v8, v5;
	vm2 =	veq.s32 v9, v6  }
0x425: {  	v8 =	vshll.u32 v4, $0x4;
	vm1 =	vmand vm1, vm2  }
0x426: {  	v8 =	vor.u32 v2, v8;
	v9 =	vsel vm1, $0x1, v0  }
0x427: {  	v4 =	vadd.s32 v9, v4  }
.LBB2_63:
0x428: {  	_ = 	snop  }
.Ltmp42:
0x429: {  	_ = 	snop;
	(pc) =	sbr.rel .LBB2_64-.Ltmp42, $2  }
0x42a: {  	_ =	sdelay $0x2  }
0x42b: {  	[tilespmem:v8+s24+$0x0] =	vst.idx.msk vm1, v7  }
.LBB2_60:
0x42c: {  	v4 =	vimm.s32 $0x0  }
.LBB2_64:
0x42d: {  	(xrf0) =	vadd.scan.msk.s32 $0xffff, v4;
	v6 =	vxor.u32 $0x80000000, v4  }
0x42e: {  	(xrf0) =	vmax.scan.msk.u32 $0xffff, v6;
	_ =	sdelay $0x4  }
0x42f: {  	v6, _, _ =	vpop (xrf0)  }
0x430: {  	(v2sf) =	vpush v6, $0xF;
	v6, _, _ =	vpop (xrf0)  }
0x431: {  	(v2sf) =	vpush v6, $0xF;
	_ =	sdelay $0xc  }
.Ltmp43:
0x432: {  	s3 =	sxor.u32 $0x80000000, s3;
	(pc) =	sbr.rel .LBB2_65-.Ltmp43, $4  }
0x433: {  	p1 =	sgt.s32 s3, s2;
	s4 =	spop (v2sf)  }
0x434: {  	s5 =	simm.s32 $0x0;
	s2 =	smov.u32 @p1 s3;
	s9 =	spop (v2sf)  }
0x435: {  	s30 =	simm.s32 $0x0;
	s1 =	sadd.s32 s2, s1;
	s2 =	sxor.u32 $0x80000000, s9  }
0x436: {  	s1 =	sadd.s32 s4, s1;
	s4 =	simm.s32 $0x1FF;
	p1 =	slt.s32 s2, $0x1  }
.LBB2_66:
0x437: {  	v6 =	vimm.s32 $0x80000000  }
.LBB2_74:
0x438: {  	(xrf0) =	vmax.scan.msk.u32 $0xffff, v6;
	_ =	sdelay $0x5  }
0x439: {  	v6, _, _ =	vpop (xrf0)  }
0x43a: {  	(v2sf) =	vpush v6, $0xF;
	_ =	sdelay $0xc  }
0x43b: {  	s30 =	sadd.s32 $0x1, s30  }
0x43c: {  	p3 =	sne.s32 s30, $0x9  }
.Ltmp44:
0x43d: {  	s6 =	spop (v2sf);
	(pc) =	sbr.rel @!p3 .LBB2_75-.Ltmp44, $4  }
0x43e: {  	s6 =	sxor.u32 $0x80000000, s6  }
0x43f: {  	p2 =	slt.s32 s6, s1  }
0x440: {  	s6 =	sadd.s32 $0xFFFFFFFF, s3;
	s3 =	smov.u32 @p2 s5  }
0x441: {  	s4 =	smov.u32 @p2 s6;
	s5 =	smov.u32 s3  }
.LBB2_65:
.Ltmp45:
0x442: {  	(pc) =	sbr.rel @p1 .LBB2_66-.Ltmp45, $4  }
0x443: {  	_ = 	snop  }
0x444: {  	s3 =	sadd.s32 s4, s5  }
0x445: {  	s3 =	sadd.s32 $0x1, s3  }
0x446: {  	s3 =	sshra.s32 s3, $0x1  }
0x447: {  	p3 =	sne.s32 s2, $0x1  }
.Ltmp46:
0x448: {  	_ = 	snop;
	(pc) =	sbr.rel @!p3 .LBB2_68-.Ltmp46, $3  }
0x449: {  	_ =	sdelay $0x1  }
0x44a: {  	s8 =	simm.s32 $0x1B200  }
0x44b: {  	v7 =	vmov s3;
	s7 =	simm.s32 $0x0;
	v6 =	vimm.s32 $0x0;
	s6 =	simm.s32 $0x1;
	p2 =	por $0x0, $0x0;
	v9 =	vld [tilespmem:s8+$0x0]  }
0x44c: {  	_ =	sdelay $0x2  }
0x44d: {  	p3 =	sne.s32 s2, $0x2  }
.Ltmp47:
0x44e: {  	v8 =	vshrl.u32 v9, $0xF;
	(pc) =	sbr.rel @!p3 .LBB2_70-.Ltmp47, $4  }
0x44f: {  	v9 =	vmov s7;
	s7 =	simm.s32 $0x1B210;
	v8 =	vand.u32 $0x1FF, v8  }
0x450: {  	vm1 =	vlt.s32 v9, v4;
	v9 =	vld [tilespmem:s7+$0x0];
	vm2 =	vge.u32 v8, v7  }
0x451: {  	vm1 =	vmand vm1, vm2  }
0x452: {  	s8 =	simm.s32 $0x2;
	p2 =	por $0x1, $0x1;
	v8 =	vimm.s32 $0x0;
	v10 =	vmpcnt.ones.xlane vm1  }
.LBB2_71:
0x453: {  	s9 =	smov.u32 s8;
	s8 =	sadd.s32 $0x1, s8  }
0x454: {  	p3 =	sne.s32 s2, s8  }
.Ltmp48:
0x455: {  	s7 =	sadd.s32 $0x10, s7;
	v11 =	vshrl.u32 v9, $0xF;
	v8 =	vadd.s32 v8, v10;
	(pc) =	sbr.rel @p3 .LBB2_71-.Ltmp48, $4  }
0x456: {  	v9 =	vld [tilespmem:s7+$0x0];
	v10 =	vand.u32 $0x1FF, v11;
	v11 =	vmov s6;
	s6 =	smov.u32 s9  }
0x457: {  	vm1 =	vlt.s32 v11, v4;
	vm2 =	vge.u32 v10, v7  }
0x458: {  	vm1 =	vmand vm1, vm2  }
0x459: {  	v10 =	vmpcnt.ones.xlane vm1  }
0x45a: {  	s7 =	smov.u32 s6  }
.LBB2_73:
0x45b: {  	v9 =	vshrl.u32 v9, $0xF  }
0x45c: {  	v11 =	vmov s7;
	v9 =	vand.u32 $0x1FF, v9  }
0x45d: {  	vm1 =	vlt.s32 v11, v4;
	vm2 =	vge.u32 v9, v7  }
.Ltmp49:
0x45e: {  	vm1 =	vmand vm1, vm2;
	(pc) =	sbr.rel .LBB2_74-.Ltmp49, $4  }
0x45f: {  	v7 =	vadd.s32 @p2 v8, v10;
	v8 =	vmpcnt.ones.xlane vm1  }
0x460: {  	v6 =	vpsel p2, v7, v6  }
0x461: {  	v6 =	vadd.s32 v6, v8  }
0x462: {  	v6 =	vxor.u32 $0x80000000, v6  }
.LBB2_68:
.Ltmp50:
0x463: {  	(pc) =	sbr.rel .LBB2_73-.Ltmp50, $2  }
0x464: {  	_ =	sdelay $0x2  }
0x465: {  	v8 =	vimm.s32 $0x0  }
.LBB2_70:
.Ltmp51:
0x466: {  	(pc) =	sbr.rel .LBB2_73-.Ltmp51, $2  }
0x467: {  	_ =	sdelay $0x2  }
0x468: {  	v8 =	vimm.s32 $0x0;
	s7 =	simm.s32 $0x1  }
.LBB2_75:
.Ltmp52:
0x469: {  	(pc) =	sbr.rel @p0 .LBB2_79-.Ltmp52, $1  }
0x46a: {  	_ =	sdelay $0x3  }
0x46b: {  	s1 =	simm.s32 $0x1A200  }
0x46c: {  	v6 =	vld [tilespmem:s1+$0x0];
	_ =	sdelay $0x1  }
0x46d: {  	s2 =	sshll.u32 s3, $0xF;
	s0 =	sshll.u32 s0, $0x18;
	p0 =	sne.s32 s31, $0x1  }
.Ltmp53:
0x46e: {  	s30 =	simm.s32 $0x0;
	s0 =	sor.u32 s0, s2;
	(pc) =	sbr.rel @!p0 .LBB2_78-.Ltmp53, $4  }
0x46f: {  	v7 =	vmov s30;
	v4 =	vmov s0  }
0x470: {  	vm1 =	vlt.s32 v7, v5;
	vm2 =	vlt.u32 v6, v4  }
0x471: {  	vm1 =	vmand vm1, vm2  }
0x472: {  	s0 =	simm.s32 $0x1;
	v6 =	vand.u32 $0x7FFF, v6  }
.LBB2_77:
0x473: {  	_ =	sdelay $0x3  }
0x474: {  	[tilespmem:v6+s16+$0x0] =	vst.idx.msk vm1, v3;
	s1 =	sadd.s32 $0x10, s1;
	s2 =	smov.u32 s0;
	s0 =	sadd.s32 $0x1, s0  }
0x475: {  	v6 =	vld [tilespmem:s1+$0x0];
	p0 =	sne.s32 s31, s0;
	_ =	sdelay $0x2  }
.Ltmp54:
0x476: {  	(pc) =	sbr.rel @p0 .LBB2_77-.Ltmp54, $4  }
0x477: {  	v7 =	vmov s2  }
0x478: {  	vm1 =	vlt.s32 v7, v5;
	vm2 =	vlt.u32 v6, v4  }
0x479: {  	vm1 =	vmand vm1, vm2  }
0x47a: {  	v6 =	vand.u32 $0x7FFF, v6  }
.LBB2_78:
0x47b: {  	_ =	sdelay $0x4  }
0x47c: {  	[tilespmem:v6+s16+$0x0] =	vst.idx.msk vm1, v3  }
.LBB2_79:
0x47d: {  	s0 =	rddreg [dreg:$0x8]  }
0x47e: {  	[hbm4b:s0+s13] =	stream.strided.scatter [tilespmem:s16], [sflag:$0x4], $0x8000, s14, s13, $0x38;
	[tilespmem:$0x1C200] =	vst v63  }
0x47f: {  	_ =	swait.ge [sflag:s18], $0x8000  }
0x480: {  	[sflag:s18] =	ssyncset.done $0x0  }
0x481: {  	s0 =	simm.s32 $0x18040;
	[sflag:s18] =	ssyncadd.s32 $0xFFFF8000  }
0x482: {  	[tilespmem:s0+$0xFFFFFFC0] =	vst v0  }
0x483: {  	[tilespmem:s0+$0x30] =	vst v0  }
0x484: {  	[tilespmem:s0+$0x20] =	vst v0  }
0x485: {  	[tilespmem:s0+$0x10] =	vst v0  }
0x486: {  	[tilespmem:s0+$0x0] =	vst v0  }
0x487: {  	[tilespmem:s0+$0xFFFFFFF0] =	vst v0  }
0x488: {  	s2 =	simm.s32 $0x0;
	[tilespmem:s0+$0xFFFFFFE0] =	vst v0  }
.LBB2_80:
0x489: {  	s2 =	sadd.s32 $0x8, s2;
	[tilespmem:s0+$0xFFFFFFD0] =	vst v0;
	s0 =	sadd.s32 $0x80, s0  }
0x48a: {  	[tilespmem:s0+$0xFFFFFFC0] =	vst v0;
	p0 =	slt.u32 s2, $0x1F8  }
0x48b: {  	[tilespmem:s0+$0x30] =	vst v0  }
.Ltmp55:
0x48c: {  	[tilespmem:s0+$0x20] =	vst v0;
	(pc) =	sbr.rel @p0 .LBB2_80-.Ltmp55, $4  }
0x48d: {  	[tilespmem:s0+$0x10] =	vst v0  }
0x48e: {  	[tilespmem:s0+$0x0] =	vst v0  }
0x48f: {  	[tilespmem:s0+$0xFFFFFFF0] =	vst v0  }
0x490: {  	s1 =	simm.s32 $0x40;
	[tilespmem:s0+$0xFFFFFFE0] =	vst v0  }
0x491: {  	[tilespmem:s0+$0xFFFFFFD0] =	vst v0;
	s31 =	simm.s32 $0x8040  }
0x492: {  	v4 =	vld [tilespmem:s31+$0x30]  }
0x493: {  	v5 =	vld [tilespmem:s1+$0x30]  }
0x494: {  	v9 =	vld [tilespmem:s1+$0xFFFFFFC0]  }
0x495: {  	v6 =	vld [tilespmem:s31+$0xFFFFFFD0]  }
0x496: {  	v8 =	vld [tilespmem:s31+$0xFFFFFFE0]  }
0x497: {  	v10 =	vld [tilespmem:s1+$0xFFFFFFE0]  }
0x498: {  	v7 =	vld [tilespmem:s1+$0xFFFFFFD0]  }
0x499: {  	v18 =	vld [tilespmem:s31+$0xFFFFFFC0]  }
0x49a: {  	v11 =	vld [tilespmem:s1+$0xFFFFFFF0];
	v4 =	vmul.f32 v5, v4  }
0x49b: {  	v15 =	vld [tilespmem:s1+$0x10]  }
0x49c: {  	v5 =	vld [tilespmem:s31+$0xFFFFFFF0];
	v8 =	vmul.f32 v10, v8;
	v12 =	vand.u32 $0x7FFFFFFF, v4  }
0x49d: {  	v10 =	vld [tilespmem:s31+$0x10];
	v14 =	vxor.u32 $0xFFFFFFFF, v4;
	vm1 =	vlt.s32 v4, $0x0;
	v4 =	vmul.f32 v7, v6  }
0x49e: {  	v13 =	vld [tilespmem:s31+$0x0];
	v63 =	vmul.f32 v9, v18;
	v16 =	vxor.u32 $0xFFFFFFFF, v8;
	v12 =	vxor.u32 $0x80000000, v12  }
0x49f: {  	v6 =	vld [tilespmem:s1+$0x0];
	vm2 =	vlt.s32 v8, $0x0;
	v7 =	vsel vm1, v14, v12;
	v14 =	vand.u32 $0x7FFFFFFF, v4  }
0x4a0: {  	vm1 =	vlt.s32 v4, $0x0;
	v12 =	vshrl.u32 v7, $0x13;
	v7 =	vxor.u32 $0xFFFFFFFF, v4  }
0x4a1: {  	v17 =	vld [tilespmem:s1+$0x20];
	v4 =	vxor.u32 $0x80000000, v14;
	v14 =	vand.u32 $0x7FFFFFFF, v8;
	v5 =	vmul.f32 v11, v5  }
0x4a2: {  	vm5 =	vlt.s32 v63, $0x0;
	v11 =	vld [tilespmem:s31+$0x20];
	v15 =	vmul.f32 v15, v10;
	v14 =	vxor.u32 $0x80000000, v14  }
0x4a3: {  	v4 =	vsel vm1, v7, v4;
	v19 =	vxor.u32 $0xFFFFFFFF, v5;
	v8 =	vand.u32 $0x7FFFFFFF, v5  }
0x4a4: {  	v13 =	vmul.f32 v6, v13;
	vm4 =	vlt.s32 v5, $0x0;
	v5 =	vsel vm2, v16, v14  }
0x4a5: {  	v10 =	vand.u32 $0x7FFFFFFF, v15;
	vm3 =	vlt.s32 v15, $0x0;
	v20 =	vxor.u32 $0x80000000, v8  }
0x4a6: {  	v8 =	vxor.u32 $0xFFFFFFFF, v15;
	v10 =	vxor.u32 $0x80000000, v10;
	v15 =	vand.u32 $0x7FFFFFFF, v63  }
0x4a7: {  	v6 =	vxor.u32 $0xFFFFFFFF, v13;
	v7 =	vand.u32 $0x7FFFFFFF, v13;
	v11 =	vmul.f32 v17, v11  }
0x4a8: {  	vm1 =	vlt.s32 v13, $0x0;
	v13 =	vxor.u32 $0xFFFFFFFF, v63;
	v7 =	vxor.u32 $0x80000000, v7  }
0x4a9: {  	[tilespmem:v12+s19+$0x0] =	vst.idx.add.s32.msk $0xffff, v1;
	v12 =	vsel vm4, v19, v20;
	v9 =	vxor.u32 $0xFFFFFFFF, v11;
	v14 =	vand.u32 $0x7FFFFFFF, v11  }
0x4aa: {  	s2 =	simm.s32 $0x0;
	s3 =	simm.s32 $0x80C0;
	vm2 =	vlt.s32 v11, $0x0;
	v11 =	vxor.u32 $0x80000000, v14;
	v14 =	vxor.u32 $0x80000000, v15  }
.LBB2_82:
0x4ab: {  	v15 =	vld [tilespmem:s3+$0x30];
	v13 =	vsel vm5, v13, v14;
	v6 =	vsel vm1, v6, v7;
	v7 =	vsel vm3, v8, v10;
	s1 =	sadd.s32 $0x80, s1  }
0x4ac: {  	s2 =	sadd.s32 $0x8, s2;
	v8 =	vld [tilespmem:s1+$0x30];
	v10 =	vshrl.u32 v13, $0x13;
	v13 =	vshrl.u32 v4, $0x13;
	v4 =	vsel vm2, v9, v11  }
0x4ad: {  	v12 =	vshrl.u32 v12, $0x13;
	p0 =	slt.u32 s2, $0x7F8;
	v11 =	vshrl.u32 v5, $0x13;
	v14 =	vshrl.u32 v6, $0x13;
	v9 =	vld [tilespmem:s1+$0xFFFFFFC0]  }
0x4ae: {  	v16 =	vshrl.u32 v7, $0x13;
	v17 =	vshrl.u32 v4, $0x13;
	v5 =	vld [tilespmem:s3+$0xFFFFFFD0]  }
0x4af: {  	v4 =	vld [tilespmem:s1+$0xFFFFFFD0]  }
0x4b0: {  	v6 =	vld [tilespmem:s3+$0xFFFFFFE0]  }
0x4b1: {  	v7 =	vld [tilespmem:s1+$0xFFFFFFE0];
	v8 =	vmul.f32 v8, v15  }
0x4b2: {  	v15 =	vld [tilespmem:s3+$0xFFFFFFF0]  }
0x4b3: {  	v18 =	vld [tilespmem:s1+$0xFFFFFFF0];
	v19 =	vand.u32 $0x7FFFFFFF, v8  }
0x4b4: {  	v21 =	vxor.u32 $0xFFFFFFFF, v8;
	vm1 =	vlt.s32 v8, $0x0;
	v20 =	vld [tilespmem:s3+$0x0];
	v19 =	vxor.u32 $0x80000000, v19  }
0x4b5: {  	v4 =	vmul.f32 v4, v5;
	v5 =	vld [tilespmem:s1+$0x0];
	v8 =	vsel vm1, v21, v19  }
0x4b6: {  	v6 =	vmul.f32 v7, v6;
	v7 =	vld [tilespmem:s3+$0x10];
	v8 =	vshrl.u32 v8, $0x13  }
0x4b7: {  	v19 =	vxor.u32 $0xFFFFFFFF, v4;
	v21 =	vand.u32 $0x7FFFFFFF, v4;
	vm1 =	vlt.s32 v4, $0x0;
	v22 =	vld [tilespmem:s1+$0x10]  }
0x4b8: {  	v4 =	vxor.u32 $0x80000000, v21;
	v21 =	vand.u32 $0x7FFFFFFF, v6;
	v15 =	vmul.f32 v18, v15;
	v18 =	vld [tilespmem:s3+$0x20]  }
0x4b9: {  	v23 =	vxor.u32 $0xFFFFFFFF, v6;
	vm2 =	vlt.s32 v6, $0x0;
	v21 =	vxor.u32 $0x80000000, v21;
	v24 =	vld [tilespmem:s1+$0x20]  }
0x4ba: {  	v25 =	vld [tilespmem:s3+$0xFFFFFFC0];
	v26 =	vxor.u32 $0xFFFFFFFF, v15;
	v6 =	vand.u32 $0x7FFFFFFF, v15;
	v20 =	vmul.f32 v5, v20  }
0x4bb: {  	s0 =	simm.s32 $0x0;
	s4 =	simm.s32 $0x18080;
	v4 =	vsel vm1, v19, v4;
	vm4 =	vlt.s32 v15, $0x0;
	v19 =	vxor.u32 $0x80000000, v6;
	[tilespmem:v8+s19+$0x0] =	vst.idx.add.s32.msk $0xffff, v1  }
0x4bc: {  	v6 =	vxor.u32 $0xFFFFFFFF, v20;
	v8 =	vand.u32 $0x7FFFFFFF, v20;
	v15 =	vmul.f32 v22, v7;
	[tilespmem:v10+s19+$0x0] =	vst.idx.add.s32.msk $0xffff, v1  }
0x4bd: {  	v5 =	vsel vm2, v23, v21;
	vm1 =	vlt.s32 v20, $0x0;
	v7 =	vxor.u32 $0x80000000, v8;
	[tilespmem:v13+s19+$0x0] =	vst.idx.add.s32.msk $0xffff, v1  }
.Ltmp56:
0x4be: {  	v8 =	vxor.u32 $0xFFFFFFFF, v15;
	v10 =	vand.u32 $0x7FFFFFFF, v15;
	v13 =	vmul.f32 v24, v18;
	[tilespmem:v11+s19+$0x0] =	vst.idx.add.s32.msk $0xffff, v1;
	(pc) =	sbr.rel @p0 .LBB2_82-.Ltmp56, $4  }
0x4bf: {  	vm3 =	vlt.s32 v15, $0x0;
	v18 =	vmul.f32 v9, v25;
	v10 =	vxor.u32 $0x80000000, v10;
	[tilespmem:v12+s19+$0x0] =	vst.idx.add.s32.msk $0xffff, v1  }
0x4c0: {  	v9 =	vxor.u32 $0xFFFFFFFF, v13;
	v11 =	vand.u32 $0x7FFFFFFF, v13;
	vm2 =	vlt.s32 v13, $0x0;
	[tilespmem:v14+s19+$0x0] =	vst.idx.add.s32.msk $0xffff, v1  }
0x4c1: {  	v13 =	vxor.u32 $0xFFFFFFFF, v18;
	v12 =	vand.u32 $0x7FFFFFFF, v18;
	v11 =	vxor.u32 $0x80000000, v11;
	[tilespmem:v16+s19+$0x0] =	vst.idx.add.s32.msk $0xffff, v1  }
0x4c2: {  	s3 =	sadd.s32 $0x80, s3;
	vm5 =	vlt.s32 v18, $0x0;
	v14 =	vxor.u32 $0x80000000, v12;
	v12 =	vsel vm4, v26, v19;
	[tilespmem:v17+s19+$0x0] =	vst.idx.add.s32.msk $0xffff, v1  }
0x4c3: {  	v4 =	vshrl.u32 v4, $0x13  }
0x4c4: {  	v5 =	vshrl.u32 v5, $0x13  }
0x4c5: {  	v13 =	vsel vm5, v13, v14;
	v6 =	vsel vm1, v6, v7;
	v7 =	vshrl.u32 v12, $0x13  }
0x4c6: {  	v13 =	vshrl.u32 v13, $0x13  }
0x4c7: {  	v8 =	vsel vm3, v8, v10;
	v6 =	vshrl.u32 v6, $0x13  }
0x4c8: {  	v9 =	vsel vm2, v9, v11;
	v8 =	vshrl.u32 v8, $0x13;
	[tilespmem:v4+s19+$0x0] =	vst.idx.add.s32.msk $0xffff, v1  }
0x4c9: {  	v9 =	vshrl.u32 v9, $0x13;
	[tilespmem:v5+s19+$0x0] =	vst.idx.add.s32.msk $0xffff, v1  }
0x4ca: {  	[tilespmem:v7+s19+$0x0] =	vst.idx.add.s32.msk $0xffff, v1  }
0x4cb: {  	[tilespmem:v13+s19+$0x0] =	vst.idx.add.s32.msk $0xffff, v1  }
0x4cc: {  	[tilespmem:v6+s19+$0x0] =	vst.idx.add.s32.msk $0xffff, v1  }
0x4cd: {  	[tilespmem:v8+s19+$0x0] =	vst.idx.add.s32.msk $0xffff, v1  }
0x4ce: {  	[tilespmem:v9+s19+$0x0] =	vst.idx.add.s32.msk $0xffff, v1  }
0x4cf: {  	v4 =	vld [tilespmem:s4+$0xFFFFFF80]  }
0x4d0: {  	v5 =	vld [tilespmem:s4+$0xFFFFFF90]  }
0x4d1: {  	v6 =	vld [tilespmem:s4+$0xFFFFFFA0]  }
0x4d2: {  	v7 =	vld [tilespmem:s4+$0xFFFFFFB0]  }
0x4d3: {  	v8 =	vld [tilespmem:s4+$0xFFFFFFC0]  }
0x4d4: {  	v9 =	vld [tilespmem:s4+$0xFFFFFFD0]  }
0x4d5: {  	v4 =	vadd.s32 v4, v5;
	v5 =	vld [tilespmem:s4+$0xFFFFFFE0]  }
0x4d6: {  	v4 =	vadd.s32 v6, v4;
	v6 =	vld [tilespmem:s4+$0xFFFFFFF0]  }
0x4d7: {  	v4 =	vadd.s32 v7, v4;
	v7 =	vld [tilespmem:s4+$0x0]  }
0x4d8: {  	v4 =	vadd.s32 v8, v4;
	v8 =	vld [tilespmem:s4+$0x10]  }
0x4d9: {  	v4 =	vadd.s32 v9, v4;
	v9 =	vld [tilespmem:s4+$0x20]  }
0x4da: {  	v10 =	vld [tilespmem:s4+$0x30];
	v4 =	vadd.s32 v5, v4  }
0x4db: {  	v11 =	vld [tilespmem:s4+$0x40];
	v4 =	vadd.s32 v6, v4  }
0x4dc: {  	v5 =	vadd.s32 v7, v4;
	v4 =	vld [tilespmem:s4+$0x50]  }
0x4dd: {  	v6 =	vadd.s32 v8, v5;
	v5 =	vld [tilespmem:s4+$0x60]  }
0x4de: {  	s2 =	simm.s32 $0x18180;
	v7 =	vadd.s32 v9, v6;
	v6 =	vld [tilespmem:s4+$0x70]  }
0x4df: {  	v8 =	vld [tilespmem:s2+$0xFFFFFF80];
	v7 =	vadd.s32 v10, v7  }
0x4e0: {  	s1 =	simm.s32 $0x1;
	s3 =	simm.s32 $0x2;
	v9 =	vld [tilespmem:s2+$0xFFFFFF90];
	v7 =	vadd.s32 v11, v7  }
.LBB2_84:
0x4e1: {  	p0 =	sne.s32 s3, $0x1F;
	v10 =	vld [tilespmem:s2+$0xFFFFFFA0];
	v4 =	vadd.s32 v4, v7  }
0x4e2: {  	v7 =	vld [tilespmem:s2+$0xFFFFFFB0];
	v4 =	vadd.s32 v5, v4  }
0x4e3: {  	v5 =	vld [tilespmem:s2+$0xFFFFFFC0];
	v4 =	vadd.s32 v6, v4  }
0x4e4: {  	v6 =	vld [tilespmem:s2+$0xFFFFFFD0];
	(xrf0) =	vadd.scan.msk.s32 $0xffff, v4  }
0x4e5: {  	v4 =	vadd.s32 v8, v9;
	v8 =	vld [tilespmem:s2+$0xFFFFFFE0]  }
0x4e6: {  	v4 =	vadd.s32 v10, v4;
	v9 =	vld [tilespmem:s2+$0xFFFFFFF0];
	v10 =	vmov s0;
	s0 =	smov.u32 s1;
	s1 =	smov.u32 s3  }
0x4e7: {  	v4 =	vadd.s32 v7, v4;
	v7 =	vld [tilespmem:s2+$0x0]  }
0x4e8: {  	v4 =	vadd.s32 v5, v4;
	v5 =	vld [tilespmem:s2+$0x10]  }
0x4e9: {  	v4 =	vadd.s32 v6, v4;
	v6 =	vld [tilespmem:s2+$0x20]  }
0x4ea: {  	v4 =	vadd.s32 v8, v4;
	v11 =	vld [tilespmem:s2+$0x30];
	v8, _, _ =	vpop (xrf0)  }
0x4eb: {  	v4 =	vadd.s32 v9, v4;
	v12 =	vld [tilespmem:s2+$0x40];
	[tilespmem:v10+s20+$0x0] =	vst.idx.msk vm0, v8  }
.Ltmp57:
0x4ec: {  	v7 =	vadd.s32 v7, v4;
	v4 =	vld [tilespmem:s2+$0x50];
	(pc) =	sbr.rel @p0 .LBB2_84-.Ltmp57, $4  }
0x4ed: {  	v7 =	vadd.s32 v5, v7;
	v5 =	vld [tilespmem:s2+$0x60]  }
0x4ee: {  	v7 =	vadd.s32 v6, v7;
	v6 =	vld [tilespmem:s2+$0x70];
	s2 =	sadd.s32 $0x100, s2  }
0x4ef: {  	v8 =	vld [tilespmem:s2+$0xFFFFFF80];
	v7 =	vadd.s32 v11, v7  }
0x4f0: {  	s3 =	sadd.s32 $0x1, s3;
	v9 =	vld [tilespmem:s2+$0xFFFFFF90];
	v7 =	vadd.s32 v12, v7  }
0x4f1: {  	v10 =	vld [tilespmem:s2+$0xFFFFFFA0]  }
0x4f2: {  	v11 =	vld [tilespmem:s2+$0xFFFFFFB0]  }
0x4f3: {  	v12 =	vld [tilespmem:s2+$0xFFFFFFC0]  }
0x4f4: {  	v13 =	vld [tilespmem:s2+$0xFFFFFFD0]  }
0x4f5: {  	v54 =	vld [tilespmem:s2+$0xFFFFFFE0];
	v8 =	vadd.s32 v8, v9  }
0x4f6: {  	v55 =	vld [tilespmem:s2+$0xFFFFFFF0];
	v8 =	vadd.s32 v10, v8  }
0x4f7: {  	v56 =	vld [tilespmem:s2+$0x0];
	v8 =	vadd.s32 v11, v8  }
0x4f8: {  	v57 =	vld [tilespmem:s2+$0x10];
	v8 =	vadd.s32 v12, v8  }
0x4f9: {  	v58 =	vld [tilespmem:s2+$0x20];
	v8 =	vadd.s32 v13, v8  }
0x4fa: {  	v59 =	vld [tilespmem:s2+$0x30];
	v8 =	vadd.s32 v54, v8  }
0x4fb: {  	v60 =	vld [tilespmem:s2+$0x40];
	v8 =	vadd.s32 v55, v8  }
0x4fc: {  	v61 =	vld [tilespmem:s2+$0x50];
	v8 =	vadd.s32 v56, v8  }
0x4fd: {  	v62 =	vld [tilespmem:s2+$0x60];
	v8 =	vadd.s32 v57, v8  }
0x4fe: {  	v63 =	vld [tilespmem:s2+$0x70];
	v8 =	vadd.s32 v58, v8  }
0x4ff: {  	v8 =	vadd.s32 v59, v8  }
0x500: {  	v4 =	vadd.s32 v4, v7;
	v7 =	vadd.s32 v60, v8  }
0x501: {  	v4 =	vadd.s32 v5, v4;
	v5 =	vadd.s32 v61, v7  }
0x502: {  	v4 =	vadd.s32 v6, v4;
	v5 =	vadd.s32 v62, v5  }
0x503: {  	(xrf0) =	vadd.scan.msk.s32 $0xffff, v4;
	v4 =	vadd.s32 v63, v5  }
0x504: {  	(xrf0) =	vadd.scan.msk.s32 $0xffff, v4  }
0x505: {  	v4 =	vmov s0  }
0x506: {  	v5 =	vmov s1;
	_ =	sdelay $0x2  }
0x507: {  	v6, _, _ =	vpop (xrf0)  }
0x508: {  	[tilespmem:v4+s20+$0x0] =	vst.idx.msk vm0, v6;
	v4, _, _ =	vpop (xrf0)  }
0x509: {  	[tilespmem:v5+s20+$0x0] =	vst.idx.msk vm0, v4  }
0x50a: {  	v4 =	vld [tilespmem:$0x1A000];
	_ =	sdelay $0x4  }
0x50b: {  	(xrf0) =	vadd.scan.msk.s32 $0xffff, v4;
	_ =	sdelay $0x1  }
0x50c: {  	v4 =	vld [tilespmem:$0x1A010];
	_ =	sdelay $0x3  }
0x50d: {  	v6, _, _ =	vpop (xrf0)  }
0x50e: {  	(xrf0) =	vadd.scan.msk.s32 $0xffff, v4;
	v4 =	vxor.u32 $0x80000000, v6  }
0x50f: {  	(xrf0) =	vmax.scan.msk.u32 $0xffff, v4;
	_ =	sdelay $0x4  }
0x510: {  	v5, _, _ =	vpop (xrf0)  }
0x511: {  	v7, _, _ =	vpop (xrf0)  }
0x512: {  	(v2sf) =	vpush v7, $0xF;
	_ =	sdelay $0xe  }
0x513: {  	s6 =	spop (v2sf)  }
0x514: {  	s0 =	sxor.u32 $0x80000000, s6  }
0x515: {  	vm2 =	vlt.s32 v6, $0x7334;
	v5 =	vadd.s32 s0, v5  }
0x516: {  	v6 =	vmpcnt.ones.xlane vm2;
	vm1 =	vlt.s32 v5, $0x7334  }
0x517: {  	v7 =	vmpcnt.ones.xlane vm1  }
0x518: {  	v6 =	vxor.u32 $0x80000000, v6  }
0x519: {  	(xrf0) =	vmax.scan.msk.u32 $0xffff, v6;
	v6 =	vxor.u32 $0x80000000, v7  }
0x51a: {  	(xrf0) =	vmax.scan.msk.u32 $0xffff, v6;
	_ =	sdelay $0x4  }
0x51b: {  	v6, _, _ =	vpop (xrf0)  }
0x51c: {  	(v2sf) =	vpush v6, $0xF;
	v6, _, _ =	vpop (xrf0)  }
0x51d: {  	(v2sf) =	vpush v6, $0xF;
	_ =	sdelay $0xd  }
0x51e: {  	s7 =	spop (v2sf)  }
0x51f: {  	s8 =	spop (v2sf)  }
0x520: {  	s0 =	sadd.s32 s7, s8  }
0x521: {  	s1 =	sshll.u32 s0, $0xA  }
0x522: {  	s4 =	simm.s32 $0x0;
	s1 =	sshra.s32 s1, $0x2  }
0x523: {  	s9 =	sand.u32 $0x80, s4;
	s2 =	sadd.s32 $0x18000, s1  }
0x524: {  	s3 =	sand.u32 $0x70, s4;
	s1 =	sadd.s32 s9, s2  }
0x525: {  	s1 =	sadd.s32 s3, s1  }
0x526: {  	v6 =	vld [tilespmem:s1+$0x0];
	_ =	sdelay $0x1  }
0x527: {  	s30 =	simm.s32 $0x10  }
0x528: {  	s31 =	sand.u32 $0x80, s30  }
0x529: {  	s3 =	sadd.s32 s31, s2;
	s1 =	sand.u32 $0x70, s30  }
0x52a: {  	s5 =	sadd.s32 s1, s3;
	(xrf0) =	vadd.scan.msk.s32 $0xffff, v6  }
0x52b: {  	v7 =	vld [tilespmem:s5+$0x0]  }
0x52c: {  	s1 =	simm.s32 $0x1;
	s3 =	simm.s32 $0x2;
	v6 =	vmov s4;
	s4 =	simm.s32 $0x20  }
.LBB2_86:
0x52d: {  	s5 =	sand.u32 $0x80, s4  }
0x52e: {  	p0 =	sne.s32 s3, $0xF;
	s6 =	smov.u32 s3;
	s3 =	sadd.s32 $0x1, s3  }
.Ltmp58:
0x52f: {  	s7 =	sand.u32 $0x70, s4;
	s5 =	sadd.s32 s5, s2;
	(pc) =	sbr.rel @p0 .LBB2_86-.Ltmp58, $4  }
0x530: {  	s5 =	sadd.s32 s7, s5;
	(xrf0) =	vadd.scan.msk.s32 $0xffff, v7;
	v8, _, _ =	vpop (xrf0)  }
0x531: {  	v7 =	vld [tilespmem:s5+$0x0];
	[tilespmem:v6+s21+$0x0] =	vst.idx.msk vm0, v8  }
0x532: {  	v6 =	vmov s1;
	s1 =	smov.u32 s6  }
0x533: {  	s4 =	sadd.s32 $0x10, s4  }
0x534: {  	_ =	sdelay $0x1  }
0x535: {  	v4 =	vnsel vm2, $0x80000000, v4;
	v5 =	vxor.u32 $0x80000000, v5;
	(xrf0) =	vadd.scan.msk.s32 $0xffff, v7  }
0x536: {  	(xrf0) =	vmax.scan.msk.u32 $0xffff, v4;
	v4 =	vnsel vm1, $0x80000000, v5  }
0x537: {  	(xrf0) =	vmax.scan.msk.u32 $0xffff, v4;
	_ =	sdelay $0x2  }
0x538: {  	v4, _, _ =	vpop (xrf0)  }
0x539: {  	v5, _, _ =	vpop (xrf0)  }
0x53a: {  	v7, _, _ =	vpop (xrf0)  }
0x53b: {  	(v2sf) =	vpush v7, $0xF;
	v7, _, _ =	vpop (xrf0)  }
0x53c: {  	(v2sf) =	vpush v7, $0xF;
	_ =	sdelay $0x2  }
0x53d: {  	v7 =	vmov s1;
	_ =	sdelay $0x3  }
0x53e: {  	[tilespmem:v6+s21+$0x0] =	vst.idx.msk vm0, v4  }
0x53f: {  	[tilespmem:v7+s21+$0x0] =	vst.idx.msk vm0, v5  }
0x540: {  	v4 =	vld [tilespmem:$0x1A080];
	_ =	sdelay $0x4  }
0x541: {  	(xrf0) =	vadd.scan.msk.s32 $0xffff, v4;
	s7 =	spop (v2sf)  }
0x542: {  	s2 =	spop (v2sf)  }
0x543: {  	s1 =	sxor.u32 $0x80000000, s7;
	s30 =	sxor.u32 $0x80000000, s2  }
0x544: {  	p0 =	sgt.s32 s1, s30  }
0x545: {  	s30 =	smov.u32 @p0 s1  }
0x546: {  	p0 =	sgt.s32 s30, $0x0  }
0x547: {  	v4, _, _ =	vpop (xrf0);
	s30 =	simm.s32 @!p0 $0x0  }
0x548: {  	v4 =	vadd.s32 s30, v4  }
0x549: {  	vm1 =	vlt.s32 v4, $0x7334  }
0x54a: {  	v5 =	vmpcnt.ones.xlane vm1;
	_ =	sdelay $0x1  }
0x54b: {  	v5 =	vxor.u32 $0x80000000, v5  }
0x54c: {  	(xrf0) =	vmax.scan.msk.u32 $0xffff, v5;
	_ =	sdelay $0x5  }
0x54d: {  	v5, _, _ =	vpop (xrf0)  }
0x54e: {  	(v2sf) =	vpush v5, $0xF;
	_ =	sdelay $0x3  }
0x54f: {  	v4 =	vxor.u32 $0x80000000, v4  }
0x550: {  	v4 =	vnsel vm1, $0x80000000, v4  }
0x551: {  	(xrf0) =	vmax.scan.msk.u32 $0xffff, v4;
	_ =	sdelay $0x5  }
0x552: {  	v4, _, _ =	vpop (xrf0)  }
0x553: {  	(v2sf) =	vpush v4, $0xF;
	_ =	sdelay $0x1  }
0x554: {  	s8 =	spop (v2sf)  }
0x555: {  	s0 =	sshll.u32 s0, $0x8;
	s1 =	sshll.u32 s8, $0x4  }
0x556: {  	s0 =	sadd.s32 s0, s1  }
0x557: {  	s1 =	sand.u32 $0x70, s1;
	s9 =	sand.u32 $0xFFFFFF80, s0  }
0x558: {  	s1 =	sor.u32 s1, s9  }
0x559: {  	v4 =	vld [tilespmem:s1+$0x18000];
	_ =	sdelay $0x4  }
0x55a: {  	(xrf0) =	vadd.scan.msk.s32 $0xffff, v4;
	_ =	sdelay $0x2  }
0x55b: {  	s2 =	spop (v2sf)  }
0x55c: {  	s1 =	sxor.u32 $0x80000000, s2  }
0x55d: {  	p0 =	sgt.s32 s1, s30  }
0x55e: {  	s30 =	smov.u32 @p0 s1;
	v4, _, _ =	vpop (xrf0)  }
0x55f: {  	v4 =	vadd.s32 s30, v4  }
0x560: {  	vm1 =	vlt.s32 v4, $0x7334  }
0x561: {  	v5 =	vmpcnt.ones.xlane vm1;
	_ =	sdelay $0x1  }
0x562: {  	v5 =	vxor.u32 $0x80000000, v5  }
0x563: {  	(xrf0) =	vmax.scan.msk.u32 $0xffff, v5;
	_ =	sdelay $0x5  }
0x564: {  	v5, _, _ =	vpop (xrf0)  }
0x565: {  	(v2sf) =	vpush v5, $0xF;
	_ =	sdelay $0xe  }
0x566: {  	s3 =	spop (v2sf)  }
0x567: {  	_ =	swait.ge [sflag:s28], $0x8000  }
0x568: {  	[sflag:s28] =	ssyncset.done $0x0  }
0x569: {  	s5 =	simm.s32 $0x40;
	s4 =	rddreg [dreg:$0x9];
	[sflag:s28] =	ssyncadd.s32 $0xFFFF8000  }
0x56a: {  	[tilespmem:s16], [sflag:$0x2] =	stream.strided.gather [hbm4b:s4+s13], $0x8000, s14, s13, $0x38;
	[tilespmem:$0x1C200] =	vst v63  }
0x56b: {  	s31 =	simm.s32 $0x8040;
	v6 =	vld [tilespmem:s5+$0x30]  }
0x56c: {  	v5 =	vld [tilespmem:s31+$0x30]  }
0x56d: {  	v8 =	vld [tilespmem:s5+$0x20]  }
0x56e: {  	v7 =	vld [tilespmem:s5+$0x10]  }
0x56f: {  	v13 =	vld [tilespmem:s31+$0x10]  }
0x570: {  	v16 =	vld [tilespmem:s31+$0x20]  }
0x571: {  	v15 =	vld [tilespmem:s5+$0xFFFFFFD0]  }
0x572: {  	v20 =	vld [tilespmem:s31+$0xFFFFFFD0];
	_ =	sdelay $0x2  }
0x573: {  	s0 =	sadd.s32 s3, s0  }
0x574: {  	v17 =	vimm.s32 $0x0;
	s0 =	sadd.s32 $0x80000000, s0;
	v10 =	vmul.f32 v6, v5;
	v18 =	vmul.f32 v7, v13  }
0x575: {  	v6 =	vmov s0;
	v21 =	vmul.f32 v8, v16;
	v15 =	vmul.f32 v15, v20  }
0x576: {  	v9 =	vld [tilespmem:s5+$0x0];
	v11 =	vand.u32 $0x7FFFFFFF, v10;
	vm2 =	vlt.s32 v10, $0x0;
	v19 =	vxor.u32 $0xFFFFFFFF, v10  }
0x577: {  	v7 =	vld [tilespmem:s31+$0x0];
	v22 =	vand.u32 $0x7FFFFFFF, v18;
	vm3 =	vlt.s32 v18, $0x0;
	v23 =	vand.u32 $0x7FFFFFFF, v21  }
0x578: {  	v14 =	vld [tilespmem:s31+$0xFFFFFFC0];
	v25 =	vxor.u32 $0xFFFFFFFF, v21;
	v28 =	vxor.u32 $0xFFFFFFFF, v15;
	vm4 =	vlt.s32 v15, $0x0  }
0x579: {  	v12 =	vld [tilespmem:s5+$0xFFFFFFF0];
	v8 =	vxor.u32 $0x80000000, v11;
	v11 =	vxor.u32 $0xFFFFFFFF, v18;
	v22 =	vxor.u32 $0x80000000, v22  }
0x57a: {  	v10 =	vld [tilespmem:s31+$0xFFFFFFF0];
	v23 =	vxor.u32 $0x80000000, v23;
	v19 =	vsel vm2, v19, v8;
	v22 =	vsel vm3, v11, v22  }
0x57b: {  	v24 =	vld [tilespmem:s5+$0xFFFFFFE0];
	vm2 =	vlt.s32 v21, $0x0;
	v8 =	vshrl.u32 v19, $0x13;
	v26 =	vshrl.u32 v22, $0x13  }
0x57c: {  	v18 =	vld [tilespmem:s5+$0xFFFFFFC0];
	v22 =	vshll.u32 v22, $0xD;
	v19 =	vshll.u32 v19, $0xD;
	v27 =	vmul.f32 v9, v7  }
0x57d: {  	v11 =	vld [tilespmem:s31+$0xFFFFFFE0];
	v23 =	vsel vm2, v25, v23;
	v25 =	vand.u32 $0x7FFFFFFF, v15;
	vm7 =	vlt.s32 v26, v6  }
0x57e: {  	v9 =	vand.u32 $0xFFFF8000, v19;
	v19 =	vshll.u32 v17, $0x4;
	v22 =	vand.u32 $0xFFFF8000, v22  }
0x57f: {  	v33 =	vshrl.u32 v23, $0x13;
	v21 =	vmul.f32 v12, v10;
	v31 =	vxor.u32 $0xFFFFFFFF, v27  }
0x580: {  	vm5 =	vlt.s32 v27, $0x0;
	v34 =	vor.u32 v2, v19;
	v13 =	vsel vm7, $0x0, v13  }
0x581: {  	v12 =	vmul.f32 v18, v14;
	v18 =	vand.u32 $0x7FFFFFFF, v27;
	v29 =	vand.u32 $0x7FFFFFFF, v21  }
0x582: {  	v24 =	vmul.f32 v24, v11;
	vm3 =	vlt.s32 v21, $0x0;
	v15 =	vxor.u32 $0x80000000, v18  }
0x583: {  	v19 =	vxor.u32 $0xFFFFFFFF, v21;
	v30 =	vand.u32 $0x7FFFFFFF, v12;
	v27 =	vxor.u32 $0xFFFFFFFF, v12  }
0x584: {  	v29 =	vxor.u32 $0x80000000, v29;
	vm2 =	vlt.s32 v12, $0x0;
	v15 =	vsel vm5, v31, v15  }
0x585: {  	v32 =	vand.u32 $0x7FFFFFFF, v24;
	v30 =	vxor.u32 $0x80000000, v30;
	vm6 =	vlt.s32 v24, $0x0  }
0x586: {  	v19 =	vsel vm3, v19, v29;
	vm3 =	veq.s32 v33, v6;
	v12 =	vsel vm2, v27, v30  }
0x587: {  	v27 =	vshll.u32 v23, $0xD;
	v59 =	vxor.u32 $0x80000000, v32;
	v18 =	vshrl.u32 v12, $0x13  }
0x588: {  	v30 =	vshll.u32 v12, $0xD;
	v12 =	vshll.u32 v15, $0xD;
	v15 =	vshrl.u32 v15, $0x13  }
0x589: {  	s6 =	simm.s32 $0x0;
	vm5 =	vlt.s32 v18, v6;
	vm8 =	veq.s32 v18, v6;
	v18 =	vand.u32 $0xFFFF8000, v30  }
0x58a: {  	vm2 =	veq.s32 v15, v6;
	v57 =	vsel vm8, $0x1, v0;
	v58 =	vor.u32 s6, v18  }
0x58b: {  	v18 =	vxor.u32 $0xFFFFFFFF, v24;
	v24 =	vxor.u32 $0x80000000, v25;
	v60 =	vsel vm2, $0x1, v0  }
0x58c: {  	v14 =	vsel vm5, $0x0, v14;
	v17 =	vadd.s32 v57, v17;
	v24 =	vsel vm4, v28, v24  }
0x58d: {  	v18 =	vsel vm6, v18, v59;
	vm4 =	veq.s32 v26, v6;
	v26 =	vor.u32 v2, v58  }
0x58e: {  	v25 =	vshll.u32 v17, $0x4;
	v28 =	vshrl.u32 v24, $0x13;
	v61 =	vshll.u32 v18, $0xD  }
0x58f: {  	v24 =	vshll.u32 v24, $0xD;
	v18 =	vshrl.u32 v18, $0x13;
	v62 =	vsel vm4, $0x1, v0  }
0x590: {  	v25 =	vor.u32 v2, v25;
	vm9 =	veq.s32 v28, v6;
	vm6 =	veq.s32 v18, v6  }
0x591: {  	s7 =	simm.s32 $0x10;
	[tilespmem:s31+$0xFFFFFFC0] =	vst v14;
	vm10 =	vlt.s32 v28, v6;
	v14 =	vand.u32 $0xFFFF8000, v24;
	v23 =	vsel vm9, $0x1, v0  }
0x592: {  	v21 =	vsel vm6, $0x1, v0;
	v20 =	vsel vm10, $0x0, v20;
	v14 =	vor.u32 s7, v14  }
0x593: {  	v17 =	vadd.s32 v23, v17;
	v23 =	vshrl.u32 v19, $0x13;
	[tilespmem:v34+s22+$0x0] =	vst.idx.msk vm8, v26;
	v14 =	vor.u32 v2, v14  }
0x594: {  	[tilespmem:s31+$0xFFFFFFD0] =	vst v20;
	vm8 =	vlt.s32 v33, v6;
	v20 =	vsel vm3, $0x1, v0;
	vm5 =	veq.s32 v23, v6  }
0x595: {  	v35 =	vshll.u32 v17, $0x4;
	v21 =	vadd.s32 v21, v17;
	v26 =	vsel vm5, $0x1, v0  }
0x596: {  	s8 =	simm.s32 $0x20;
	v17 =	vand.u32 $0xFFFF8000, v61;
	v24 =	vor.u32 v2, v35;
	v63 =	vadd.s32 v26, v21  }
0x597: {  	s9 =	simm.s32 $0x60;
	[tilespmem:s31+$0x10] =	vst v13;
	v26 =	vor.u32 s8, v17;
	v17 =	vand.u32 $0xFFFF8000, v27;
	v30 =	vadd.s32 v60, v63  }
0x598: {  	s2 =	simm.s32 $0x70;
	s1 =	simm.s32 $0x0;
	s3 =	simm.s32 $0x50;
	[tilespmem:v25+s22+$0x0] =	vst.idx.msk vm9, v14;
	v14 =	vsel vm8, $0x0, v16;
	v17 =	vor.u32 s9, v17;
	v25 =	vshll.u32 v63, $0x4  }
0x599: {  	s4 =	simm.s32 $0xC0;
	s0 =	simm.s32 $0x70;
	v16 =	vshll.u32 v30, $0x4;
	[tilespmem:s31+$0x20] =	vst v14;
	v14 =	vor.u32 s3, v22;
	v22 =	vadd.s32 v62, v30;
	s3 =	simm.s32 $0x80C0  }
.LBB2_88:
0x59a: {  	v13 =	vld [tilespmem:s3+$0xFFFFFFC0];
	s1 =	sadd.s32 $0x8, s1;
	vm7 =	vlt.s32 v18, v6;
	vm8 =	vlt.s32 v23, v6;
	v18 =	vshll.u32 v21, $0x4;
	s2 =	sadd.s32 $0x80, s2  }
0x59b: {  	v21 =	vld [tilespmem:s4+$0x30];
	p0 =	slt.u32 s1, $0x7F8;
	v11 =	vsel vm7, $0x0, v11;
	v10 =	vsel vm8, $0x0, v10;
	v18 =	vor.u32 v2, v18  }
0x59c: {  	v19 =	vshll.u32 v19, $0xD;
	vm7 =	vlt.s32 v15, v6;
	v23 =	vld [tilespmem:s3+$0x30];
	[tilespmem:s31+$0xFFFFFFE0] =	vst v11;
	v11 =	vor.u32 v2, v26  }
0x59d: {  	s5 =	sadd.s32 $0xFFFFFFC0, s0;
	s6 =	sadd.s32 $0xFFFFFFD0, s0;
	v12 =	vand.u32 $0xFFFF8000, v12;
	v7 =	vsel vm7, $0x0, v7;
	v15 =	vld [tilespmem:s4+$0x20];
	[tilespmem:v24+s22+$0x0] =	vst.idx.msk vm6, v11;
	v11 =	vand.u32 $0xFFFF8000, v19  }
0x59e: {  	vm6 =	vlt.s32 v8, v6;
	v19 =	vld [tilespmem:s4+$0x10];
	[tilespmem:s31+$0xFFFFFFF0] =	vst v10;
	v10 =	vor.u32 s5, v11;
	v11 =	vor.u32 s6, v12  }
0x59f: {  	v9 =	vor.u32 s0, v9;
	s0 =	smov.u32 s2;
	v12 =	vld [tilespmem:s4+$0x0];
	v10 =	vor.u32 v2, v10;
	[tilespmem:s31+$0x0] =	vst v7;
	v7 =	vor.u32 v2, v14  }
0x5a0: {  	v9 =	vor.u32 v2, v9;
	v26 =	vsel vm6, $0x0, v5;
	v14 =	vld [tilespmem:s3+$0x10];
	[tilespmem:v18+s22+$0x0] =	vst.idx.msk vm5, v10;
	v10 =	vor.u32 v2, v16  }
0x5a1: {  	v11 =	vor.u32 v2, v11;
	v18 =	vor.u32 v2, v25;
	vm5 =	veq.s32 v8, v6;
	v16 =	vld [tilespmem:s3+$0x20];
	[tilespmem:s31+$0x30] =	vst v26;
	s31 =	smov.u32 s3  }
0x5a2: {  	v20 =	vadd.s32 v20, v22;
	v8 =	vmul.f32 v21, v23;
	v21 =	vsel vm5, $0x1, v0;
	v5 =	vmovc v23;
	v24 =	vld [tilespmem:s4+$0xFFFFFFF0]  }
0x5a3: {  	v22 =	vshll.u32 v22, $0x4;
	v25 =	vor.u32 v2, v17;
	v17 =	vshll.u32 v20, $0x4;
	v23 =	vld [tilespmem:s4+$0xFFFFFFE0]  }
0x5a4: {  	v28 =	vor.u32 v2, v17;
	v27 =	vand.u32 $0x7FFFFFFF, v8;
	vm6 =	vlt.s32 v8, $0x0;
	v26 =	vld [tilespmem:s4+$0xFFFFFFD0]  }
0x5a5: {  	v22 =	vor.u32 v2, v22;
	v8 =	vxor.u32 $0xFFFFFFFF, v8;
	v17 =	vld [tilespmem:s3+$0xFFFFFFD0];
	v19 =	vmul.f32 v19, v14;
	[tilespmem:v10+s22+$0x0] =	vst.idx.msk vm4, v7  }
0x5a6: {  	v27 =	vxor.u32 $0x80000000, v27;
	v7 =	vld [tilespmem:s3+$0x0];
	v15 =	vmul.f32 v15, v16;
	[tilespmem:v18+s22+$0x0] =	vst.idx.msk vm2, v11;
	v18 =	vadd.s32 v21, v20  }
0x5a7: {  	v10 =	vld [tilespmem:s3+$0xFFFFFFF0];
	v20 =	vxor.u32 $0xFFFFFFFF, v19;
	v11 =	vand.u32 $0x7FFFFFFF, v19;
	vm2 =	vlt.s32 v19, $0x0  }
0x5a8: {  	v27 =	vsel vm6, v8, v27;
	v19 =	vld [tilespmem:s4+$0xFFFFFFC0];
	v21 =	vxor.u32 $0x80000000, v11;
	v29 =	vand.u32 $0x7FFFFFFF, v15  }
0x5a9: {  	v8 =	vshrl.u32 v27, $0x13;
	v11 =	vld [tilespmem:s3+$0xFFFFFFE0];
	v20 =	vsel vm2, v20, v21;
	v21 =	vxor.u32 $0xFFFFFFFF, v15;
	[tilespmem:v28+s22+$0x0] =	vst.idx.msk vm5, v9  }
0x5aa: {  	v9 =	vshll.u32 v27, $0xD;
	v28 =	vshrl.u32 v20, $0x13;
	v20 =	vshll.u32 v20, $0xD;
	[tilespmem:v22+s22+$0x0] =	vst.idx.msk vm3, v25  }
0x5ab: {  	vm4 =	vlt.s32 v15, $0x0;
	v12 =	vmul.f32 v12, v7;
	vm7 =	vlt.s32 v28, v6  }
0x5ac: {  	v15 =	vmul.f32 v26, v17;
	v9 =	vand.u32 $0xFFFF8000, v9;
	v22 =	vmul.f32 v24, v10  }
0x5ad: {  	v24 =	vshll.u32 v18, $0x4;
	v19 =	vmul.f32 v19, v13;
	v25 =	vand.u32 $0x7FFFFFFF, v12  }
0x5ae: {  	v29 =	vxor.u32 $0x80000000, v29;
	v26 =	vxor.u32 $0xFFFFFFFF, v15;
	v27 =	vand.u32 $0x7FFFFFFF, v22  }
0x5af: {  	v31 =	vxor.u32 $0xFFFFFFFF, v12;
	v23 =	vmul.f32 v23, v11;
	v30 =	vand.u32 $0x7FFFFFFF, v19  }
0x5b0: {  	v32 =	vand.u32 $0xFFFF8000, v20;
	vm2 =	vlt.s32 v15, $0x0;
	vm5 =	vlt.s32 v12, $0x0  }
0x5b1: {  	v12 =	vxor.u32 $0xFFFFFFFF, v19;
	v27 =	vxor.u32 $0x80000000, v27;
	v20 =	vand.u32 $0x7FFFFFFF, v23  }
0x5b2: {  	v21 =	vsel vm4, v21, v29;
	vm3 =	vlt.s32 v22, $0x0;
	v30 =	vxor.u32 $0x80000000, v30  }
0x5b3: {  	vm4 =	vlt.s32 v19, $0x0;
	v19 =	vand.u32 $0x7FFFFFFF, v15;
	vm6 =	vlt.s32 v23, $0x0  }
0x5b4: {  	v15 =	vxor.u32 $0x80000000, v25;
	v25 =	vshll.u32 v21, $0xD;
	v12 =	vsel vm4, v12, v30  }
0x5b5: {  	v15 =	vsel vm5, v31, v15;
	v29 =	vshrl.u32 v12, $0x13;
	v30 =	vshll.u32 v12, $0xD  }
0x5b6: {  	v12 =	vshll.u32 v15, $0xD;
	vm5 =	vlt.s32 v29, v6;
	vm8 =	veq.s32 v29, v6  }
0x5b7: {  	s5 =	sadd.s32 $0xFFFFFF90, s2;
	v15 =	vshrl.u32 v15, $0x13;
	v29 =	vand.u32 $0xFFFF8000, v30;
	v30 =	vsel vm8, $0x1, v0  }
0x5b8: {  	v29 =	vor.u32 s5, v29;
	v30 =	vadd.s32 v30, v18;
	v18 =	vxor.u32 $0xFFFFFFFF, v23  }
0x5b9: {  	v19 =	vxor.u32 $0x80000000, v19;
	v20 =	vxor.u32 $0x80000000, v20;
	v23 =	vshll.u32 v30, $0x4  }
0x5ba: {  	v19 =	vsel vm2, v26, v19;
	vm2 =	veq.s32 v15, v6;
	v31 =	vor.u32 v2, v23  }
0x5bb: {  	v26 =	vshrl.u32 v19, $0x13;
	v18 =	vsel vm6, v18, v20;
	v20 =	vsel vm2, $0x1, v0  }
0x5bc: {  	v33 =	vshrl.u32 v21, $0x13;
	vm9 =	veq.s32 v26, v6;
	v23 =	vshll.u32 v18, $0xD  }
0x5bd: {  	v34 =	vshll.u32 v19, $0xD;
	v19 =	vsel vm9, $0x1, v0;
	v18 =	vshrl.u32 v18, $0x13  }
0x5be: {  	v24 =	vor.u32 v2, v24;
	v21 =	vadd.s32 v19, v30;
	v19 =	vxor.u32 $0xFFFFFFFF, v22  }
0x5bf: {  	vm4 =	veq.s32 v28, v6;
	v22 =	vshll.u32 v21, $0x4;
	vm6 =	veq.s32 v18, v6  }
0x5c0: {  	v19 =	vsel vm3, v19, v27;
	v27 =	vsel vm4, $0x1, v0;
	v28 =	vsel vm6, $0x1, v0  }
0x5c1: {  	v13 =	vsel vm5, $0x0, v13;
	v29 =	vor.u32 v2, v29;
	v21 =	vadd.s32 v28, v21  }
0x5c2: {  	vm3 =	veq.s32 v33, v6;
	v28 =	vand.u32 $0xFFFF8000, v23;
	v23 =	vshrl.u32 v19, $0x13  }
0x5c3: {  	vm10 =	vlt.s32 v26, v6;
	s5 =	sadd.s32 $0xFFFFFFA0, s2;
	vm5 =	veq.s32 v23, v6;
	[tilespmem:s3+$0xFFFFFFC0] =	vst v13;
	v13 =	vand.u32 $0xFFFF8000, v34  }
0x5c4: {  	v17 =	vsel vm10, $0x0, v17;
	v26 =	vsel vm5, $0x1, v0;
	[tilespmem:v24+s22+$0x0] =	vst.idx.msk vm8, v29;
	v13 =	vor.u32 s5, v13  }
.Ltmp59:
0x5c5: {  	s5 =	sadd.s32 $0xFFFFFFB0, s2;
	v24 =	vor.u32 v2, v22;
	v22 =	vadd.s32 v26, v21;
	v13 =	vor.u32 v2, v13;
	(pc) =	sbr.rel @p0 .LBB2_88-.Ltmp59, $4  }
0x5c6: {  	vm8 =	vlt.s32 v33, v6;
	v26 =	vor.u32 s5, v28;
	v28 =	vadd.s32 v20, v22;
	[tilespmem:s3+$0xFFFFFFD0] =	vst v17  }
0x5c7: {  	s5 =	sadd.s32 $0xFFFFFFF0, s2;
	v20 =	vsel vm3, $0x1, v0;
	v17 =	vand.u32 $0xFFFF8000, v25;
	[tilespmem:v31+s22+$0x0] =	vst.idx.msk vm9, v13;
	v13 =	vsel vm8, $0x0, v16  }
0x5c8: {  	s6 =	sadd.s32 $0xFFFFFFE0, s2;
	v14 =	vsel vm7, $0x0, v14;
	v16 =	vshll.u32 v28, $0x4;
	v17 =	vor.u32 s5, v17;
	[tilespmem:s3+$0x20] =	vst v13  }
0x5c9: {  	s4 =	sadd.s32 $0x80, s4;
	v25 =	vshll.u32 v22, $0x4;
	v22 =	vadd.s32 v27, v28;
	s3 =	sadd.s32 $0x80, s3;
	[tilespmem:s31+$0x10] =	vst v14;
	v14 =	vor.u32 s6, v32  }
0x5ca: {  	vm7 =	vlt.s32 v18, v6;
	vm8 =	vlt.s32 v23, v6;
	v13 =	vshll.u32 v21, $0x4  }
0x5cb: {  	v51 =	vshll.u32 v19, $0xD;
	v52 =	vor.u32 v2, v26;
	vm13 =	vlt.s32 v15, v6  }
0x5cc: {  	vm14 =	vlt.s32 v8, v6;
	v55 =	vor.u32 v2, v16;
	v11 =	vsel vm7, $0x0, v11  }
0x5cd: {  	v56 =	vadd.s32 v20, v22;
	v57 =	vor.u32 v2, v25;
	v10 =	vsel vm8, $0x0, v10;
	[tilespmem:s31+$0xFFFFFFE0] =	vst v11  }
0x5ce: {  	vm15 =	veq.s32 v8, v6;
	v59 =	vand.u32 $0xFFFF8000, v12;
	v7 =	vsel vm13, $0x0, v7;
	[tilespmem:s31+$0xFFFFFFF0] =	vst v10  }
0x5cf: {  	v13 =	vor.u32 v2, v13;
	v6 =	vshll.u32 v56, $0x4;
	v5 =	vsel vm14, $0x0, v5;
	[tilespmem:s31+$0x0] =	vst v7  }
0x5d0: {  	s9 =	sadd.s32 $0xFFFFFFD0, s0;
	v61 =	vor.u32 v2, v14;
	v7 =	vshll.u32 v22, $0x4;
	v6 =	vor.u32 v2, v6;
	[tilespmem:s31+$0x30] =	vst v5  }
0x5d1: {  	s1 =	sadd.s32 $0xFFFFFFC0, s0;
	v53 =	vand.u32 $0xFFFF8000, v51;
	v60 =	vor.u32 s9, v59;
	[tilespmem:v24+s22+$0x0] =	vst.idx.msk vm6, v52;
	v7 =	vor.u32 v2, v7  }
0x5d2: {  	v54 =	vor.u32 s1, v53;
	v8 =	vor.u32 v2, v60;
	[tilespmem:v55+s22+$0x0] =	vst.idx.msk vm4, v61  }
0x5d3: {  	v5 =	vor.u32 s0, v9;
	v58 =	vor.u32 v2, v54;
	[tilespmem:v57+s22+$0x0] =	vst.idx.msk vm2, v8  }
0x5d4: {  	v5 =	vor.u32 v2, v5;
	[tilespmem:v13+s22+$0x0] =	vst.idx.msk vm5, v58  }
0x5d5: {  	v63 =	vor.u32 v2, v17;
	v62 =	vsel vm15, $0x1, v0;
	[tilespmem:v6+s22+$0x0] =	vst.idx.msk vm15, v5  }
0x5d6: {  	s0 =	simm.s32 $0x40;
	s1 =	simm.s32 $0x0;
	v5 =	vadd.s32 v62, v56;
	[tilespmem:v7+s22+$0x0] =	vst.idx.msk vm3, v63  }
.LBB2_90:
0x5d7: {  	p0 =	seq.s32 s0, $0x3C0;
	[tilespmem:s1+$0x1A100] =	vst v0;
	s1 =	smov.u32 s0;
	s0 =	sadd.s32 $0x40, s0  }
.Ltmp60:
0x5d8: {  	(pc) =	sbr.rel @!p0 .LBB2_90-.Ltmp60, $2  }
0x5d9: {  	_ =	sdelay $0x2  }
0x5da: {  	s1 =	sshra.s32 s1, $0x2  }
0x5db: {  	v4 =	vxor.u32 $0x80000000, v4  }
0x5dc: {  	v4 =	vnsel vm1, $0x80000000, v4  }
0x5dd: {  	(xrf0) =	vmax.scan.msk.u32 $0xffff, v4;
	v4 =	vxor.u32 $0x80000000, v5  }
0x5de: {  	(xrf0) =	vmax.scan.msk.u32 $0xffff, v4;
	_ =	sdelay $0x4  }
0x5df: {  	v4, _, _ =	vpop (xrf0)  }
0x5e0: {  	(v2sf) =	vpush v4, $0xF;
	v4, _, _ =	vpop (xrf0)  }
0x5e1: {  	(v2sf) =	vpush v4, $0xF;
	_ =	sdelay $0xd  }
0x5e2: {  	s0 =	spop (v2sf)  }
0x5e3: {  	s9 =	spop (v2sf)  }
0x5e4: {  	s31 =	sxor.u32 $0x80000000, s9  }
0x5e5: {  	p0 =	sgt.s32 s31, $0x0  }
.Ltmp61:
0x5e6: {  	_ = 	snop;
	(pc) =	sbr.rel @!p0 .LBB2_95-.Ltmp61, $2  }
0x5e7: {  	_ =	sdelay $0x2  }
0x5e8: {  	[tilespmem:s1+$0x1A100] =	vst v0  }
0x5e9: {  	s1 =	simm.s32 $0x1A200  }
0x5ea: {  	p0 =	sne.s32 s31, $0x1;
	v4 =	vld [tilespmem:s1+$0x0]  }
.Ltmp62:
0x5eb: {  	_ = 	snop;
	(pc) =	sbr.rel @!p0 .LBB2_94-.Ltmp62, $4  }
0x5ec: {  	s2 =	simm.s32 $0x0  }
0x5ed: {  	v6 =	vmov s2  }
0x5ee: {  	vm1 =	vlt.s32 v6, v5  }
0x5ef: {  	s2 =	simm.s32 $0x1;
	v4 =	vshrl.u32 v4, $0x18  }
.LBB2_93:
0x5f0: {  	_ =	sdelay $0x3  }
0x5f1: {  	[tilespmem:v4+s23+$0x0] =	vst.idx.add.s32.msk vm1, v1;
	s1 =	sadd.s32 $0x10, s1;
	s3 =	smov.u32 s2;
	s2 =	sadd.s32 $0x1, s2  }
0x5f2: {  	v4 =	vld [tilespmem:s1+$0x0];
	p0 =	sne.s32 s31, s2  }
.Ltmp63:
0x5f3: {  	(pc) =	sbr.rel @p0 .LBB2_93-.Ltmp63, $4  }
0x5f4: {  	_ = 	snop  }
0x5f5: {  	v6 =	vmov s3  }
0x5f6: {  	vm1 =	vlt.s32 v6, v5  }
0x5f7: {  	v4 =	vshrl.u32 v4, $0x18  }
.LBB2_94:
0x5f8: {  	_ =	sdelay $0x4  }
0x5f9: {  	[tilespmem:v4+s23+$0x0] =	vst.idx.add.s32.msk vm1, v1  }
.LBB2_95:
0x5fa: {  	s1 =	simm.s32 $0x1A100  }
0x5fb: {  	v4 =	vld [tilespmem:s1+$0x0];
	_ =	sdelay $0x4  }
0x5fc: {  	s9 =	simm.s32 $0x1A110;
	(xrf0) =	vadd.scan.msk.s32 $0xffff, v4  }
0x5fd: {  	s4 =	simm.s32 $0x0;
	v6 =	vld [tilespmem:s9+$0x0]  }
0x5fe: {  	v4 =	vmov s4  }
0x5ff: {  	s0 =	sxor.u32 $0x80000000, s0  }
0x600: {  	p0 =	sgt.s32 s0, s30  }
0x601: {  	s2 =	simm.s32 $0x1;
	s3 =	simm.s32 $0x2;
	s30 =	smov.u32 @p0 s0  }
0x602: {  	s1 =	sadd.s32 $0xFFFF8CCD, s30;
	s0 =	ssub.s32 $0x7333, s30;
	s4 =	simm.s32 $0x1A120;
	(xrf0) =	vadd.scan.msk.s32 $0xffff, v6;
	v6, _, _ =	vpop (xrf0)  }
.LBB2_96:
0x603: {  	v7 =	vld [tilespmem:s4+$0x0];
	p0 =	sne.s32 s3, $0xF;
	[tilespmem:v4+s21+$0x0] =	vst.idx.msk vm0, v6;
	s5 =	smov.u32 s3;
	s3 =	sadd.s32 $0x1, s3  }
.Ltmp64:
0x604: {  	v4 =	vmov s2;
	s2 =	smov.u32 s5;
	(pc) =	sbr.rel @p0 .LBB2_96-.Ltmp64, $2  }
0x605: {  	_ =	sdelay $0x2  }
0x606: {  	s4 =	sadd.s32 $0x10, s4;
	(xrf0) =	vadd.scan.msk.s32 $0xffff, v7;
	v6, _, _ =	vpop (xrf0)  }
0x607: {  	_ = 	snop  }
0x608: {  	v7 =	vmov s2;
	_ =	sdelay $0x3  }
0x609: {  	[tilespmem:v4+s21+$0x0] =	vst.idx.msk vm0, v6;
	v4, _, _ =	vpop (xrf0)  }
0x60a: {  	[tilespmem:v7+s21+$0x0] =	vst.idx.msk vm0, v4  }
0x60b: {  	v4 =	vld [tilespmem:$0x1A080];
	_ =	sdelay $0x4  }
0x60c: {  	(xrf0) =	vadd.scan.msk.s32 $0xffff, v4;
	_ =	sdelay $0x5  }
0x60d: {  	v4, _, _ =	vpop (xrf0)  }
0x60e: {  	vm1 =	vle.s32 v4, s0  }
0x60f: {  	v6 =	vmpcnt.ones.xlane vm1;
	_ =	sdelay $0x1  }
0x610: {  	v6 =	vxor.u32 $0x80000000, v6  }
0x611: {  	(xrf0) =	vmax.scan.msk.u32 $0xffff, v6;
	_ =	sdelay $0x5  }
0x612: {  	v6, _, _ =	vpop (xrf0)  }
0x613: {  	(v2sf) =	vpush v6, $0xF  }
0x614: {  	v4 =	vxor.u32 $0x80000000, v4  }
0x615: {  	v4 =	vnsel vm1, $0x80000000, v4  }
0x616: {  	(xrf0) =	vmax.scan.msk.u32 $0xffff, v4;
	_ =	sdelay $0x5  }
0x617: {  	v4, _, _ =	vpop (xrf0)  }
0x618: {  	(v2sf) =	vpush v4, $0xF;
	_ =	sdelay $0x4  }
0x619: {  	s8 =	spop (v2sf)  }
0x61a: {  	s3 =	sshll.u32 s8, $0x4  }
0x61b: {  	v4 =	vld [tilespmem:s3+$0x1A100];
	_ =	sdelay $0x4  }
0x61c: {  	(xrf0) =	vadd.scan.msk.s32 $0xffff, v4;
	_ =	sdelay $0x2  }
0x61d: {  	s9 =	spop (v2sf)  }
0x61e: {  	s2 =	sxor.u32 $0x80000000, s9  }
0x61f: {  	p0 =	sgt.s32 s2, $0x0  }
0x620: {  	s2 =	simm.s32 @!p0 $0x0;
	v4, _, _ =	vpop (xrf0)  }
0x621: {  	v4 =	vadd.s32 s2, v4  }
0x622: {  	vm1 =	vle.s32 v4, s0  }
0x623: {  	v6 =	vmpcnt.ones.xlane vm1;
	_ =	sdelay $0x1  }
0x624: {  	v6 =	vxor.u32 $0x80000000, v6  }
0x625: {  	v4 =	vxor.u32 $0x80000000, v4;
	(xrf0) =	vmax.scan.msk.u32 $0xffff, v6  }
0x626: {  	v4 =	vnsel vm1, $0x80000000, v4  }
0x627: {  	(xrf0) =	vmax.scan.msk.u32 $0xffff, v4;
	_ =	sdelay $0x3  }
0x628: {  	v4, _, _ =	vpop (xrf0)  }
0x629: {  	(v2sf) =	vpush v4, $0xF  }
0x62a: {  	v4, _, _ =	vpop (xrf0)  }
0x62b: {  	(v2sf) =	vpush v4, $0xF;
	_ =	sdelay $0x9  }
0x62c: {  	p0 =	slt.s32 s31, $0x1  }
.Ltmp65:
0x62d: {  	_ = 	snop;
	(pc) =	sbr.rel @p0 .LBB2_98-.Ltmp65, $4  }
0x62e: {  	_ = 	snop  }
0x62f: {  	s30 =	spop (v2sf)  }
0x630: {  	s0 =	sadd.s32 s30, s3  }
0x631: {  	s3 =	spop (v2sf);
	s0 =	sadd.s32 $0x80000000, s0  }
0x632: {  	s4 =	simm.s32 $0x1A200  }
0x633: {  	v7 =	vld [tilespmem:s4+$0x0];
	_ =	sdelay $0x3  }
0x634: {  	s5 =	simm.s32 $0x0;
	p1 =	sne.s32 s31, $0x1  }
.Ltmp66:
0x635: {  	v6 =	vmov s0;
	v4 =	vmov s5;
	v8 =	vshrl.u32 v7, $0x18;
	(pc) =	sbr.rel @!p1 .LBB2_101-.Ltmp66, $4  }
0x636: {  	vm1 =	vlt.s32 v4, v5;
	v4 =	vimm.s32 $0x0;
	vm2 =	veq.s32 v8, v6  }
0x637: {  	v8 =	vshll.u32 v4, $0x4;
	vm1 =	vmand vm1, vm2  }
0x638: {  	v8 =	vor.u32 v2, v8;
	v9 =	vsel vm1, $0x1, v0  }
0x639: {  	s5 =	simm.s32 $0x1;
	v4 =	vadd.s32 v9, v4  }
.LBB2_100:
0x63a: {  	_ =	sdelay $0x2  }
0x63b: {  	[tilespmem:v8+s24+$0x0] =	vst.idx.msk vm1, v7;
	s4 =	sadd.s32 $0x10, s4;
	s6 =	smov.u32 s5;
	s5 =	sadd.s32 $0x1, s5  }
0x63c: {  	v7 =	vld [tilespmem:s4+$0x0];
	p1 =	sne.s32 s31, s5;
	_ =	sdelay $0x4  }
.Ltmp67:
0x63d: {  	v8 =	vmov s6;
	v9 =	vshrl.u32 v7, $0x18;
	(pc) =	sbr.rel @p1 .LBB2_100-.Ltmp67, $4  }
0x63e: {  	vm1 =	vlt.s32 v8, v5;
	vm2 =	veq.s32 v9, v6  }
0x63f: {  	v8 =	vshll.u32 v4, $0x4;
	vm1 =	vmand vm1, vm2  }
0x640: {  	v8 =	vor.u32 v2, v8;
	v9 =	vsel vm1, $0x1, v0  }
0x641: {  	v4 =	vadd.s32 v9, v4  }
.LBB2_101:
0x642: {  	_ = 	snop  }
.Ltmp68:
0x643: {  	_ = 	snop;
	(pc) =	sbr.rel .LBB2_102-.Ltmp68, $2  }
0x644: {  	_ =	sdelay $0x2  }
0x645: {  	[tilespmem:v8+s24+$0x0] =	vst.idx.msk vm1, v7  }
.LBB2_98:
0x646: {  	v4 =	vimm.s32 $0x0  }
.LBB2_102:
0x647: {  	(xrf0) =	vadd.scan.msk.s32 $0xffff, v4;
	v6 =	vxor.u32 $0x80000000, v4  }
0x648: {  	(xrf0) =	vmax.scan.msk.u32 $0xffff, v6;
	_ =	sdelay $0x4  }
0x649: {  	v6, _, _ =	vpop (xrf0)  }
0x64a: {  	(v2sf) =	vpush v6, $0xF;
	v6, _, _ =	vpop (xrf0)  }
0x64b: {  	(v2sf) =	vpush v6, $0xF;
	_ =	sdelay $0xc  }
.Ltmp69:
0x64c: {  	s3 =	sxor.u32 $0x80000000, s3;
	(pc) =	sbr.rel .LBB2_103-.Ltmp69, $4  }
0x64d: {  	p1 =	sgt.s32 s3, s2;
	s4 =	spop (v2sf)  }
0x64e: {  	s5 =	simm.s32 $0x0;
	s2 =	smov.u32 @p1 s3;
	s9 =	spop (v2sf)  }
0x64f: {  	s30 =	simm.s32 $0x0;
	s1 =	sadd.s32 s2, s1;
	s2 =	sxor.u32 $0x80000000, s9  }
0x650: {  	s1 =	sadd.s32 s4, s1;
	s4 =	simm.s32 $0x1FF;
	p1 =	slt.s32 s2, $0x1  }
.LBB2_104:
0x651: {  	v6 =	vimm.s32 $0x80000000  }
.LBB2_112:
0x652: {  	(xrf0) =	vmax.scan.msk.u32 $0xffff, v6;
	_ =	sdelay $0x5  }
0x653: {  	v6, _, _ =	vpop (xrf0)  }
0x654: {  	(v2sf) =	vpush v6, $0xF;
	_ =	sdelay $0xc  }
0x655: {  	s30 =	sadd.s32 $0x1, s30  }
0x656: {  	p3 =	sne.s32 s30, $0x9  }
.Ltmp70:
0x657: {  	s6 =	spop (v2sf);
	(pc) =	sbr.rel @!p3 .LBB2_113-.Ltmp70, $4  }
0x658: {  	s6 =	sxor.u32 $0x80000000, s6  }
0x659: {  	p2 =	slt.s32 s6, s1  }
0x65a: {  	s6 =	sadd.s32 $0xFFFFFFFF, s3;
	s3 =	smov.u32 @p2 s5  }
0x65b: {  	s4 =	smov.u32 @p2 s6;
	s5 =	smov.u32 s3  }
.LBB2_103:
.Ltmp71:
0x65c: {  	(pc) =	sbr.rel @p1 .LBB2_104-.Ltmp71, $4  }
0x65d: {  	_ = 	snop  }
0x65e: {  	s3 =	sadd.s32 s4, s5  }
0x65f: {  	s3 =	sadd.s32 $0x1, s3  }
0x660: {  	s3 =	sshra.s32 s3, $0x1  }
0x661: {  	p3 =	sne.s32 s2, $0x1  }
.Ltmp72:
0x662: {  	_ = 	snop;
	(pc) =	sbr.rel @!p3 .LBB2_106-.Ltmp72, $3  }
0x663: {  	_ =	sdelay $0x1  }
0x664: {  	s8 =	simm.s32 $0x1B200  }
0x665: {  	v7 =	vmov s3;
	s7 =	simm.s32 $0x0;
	v6 =	vimm.s32 $0x0;
	s6 =	simm.s32 $0x1;
	p2 =	por $0x0, $0x0;
	v9 =	vld [tilespmem:s8+$0x0]  }
0x666: {  	_ =	sdelay $0x2  }
0x667: {  	p3 =	sne.s32 s2, $0x2  }
.Ltmp73:
0x668: {  	v8 =	vshrl.u32 v9, $0xF;
	(pc) =	sbr.rel @!p3 .LBB2_108-.Ltmp73, $4  }
0x669: {  	v9 =	vmov s7;
	s7 =	simm.s32 $0x1B210;
	v8 =	vand.u32 $0x1FF, v8  }
0x66a: {  	vm1 =	vlt.s32 v9, v4;
	v9 =	vld [tilespmem:s7+$0x0];
	vm2 =	vge.u32 v8, v7  }
0x66b: {  	vm1 =	vmand vm1, vm2  }
0x66c: {  	s8 =	simm.s32 $0x2;
	p2 =	por $0x1, $0x1;
	v8 =	vimm.s32 $0x0;
	v10 =	vmpcnt.ones.xlane vm1  }
.LBB2_109:
0x66d: {  	s9 =	smov.u32 s8;
	s8 =	sadd.s32 $0x1, s8  }
0x66e: {  	p3 =	sne.s32 s2, s8  }
.Ltmp74:
0x66f: {  	s7 =	sadd.s32 $0x10, s7;
	v11 =	vshrl.u32 v9, $0xF;
	v8 =	vadd.s32 v8, v10;
	(pc) =	sbr.rel @p3 .LBB2_109-.Ltmp74, $4  }
0x670: {  	v9 =	vld [tilespmem:s7+$0x0];
	v10 =	vand.u32 $0x1FF, v11;
	v11 =	vmov s6;
	s6 =	smov.u32 s9  }
0x671: {  	vm1 =	vlt.s32 v11, v4;
	vm2 =	vge.u32 v10, v7  }
0x672: {  	vm1 =	vmand vm1, vm2  }
0x673: {  	v10 =	vmpcnt.ones.xlane vm1  }
0x674: {  	s7 =	smov.u32 s6  }
.LBB2_111:
0x675: {  	v9 =	vshrl.u32 v9, $0xF  }
0x676: {  	v11 =	vmov s7;
	v9 =	vand.u32 $0x1FF, v9  }
0x677: {  	vm1 =	vlt.s32 v11, v4;
	vm2 =	vge.u32 v9, v7  }
.Ltmp75:
0x678: {  	vm1 =	vmand vm1, vm2;
	(pc) =	sbr.rel .LBB2_112-.Ltmp75, $4  }
0x679: {  	v7 =	vadd.s32 @p2 v8, v10;
	v8 =	vmpcnt.ones.xlane vm1  }
0x67a: {  	v6 =	vpsel p2, v7, v6  }
0x67b: {  	v6 =	vadd.s32 v6, v8  }
0x67c: {  	v6 =	vxor.u32 $0x80000000, v6  }
.LBB2_106:
.Ltmp76:
0x67d: {  	(pc) =	sbr.rel .LBB2_111-.Ltmp76, $2  }
0x67e: {  	_ =	sdelay $0x2  }
0x67f: {  	v8 =	vimm.s32 $0x0  }
.LBB2_108:
.Ltmp77:
0x680: {  	(pc) =	sbr.rel .LBB2_111-.Ltmp77, $2  }
0x681: {  	_ =	sdelay $0x2  }
0x682: {  	v8 =	vimm.s32 $0x0;
	s7 =	simm.s32 $0x1  }
.LBB2_113:
.Ltmp78:
0x683: {  	(pc) =	sbr.rel @p0 .LBB2_117-.Ltmp78, $1  }
0x684: {  	_ =	sdelay $0x3  }
0x685: {  	s1 =	simm.s32 $0x1A200  }
0x686: {  	v6 =	vld [tilespmem:s1+$0x0];
	_ =	sdelay $0x1  }
0x687: {  	s2 =	sshll.u32 s3, $0xF;
	s0 =	sshll.u32 s0, $0x18;
	p0 =	sne.s32 s31, $0x1  }
.Ltmp79:
0x688: {  	s30 =	simm.s32 $0x0;
	s0 =	sor.u32 s0, s2;
	(pc) =	sbr.rel @!p0 .LBB2_116-.Ltmp79, $4  }
0x689: {  	v7 =	vmov s30;
	v4 =	vmov s0  }
0x68a: {  	vm1 =	vlt.s32 v7, v5;
	vm2 =	vlt.u32 v6, v4  }
0x68b: {  	vm1 =	vmand vm1, vm2  }
0x68c: {  	s0 =	simm.s32 $0x1;
	v6 =	vand.u32 $0x7FFF, v6  }
.LBB2_115:
0x68d: {  	_ =	sdelay $0x3  }
0x68e: {  	[tilespmem:v6+s15+$0x0] =	vst.idx.msk vm1, v3;
	s1 =	sadd.s32 $0x10, s1;
	s2 =	smov.u32 s0;
	s0 =	sadd.s32 $0x1, s0  }
0x68f: {  	v6 =	vld [tilespmem:s1+$0x0];
	p0 =	sne.s32 s31, s0;
	_ =	sdelay $0x2  }
.Ltmp80:
0x690: {  	(pc) =	sbr.rel @p0 .LBB2_115-.Ltmp80, $4  }
0x691: {  	v7 =	vmov s2  }
0x692: {  	vm1 =	vlt.s32 v7, v5;
	vm2 =	vlt.u32 v6, v4  }
0x693: {  	vm1 =	vmand vm1, vm2  }
0x694: {  	v6 =	vand.u32 $0x7FFF, v6  }
.LBB2_116:
0x695: {  	_ =	sdelay $0x4  }
0x696: {  	[tilespmem:v6+s15+$0x0] =	vst.idx.msk vm1, v3  }
.LBB2_117:
0x697: {  	[hbm4b:s10+s13] =	stream.strided.scatter [tilespmem:s15], [sflag:$0x3], $0x8000, s14, s13, $0x38;
	[tilespmem:$0x1C200] =	vst v63  }
0x698: {  	_ =	swait.ge [sflag:s25], $0x8000  }
0x699: {  	[sflag:s25] =	ssyncset.done $0x0  }
0x69a: {  	s0 =	simm.s32 $0x18040;
	[sflag:s25] =	ssyncadd.s32 $0xFFFF8000  }
0x69b: {  	[tilespmem:s0+$0xFFFFFFC0] =	vst v0  }
0x69c: {  	[tilespmem:s0+$0x30] =	vst v0  }
0x69d: {  	[tilespmem:s0+$0x20] =	vst v0  }
0x69e: {  	[tilespmem:s0+$0x10] =	vst v0  }
0x69f: {  	[tilespmem:s0+$0x0] =	vst v0  }
0x6a0: {  	[tilespmem:s0+$0xFFFFFFF0] =	vst v0  }
0x6a1: {  	s2 =	simm.s32 $0x0;
	[tilespmem:s0+$0xFFFFFFE0] =	vst v0  }
.LBB2_118:
0x6a2: {  	s2 =	sadd.s32 $0x8, s2;
	[tilespmem:s0+$0xFFFFFFD0] =	vst v0;
	s0 =	sadd.s32 $0x80, s0  }
0x6a3: {  	[tilespmem:s0+$0xFFFFFFC0] =	vst v0;
	p0 =	slt.u32 s2, $0x1F8  }
0x6a4: {  	[tilespmem:s0+$0x30] =	vst v0  }
.Ltmp81:
0x6a5: {  	[tilespmem:s0+$0x20] =	vst v0;
	(pc) =	sbr.rel @p0 .LBB2_118-.Ltmp81, $4  }
0x6a6: {  	[tilespmem:s0+$0x10] =	vst v0  }
0x6a7: {  	[tilespmem:s0+$0x0] =	vst v0  }
0x6a8: {  	[tilespmem:s0+$0xFFFFFFF0] =	vst v0  }
0x6a9: {  	s1 =	simm.s32 $0x40;
	[tilespmem:s0+$0xFFFFFFE0] =	vst v0  }
0x6aa: {  	[tilespmem:s0+$0xFFFFFFD0] =	vst v0;
	s31 =	simm.s32 $0x10040  }
0x6ab: {  	v4 =	vld [tilespmem:s31+$0x30]  }
0x6ac: {  	v5 =	vld [tilespmem:s1+$0x30]  }
0x6ad: {  	v9 =	vld [tilespmem:s1+$0xFFFFFFC0]  }
0x6ae: {  	v6 =	vld [tilespmem:s31+$0xFFFFFFD0]  }
0x6af: {  	v8 =	vld [tilespmem:s31+$0xFFFFFFE0]  }
0x6b0: {  	v10 =	vld [tilespmem:s1+$0xFFFFFFE0]  }
0x6b1: {  	v7 =	vld [tilespmem:s1+$0xFFFFFFD0]  }
0x6b2: {  	v18 =	vld [tilespmem:s31+$0xFFFFFFC0]  }
0x6b3: {  	v11 =	vld [tilespmem:s1+$0xFFFFFFF0];
	v4 =	vmul.f32 v5, v4  }
0x6b4: {  	v15 =	vld [tilespmem:s1+$0x10]  }
0x6b5: {  	v5 =	vld [tilespmem:s31+$0xFFFFFFF0];
	v8 =	vmul.f32 v10, v8;
	v12 =	vand.u32 $0x7FFFFFFF, v4  }
0x6b6: {  	v10 =	vld [tilespmem:s31+$0x10];
	v14 =	vxor.u32 $0xFFFFFFFF, v4;
	vm1 =	vlt.s32 v4, $0x0;
	v4 =	vmul.f32 v7, v6  }
0x6b7: {  	v13 =	vld [tilespmem:s31+$0x0];
	v63 =	vmul.f32 v9, v18;
	v16 =	vxor.u32 $0xFFFFFFFF, v8;
	v12 =	vxor.u32 $0x80000000, v12  }
0x6b8: {  	v6 =	vld [tilespmem:s1+$0x0];
	vm2 =	vlt.s32 v8, $0x0;
	v7 =	vsel vm1, v14, v12;
	v14 =	vand.u32 $0x7FFFFFFF, v4  }
0x6b9: {  	vm1 =	vlt.s32 v4, $0x0;
	v12 =	vshrl.u32 v7, $0x13;
	v7 =	vxor.u32 $0xFFFFFFFF, v4  }
0x6ba: {  	v17 =	vld [tilespmem:s1+$0x20];
	v4 =	vxor.u32 $0x80000000, v14;
	v14 =	vand.u32 $0x7FFFFFFF, v8;
	v5 =	vmul.f32 v11, v5  }
0x6bb: {  	vm5 =	vlt.s32 v63, $0x0;
	v11 =	vld [tilespmem:s31+$0x20];
	v15 =	vmul.f32 v15, v10;
	v14 =	vxor.u32 $0x80000000, v14  }
0x6bc: {  	v4 =	vsel vm1, v7, v4;
	v19 =	vxor.u32 $0xFFFFFFFF, v5;
	v8 =	vand.u32 $0x7FFFFFFF, v5  }
0x6bd: {  	v13 =	vmul.f32 v6, v13;
	vm4 =	vlt.s32 v5, $0x0;
	v5 =	vsel vm2, v16, v14  }
0x6be: {  	v10 =	vand.u32 $0x7FFFFFFF, v15;
	vm3 =	vlt.s32 v15, $0x0;
	v20 =	vxor.u32 $0x80000000, v8  }
0x6bf: {  	v8 =	vxor.u32 $0xFFFFFFFF, v15;
	v10 =	vxor.u32 $0x80000000, v10;
	v15 =	vand.u32 $0x7FFFFFFF, v63  }
0x6c0: {  	v6 =	vxor.u32 $0xFFFFFFFF, v13;
	v7 =	vand.u32 $0x7FFFFFFF, v13;
	v11 =	vmul.f32 v17, v11  }
0x6c1: {  	vm1 =	vlt.s32 v13, $0x0;
	v13 =	vxor.u32 $0xFFFFFFFF, v63;
	v7 =	vxor.u32 $0x80000000, v7  }
0x6c2: {  	[tilespmem:v12+s19+$0x0] =	vst.idx.add.s32.msk $0xffff, v1;
	v12 =	vsel vm4, v19, v20;
	v9 =	vxor.u32 $0xFFFFFFFF, v11;
	v14 =	vand.u32 $0x7FFFFFFF, v11  }
0x6c3: {  	s2 =	simm.s32 $0x0;
	s3 =	simm.s32 $0x100C0;
	vm2 =	vlt.s32 v11, $0x0;
	v11 =	vxor.u32 $0x80000000, v14;
	v14 =	vxor.u32 $0x80000000, v15  }
.LBB2_120:
0x6c4: {  	v15 =	vld [tilespmem:s3+$0x30];
	v13 =	vsel vm5, v13, v14;
	v6 =	vsel vm1, v6, v7;
	v7 =	vsel vm3, v8, v10;
	s1 =	sadd.s32 $0x80, s1  }
0x6c5: {  	s2 =	sadd.s32 $0x8, s2;
	v8 =	vld [tilespmem:s1+$0x30];
	v10 =	vshrl.u32 v13, $0x13;
	v13 =	vshrl.u32 v4, $0x13;
	v4 =	vsel vm2, v9, v11  }
0x6c6: {  	v12 =	vshrl.u32 v12, $0x13;
	p0 =	slt.u32 s2, $0x7F8;
	v11 =	vshrl.u32 v5, $0x13;
	v14 =	vshrl.u32 v6, $0x13;
	v9 =	vld [tilespmem:s1+$0xFFFFFFC0]  }
0x6c7: {  	v16 =	vshrl.u32 v7, $0x13;
	v17 =	vshrl.u32 v4, $0x13;
	v5 =	vld [tilespmem:s3+$0xFFFFFFD0]  }
0x6c8: {  	v4 =	vld [tilespmem:s1+$0xFFFFFFD0]  }
0x6c9: {  	v6 =	vld [tilespmem:s3+$0xFFFFFFE0]  }
0x6ca: {  	v7 =	vld [tilespmem:s1+$0xFFFFFFE0];
	v8 =	vmul.f32 v8, v15  }
0x6cb: {  	v15 =	vld [tilespmem:s3+$0xFFFFFFF0]  }
0x6cc: {  	v18 =	vld [tilespmem:s1+$0xFFFFFFF0];
	v19 =	vand.u32 $0x7FFFFFFF, v8  }
0x6cd: {  	v21 =	vxor.u32 $0xFFFFFFFF, v8;
	vm1 =	vlt.s32 v8, $0x0;
	v20 =	vld [tilespmem:s3+$0x0];
	v19 =	vxor.u32 $0x80000000, v19  }
0x6ce: {  	v4 =	vmul.f32 v4, v5;
	v5 =	vld [tilespmem:s1+$0x0];
	v8 =	vsel vm1, v21, v19  }
0x6cf: {  	v6 =	vmul.f32 v7, v6;
	v7 =	vld [tilespmem:s3+$0x10];
	v8 =	vshrl.u32 v8, $0x13  }
0x6d0: {  	v19 =	vxor.u32 $0xFFFFFFFF, v4;
	v21 =	vand.u32 $0x7FFFFFFF, v4;
	vm1 =	vlt.s32 v4, $0x0;
	v22 =	vld [tilespmem:s1+$0x10]  }
0x6d1: {  	v4 =	vxor.u32 $0x80000000, v21;
	v21 =	vand.u32 $0x7FFFFFFF, v6;
	v15 =	vmul.f32 v18, v15;
	v18 =	vld [tilespmem:s3+$0x20]  }
0x6d2: {  	v23 =	vxor.u32 $0xFFFFFFFF, v6;
	vm2 =	vlt.s32 v6, $0x0;
	v21 =	vxor.u32 $0x80000000, v21;
	v24 =	vld [tilespmem:s1+$0x20]  }
0x6d3: {  	v25 =	vld [tilespmem:s3+$0xFFFFFFC0];
	v26 =	vxor.u32 $0xFFFFFFFF, v15;
	v6 =	vand.u32 $0x7FFFFFFF, v15;
	v20 =	vmul.f32 v5, v20  }
0x6d4: {  	s0 =	simm.s32 $0x0;
	s4 =	simm.s32 $0x18080;
	v4 =	vsel vm1, v19, v4;
	vm4 =	vlt.s32 v15, $0x0;
	v19 =	vxor.u32 $0x80000000, v6;
	[tilespmem:v8+s19+$0x0] =	vst.idx.add.s32.msk $0xffff, v1  }
0x6d5: {  	v6 =	vxor.u32 $0xFFFFFFFF, v20;
	v8 =	vand.u32 $0x7FFFFFFF, v20;
	v15 =	vmul.f32 v22, v7;
	[tilespmem:v10+s19+$0x0] =	vst.idx.add.s32.msk $0xffff, v1  }
0x6d6: {  	v5 =	vsel vm2, v23, v21;
	vm1 =	vlt.s32 v20, $0x0;
	v7 =	vxor.u32 $0x80000000, v8;
	[tilespmem:v13+s19+$0x0] =	vst.idx.add.s32.msk $0xffff, v1  }
.Ltmp82:
0x6d7: {  	v8 =	vxor.u32 $0xFFFFFFFF, v15;
	v10 =	vand.u32 $0x7FFFFFFF, v15;
	v13 =	vmul.f32 v24, v18;
	[tilespmem:v11+s19+$0x0] =	vst.idx.add.s32.msk $0xffff, v1;
	(pc) =	sbr.rel @p0 .LBB2_120-.Ltmp82, $4  }
0x6d8: {  	vm3 =	vlt.s32 v15, $0x0;
	v18 =	vmul.f32 v9, v25;
	v10 =	vxor.u32 $0x80000000, v10;
	[tilespmem:v12+s19+$0x0] =	vst.idx.add.s32.msk $0xffff, v1  }
0x6d9: {  	v9 =	vxor.u32 $0xFFFFFFFF, v13;
	v11 =	vand.u32 $0x7FFFFFFF, v13;
	vm2 =	vlt.s32 v13, $0x0;
	[tilespmem:v14+s19+$0x0] =	vst.idx.add.s32.msk $0xffff, v1  }
0x6da: {  	v13 =	vxor.u32 $0xFFFFFFFF, v18;
	v12 =	vand.u32 $0x7FFFFFFF, v18;
	v11 =	vxor.u32 $0x80000000, v11;
	[tilespmem:v16+s19+$0x0] =	vst.idx.add.s32.msk $0xffff, v1  }
0x6db: {  	s3 =	sadd.s32 $0x80, s3;
	vm5 =	vlt.s32 v18, $0x0;
	v14 =	vxor.u32 $0x80000000, v12;
	v12 =	vsel vm4, v26, v19;
	[tilespmem:v17+s19+$0x0] =	vst.idx.add.s32.msk $0xffff, v1  }
0x6dc: {  	v4 =	vshrl.u32 v4, $0x13  }
0x6dd: {  	v5 =	vshrl.u32 v5, $0x13  }
0x6de: {  	v13 =	vsel vm5, v13, v14;
	v6 =	vsel vm1, v6, v7;
	v7 =	vshrl.u32 v12, $0x13  }
0x6df: {  	v13 =	vshrl.u32 v13, $0x13  }
0x6e0: {  	v8 =	vsel vm3, v8, v10;
	v6 =	vshrl.u32 v6, $0x13  }
0x6e1: {  	v9 =	vsel vm2, v9, v11;
	v8 =	vshrl.u32 v8, $0x13;
	[tilespmem:v4+s19+$0x0] =	vst.idx.add.s32.msk $0xffff, v1  }
0x6e2: {  	v9 =	vshrl.u32 v9, $0x13;
	[tilespmem:v5+s19+$0x0] =	vst.idx.add.s32.msk $0xffff, v1  }
0x6e3: {  	[tilespmem:v7+s19+$0x0] =	vst.idx.add.s32.msk $0xffff, v1  }
0x6e4: {  	[tilespmem:v13+s19+$0x0] =	vst.idx.add.s32.msk $0xffff, v1  }
0x6e5: {  	[tilespmem:v6+s19+$0x0] =	vst.idx.add.s32.msk $0xffff, v1  }
0x6e6: {  	[tilespmem:v8+s19+$0x0] =	vst.idx.add.s32.msk $0xffff, v1  }
0x6e7: {  	[tilespmem:v9+s19+$0x0] =	vst.idx.add.s32.msk $0xffff, v1  }
0x6e8: {  	v4 =	vld [tilespmem:s4+$0xFFFFFF80]  }
0x6e9: {  	v5 =	vld [tilespmem:s4+$0xFFFFFF90]  }
0x6ea: {  	v6 =	vld [tilespmem:s4+$0xFFFFFFA0]  }
0x6eb: {  	v7 =	vld [tilespmem:s4+$0xFFFFFFB0]  }
0x6ec: {  	v8 =	vld [tilespmem:s4+$0xFFFFFFC0]  }
0x6ed: {  	v9 =	vld [tilespmem:s4+$0xFFFFFFD0]  }
0x6ee: {  	v4 =	vadd.s32 v4, v5;
	v5 =	vld [tilespmem:s4+$0xFFFFFFE0]  }
0x6ef: {  	v4 =	vadd.s32 v6, v4;
	v6 =	vld [tilespmem:s4+$0xFFFFFFF0]  }
0x6f0: {  	v4 =	vadd.s32 v7, v4;
	v7 =	vld [tilespmem:s4+$0x0]  }
0x6f1: {  	v4 =	vadd.s32 v8, v4;
	v8 =	vld [tilespmem:s4+$0x10]  }
0x6f2: {  	v4 =	vadd.s32 v9, v4;
	v9 =	vld [tilespmem:s4+$0x20]  }
0x6f3: {  	v10 =	vld [tilespmem:s4+$0x30];
	v4 =	vadd.s32 v5, v4  }
0x6f4: {  	v11 =	vld [tilespmem:s4+$0x40];
	v4 =	vadd.s32 v6, v4  }
0x6f5: {  	v5 =	vadd.s32 v7, v4;
	v4 =	vld [tilespmem:s4+$0x50]  }
0x6f6: {  	v6 =	vadd.s32 v8, v5;
	v5 =	vld [tilespmem:s4+$0x60]  }
0x6f7: {  	s2 =	simm.s32 $0x18180;
	v7 =	vadd.s32 v9, v6;
	v6 =	vld [tilespmem:s4+$0x70]  }
0x6f8: {  	v8 =	vld [tilespmem:s2+$0xFFFFFF80];
	v7 =	vadd.s32 v10, v7  }
0x6f9: {  	s1 =	simm.s32 $0x1;
	s3 =	simm.s32 $0x2;
	v9 =	vld [tilespmem:s2+$0xFFFFFF90];
	v7 =	vadd.s32 v11, v7  }
.LBB2_122:
0x6fa: {  	p0 =	sne.s32 s3, $0x1F;
	v10 =	vld [tilespmem:s2+$0xFFFFFFA0];
	v4 =	vadd.s32 v4, v7  }
0x6fb: {  	v7 =	vld [tilespmem:s2+$0xFFFFFFB0];
	v4 =	vadd.s32 v5, v4  }
0x6fc: {  	v5 =	vld [tilespmem:s2+$0xFFFFFFC0];
	v4 =	vadd.s32 v6, v4  }
0x6fd: {  	v6 =	vld [tilespmem:s2+$0xFFFFFFD0];
	(xrf0) =	vadd.scan.msk.s32 $0xffff, v4  }
0x6fe: {  	v4 =	vadd.s32 v8, v9;
	v8 =	vld [tilespmem:s2+$0xFFFFFFE0]  }
0x6ff: {  	v4 =	vadd.s32 v10, v4;
	v9 =	vld [tilespmem:s2+$0xFFFFFFF0];
	v10 =	vmov s0;
	s0 =	smov.u32 s1;
	s1 =	smov.u32 s3  }
0x700: {  	v4 =	vadd.s32 v7, v4;
	v7 =	vld [tilespmem:s2+$0x0]  }
0x701: {  	v4 =	vadd.s32 v5, v4;
	v5 =	vld [tilespmem:s2+$0x10]  }
0x702: {  	v4 =	vadd.s32 v6, v4;
	v6 =	vld [tilespmem:s2+$0x20]  }
0x703: {  	v4 =	vadd.s32 v8, v4;
	v11 =	vld [tilespmem:s2+$0x30];
	v8, _, _ =	vpop (xrf0)  }
0x704: {  	v4 =	vadd.s32 v9, v4;
	v12 =	vld [tilespmem:s2+$0x40];
	[tilespmem:v10+s20+$0x0] =	vst.idx.msk vm0, v8  }
.Ltmp83:
0x705: {  	v7 =	vadd.s32 v7, v4;
	v4 =	vld [tilespmem:s2+$0x50];
	(pc) =	sbr.rel @p0 .LBB2_122-.Ltmp83, $4  }
0x706: {  	v7 =	vadd.s32 v5, v7;
	v5 =	vld [tilespmem:s2+$0x60]  }
0x707: {  	v7 =	vadd.s32 v6, v7;
	v6 =	vld [tilespmem:s2+$0x70];
	s2 =	sadd.s32 $0x100, s2  }
0x708: {  	v8 =	vld [tilespmem:s2+$0xFFFFFF80];
	v7 =	vadd.s32 v11, v7  }
0x709: {  	s3 =	sadd.s32 $0x1, s3;
	v9 =	vld [tilespmem:s2+$0xFFFFFF90];
	v7 =	vadd.s32 v12, v7  }
0x70a: {  	v10 =	vld [tilespmem:s2+$0xFFFFFFA0]  }
0x70b: {  	v11 =	vld [tilespmem:s2+$0xFFFFFFB0]  }
0x70c: {  	v12 =	vld [tilespmem:s2+$0xFFFFFFC0]  }
0x70d: {  	v13 =	vld [tilespmem:s2+$0xFFFFFFD0]  }
0x70e: {  	v54 =	vld [tilespmem:s2+$0xFFFFFFE0];
	v8 =	vadd.s32 v8, v9  }
0x70f: {  	v55 =	vld [tilespmem:s2+$0xFFFFFFF0];
	v8 =	vadd.s32 v10, v8  }
0x710: {  	v56 =	vld [tilespmem:s2+$0x0];
	v8 =	vadd.s32 v11, v8  }
0x711: {  	v57 =	vld [tilespmem:s2+$0x10];
	v8 =	vadd.s32 v12, v8  }
0x712: {  	v58 =	vld [tilespmem:s2+$0x20];
	v8 =	vadd.s32 v13, v8  }
0x713: {  	v59 =	vld [tilespmem:s2+$0x30];
	v8 =	vadd.s32 v54, v8  }
0x714: {  	v60 =	vld [tilespmem:s2+$0x40];
	v8 =	vadd.s32 v55, v8  }
0x715: {  	v61 =	vld [tilespmem:s2+$0x50];
	v8 =	vadd.s32 v56, v8  }
0x716: {  	v62 =	vld [tilespmem:s2+$0x60];
	v8 =	vadd.s32 v57, v8  }
0x717: {  	v63 =	vld [tilespmem:s2+$0x70];
	v8 =	vadd.s32 v58, v8  }
0x718: {  	v8 =	vadd.s32 v59, v8  }
0x719: {  	v4 =	vadd.s32 v4, v7;
	v7 =	vadd.s32 v60, v8  }
0x71a: {  	v4 =	vadd.s32 v5, v4;
	v5 =	vadd.s32 v61, v7  }
0x71b: {  	v4 =	vadd.s32 v6, v4;
	v5 =	vadd.s32 v62, v5  }
0x71c: {  	(xrf0) =	vadd.scan.msk.s32 $0xffff, v4;
	v4 =	vadd.s32 v63, v5  }
0x71d: {  	(xrf0) =	vadd.scan.msk.s32 $0xffff, v4  }
0x71e: {  	v4 =	vmov s0  }
0x71f: {  	v5 =	vmov s1;
	_ =	sdelay $0x2  }
0x720: {  	v6, _, _ =	vpop (xrf0)  }
0x721: {  	[tilespmem:v4+s20+$0x0] =	vst.idx.msk vm0, v6;
	v4, _, _ =	vpop (xrf0)  }
0x722: {  	[tilespmem:v5+s20+$0x0] =	vst.idx.msk vm0, v4  }
0x723: {  	v4 =	vld [tilespmem:$0x1A000];
	_ =	sdelay $0x4  }
0x724: {  	(xrf0) =	vadd.scan.msk.s32 $0xffff, v4;
	_ =	sdelay $0x1  }
0x725: {  	v4 =	vld [tilespmem:$0x1A010];
	_ =	sdelay $0x3  }
0x726: {  	v6, _, _ =	vpop (xrf0)  }
0x727: {  	(xrf0) =	vadd.scan.msk.s32 $0xffff, v4;
	v4 =	vxor.u32 $0x80000000, v6  }
0x728: {  	(xrf0) =	vmax.scan.msk.u32 $0xffff, v4;
	_ =	sdelay $0x4  }
0x729: {  	v5, _, _ =	vpop (xrf0)  }
0x72a: {  	v7, _, _ =	vpop (xrf0)  }
0x72b: {  	(v2sf) =	vpush v7, $0xF;
	_ =	sdelay $0xe  }
0x72c: {  	s6 =	spop (v2sf)  }
0x72d: {  	s0 =	sxor.u32 $0x80000000, s6  }
0x72e: {  	vm2 =	vlt.s32 v6, $0x7334;
	v5 =	vadd.s32 s0, v5  }
0x72f: {  	v6 =	vmpcnt.ones.xlane vm2;
	vm1 =	vlt.s32 v5, $0x7334  }
0x730: {  	v7 =	vmpcnt.ones.xlane vm1  }
0x731: {  	v6 =	vxor.u32 $0x80000000, v6  }
0x732: {  	(xrf0) =	vmax.scan.msk.u32 $0xffff, v6;
	v6 =	vxor.u32 $0x80000000, v7  }
0x733: {  	(xrf0) =	vmax.scan.msk.u32 $0xffff, v6;
	_ =	sdelay $0x4  }
0x734: {  	v6, _, _ =	vpop (xrf0)  }
0x735: {  	(v2sf) =	vpush v6, $0xF;
	v6, _, _ =	vpop (xrf0)  }
0x736: {  	(v2sf) =	vpush v6, $0xF;
	_ =	sdelay $0xd  }
0x737: {  	s7 =	spop (v2sf)  }
0x738: {  	s8 =	spop (v2sf)  }
0x739: {  	s0 =	sadd.s32 s7, s8  }
0x73a: {  	s1 =	sshll.u32 s0, $0xA  }
0x73b: {  	s4 =	simm.s32 $0x0;
	s1 =	sshra.s32 s1, $0x2  }
0x73c: {  	s9 =	sand.u32 $0x80, s4;
	s2 =	sadd.s32 $0x18000, s1  }
0x73d: {  	s3 =	sand.u32 $0x70, s4;
	s1 =	sadd.s32 s9, s2  }
0x73e: {  	s1 =	sadd.s32 s3, s1  }
0x73f: {  	v6 =	vld [tilespmem:s1+$0x0];
	_ =	sdelay $0x1  }
0x740: {  	s30 =	simm.s32 $0x10  }
0x741: {  	s31 =	sand.u32 $0x80, s30  }
0x742: {  	s3 =	sadd.s32 s31, s2;
	s1 =	sand.u32 $0x70, s30  }
0x743: {  	s5 =	sadd.s32 s1, s3;
	(xrf0) =	vadd.scan.msk.s32 $0xffff, v6  }
0x744: {  	v7 =	vld [tilespmem:s5+$0x0]  }
0x745: {  	s1 =	simm.s32 $0x1;
	s3 =	simm.s32 $0x2;
	v6 =	vmov s4;
	s4 =	simm.s32 $0x20  }
.LBB2_124:
0x746: {  	s5 =	sand.u32 $0x80, s4  }
0x747: {  	p0 =	sne.s32 s3, $0xF;
	s6 =	smov.u32 s3;
	s3 =	sadd.s32 $0x1, s3  }
.Ltmp84:
0x748: {  	s7 =	sand.u32 $0x70, s4;
	s5 =	sadd.s32 s5, s2;
	(pc) =	sbr.rel @p0 .LBB2_124-.Ltmp84, $4  }
0x749: {  	s5 =	sadd.s32 s7, s5;
	(xrf0) =	vadd.scan.msk.s32 $0xffff, v7;
	v8, _, _ =	vpop (xrf0)  }
0x74a: {  	v7 =	vld [tilespmem:s5+$0x0];
	[tilespmem:v6+s21+$0x0] =	vst.idx.msk vm0, v8  }
0x74b: {  	v6 =	vmov s1;
	s1 =	smov.u32 s6  }
0x74c: {  	s4 =	sadd.s32 $0x10, s4  }
0x74d: {  	_ =	sdelay $0x1  }
0x74e: {  	v4 =	vnsel vm2, $0x80000000, v4;
	v5 =	vxor.u32 $0x80000000, v5;
	(xrf0) =	vadd.scan.msk.s32 $0xffff, v7  }
0x74f: {  	(xrf0) =	vmax.scan.msk.u32 $0xffff, v4;
	v4 =	vnsel vm1, $0x80000000, v5  }
0x750: {  	(xrf0) =	vmax.scan.msk.u32 $0xffff, v4;
	_ =	sdelay $0x2  }
0x751: {  	v4, _, _ =	vpop (xrf0)  }
0x752: {  	v5, _, _ =	vpop (xrf0)  }
0x753: {  	v7, _, _ =	vpop (xrf0)  }
0x754: {  	(v2sf) =	vpush v7, $0xF;
	v7, _, _ =	vpop (xrf0)  }
0x755: {  	(v2sf) =	vpush v7, $0xF;
	_ =	sdelay $0x2  }
0x756: {  	v7 =	vmov s1;
	_ =	sdelay $0x3  }
0x757: {  	[tilespmem:v6+s21+$0x0] =	vst.idx.msk vm0, v4  }
0x758: {  	[tilespmem:v7+s21+$0x0] =	vst.idx.msk vm0, v5  }
0x759: {  	v4 =	vld [tilespmem:$0x1A080];
	_ =	sdelay $0x4  }
0x75a: {  	(xrf0) =	vadd.scan.msk.s32 $0xffff, v4;
	s7 =	spop (v2sf)  }
0x75b: {  	s2 =	spop (v2sf)  }
0x75c: {  	s1 =	sxor.u32 $0x80000000, s7;
	s30 =	sxor.u32 $0x80000000, s2  }
0x75d: {  	p0 =	sgt.s32 s1, s30  }
0x75e: {  	s30 =	smov.u32 @p0 s1  }
0x75f: {  	p0 =	sgt.s32 s30, $0x0  }
0x760: {  	v4, _, _ =	vpop (xrf0);
	s30 =	simm.s32 @!p0 $0x0  }
0x761: {  	v4 =	vadd.s32 s30, v4  }
0x762: {  	vm1 =	vlt.s32 v4, $0x7334  }
0x763: {  	v5 =	vmpcnt.ones.xlane vm1;
	_ =	sdelay $0x1  }
0x764: {  	v5 =	vxor.u32 $0x80000000, v5  }
0x765: {  	(xrf0) =	vmax.scan.msk.u32 $0xffff, v5;
	_ =	sdelay $0x5  }
0x766: {  	v5, _, _ =	vpop (xrf0)  }
0x767: {  	(v2sf) =	vpush v5, $0xF;
	_ =	sdelay $0x3  }
0x768: {  	v4 =	vxor.u32 $0x80000000, v4  }
0x769: {  	v4 =	vnsel vm1, $0x80000000, v4  }
0x76a: {  	(xrf0) =	vmax.scan.msk.u32 $0xffff, v4;
	_ =	sdelay $0x5  }
0x76b: {  	v4, _, _ =	vpop (xrf0)  }
0x76c: {  	(v2sf) =	vpush v4, $0xF;
	_ =	sdelay $0x1  }
0x76d: {  	s8 =	spop (v2sf)  }
0x76e: {  	s0 =	sshll.u32 s0, $0x8;
	s1 =	sshll.u32 s8, $0x4  }
0x76f: {  	s0 =	sadd.s32 s0, s1  }
0x770: {  	s1 =	sand.u32 $0x70, s1;
	s9 =	sand.u32 $0xFFFFFF80, s0  }
0x771: {  	s1 =	sor.u32 s1, s9  }
0x772: {  	v4 =	vld [tilespmem:s1+$0x18000];
	_ =	sdelay $0x4  }
0x773: {  	(xrf0) =	vadd.scan.msk.s32 $0xffff, v4;
	_ =	sdelay $0x2  }
0x774: {  	s3 =	spop (v2sf)  }
0x775: {  	s1 =	sxor.u32 $0x80000000, s3  }
0x776: {  	p0 =	sgt.s32 s1, s30  }
0x777: {  	s30 =	smov.u32 @p0 s1;
	v4, _, _ =	vpop (xrf0)  }
0x778: {  	v4 =	vadd.s32 s30, v4  }
0x779: {  	vm1 =	vlt.s32 v4, $0x7334  }
0x77a: {  	s4 =	simm.s32 $0x40;
	v5 =	vmpcnt.ones.xlane vm1  }
0x77b: {  	v6 =	vld [tilespmem:s4+$0x30]  }
0x77c: {  	v8 =	vld [tilespmem:s4+$0x20];
	v5 =	vxor.u32 $0x80000000, v5  }
0x77d: {  	s31 =	simm.s32 $0x10040;
	v7 =	vld [tilespmem:s4+$0x10];
	(xrf0) =	vmax.scan.msk.u32 $0xffff, v5  }
0x77e: {  	v13 =	vld [tilespmem:s31+$0x10]  }
0x77f: {  	v16 =	vld [tilespmem:s31+$0x20]  }
0x780: {  	v9 =	vld [tilespmem:s4+$0x0]  }
0x781: {  	v15 =	vld [tilespmem:s4+$0xFFFFFFD0]  }
0x782: {  	v20 =	vld [tilespmem:s31+$0xFFFFFFD0]  }
0x783: {  	v18 =	vmul.f32 v7, v13;
	v7 =	vld [tilespmem:s31+$0x0];
	v5, _, _ =	vpop (xrf0)  }
0x784: {  	(v2sf) =	vpush v5, $0xF;
	v5 =	vld [tilespmem:s31+$0x30];
	_ =	sdelay $0x1  }
0x785: {  	v17 =	vimm.s32 $0x0;
	v21 =	vmul.f32 v8, v16  }
0x786: {  	v15 =	vmul.f32 v15, v20;
	v22 =	vand.u32 $0x7FFFFFFF, v18;
	vm3 =	vlt.s32 v18, $0x0  }
0x787: {  	v23 =	vand.u32 $0x7FFFFFFF, v21;
	v25 =	vxor.u32 $0xFFFFFFFF, v21;
	v27 =	vmul.f32 v9, v7  }
0x788: {  	v14 =	vld [tilespmem:s31+$0xFFFFFFC0];
	v28 =	vxor.u32 $0xFFFFFFFF, v15;
	vm4 =	vlt.s32 v15, $0x0;
	v10 =	vmul.f32 v6, v5  }
0x789: {  	v12 =	vld [tilespmem:s4+$0xFFFFFFF0];
	v22 =	vxor.u32 $0x80000000, v22;
	v23 =	vxor.u32 $0x80000000, v23;
	v31 =	vxor.u32 $0xFFFFFFFF, v27  }
0x78a: {  	v11 =	vand.u32 $0x7FFFFFFF, v10;
	vm2 =	vlt.s32 v10, $0x0;
	v19 =	vxor.u32 $0xFFFFFFFF, v10;
	v10 =	vld [tilespmem:s31+$0xFFFFFFF0]  }
0x78b: {  	v24 =	vld [tilespmem:s4+$0xFFFFFFE0];
	vm5 =	vlt.s32 v27, $0x0;
	v8 =	vxor.u32 $0x80000000, v11;
	v11 =	vxor.u32 $0xFFFFFFFF, v18  }
0x78c: {  	v18 =	vld [tilespmem:s4+$0xFFFFFFC0];
	v19 =	vsel vm2, v19, v8;
	v22 =	vsel vm3, v11, v22;
	vm2 =	vlt.s32 v21, $0x0  }
0x78d: {  	v11 =	vld [tilespmem:s31+$0xFFFFFFE0];
	v8 =	vshrl.u32 v19, $0x13;
	v26 =	vshrl.u32 v22, $0x13;
	v22 =	vshll.u32 v22, $0xD  }
0x78e: {  	v19 =	vshll.u32 v19, $0xD;
	v23 =	vsel vm2, v25, v23;
	v25 =	vand.u32 $0x7FFFFFFF, v15  }
0x78f: {  	v9 =	vand.u32 $0xFFFF8000, v19;
	v19 =	vshll.u32 v17, $0x4;
	v21 =	vmul.f32 v12, v10  }
0x790: {  	v22 =	vand.u32 $0xFFFF8000, v22;
	v33 =	vshrl.u32 v23, $0x13;
	v34 =	vor.u32 v2, v19  }
0x791: {  	v12 =	vmul.f32 v18, v14;
	v18 =	vand.u32 $0x7FFFFFFF, v27;
	v29 =	vand.u32 $0x7FFFFFFF, v21  }
0x792: {  	v24 =	vmul.f32 v24, v11;
	vm3 =	vlt.s32 v21, $0x0;
	v15 =	vxor.u32 $0x80000000, v18  }
0x793: {  	v19 =	vxor.u32 $0xFFFFFFFF, v21;
	v30 =	vand.u32 $0x7FFFFFFF, v12;
	v27 =	vxor.u32 $0xFFFFFFFF, v12  }
0x794: {  	s5 =	spop (v2sf);
	v29 =	vxor.u32 $0x80000000, v29;
	vm2 =	vlt.s32 v12, $0x0;
	v15 =	vsel vm5, v31, v15  }
0x795: {  	s0 =	sadd.s32 s5, s0;
	v32 =	vand.u32 $0x7FFFFFFF, v24;
	v30 =	vxor.u32 $0x80000000, v30;
	vm6 =	vlt.s32 v24, $0x0  }
0x796: {  	v19 =	vsel vm3, v19, v29;
	s0 =	sadd.s32 $0x80000000, s0;
	v12 =	vsel vm2, v27, v30;
	v27 =	vshll.u32 v23, $0xD  }
0x797: {  	v59 =	vxor.u32 $0x80000000, v32;
	v6 =	vmov s0;
	v18 =	vshrl.u32 v12, $0x13  }
0x798: {  	v30 =	vshll.u32 v12, $0xD;
	v12 =	vshll.u32 v15, $0xD;
	v15 =	vshrl.u32 v15, $0x13  }
0x799: {  	vm7 =	vlt.s32 v26, v6;
	vm5 =	vlt.s32 v18, v6;
	vm8 =	veq.s32 v18, v6  }
0x79a: {  	s6 =	simm.s32 $0x0;
	v18 =	vand.u32 $0xFFFF8000, v30;
	vm2 =	veq.s32 v15, v6;
	vm3 =	veq.s32 v33, v6  }
0x79b: {  	v57 =	vsel vm8, $0x1, v0;
	v58 =	vor.u32 s6, v18;
	v18 =	vxor.u32 $0xFFFFFFFF, v24  }
0x79c: {  	v24 =	vxor.u32 $0x80000000, v25;
	v60 =	vsel vm2, $0x1, v0;
	v14 =	vsel vm5, $0x0, v14  }
0x79d: {  	v13 =	vsel vm7, $0x0, v13;
	v17 =	vadd.s32 v57, v17;
	v24 =	vsel vm4, v28, v24  }
0x79e: {  	v18 =	vsel vm6, v18, v59;
	vm4 =	veq.s32 v26, v6;
	v26 =	vor.u32 v2, v58  }
0x79f: {  	v25 =	vshll.u32 v17, $0x4;
	v28 =	vshrl.u32 v24, $0x13;
	v61 =	vshll.u32 v18, $0xD  }
0x7a0: {  	v24 =	vshll.u32 v24, $0xD;
	v18 =	vshrl.u32 v18, $0x13;
	v62 =	vsel vm4, $0x1, v0  }
0x7a1: {  	v25 =	vor.u32 v2, v25;
	vm9 =	veq.s32 v28, v6;
	vm6 =	veq.s32 v18, v6  }
0x7a2: {  	s7 =	simm.s32 $0x10;
	[tilespmem:s31+$0xFFFFFFC0] =	vst v14;
	vm10 =	vlt.s32 v28, v6;
	v14 =	vand.u32 $0xFFFF8000, v24;
	v23 =	vsel vm9, $0x1, v0  }
0x7a3: {  	v21 =	vsel vm6, $0x1, v0;
	v20 =	vsel vm10, $0x0, v20;
	v14 =	vor.u32 s7, v14  }
0x7a4: {  	v17 =	vadd.s32 v23, v17;
	v23 =	vshrl.u32 v19, $0x13;
	[tilespmem:v34+s22+$0x0] =	vst.idx.msk vm8, v26;
	v14 =	vor.u32 v2, v14  }
0x7a5: {  	[tilespmem:s31+$0xFFFFFFD0] =	vst v20;
	vm8 =	vlt.s32 v33, v6;
	v20 =	vsel vm3, $0x1, v0;
	vm5 =	veq.s32 v23, v6  }
0x7a6: {  	v35 =	vshll.u32 v17, $0x4;
	v21 =	vadd.s32 v21, v17;
	v26 =	vsel vm5, $0x1, v0  }
0x7a7: {  	s8 =	simm.s32 $0x20;
	v17 =	vand.u32 $0xFFFF8000, v61;
	v24 =	vor.u32 v2, v35;
	v63 =	vadd.s32 v26, v21  }
0x7a8: {  	s9 =	simm.s32 $0x60;
	[tilespmem:s31+$0x10] =	vst v13;
	v26 =	vor.u32 s8, v17;
	v17 =	vand.u32 $0xFFFF8000, v27;
	v30 =	vadd.s32 v60, v63  }
0x7a9: {  	s2 =	simm.s32 $0x70;
	s3 =	simm.s32 $0x50;
	s1 =	simm.s32 $0x0;
	[tilespmem:v25+s22+$0x0] =	vst.idx.msk vm9, v14;
	v14 =	vsel vm8, $0x0, v16;
	v17 =	vor.u32 s9, v17;
	v25 =	vshll.u32 v63, $0x4  }
0x7aa: {  	s4 =	simm.s32 $0xC0;
	s0 =	simm.s32 $0x70;
	v16 =	vshll.u32 v30, $0x4;
	[tilespmem:s31+$0x20] =	vst v14;
	v14 =	vor.u32 s3, v22;
	v22 =	vadd.s32 v62, v30;
	s3 =	simm.s32 $0x100C0  }
.LBB2_126:
0x7ab: {  	v13 =	vld [tilespmem:s3+$0xFFFFFFC0];
	s1 =	sadd.s32 $0x8, s1;
	vm7 =	vlt.s32 v18, v6;
	vm8 =	vlt.s32 v23, v6;
	v18 =	vshll.u32 v21, $0x4;
	s2 =	sadd.s32 $0x80, s2  }
0x7ac: {  	v21 =	vld [tilespmem:s4+$0x30];
	p0 =	slt.u32 s1, $0x7F8;
	v11 =	vsel vm7, $0x0, v11;
	v10 =	vsel vm8, $0x0, v10;
	v18 =	vor.u32 v2, v18  }
0x7ad: {  	v19 =	vshll.u32 v19, $0xD;
	vm7 =	vlt.s32 v15, v6;
	v23 =	vld [tilespmem:s3+$0x30];
	[tilespmem:s31+$0xFFFFFFE0] =	vst v11;
	v11 =	vor.u32 v2, v26  }
0x7ae: {  	s5 =	sadd.s32 $0xFFFFFFC0, s0;
	s6 =	sadd.s32 $0xFFFFFFD0, s0;
	v12 =	vand.u32 $0xFFFF8000, v12;
	v7 =	vsel vm7, $0x0, v7;
	v15 =	vld [tilespmem:s4+$0x20];
	[tilespmem:v24+s22+$0x0] =	vst.idx.msk vm6, v11;
	v11 =	vand.u32 $0xFFFF8000, v19  }
0x7af: {  	vm6 =	vlt.s32 v8, v6;
	v19 =	vld [tilespmem:s4+$0x10];
	[tilespmem:s31+$0xFFFFFFF0] =	vst v10;
	v10 =	vor.u32 s5, v11;
	v11 =	vor.u32 s6, v12  }
0x7b0: {  	v9 =	vor.u32 s0, v9;
	s0 =	smov.u32 s2;
	v12 =	vld [tilespmem:s4+$0x0];
	v10 =	vor.u32 v2, v10;
	[tilespmem:s31+$0x0] =	vst v7;
	v7 =	vor.u32 v2, v14  }
0x7b1: {  	v9 =	vor.u32 v2, v9;
	v26 =	vsel vm6, $0x0, v5;
	v14 =	vld [tilespmem:s3+$0x10];
	[tilespmem:v18+s22+$0x0] =	vst.idx.msk vm5, v10;
	v10 =	vor.u32 v2, v16  }
0x7b2: {  	v11 =	vor.u32 v2, v11;
	v18 =	vor.u32 v2, v25;
	vm5 =	veq.s32 v8, v6;
	v16 =	vld [tilespmem:s3+$0x20];
	[tilespmem:s31+$0x30] =	vst v26;
	s31 =	smov.u32 s3  }
0x7b3: {  	v20 =	vadd.s32 v20, v22;
	v8 =	vmul.f32 v21, v23;
	v21 =	vsel vm5, $0x1, v0;
	v5 =	vmovc v23;
	v24 =	vld [tilespmem:s4+$0xFFFFFFF0]  }
0x7b4: {  	v22 =	vshll.u32 v22, $0x4;
	v25 =	vor.u32 v2, v17;
	v17 =	vshll.u32 v20, $0x4;
	v23 =	vld [tilespmem:s4+$0xFFFFFFE0]  }
0x7b5: {  	v28 =	vor.u32 v2, v17;
	v27 =	vand.u32 $0x7FFFFFFF, v8;
	vm6 =	vlt.s32 v8, $0x0;
	v26 =	vld [tilespmem:s4+$0xFFFFFFD0]  }
0x7b6: {  	v22 =	vor.u32 v2, v22;
	v8 =	vxor.u32 $0xFFFFFFFF, v8;
	v17 =	vld [tilespmem:s3+$0xFFFFFFD0];
	v19 =	vmul.f32 v19, v14;
	[tilespmem:v10+s22+$0x0] =	vst.idx.msk vm4, v7  }
0x7b7: {  	v27 =	vxor.u32 $0x80000000, v27;
	v7 =	vld [tilespmem:s3+$0x0];
	v15 =	vmul.f32 v15, v16;
	[tilespmem:v18+s22+$0x0] =	vst.idx.msk vm2, v11;
	v18 =	vadd.s32 v21, v20  }
0x7b8: {  	v10 =	vld [tilespmem:s3+$0xFFFFFFF0];
	v20 =	vxor.u32 $0xFFFFFFFF, v19;
	v11 =	vand.u32 $0x7FFFFFFF, v19;
	vm2 =	vlt.s32 v19, $0x0  }
0x7b9: {  	v27 =	vsel vm6, v8, v27;
	v19 =	vld [tilespmem:s4+$0xFFFFFFC0];
	v21 =	vxor.u32 $0x80000000, v11;
	v29 =	vand.u32 $0x7FFFFFFF, v15  }
0x7ba: {  	v8 =	vshrl.u32 v27, $0x13;
	v11 =	vld [tilespmem:s3+$0xFFFFFFE0];
	v20 =	vsel vm2, v20, v21;
	v21 =	vxor.u32 $0xFFFFFFFF, v15;
	[tilespmem:v28+s22+$0x0] =	vst.idx.msk vm5, v9  }
0x7bb: {  	v9 =	vshll.u32 v27, $0xD;
	v28 =	vshrl.u32 v20, $0x13;
	v20 =	vshll.u32 v20, $0xD;
	[tilespmem:v22+s22+$0x0] =	vst.idx.msk vm3, v25  }
0x7bc: {  	vm4 =	vlt.s32 v15, $0x0;
	v12 =	vmul.f32 v12, v7;
	vm7 =	vlt.s32 v28, v6  }
0x7bd: {  	v15 =	vmul.f32 v26, v17;
	v9 =	vand.u32 $0xFFFF8000, v9;
	v22 =	vmul.f32 v24, v10  }
0x7be: {  	v24 =	vshll.u32 v18, $0x4;
	v19 =	vmul.f32 v19, v13;
	v25 =	vand.u32 $0x7FFFFFFF, v12  }
0x7bf: {  	v29 =	vxor.u32 $0x80000000, v29;
	v26 =	vxor.u32 $0xFFFFFFFF, v15;
	v27 =	vand.u32 $0x7FFFFFFF, v22  }
0x7c0: {  	v31 =	vxor.u32 $0xFFFFFFFF, v12;
	v23 =	vmul.f32 v23, v11;
	v30 =	vand.u32 $0x7FFFFFFF, v19  }
0x7c1: {  	v32 =	vand.u32 $0xFFFF8000, v20;
	vm2 =	vlt.s32 v15, $0x0;
	vm5 =	vlt.s32 v12, $0x0  }
0x7c2: {  	v12 =	vxor.u32 $0xFFFFFFFF, v19;
	v27 =	vxor.u32 $0x80000000, v27;
	v20 =	vand.u32 $0x7FFFFFFF, v23  }
0x7c3: {  	v21 =	vsel vm4, v21, v29;
	vm3 =	vlt.s32 v22, $0x0;
	v30 =	vxor.u32 $0x80000000, v30  }
0x7c4: {  	vm4 =	vlt.s32 v19, $0x0;
	v19 =	vand.u32 $0x7FFFFFFF, v15;
	vm6 =	vlt.s32 v23, $0x0  }
0x7c5: {  	v15 =	vxor.u32 $0x80000000, v25;
	v25 =	vshll.u32 v21, $0xD;
	v12 =	vsel vm4, v12, v30  }
0x7c6: {  	v15 =	vsel vm5, v31, v15;
	v29 =	vshrl.u32 v12, $0x13;
	v30 =	vshll.u32 v12, $0xD  }
0x7c7: {  	v12 =	vshll.u32 v15, $0xD;
	vm5 =	vlt.s32 v29, v6;
	vm8 =	veq.s32 v29, v6  }
0x7c8: {  	s5 =	sadd.s32 $0xFFFFFF90, s2;
	v15 =	vshrl.u32 v15, $0x13;
	v29 =	vand.u32 $0xFFFF8000, v30;
	v30 =	vsel vm8, $0x1, v0  }
0x7c9: {  	v29 =	vor.u32 s5, v29;
	v30 =	vadd.s32 v30, v18;
	v18 =	vxor.u32 $0xFFFFFFFF, v23  }
0x7ca: {  	v19 =	vxor.u32 $0x80000000, v19;
	v20 =	vxor.u32 $0x80000000, v20;
	v23 =	vshll.u32 v30, $0x4  }
0x7cb: {  	v19 =	vsel vm2, v26, v19;
	vm2 =	veq.s32 v15, v6;
	v31 =	vor.u32 v2, v23  }
0x7cc: {  	v26 =	vshrl.u32 v19, $0x13;
	v18 =	vsel vm6, v18, v20;
	v20 =	vsel vm2, $0x1, v0  }
0x7cd: {  	v33 =	vshrl.u32 v21, $0x13;
	vm9 =	veq.s32 v26, v6;
	v23 =	vshll.u32 v18, $0xD  }
0x7ce: {  	v34 =	vshll.u32 v19, $0xD;
	v19 =	vsel vm9, $0x1, v0;
	v18 =	vshrl.u32 v18, $0x13  }
0x7cf: {  	v24 =	vor.u32 v2, v24;
	v21 =	vadd.s32 v19, v30;
	v19 =	vxor.u32 $0xFFFFFFFF, v22  }
0x7d0: {  	vm4 =	veq.s32 v28, v6;
	v22 =	vshll.u32 v21, $0x4;
	vm6 =	veq.s32 v18, v6  }
0x7d1: {  	v19 =	vsel vm3, v19, v27;
	v27 =	vsel vm4, $0x1, v0;
	v28 =	vsel vm6, $0x1, v0  }
0x7d2: {  	v13 =	vsel vm5, $0x0, v13;
	v29 =	vor.u32 v2, v29;
	v21 =	vadd.s32 v28, v21  }
0x7d3: {  	vm3 =	veq.s32 v33, v6;
	v28 =	vand.u32 $0xFFFF8000, v23;
	v23 =	vshrl.u32 v19, $0x13  }
0x7d4: {  	vm10 =	vlt.s32 v26, v6;
	s5 =	sadd.s32 $0xFFFFFFA0, s2;
	vm5 =	veq.s32 v23, v6;
	[tilespmem:s3+$0xFFFFFFC0] =	vst v13;
	v13 =	vand.u32 $0xFFFF8000, v34  }
0x7d5: {  	v17 =	vsel vm10, $0x0, v17;
	v26 =	vsel vm5, $0x1, v0;
	[tilespmem:v24+s22+$0x0] =	vst.idx.msk vm8, v29;
	v13 =	vor.u32 s5, v13  }
.Ltmp85:
0x7d6: {  	s5 =	sadd.s32 $0xFFFFFFB0, s2;
	v24 =	vor.u32 v2, v22;
	v22 =	vadd.s32 v26, v21;
	v13 =	vor.u32 v2, v13;
	(pc) =	sbr.rel @p0 .LBB2_126-.Ltmp85, $4  }
0x7d7: {  	vm8 =	vlt.s32 v33, v6;
	v26 =	vor.u32 s5, v28;
	v28 =	vadd.s32 v20, v22;
	[tilespmem:s3+$0xFFFFFFD0] =	vst v17  }
0x7d8: {  	s5 =	sadd.s32 $0xFFFFFFF0, s2;
	v20 =	vsel vm3, $0x1, v0;
	v17 =	vand.u32 $0xFFFF8000, v25;
	[tilespmem:v31+s22+$0x0] =	vst.idx.msk vm9, v13;
	v13 =	vsel vm8, $0x0, v16  }
0x7d9: {  	s6 =	sadd.s32 $0xFFFFFFE0, s2;
	v14 =	vsel vm7, $0x0, v14;
	v16 =	vshll.u32 v28, $0x4;
	v17 =	vor.u32 s5, v17;
	[tilespmem:s3+$0x20] =	vst v13  }
0x7da: {  	s4 =	sadd.s32 $0x80, s4;
	v25 =	vshll.u32 v22, $0x4;
	v22 =	vadd.s32 v27, v28;
	s3 =	sadd.s32 $0x80, s3;
	[tilespmem:s31+$0x10] =	vst v14;
	v14 =	vor.u32 s6, v32  }
0x7db: {  	vm7 =	vlt.s32 v18, v6;
	vm8 =	vlt.s32 v23, v6;
	v13 =	vshll.u32 v21, $0x4  }
0x7dc: {  	v51 =	vshll.u32 v19, $0xD;
	v52 =	vor.u32 v2, v26;
	vm13 =	vlt.s32 v15, v6  }
0x7dd: {  	vm14 =	vlt.s32 v8, v6;
	v55 =	vor.u32 v2, v16;
	v11 =	vsel vm7, $0x0, v11  }
0x7de: {  	v56 =	vadd.s32 v20, v22;
	v57 =	vor.u32 v2, v25;
	v10 =	vsel vm8, $0x0, v10;
	[tilespmem:s31+$0xFFFFFFE0] =	vst v11  }
0x7df: {  	vm15 =	veq.s32 v8, v6;
	v59 =	vand.u32 $0xFFFF8000, v12;
	v7 =	vsel vm13, $0x0, v7;
	[tilespmem:s31+$0xFFFFFFF0] =	vst v10  }
0x7e0: {  	v13 =	vor.u32 v2, v13;
	v6 =	vshll.u32 v56, $0x4;
	v5 =	vsel vm14, $0x0, v5;
	[tilespmem:s31+$0x0] =	vst v7  }
0x7e1: {  	s9 =	sadd.s32 $0xFFFFFFD0, s0;
	v61 =	vor.u32 v2, v14;
	v7 =	vshll.u32 v22, $0x4;
	v6 =	vor.u32 v2, v6;
	[tilespmem:s31+$0x30] =	vst v5  }
0x7e2: {  	s1 =	sadd.s32 $0xFFFFFFC0, s0;
	v53 =	vand.u32 $0xFFFF8000, v51;
	v60 =	vor.u32 s9, v59;
	[tilespmem:v24+s22+$0x0] =	vst.idx.msk vm6, v52;
	v7 =	vor.u32 v2, v7  }
0x7e3: {  	v54 =	vor.u32 s1, v53;
	v8 =	vor.u32 v2, v60;
	[tilespmem:v55+s22+$0x0] =	vst.idx.msk vm4, v61  }
0x7e4: {  	v5 =	vor.u32 s0, v9;
	v58 =	vor.u32 v2, v54;
	[tilespmem:v57+s22+$0x0] =	vst.idx.msk vm2, v8  }
0x7e5: {  	v5 =	vor.u32 v2, v5;
	[tilespmem:v13+s22+$0x0] =	vst.idx.msk vm5, v58  }
0x7e6: {  	v63 =	vor.u32 v2, v17;
	v62 =	vsel vm15, $0x1, v0;
	[tilespmem:v6+s22+$0x0] =	vst.idx.msk vm15, v5  }
0x7e7: {  	s0 =	simm.s32 $0x40;
	s1 =	simm.s32 $0x0;
	v5 =	vadd.s32 v62, v56;
	[tilespmem:v7+s22+$0x0] =	vst.idx.msk vm3, v63  }
.LBB2_128:
0x7e8: {  	p0 =	seq.s32 s0, $0x3C0;
	[tilespmem:s1+$0x1A100] =	vst v0;
	s1 =	smov.u32 s0;
	s0 =	sadd.s32 $0x40, s0  }
.Ltmp86:
0x7e9: {  	(pc) =	sbr.rel @!p0 .LBB2_128-.Ltmp86, $2  }
0x7ea: {  	_ =	sdelay $0x2  }
0x7eb: {  	s1 =	sshra.s32 s1, $0x2  }
0x7ec: {  	v4 =	vxor.u32 $0x80000000, v4  }
0x7ed: {  	v4 =	vnsel vm1, $0x80000000, v4  }
0x7ee: {  	(xrf0) =	vmax.scan.msk.u32 $0xffff, v4;
	v4 =	vxor.u32 $0x80000000, v5  }
0x7ef: {  	(xrf0) =	vmax.scan.msk.u32 $0xffff, v4;
	_ =	sdelay $0x4  }
0x7f0: {  	v4, _, _ =	vpop (xrf0)  }
0x7f1: {  	(v2sf) =	vpush v4, $0xF;
	v4, _, _ =	vpop (xrf0)  }
0x7f2: {  	(v2sf) =	vpush v4, $0xF;
	_ =	sdelay $0xd  }
0x7f3: {  	s0 =	spop (v2sf)  }
0x7f4: {  	s9 =	spop (v2sf)  }
0x7f5: {  	s31 =	sxor.u32 $0x80000000, s9  }
0x7f6: {  	p0 =	sgt.s32 s31, $0x0  }
.Ltmp87:
0x7f7: {  	_ = 	snop;
	(pc) =	sbr.rel @!p0 .LBB2_133-.Ltmp87, $2  }
0x7f8: {  	_ =	sdelay $0x2  }
0x7f9: {  	[tilespmem:s1+$0x1A100] =	vst v0  }
0x7fa: {  	s1 =	simm.s32 $0x1A200  }
0x7fb: {  	p0 =	sne.s32 s31, $0x1;
	v4 =	vld [tilespmem:s1+$0x0]  }
.Ltmp88:
0x7fc: {  	_ = 	snop;
	(pc) =	sbr.rel @!p0 .LBB2_132-.Ltmp88, $4  }
0x7fd: {  	s2 =	simm.s32 $0x0  }
0x7fe: {  	v6 =	vmov s2  }
0x7ff: {  	vm1 =	vlt.s32 v6, v5  }
0x800: {  	s2 =	simm.s32 $0x1;
	v4 =	vshrl.u32 v4, $0x18  }
.LBB2_131:
0x801: {  	_ =	sdelay $0x3  }
0x802: {  	[tilespmem:v4+s23+$0x0] =	vst.idx.add.s32.msk vm1, v1;
	s1 =	sadd.s32 $0x10, s1;
	s3 =	smov.u32 s2;
	s2 =	sadd.s32 $0x1, s2  }
0x803: {  	v4 =	vld [tilespmem:s1+$0x0];
	p0 =	sne.s32 s31, s2  }
.Ltmp89:
0x804: {  	(pc) =	sbr.rel @p0 .LBB2_131-.Ltmp89, $4  }
0x805: {  	_ = 	snop  }
0x806: {  	v6 =	vmov s3  }
0x807: {  	vm1 =	vlt.s32 v6, v5  }
0x808: {  	v4 =	vshrl.u32 v4, $0x18  }
.LBB2_132:
0x809: {  	_ =	sdelay $0x4  }
0x80a: {  	[tilespmem:v4+s23+$0x0] =	vst.idx.add.s32.msk vm1, v1  }
.LBB2_133:
0x80b: {  	s1 =	simm.s32 $0x1A100  }
0x80c: {  	v4 =	vld [tilespmem:s1+$0x0];
	_ =	sdelay $0x4  }
0x80d: {  	s9 =	simm.s32 $0x1A110;
	(xrf0) =	vadd.scan.msk.s32 $0xffff, v4  }
0x80e: {  	s4 =	simm.s32 $0x0;
	v6 =	vld [tilespmem:s9+$0x0]  }
0x80f: {  	v4 =	vmov s4  }
0x810: {  	s0 =	sxor.u32 $0x80000000, s0  }
0x811: {  	p0 =	sgt.s32 s0, s30  }
0x812: {  	s2 =	simm.s32 $0x1;
	s3 =	simm.s32 $0x2;
	s30 =	smov.u32 @p0 s0  }
0x813: {  	s1 =	sadd.s32 $0xFFFF8CCD, s30;
	s0 =	ssub.s32 $0x7333, s30;
	s4 =	simm.s32 $0x1A120;
	(xrf0) =	vadd.scan.msk.s32 $0xffff, v6;
	v6, _, _ =	vpop (xrf0)  }
.LBB2_134:
0x814: {  	v7 =	vld [tilespmem:s4+$0x0];
	p0 =	sne.s32 s3, $0xF;
	[tilespmem:v4+s21+$0x0] =	vst.idx.msk vm0, v6;
	s5 =	smov.u32 s3;
	s3 =	sadd.s32 $0x1, s3  }
.Ltmp90:
0x815: {  	v4 =	vmov s2;
	s2 =	smov.u32 s5;
	(pc) =	sbr.rel @p0 .LBB2_134-.Ltmp90, $2  }
0x816: {  	_ =	sdelay $0x2  }
0x817: {  	s4 =	sadd.s32 $0x10, s4;
	(xrf0) =	vadd.scan.msk.s32 $0xffff, v7;
	v6, _, _ =	vpop (xrf0)  }
0x818: {  	_ = 	snop  }
0x819: {  	v7 =	vmov s2;
	_ =	sdelay $0x3  }
0x81a: {  	[tilespmem:v4+s21+$0x0] =	vst.idx.msk vm0, v6;
	v4, _, _ =	vpop (xrf0)  }
0x81b: {  	[tilespmem:v7+s21+$0x0] =	vst.idx.msk vm0, v4  }
0x81c: {  	v4 =	vld [tilespmem:$0x1A080];
	_ =	sdelay $0x4  }
0x81d: {  	(xrf0) =	vadd.scan.msk.s32 $0xffff, v4;
	_ =	sdelay $0x5  }
0x81e: {  	v4, _, _ =	vpop (xrf0)  }
0x81f: {  	vm1 =	vle.s32 v4, s0  }
0x820: {  	v6 =	vmpcnt.ones.xlane vm1;
	_ =	sdelay $0x1  }
0x821: {  	v6 =	vxor.u32 $0x80000000, v6  }
0x822: {  	(xrf0) =	vmax.scan.msk.u32 $0xffff, v6;
	_ =	sdelay $0x5  }
0x823: {  	v6, _, _ =	vpop (xrf0)  }
0x824: {  	(v2sf) =	vpush v6, $0xF  }
0x825: {  	v4 =	vxor.u32 $0x80000000, v4  }
0x826: {  	v4 =	vnsel vm1, $0x80000000, v4  }
0x827: {  	(xrf0) =	vmax.scan.msk.u32 $0xffff, v4;
	_ =	sdelay $0x5  }
0x828: {  	v4, _, _ =	vpop (xrf0)  }
0x829: {  	(v2sf) =	vpush v4, $0xF;
	_ =	sdelay $0x4  }
0x82a: {  	s8 =	spop (v2sf)  }
0x82b: {  	s3 =	sshll.u32 s8, $0x4  }
0x82c: {  	v4 =	vld [tilespmem:s3+$0x1A100];
	_ =	sdelay $0x4  }
0x82d: {  	(xrf0) =	vadd.scan.msk.s32 $0xffff, v4;
	_ =	sdelay $0x2  }
0x82e: {  	s9 =	spop (v2sf)  }
0x82f: {  	s2 =	sxor.u32 $0x80000000, s9  }
0x830: {  	p0 =	sgt.s32 s2, $0x0  }
0x831: {  	s2 =	simm.s32 @!p0 $0x0;
	v4, _, _ =	vpop (xrf0)  }
0x832: {  	v4 =	vadd.s32 s2, v4  }
0x833: {  	vm1 =	vle.s32 v4, s0  }
0x834: {  	v6 =	vmpcnt.ones.xlane vm1;
	_ =	sdelay $0x1  }
0x835: {  	v6 =	vxor.u32 $0x80000000, v6  }
0x836: {  	v4 =	vxor.u32 $0x80000000, v4;
	(xrf0) =	vmax.scan.msk.u32 $0xffff, v6  }
0x837: {  	v4 =	vnsel vm1, $0x80000000, v4  }
0x838: {  	(xrf0) =	vmax.scan.msk.u32 $0xffff, v4;
	_ =	sdelay $0x3  }
0x839: {  	v4, _, _ =	vpop (xrf0)  }
0x83a: {  	(v2sf) =	vpush v4, $0xF  }
0x83b: {  	v4, _, _ =	vpop (xrf0)  }
0x83c: {  	(v2sf) =	vpush v4, $0xF;
	_ =	sdelay $0x9  }
0x83d: {  	p0 =	slt.s32 s31, $0x1  }
.Ltmp91:
0x83e: {  	_ = 	snop;
	(pc) =	sbr.rel @p0 .LBB2_136-.Ltmp91, $4  }
0x83f: {  	_ = 	snop  }
0x840: {  	s30 =	spop (v2sf)  }
0x841: {  	s0 =	sadd.s32 s30, s3  }
0x842: {  	s3 =	spop (v2sf);
	s0 =	sadd.s32 $0x80000000, s0  }
0x843: {  	s4 =	simm.s32 $0x1A200  }
0x844: {  	v7 =	vld [tilespmem:s4+$0x0];
	_ =	sdelay $0x3  }
0x845: {  	s5 =	simm.s32 $0x0;
	p1 =	sne.s32 s31, $0x1  }
.Ltmp92:
0x846: {  	v6 =	vmov s0;
	v4 =	vmov s5;
	v8 =	vshrl.u32 v7, $0x18;
	(pc) =	sbr.rel @!p1 .LBB2_139-.Ltmp92, $4  }
0x847: {  	vm1 =	vlt.s32 v4, v5;
	v4 =	vimm.s32 $0x0;
	vm2 =	veq.s32 v8, v6  }
0x848: {  	v8 =	vshll.u32 v4, $0x4;
	vm1 =	vmand vm1, vm2  }
0x849: {  	v8 =	vor.u32 v2, v8;
	v9 =	vsel vm1, $0x1, v0  }
0x84a: {  	s5 =	simm.s32 $0x1;
	v4 =	vadd.s32 v9, v4  }
.LBB2_138:
0x84b: {  	_ =	sdelay $0x2  }
0x84c: {  	[tilespmem:v8+s24+$0x0] =	vst.idx.msk vm1, v7;
	s4 =	sadd.s32 $0x10, s4;
	s6 =	smov.u32 s5;
	s5 =	sadd.s32 $0x1, s5  }
0x84d: {  	v7 =	vld [tilespmem:s4+$0x0];
	p1 =	sne.s32 s31, s5;
	_ =	sdelay $0x4  }
.Ltmp93:
0x84e: {  	v8 =	vmov s6;
	v9 =	vshrl.u32 v7, $0x18;
	(pc) =	sbr.rel @p1 .LBB2_138-.Ltmp93, $4  }
0x84f: {  	vm1 =	vlt.s32 v8, v5;
	vm2 =	veq.s32 v9, v6  }
0x850: {  	v8 =	vshll.u32 v4, $0x4;
	vm1 =	vmand vm1, vm2  }
0x851: {  	v8 =	vor.u32 v2, v8;
	v9 =	vsel vm1, $0x1, v0  }
0x852: {  	v4 =	vadd.s32 v9, v4  }
.LBB2_139:
0x853: {  	_ = 	snop  }
.Ltmp94:
0x854: {  	_ = 	snop;
	(pc) =	sbr.rel .LBB2_140-.Ltmp94, $2  }
0x855: {  	_ =	sdelay $0x2  }
0x856: {  	[tilespmem:v8+s24+$0x0] =	vst.idx.msk vm1, v7  }
.LBB2_136:
0x857: {  	v4 =	vimm.s32 $0x0  }
.LBB2_140:
0x858: {  	(xrf0) =	vadd.scan.msk.s32 $0xffff, v4;
	v6 =	vxor.u32 $0x80000000, v4  }
0x859: {  	(xrf0) =	vmax.scan.msk.u32 $0xffff, v6;
	_ =	sdelay $0x4  }
0x85a: {  	v6, _, _ =	vpop (xrf0)  }
0x85b: {  	(v2sf) =	vpush v6, $0xF;
	v6, _, _ =	vpop (xrf0)  }
0x85c: {  	(v2sf) =	vpush v6, $0xF;
	_ =	sdelay $0xc  }
.Ltmp95:
0x85d: {  	s3 =	sxor.u32 $0x80000000, s3;
	(pc) =	sbr.rel .LBB2_141-.Ltmp95, $4  }
0x85e: {  	p1 =	sgt.s32 s3, s2;
	s4 =	spop (v2sf)  }
0x85f: {  	s5 =	simm.s32 $0x0;
	s2 =	smov.u32 @p1 s3;
	s9 =	spop (v2sf)  }
0x860: {  	s30 =	simm.s32 $0x0;
	s1 =	sadd.s32 s2, s1;
	s2 =	sxor.u32 $0x80000000, s9  }
0x861: {  	s1 =	sadd.s32 s4, s1;
	s4 =	simm.s32 $0x1FF;
	p1 =	slt.s32 s2, $0x1  }
.LBB2_142:
0x862: {  	v6 =	vimm.s32 $0x80000000  }
.LBB2_150:
0x863: {  	(xrf0) =	vmax.scan.msk.u32 $0xffff, v6;
	_ =	sdelay $0x5  }
0x864: {  	v6, _, _ =	vpop (xrf0)  }
0x865: {  	(v2sf) =	vpush v6, $0xF;
	_ =	sdelay $0xc  }
0x866: {  	s30 =	sadd.s32 $0x1, s30  }
0x867: {  	p3 =	sne.s32 s30, $0x9  }
.Ltmp96:
0x868: {  	s6 =	spop (v2sf);
	(pc) =	sbr.rel @!p3 .LBB2_151-.Ltmp96, $4  }
0x869: {  	s6 =	sxor.u32 $0x80000000, s6  }
0x86a: {  	p2 =	slt.s32 s6, s1  }
0x86b: {  	s6 =	sadd.s32 $0xFFFFFFFF, s3;
	s3 =	smov.u32 @p2 s5  }
0x86c: {  	s4 =	smov.u32 @p2 s6;
	s5 =	smov.u32 s3  }
.LBB2_141:
.Ltmp97:
0x86d: {  	(pc) =	sbr.rel @p1 .LBB2_142-.Ltmp97, $4  }
0x86e: {  	_ = 	snop  }
0x86f: {  	s3 =	sadd.s32 s4, s5  }
0x870: {  	s3 =	sadd.s32 $0x1, s3  }
0x871: {  	s3 =	sshra.s32 s3, $0x1  }
0x872: {  	p3 =	sne.s32 s2, $0x1  }
.Ltmp98:
0x873: {  	_ = 	snop;
	(pc) =	sbr.rel @!p3 .LBB2_144-.Ltmp98, $3  }
0x874: {  	_ =	sdelay $0x1  }
0x875: {  	s8 =	simm.s32 $0x1B200  }
0x876: {  	v7 =	vmov s3;
	s7 =	simm.s32 $0x0;
	v6 =	vimm.s32 $0x0;
	s6 =	simm.s32 $0x1;
	p2 =	por $0x0, $0x0;
	v9 =	vld [tilespmem:s8+$0x0]  }
0x877: {  	_ =	sdelay $0x2  }
0x878: {  	p3 =	sne.s32 s2, $0x2  }
.Ltmp99:
0x879: {  	v8 =	vshrl.u32 v9, $0xF;
	(pc) =	sbr.rel @!p3 .LBB2_146-.Ltmp99, $4  }
0x87a: {  	v9 =	vmov s7;
	s7 =	simm.s32 $0x1B210;
	v8 =	vand.u32 $0x1FF, v8  }
0x87b: {  	vm1 =	vlt.s32 v9, v4;
	v9 =	vld [tilespmem:s7+$0x0];
	vm2 =	vge.u32 v8, v7  }
0x87c: {  	vm1 =	vmand vm1, vm2  }
0x87d: {  	s8 =	simm.s32 $0x2;
	p2 =	por $0x1, $0x1;
	v8 =	vimm.s32 $0x0;
	v10 =	vmpcnt.ones.xlane vm1  }
.LBB2_147:
0x87e: {  	s9 =	smov.u32 s8;
	s8 =	sadd.s32 $0x1, s8  }
0x87f: {  	p3 =	sne.s32 s2, s8  }
.Ltmp100:
0x880: {  	s7 =	sadd.s32 $0x10, s7;
	v11 =	vshrl.u32 v9, $0xF;
	v8 =	vadd.s32 v8, v10;
	(pc) =	sbr.rel @p3 .LBB2_147-.Ltmp100, $4  }
0x881: {  	v9 =	vld [tilespmem:s7+$0x0];
	v10 =	vand.u32 $0x1FF, v11;
	v11 =	vmov s6;
	s6 =	smov.u32 s9  }
0x882: {  	vm1 =	vlt.s32 v11, v4;
	vm2 =	vge.u32 v10, v7  }
0x883: {  	vm1 =	vmand vm1, vm2  }
0x884: {  	v10 =	vmpcnt.ones.xlane vm1  }
0x885: {  	s7 =	smov.u32 s6  }
.LBB2_149:
0x886: {  	v9 =	vshrl.u32 v9, $0xF  }
0x887: {  	v11 =	vmov s7;
	v9 =	vand.u32 $0x1FF, v9  }
0x888: {  	vm1 =	vlt.s32 v11, v4;
	vm2 =	vge.u32 v9, v7  }
.Ltmp101:
0x889: {  	vm1 =	vmand vm1, vm2;
	(pc) =	sbr.rel .LBB2_150-.Ltmp101, $4  }
0x88a: {  	v7 =	vadd.s32 @p2 v8, v10;
	v8 =	vmpcnt.ones.xlane vm1  }
0x88b: {  	v6 =	vpsel p2, v7, v6  }
0x88c: {  	v6 =	vadd.s32 v6, v8  }
0x88d: {  	v6 =	vxor.u32 $0x80000000, v6  }
.LBB2_144:
.Ltmp102:
0x88e: {  	(pc) =	sbr.rel .LBB2_149-.Ltmp102, $2  }
0x88f: {  	_ =	sdelay $0x2  }
0x890: {  	v8 =	vimm.s32 $0x0  }
.LBB2_146:
.Ltmp103:
0x891: {  	(pc) =	sbr.rel .LBB2_149-.Ltmp103, $2  }
0x892: {  	_ =	sdelay $0x2  }
0x893: {  	v8 =	vimm.s32 $0x0;
	s7 =	simm.s32 $0x1  }
.LBB2_151:
.Ltmp104:
0x894: {  	(pc) =	sbr.rel @p0 .LBB2_155-.Ltmp104, $1  }
0x895: {  	_ =	sdelay $0x3  }
0x896: {  	s1 =	simm.s32 $0x1A200  }
0x897: {  	v6 =	vld [tilespmem:s1+$0x0];
	_ =	sdelay $0x1  }
0x898: {  	s2 =	sshll.u32 s3, $0xF;
	s0 =	sshll.u32 s0, $0x18  }
0x899: {  	s30 =	simm.s32 $0x0;
	s0 =	sor.u32 s0, s2  }
0x89a: {  	v7 =	vmov s30;
	v4 =	vmov s0  }
0x89b: {  	vm1 =	vlt.s32 v7, v5;
	vm2 =	vlt.u32 v6, v4  }
0x89c: {  	p0 =	sne.s32 s31, $0x1;
	vm1 =	vmand vm1, vm2  }
.Ltmp105:
0x89d: {  	v6 =	vand.u32 $0x7FFF, v6;
	(pc) =	sbr.rel @!p0 .LBB2_154-.Ltmp105, $2  }
0x89e: {  	_ =	sdelay $0x2  }
0x89f: {  	s0 =	simm.s32 $0x1  }
.LBB2_153:
0x8a0: {  	[tilespmem:v6+s16+$0x0] =	vst.idx.msk vm1, v3;
	s1 =	sadd.s32 $0x10, s1;
	s2 =	smov.u32 s0;
	s0 =	sadd.s32 $0x1, s0  }
0x8a1: {  	v6 =	vld [tilespmem:s1+$0x0];
	p0 =	sne.s32 s31, s0;
	_ =	sdelay $0x2  }
.Ltmp106:
0x8a2: {  	(pc) =	sbr.rel @p0 .LBB2_153-.Ltmp106, $4  }
0x8a3: {  	v7 =	vmov s2  }
0x8a4: {  	vm1 =	vlt.s32 v7, v5;
	vm2 =	vlt.u32 v6, v4  }
0x8a5: {  	vm1 =	vmand vm1, vm2  }
0x8a6: {  	v6 =	vand.u32 $0x7FFF, v6  }
.Ltmp107:
0x8a7: {  	_ = 	snop;
	(pc) =	sbr.rel .LBB2_154-.Ltmp107, $1  }
0x8a8: {  	_ =	sdelay $0x3  }
.LBB2_156:
0x8a9: {  	_ =	sfence.sel $0x180000  }
0x8aa: {  	[bflag:$0x0] =	sbarrier.arrive $0xFFFF  }
0x8ab: {  	_ =	strace $0x90000047  }
0x8ac: {  	s0 =	stileid.u32;
	[bflag:$0x2] =	sbarrier.arrive $0xFFFF  }
0x8ad: {  	p0 =	sne.s32 s0, $0x0;
	s0 =	rddreg [dreg:$0x3]  }
0x8ae: {  	s0 =	sadd.s32 @!p0 $0x100000, s0  }
0x8af: {  	[sflag:s0] =	ssyncadd.tile.s32 @!p0 $0x1;
	_ =	shalt  }
.Lfunc_end2:
_tile_overlayer_lowered:
.L_overlay_start_2:
0x8b0: {  	(tag) =	ssettag $0x2  }
0x8b1: {  	s0 =	rddreg [dreg:$0x0];
	s2 =	stileid.u32  }
0x8b2: {  	s1 =	rddreg [dreg:$0x1];
	p0 =	sne.s32 s2, $0x0  }
0x8b3: {  	s3 =	rddreg [dreg:$0x2];
	[bflag:$0x3] =	sbarrier.arrive $0xFFFF;
	s2 =	simm.s32 @!p0 $0x1C05  }
0x8b4: {  	[timem:s3], [sflag:s2] =	dma.local @!p0 [hbm:s0], s1  }
0x8b5: {  	s0 =	simm.s32 @!p0 $0x5  }
0x8b6: {  	_ =	swait.ge @!p0 [sflag:s0], s1  }
0x8b7: {  	s1 =	ssub.s32 @!p0 $0x0, s1;
	[sflag:s0] =	ssyncset.done @!p0 $0x0  }
0x8b8: {  	[sflag:s0] =	ssyncadd.s32 @!p0 s1  }
0x8b9: {  	[bflag:$0x3] =	sbarrier.arrive $0xFFFF  }
0x8ba: {  	_ =	shalt  }

</sc_bundles>
